<compile_context>
chip_gen: v7x
topology: tpu7x:2x2x1
jax: 0.10.2.dev20260603
libtpu: 0.0.44.dev20260713+nightly
codegen_flags: <defaults>
</compile_context>

<pallas_src>
import jax
import jax.numpy as jnp
from jax import lax
from jax.experimental import pallas as pl
from jax.experimental.pallas import tpu as pltpu
from jax.experimental.pallas import tpu_sc as plsc

_N = 4096
_B = 4
_TN = 512
_S_TC = 3072
_NW = 32
_WPB = _NW // _B
_RW = (_N - _S_TC) // _WPB


def _lane_shuffle(v, perm):
    return lax.gather(
        v,
        perm,
        dimension_numbers=lax.GatherDimensionNumbers(
            offset_dims=(), collapsed_slice_dims=(0,), start_index_map=(0,)
        ),
        slice_sizes=(1,),
        mode=lax.GatherScatterMode.PROMISE_IN_BOUNDS,
    )


def _prep_block(x1_ref, x2_ref,
                x1x_ref, x1y_ref, x1z_ref, x2x_ref, x2y_ref, x2z_ref):
    a = x1_ref[0].T
    c = x2_ref[0].T
    x1x_ref[...] = a[0]
    x1y_ref[...] = a[1]
    x1z_ref[...] = a[2]
    x2x_ref[...] = c[0]
    x2y_ref[...] = c[1]
    x2z_ref[...] = c[2]


def _tc_block(x1_ref, x2x_ref, x2y_ref, x2z_ref,
              d1_ref, i1_ref, d2_ref, i2_ref):
    i = pl.program_id(1)
    a = x1_ref[0]
    n = x2x_ref.shape[0]
    bs = (x2x_ref[...], x2y_ref[...], x2z_ref[...])

    d = None
    for k in range(3):
        ak = a[:, k : k + 1]
        bk = bs[k].reshape(1, n)
        t = ak - bk
        t = t * t
        d = t if d is None else d + t

    m1 = jnp.min(d, axis=1, keepdims=True)
    jiota = lax.broadcasted_iota(jnp.int32, d.shape, 1)
    a1 = jnp.min(jnp.where(d == m1, jiota, n), axis=1, keepdims=True)
    d1_ref[0] = m1.T
    i1_ref[0] = a1.T

    m2 = jnp.min(d, axis=0, keepdims=True)
    riota = lax.broadcasted_iota(jnp.int32, d.shape, 0)
    a2 = jnp.min(jnp.where(d == m2, riota, n), axis=0, keepdims=True) + i * _TN

    @pl.when(i == 0)
    def _():
        d2_ref[0] = m2
        i2_ref[0] = a2

    @pl.when(i > 0)
    def _():
        prev_d = d2_ref[0]
        prev_i = i2_ref[0]
        better = m2 < prev_d
        d2_ref[0] = jnp.where(better, m2, prev_d)
        i2_ref[0] = jnp.where(better, a2, prev_i)


def _sc_body(x1x_hbm, x1y_hbm, x1z_hbm, x2x_hbm, x2y_hbm, x2z_hbm,
             d1_hbm, i1_hbm, cv_hbm, ci_hbm,
             x2x_v, x2y_v, x2z_v, x1x_v, x1y_v, x1z_v,
             d1_v, i1_v, cv_v, ci_v):
    c = lax.axis_index("c")
    s = lax.axis_index("s")
    wid = s * 2 + c
    b = wid // _WPB
    w = wid % _WPB
    row0 = _S_TC + w * _RW

    pltpu.sync_copy(x2x_hbm.at[pl.ds(b * _N, _N)], x2x_v)
    pltpu.sync_copy(x2y_hbm.at[pl.ds(b * _N, _N)], x2y_v)
    pltpu.sync_copy(x2z_hbm.at[pl.ds(b * _N, _N)], x2z_v)
    pltpu.sync_copy(x1x_hbm.at[pl.ds(b * _N + row0, _RW)], x1x_v)
    pltpu.sync_copy(x1y_hbm.at[pl.ds(b * _N + row0, _RW)], x1y_v)
    pltpu.sync_copy(x1z_hbm.at[pl.ds(b * _N + row0, _RW)], x1z_v)

    inf16 = jnp.full((16,), jnp.inf, jnp.float32)
    zero16 = jnp.zeros((16,), jnp.int32)
    lane = lax.broadcasted_iota(jnp.int32, (16,), 0)

    def init_body(jc, carry):
        sl = pl.ds(jc * 16, 16)
        cv_v[sl] = inf16
        ci_v[sl] = zero16
        return carry

    lax.fori_loop(0, _N // 16, init_body, 0)

    perms = [jnp.reshape((lane + sh) & 15, (16, 1)) for sh in (8, 4, 2, 1)]

    nr = 8

    def group_body(g, carry):
        base = g * 16
        pxs = x1x_v[pl.ds(base, 16)]
        pys = x1y_v[pl.ds(base, 16)]
        pzs = x1z_v[pl.ds(base, 16)]
        mns = inf16
        mis = zero16
        for r0 in range(0, 16, nr):
            px = [jnp.full((16,), pxs[r0 + q], jnp.float32) for q in range(nr)]
            py = [jnp.full((16,), pys[r0 + q], jnp.float32) for q in range(nr)]
            pz = [jnp.full((16,), pzs[r0 + q], jnp.float32) for q in range(nr)]
            rowbase = jnp.full((16,), row0 + base + r0, jnp.int32)

            def j_body(jc, rcarry):
                rvs, ris = rcarry
                sl = pl.ds(jc * 16, 16)
                bx = x2x_v[sl]
                by = x2y_v[sl]
                bz = x2z_v[sl]
                jidx = lane + jc * 16
                ds = []
                new_rvs, new_ris = [], []
                for q in range(nr):
                    t = bx - px[q]
                    d = t * t
                    t = by - py[q]
                    d = d + t * t
                    t = bz - pz[q]
                    d = d + t * t
                    ds.append(d)
                    m = d < rvs[q]
                    new_rvs.append(jnp.where(m, d, rvs[q]))
                    new_ris.append(jnp.where(m, jidx, ris[q]))
                dm = ds[0]
                qm = jnp.zeros((16,), jnp.int32)
                for q in range(1, nr):
                    mq = ds[q] < dm
                    dm = jnp.where(mq, ds[q], dm)
                    qm = jnp.where(mq, jnp.full((16,), q, jnp.int32), qm)
                cv = cv_v[sl]
                m2 = dm < cv
                cv_v[sl] = jnp.where(m2, dm, cv)
                ci_v[sl] = jnp.where(m2, qm + rowbase, ci_v[sl])
                return tuple(new_rvs), tuple(new_ris)

            init = (tuple(inf16 for _ in range(nr)),
                    tuple(zero16 for _ in range(nr)))
            rvs, ris = lax.fori_loop(0, _N // 16, j_body, init, unroll=4)
            for q in range(nr):
                rv, ri = rvs[q], ris[q]
                for perm in perms:
                    pv = _lane_shuffle(rv, perm)
                    pi = _lane_shuffle(ri, perm)
                    better = (pv < rv) | ((pv == rv) & (pi < ri))
                    rv = jnp.where(better, pv, rv)
                    ri = jnp.where(better, pi, ri)
                msk = lane == (r0 + q)
                mns = jnp.where(msk, rv, mns)
                mis = jnp.where(msk, ri, mis)
        d1_v[pl.ds(base, 16)] = mns
        i1_v[pl.ds(base, 16)] = mis
        return carry

    lax.fori_loop(0, _RW // 16, group_body, 0)

    ns = _N - _S_TC
    pltpu.sync_copy(d1_v, d1_hbm.at[pl.ds(b * ns + w * _RW, _RW)])
    pltpu.sync_copy(i1_v, i1_hbm.at[pl.ds(b * ns + w * _RW, _RW)])
    pltpu.sync_copy(cv_v, cv_hbm.at[pl.ds((b * _WPB + w) * _N, _N)])
    pltpu.sync_copy(ci_v, ci_hbm.at[pl.ds((b * _WPB + w) * _N, _N)])


def _merge_block(d1t_ref, i1t_ref, d1s_ref, i1s_ref,
                 cvt_ref, cit_ref, cvs_ref, cis_ref,
                 d1_ref, i1_ref, d2_ref, i2_ref):
    n = _N
    nb = _S_TC // _TN
    ns = _N - _S_TC
    for bb in range(_B):
        v = cvt_ref[bb]
        ix = cit_ref[bb]
        for w in range(_WPB):
            off = (bb * _WPB + w) * n
            vw = cvs_ref[pl.ds(off, n)].reshape(1, n)
            iw = cis_ref[pl.ds(off, n)].reshape(1, n)
            better = vw < v
            v = jnp.where(better, vw, v)
            ix = jnp.where(better, iw, ix)
        d2_ref[bb : bb + 1, :] = v
        i2_ref[bb : bb + 1, :] = ix
        for k in range(nb):
            d1_ref[bb : bb + 1, pl.ds(k * _TN, _TN)] = d1t_ref[bb * nb + k]
            i1_ref[bb : bb + 1, pl.ds(k * _TN, _TN)] = i1t_ref[bb * nb + k]
        d1_ref[bb : bb + 1, pl.ds(_S_TC, ns)] = (
            d1s_ref[pl.ds(bb * ns, ns)].reshape(1, ns))
        i1_ref[bb : bb + 1, pl.ds(_S_TC, ns)] = (
            i1s_ref[pl.ds(bb * ns, ns)].reshape(1, ns))


def kernel(xyz1, xyz2):
    b, n, _ = xyz1.shape
    nb = _S_TC // _TN
    ns = n - _S_TC

    x1x, x1y, x1z, x2x, x2y, x2z = pl.pallas_call(
        _prep_block,
        grid=(b,),
        in_specs=[
            pl.BlockSpec((1, n, 3), lambda bb: (bb, 0, 0)),
            pl.BlockSpec((1, n, 3), lambda bb: (bb, 0, 0)),
        ],
        out_specs=[pl.BlockSpec((n,), lambda bb: (bb,))] * 6,
        out_shape=[jax.ShapeDtypeStruct((b * n,), jnp.float32)] * 6,
    )(xyz1, xyz2)

    sc_call = pl.kernel(
        _sc_body,
        out_type=[
            jax.ShapeDtypeStruct((b * ns,), jnp.float32),
            jax.ShapeDtypeStruct((b * ns,), jnp.int32),
            jax.ShapeDtypeStruct((b * _WPB * n,), jnp.float32),
            jax.ShapeDtypeStruct((b * _WPB * n,), jnp.int32),
        ],
        scratch_types=[
            pltpu.VMEM((n,), jnp.float32),
            pltpu.VMEM((n,), jnp.float32),
            pltpu.VMEM((n,), jnp.float32),
            pltpu.VMEM((_RW,), jnp.float32),
            pltpu.VMEM((_RW,), jnp.float32),
            pltpu.VMEM((_RW,), jnp.float32),
            pltpu.VMEM((_RW,), jnp.float32),
            pltpu.VMEM((_RW,), jnp.int32),
            pltpu.VMEM((n,), jnp.float32),
            pltpu.VMEM((n,), jnp.int32),
        ],
        mesh=plsc.VectorSubcoreMesh(core_axis_name="c", subcore_axis_name="s"),
    )
    d1s, i1s, cvs, cis = sc_call(x1x, x1y, x1z, x2x, x2y, x2z)

    d1t, i1t, cvt, cit = pl.pallas_call(
        _tc_block,
        grid=(b, nb),
        in_specs=[
            pl.BlockSpec((1, _TN, 3), lambda bb, ii: (bb, ii, 0)),
            pl.BlockSpec((n,), lambda bb, ii: (bb,)),
            pl.BlockSpec((n,), lambda bb, ii: (bb,)),
            pl.BlockSpec((n,), lambda bb, ii: (bb,)),
        ],
        out_specs=[
            pl.BlockSpec((1, 1, _TN), lambda bb, ii: (bb * nb + ii, 0, 0)),
            pl.BlockSpec((1, 1, _TN), lambda bb, ii: (bb * nb + ii, 0, 0)),
            pl.BlockSpec((1, 1, n), lambda bb, ii: (bb, 0, 0)),
            pl.BlockSpec((1, 1, n), lambda bb, ii: (bb, 0, 0)),
        ],
        out_shape=[
            jax.ShapeDtypeStruct((b * nb, 1, _TN), jnp.float32),
            jax.ShapeDtypeStruct((b * nb, 1, _TN), jnp.int32),
            jax.ShapeDtypeStruct((b, 1, n), jnp.float32),
            jax.ShapeDtypeStruct((b, 1, n), jnp.int32),
        ],
        compiler_params=pltpu.CompilerParams(
            dimension_semantics=("parallel", "arbitrary"),
        ),
    )(xyz1, x2x, x2y, x2z)

    d1, i1, d2, i2 = pl.pallas_call(
        _merge_block,
        out_shape=[
            jax.ShapeDtypeStruct((b, n), jnp.float32),
            jax.ShapeDtypeStruct((b, n), jnp.int32),
            jax.ShapeDtypeStruct((b, n), jnp.float32),
            jax.ShapeDtypeStruct((b, n), jnp.int32),
        ],
    )(d1t, i1t, d1s, i1s, cvt, cit, cvs, cis)

    return (d1, d2, i1, i2)

# --- scband reference (transcript-rebuilt; emitter-appended) ---
"""Pipeline reference for scband-chamfer-distance-81131932221877 (READ-ONLY COPY).

The authoritative reference and input builder live on the scoring server;
editing this copy changes nothing except your own understanding.
"""

import jax, jax.numpy as jnp
import numpy as np


def setup_inputs(seed: int = 0) -> dict:
    key = jax.random.key(seed)
    k1, k2 = jax.random.split(key)
    xyz1 = jax.random.normal(k1, (4, 4096, 3), dtype=jnp.float32)
    xyz2 = jax.random.normal(k2, (4, 4096, 3), dtype=jnp.float32)
    return {"xyz1": xyz1, "xyz2": xyz2}


def reference(xyz1, xyz2):
    # Pairwise squared distances: [B, n, m]
    diff = xyz1[:, :, None, :] - xyz2[:, None, :, :]
    d = jnp.sum(diff * diff, axis=-1)
    # For each point in xyz1, nearest neighbor in xyz2
    dist1 = jnp.min(d, axis=2)
    idx1 = jnp.argmin(d, axis=2).astype(jnp.int32)
    # For each point in xyz2, nearest neighbor in xyz1
    dist2 = jnp.min(d, axis=1)
    idx2 = jnp.argmin(d, axis=1).astype(jnp.int32)
    return (dist1, dist2, idx1, idx2)

if __name__ == "__main__":
    import jax
    _d = setup_inputs()
    print(jax.jit(kernel)(*tuple(_d.values())))

</pallas_src>

<mosaic_0001>
#map = affine_map<(d0, d1) -> (0)>
module attributes {stable_mosaic.version = 14 : i64} {
  func.func @_sc_body(%arg0: i32, %arg1: i32, %arg2: memref<16384xf32, #tpu.memory_space<hbm>>, %arg3: memref<16384xf32, #tpu.memory_space<hbm>>, %arg4: memref<16384xf32, #tpu.memory_space<hbm>>, %arg5: memref<16384xf32, #tpu.memory_space<hbm>>, %arg6: memref<16384xf32, #tpu.memory_space<hbm>>, %arg7: memref<16384xf32, #tpu.memory_space<hbm>>, %arg8: memref<4096xf32, #tpu.memory_space<hbm>>, %arg9: memref<4096xi32, #tpu.memory_space<hbm>>, %arg10: memref<131072xf32, #tpu.memory_space<hbm>>, %arg11: memref<131072xi32, #tpu.memory_space<hbm>>, %arg12: memref<4096xf32, #tpu.memory_space<vmem>>, %arg13: memref<4096xf32, #tpu.memory_space<vmem>>, %arg14: memref<4096xf32, #tpu.memory_space<vmem>>, %arg15: memref<128xf32, #tpu.memory_space<vmem>>, %arg16: memref<128xf32, #tpu.memory_space<vmem>>, %arg17: memref<128xf32, #tpu.memory_space<vmem>>, %arg18: memref<128xf32, #tpu.memory_space<vmem>>, %arg19: memref<128xi32, #tpu.memory_space<vmem>>, %arg20: memref<4096xf32, #tpu.memory_space<vmem>>, %arg21: memref<4096xi32, #tpu.memory_space<vmem>>) attributes {dimension_semantics = [#tpu.dimension_semantics<core_parallel>, #tpu.dimension_semantics<subcore_parallel>], iteration_bounds = array<i64: 2, 16>, scalar_prefetch = 0 : i64, scratch_operands = 10 : i64, tpu.core_type = #tpu.core_type<sc_vector_subcore>, window_params = [{transform_indices = #map}, {transform_indices = #map}, {transform_indices = #map}, {transform_indices = #map}, {transform_indices = #map}, {transform_indices = #map}, {transform_indices = #map}, {transform_indices = #map}, {transform_indices = #map}, {transform_indices = #map}]} {
    %mul3A = arith.constant 2 : i32
    %mul3A_0 = arith.muli %arg1, %mul3A : i32
    %add3A = arith.addi %mul3A_0, %arg0 : i32
    %jit3A = arith.constant 8 : i32
    %div3A = arith.divsi %add3A, %jit3A : i32
    %sign3A = arith.constant 0 : i32
    %sign3A_1 = arith.cmpi sgt, %add3A, %sign3A : i32
    %sign3A_2 = arith.extui %sign3A_1 : i1 to i32
    %sign3A_3 = arith.constant 0 : i32
    %sign3A_4 = arith.cmpi slt, %add3A, %sign3A_3 : i32
    %sign3A_5 = arith.extui %sign3A_4 : i1 to i32
    %sign3A_6 = arith.subi %sign3A_2, %sign3A_5 : i32
    %sign3A_7 = arith.constant 0 : i32
    %sign3A_8 = arith.cmpi sgt, %jit3A, %sign3A_7 : i32
    %sign3A_9 = arith.extui %sign3A_8 : i1 to i32
    %sign3A_10 = arith.constant 0 : i32
    %sign3A_11 = arith.cmpi slt, %jit3A, %sign3A_10 : i32
    %sign3A_12 = arith.extui %sign3A_11 : i1 to i32
    %sign3A_13 = arith.subi %sign3A_9, %sign3A_12 : i32
    %ne3A = arith.cmpi ne, %sign3A_6, %sign3A_13 : i32
    %rem3A = arith.remsi %add3A, %jit3A : i32
    %ne3A_14 = arith.constant 0 : i32
    %ne3A_15 = arith.cmpi ne, %rem3A, %ne3A_14 : i32
    %and3A = arith.andi %ne3A, %ne3A_15 : i1
    %sub3A = arith.constant 1 : i32
    %sub3A_16 = arith.subi %div3A, %sub3A : i32
    %select_n3A = arith.select %and3A, %sub3A_16, %div3A : i32
    %jit3A_17 = arith.constant 8 : i32
    %eq3A = arith.constant 0 : i32
    %eq3A_18 = arith.cmpi eq, %jit3A_17, %eq3A : i32
    %jit3A_19 = arith.constant 1 : i32
    %select_n3A_20 = arith.select %eq3A_18, %jit3A_19, %jit3A_17 : i32
    %rem3A_21 = arith.remsi %add3A, %select_n3A_20 : i32
    %ne3A_22 = arith.constant 0 : i32
    %ne3A_23 = arith.cmpi ne, %rem3A_21, %ne3A_22 : i32
    %lt3A = arith.constant 0 : i32
    %lt3A_24 = arith.cmpi slt, %rem3A_21, %lt3A : i32
    %lt3A_25 = arith.constant 0 : i32
    %lt3A_26 = arith.cmpi slt, %select_n3A_20, %lt3A_25 : i32
    %ne3A_27 = arith.xori %lt3A_24, %lt3A_26 : i1
    %and3A_28 = arith.andi %ne3A_27, %ne3A_23 : i1
    %add3A_29 = arith.addi %rem3A_21, %select_n3A_20 : i32
    %select_n3A_30 = arith.select %and3A_28, %add3A_29, %rem3A_21 : i32
    %mul3A_31 = arith.constant 128 : i32
    %mul3A_32 = arith.muli %select_n3A_30, %mul3A_31 : i32
    %add3A_33 = arith.constant 3072 : i32
    %add3A_34 = arith.addi %add3A_33, %mul3A_32 : i32
    %mul3A_35 = arith.constant 4096 : i32
    %mul3A_36 = arith.muli %select_n3A, %mul3A_35 : i32
    "tpu.region"() ({
      %run_scoped3A = tpu.sem_alloc : memref<!tpu.dma_semaphore, #tpu.memory_space<semaphore_mem>>
      %dma_start3A = tpu.memref_slice %arg5[%mul3A_36] : memref<16384xf32, #tpu.memory_space<hbm>> -> memref<4096xf32, #tpu.memory_space<hbm>>
      %dma_start3A_111 = tpu.memref_slice %arg5[%mul3A_36] : memref<16384xf32, #tpu.memory_space<hbm>> -> memref<4096xf32, #tpu.memory_space<hbm>>
      tpu.enqueue_dma source(%dma_start3A_111 : memref<4096xf32, #tpu.memory_space<hbm>>) target(%arg12 : memref<4096xf32, #tpu.memory_space<vmem>>) target_semaphore(%run_scoped3A : memref<!tpu.dma_semaphore, #tpu.memory_space<semaphore_mem>>)
      %dma_wait3A = tpu.memref_slice %arg5[%mul3A_36] : memref<16384xf32, #tpu.memory_space<hbm>> -> memref<4096xf32, #tpu.memory_space<hbm>>
      %dma_wait3A_112 = tpu.memref_slice %arg5[%mul3A_36] : memref<16384xf32, #tpu.memory_space<hbm>> -> memref<4096xf32, #tpu.memory_space<hbm>>
      tpu.wait_dma2 semaphore(%run_scoped3A : memref<!tpu.dma_semaphore, #tpu.memory_space<semaphore_mem>>) src(%dma_wait3A_112 : memref<4096xf32, #tpu.memory_space<hbm>>) dst(%arg12 : memref<4096xf32, #tpu.memory_space<vmem>>)
      tpu.yield
    }) : () -> ()
    %mul3A_37 = arith.constant 4096 : i32
    %mul3A_38 = arith.muli %select_n3A, %mul3A_37 : i32
    "tpu.region"() ({
      %run_scoped3A = tpu.sem_alloc : memref<!tpu.dma_semaphore, #tpu.memory_space<semaphore_mem>>
      %dma_start3A = tpu.memref_slice %arg6[%mul3A_38] : memref<16384xf32, #tpu.memory_space<hbm>> -> memref<4096xf32, #tpu.memory_space<hbm>>
      %dma_start3A_111 = tpu.memref_slice %arg6[%mul3A_38] : memref<16384xf32, #tpu.memory_space<hbm>> -> memref<4096xf32, #tpu.memory_space<hbm>>
      tpu.enqueue_dma source(%dma_start3A_111 : memref<4096xf32, #tpu.memory_space<hbm>>) target(%arg13 : memref<4096xf32, #tpu.memory_space<vmem>>) target_semaphore(%run_scoped3A : memref<!tpu.dma_semaphore, #tpu.memory_space<semaphore_mem>>)
      %dma_wait3A = tpu.memref_slice %arg6[%mul3A_38] : memref<16384xf32, #tpu.memory_space<hbm>> -> memref<4096xf32, #tpu.memory_space<hbm>>
      %dma_wait3A_112 = tpu.memref_slice %arg6[%mul3A_38] : memref<16384xf32, #tpu.memory_space<hbm>> -> memref<4096xf32, #tpu.memory_space<hbm>>
      tpu.wait_dma2 semaphore(%run_scoped3A : memref<!tpu.dma_semaphore, #tpu.memory_space<semaphore_mem>>) src(%dma_wait3A_112 : memref<4096xf32, #tpu.memory_space<hbm>>) dst(%arg13 : memref<4096xf32, #tpu.memory_space<vmem>>)
      tpu.yield
    }) : () -> ()
    %mul3A_39 = arith.constant 4096 : i32
    %mul3A_40 = arith.muli %select_n3A, %mul3A_39 : i32
    "tpu.region"() ({
      %run_scoped3A = tpu.sem_alloc : memref<!tpu.dma_semaphore, #tpu.memory_space<semaphore_mem>>
      %dma_start3A = tpu.memref_slice %arg7[%mul3A_40] : memref<16384xf32, #tpu.memory_space<hbm>> -> memref<4096xf32, #tpu.memory_space<hbm>>
      %dma_start3A_111 = tpu.memref_slice %arg7[%mul3A_40] : memref<16384xf32, #tpu.memory_space<hbm>> -> memref<4096xf32, #tpu.memory_space<hbm>>
      tpu.enqueue_dma source(%dma_start3A_111 : memref<4096xf32, #tpu.memory_space<hbm>>) target(%arg14 : memref<4096xf32, #tpu.memory_space<vmem>>) target_semaphore(%run_scoped3A : memref<!tpu.dma_semaphore, #tpu.memory_space<semaphore_mem>>)
      %dma_wait3A = tpu.memref_slice %arg7[%mul3A_40] : memref<16384xf32, #tpu.memory_space<hbm>> -> memref<4096xf32, #tpu.memory_space<hbm>>
      %dma_wait3A_112 = tpu.memref_slice %arg7[%mul3A_40] : memref<16384xf32, #tpu.memory_space<hbm>> -> memref<4096xf32, #tpu.memory_space<hbm>>
      tpu.wait_dma2 semaphore(%run_scoped3A : memref<!tpu.dma_semaphore, #tpu.memory_space<semaphore_mem>>) src(%dma_wait3A_112 : memref<4096xf32, #tpu.memory_space<hbm>>) dst(%arg14 : memref<4096xf32, #tpu.memory_space<vmem>>)
      tpu.yield
    }) : () -> ()
    %mul3A_41 = arith.constant 4096 : i32
    %mul3A_42 = arith.muli %select_n3A, %mul3A_41 : i32
    %add3A_43 = arith.addi %mul3A_42, %add3A_34 : i32
    "tpu.region"() ({
      %run_scoped3A = tpu.sem_alloc : memref<!tpu.dma_semaphore, #tpu.memory_space<semaphore_mem>>
      %dma_start3A = tpu.memref_slice %arg2[%add3A_43] : memref<16384xf32, #tpu.memory_space<hbm>> -> memref<128xf32, #tpu.memory_space<hbm>>
      %dma_start3A_111 = tpu.memref_slice %arg2[%add3A_43] : memref<16384xf32, #tpu.memory_space<hbm>> -> memref<128xf32, #tpu.memory_space<hbm>>
      tpu.enqueue_dma source(%dma_start3A_111 : memref<128xf32, #tpu.memory_space<hbm>>) target(%arg15 : memref<128xf32, #tpu.memory_space<vmem>>) target_semaphore(%run_scoped3A : memref<!tpu.dma_semaphore, #tpu.memory_space<semaphore_mem>>)
      %dma_wait3A = tpu.memref_slice %arg2[%add3A_43] : memref<16384xf32, #tpu.memory_space<hbm>> -> memref<128xf32, #tpu.memory_space<hbm>>
      %dma_wait3A_112 = tpu.memref_slice %arg2[%add3A_43] : memref<16384xf32, #tpu.memory_space<hbm>> -> memref<128xf32, #tpu.memory_space<hbm>>
      tpu.wait_dma2 semaphore(%run_scoped3A : memref<!tpu.dma_semaphore, #tpu.memory_space<semaphore_mem>>) src(%dma_wait3A_112 : memref<128xf32, #tpu.memory_space<hbm>>) dst(%arg15 : memref<128xf32, #tpu.memory_space<vmem>>)
      tpu.yield
    }) : () -> ()
    %mul3A_44 = arith.constant 4096 : i32
    %mul3A_45 = arith.muli %select_n3A, %mul3A_44 : i32
    %add3A_46 = arith.addi %mul3A_45, %add3A_34 : i32
    "tpu.region"() ({
      %run_scoped3A = tpu.sem_alloc : memref<!tpu.dma_semaphore, #tpu.memory_space<semaphore_mem>>
      %dma_start3A = tpu.memref_slice %arg3[%add3A_46] : memref<16384xf32, #tpu.memory_space<hbm>> -> memref<128xf32, #tpu.memory_space<hbm>>
      %dma_start3A_111 = tpu.memref_slice %arg3[%add3A_46] : memref<16384xf32, #tpu.memory_space<hbm>> -> memref<128xf32, #tpu.memory_space<hbm>>
      tpu.enqueue_dma source(%dma_start3A_111 : memref<128xf32, #tpu.memory_space<hbm>>) target(%arg16 : memref<128xf32, #tpu.memory_space<vmem>>) target_semaphore(%run_scoped3A : memref<!tpu.dma_semaphore, #tpu.memory_space<semaphore_mem>>)
      %dma_wait3A = tpu.memref_slice %arg3[%add3A_46] : memref<16384xf32, #tpu.memory_space<hbm>> -> memref<128xf32, #tpu.memory_space<hbm>>
      %dma_wait3A_112 = tpu.memref_slice %arg3[%add3A_46] : memref<16384xf32, #tpu.memory_space<hbm>> -> memref<128xf32, #tpu.memory_space<hbm>>
      tpu.wait_dma2 semaphore(%run_scoped3A : memref<!tpu.dma_semaphore, #tpu.memory_space<semaphore_mem>>) src(%dma_wait3A_112 : memref<128xf32, #tpu.memory_space<hbm>>) dst(%arg16 : memref<128xf32, #tpu.memory_space<vmem>>)
      tpu.yield
    }) : () -> ()
    %mul3A_47 = arith.constant 4096 : i32
    %mul3A_48 = arith.muli %select_n3A, %mul3A_47 : i32
    %add3A_49 = arith.addi %mul3A_48, %add3A_34 : i32
    "tpu.region"() ({
      %run_scoped3A = tpu.sem_alloc : memref<!tpu.dma_semaphore, #tpu.memory_space<semaphore_mem>>
      %dma_start3A = tpu.memref_slice %arg4[%add3A_49] : memref<16384xf32, #tpu.memory_space<hbm>> -> memref<128xf32, #tpu.memory_space<hbm>>
      %dma_start3A_111 = tpu.memref_slice %arg4[%add3A_49] : memref<16384xf32, #tpu.memory_space<hbm>> -> memref<128xf32, #tpu.memory_space<hbm>>
      tpu.enqueue_dma source(%dma_start3A_111 : memref<128xf32, #tpu.memory_space<hbm>>) target(%arg17 : memref<128xf32, #tpu.memory_space<vmem>>) target_semaphore(%run_scoped3A : memref<!tpu.dma_semaphore, #tpu.memory_space<semaphore_mem>>)
      %dma_wait3A = tpu.memref_slice %arg4[%add3A_49] : memref<16384xf32, #tpu.memory_space<hbm>> -> memref<128xf32, #tpu.memory_space<hbm>>
      %dma_wait3A_112 = tpu.memref_slice %arg4[%add3A_49] : memref<16384xf32, #tpu.memory_space<hbm>> -> memref<128xf32, #tpu.memory_space<hbm>>
      tpu.wait_dma2 semaphore(%run_scoped3A : memref<!tpu.dma_semaphore, #tpu.memory_space<semaphore_mem>>) src(%dma_wait3A_112 : memref<128xf32, #tpu.memory_space<hbm>>) dst(%arg17 : memref<128xf32, #tpu.memory_space<vmem>>)
      tpu.yield
    }) : () -> ()
    %broadcast_in_dim3A = arith.constant 0x7F800000 : f32
    %broadcast_in_dim3A_50 = vector.broadcast %broadcast_in_dim3A : f32 to vector<16xf32>
    %broadcast_in_dim3A_51 = arith.constant 0 : i32
    %broadcast_in_dim3A_52 = vector.broadcast %broadcast_in_dim3A_51 : i32 to vector<16xi32>
    %iota3A = tpu.iota {dimensions = array<i32: 0>} : vector<16xi32>
    %scan3A = arith.constant 0 : i32
    %scan3A_53 = arith.constant 0 : i32
    %scan3A_54 = arith.constant 256 : i32
    %scan3A_55 = arith.addi %scan3A_53, %scan3A_54 : i32
    %scan3A_56 = arith.constant 1 : i32
    scf.for %scan3A_111 = %scan3A_53 to %scan3A_55 step %scan3A_56  : i32 {
      %mul3A_112 = arith.constant 16 : i32
      %mul3A_113 = arith.muli %scan3A_111, %mul3A_112 : i32
      %swap3A = arith.index_cast %mul3A_113 : i32 to index
      %swap3A_114 = tpu.vector_load %arg20[%swap3A] {strides = array<i32>} : memref<4096xf32, #tpu.memory_space<vmem>>, vector<16xf32>,
      %swap3A_115 = vector.shape_cast %swap3A_114 : vector<16xf32> to vector<16xf32>
      %swap3A_116 = vector.shape_cast %broadcast_in_dim3A_50 : vector<16xf32> to vector<16xf32>
      tpu.vector_store %arg20[%swap3A], %swap3A_116 {strides = array<i32>} : memref<4096xf32, #tpu.memory_space<vmem>>, vector<16xf32>,
      %swap3A_117 = arith.index_cast %mul3A_113 : i32 to index
      %swap3A_118 = tpu.vector_load %arg21[%swap3A_117] {strides = array<i32>} : memref<4096xi32, #tpu.memory_space<vmem>>, vector<16xi32>,
      %swap3A_119 = vector.shape_cast %swap3A_118 : vector<16xi32> to vector<16xi32>
      %swap3A_120 = vector.shape_cast %broadcast_in_dim3A_52 : vector<16xi32> to vector<16xi32>
      tpu.vector_store %arg21[%swap3A_117], %swap3A_120 {strides = array<i32>} : memref<4096xi32, #tpu.memory_space<vmem>>, vector<16xi32>,
    }
    %scan3A_57 = arith.constant 256 : i32
    %add3A_58 = arith.constant 8 : i32
    %add3A_59 = vector.broadcast %add3A_58 : i32 to vector<16xi32>
    %add3A_60 = arith.addi %iota3A, %add3A_59 : vector<16xi32>
    %and3A_61 = arith.constant 15 : i32
    %and3A_62 = vector.broadcast %and3A_61 : i32 to vector<16xi32>
    %and3A_63 = arith.andi %add3A_60, %and3A_62 : vector<16xi32>
    %reshape3A = vector.shape_cast %and3A_63 : vector<16xi32> to vector<16x1xi32>
    %add3A_64 = arith.constant 4 : i32
    %add3A_65 = vector.broadcast %add3A_64 : i32 to vector<16xi32>
    %add3A_66 = arith.addi %iota3A, %add3A_65 : vector<16xi32>
    %and3A_67 = arith.constant 15 : i32
    %and3A_68 = vector.broadcast %and3A_67 : i32 to vector<16xi32>
    %and3A_69 = arith.andi %add3A_66, %and3A_68 : vector<16xi32>
    %reshape3A_70 = vector.shape_cast %and3A_69 : vector<16xi32> to vector<16x1xi32>
    %add3A_71 = arith.constant 2 : i32
    %add3A_72 = vector.broadcast %add3A_71 : i32 to vector<16xi32>
    %add3A_73 = arith.addi %iota3A, %add3A_72 : vector<16xi32>
    %and3A_74 = arith.constant 15 : i32
    %and3A_75 = vector.broadcast %and3A_74 : i32 to vector<16xi32>
    %and3A_76 = arith.andi %add3A_73, %and3A_75 : vector<16xi32>
    %reshape3A_77 = vector.shape_cast %and3A_76 : vector<16xi32> to vector<16x1xi32>
    %add3A_78 = arith.constant 1 : i32
    %add3A_79 = vector.broadcast %add3A_78 : i32 to vector<16xi32>
    %add3A_80 = arith.addi %iota3A, %add3A_79 : vector<16xi32>
    %and3A_81 = arith.constant 15 : i32
    %and3A_82 = vector.broadcast %and3A_81 : i32 to vector<16xi32>
    %and3A_83 = arith.andi %add3A_80, %and3A_82 : vector<16xi32>
    %reshape3A_84 = vector.shape_cast %and3A_83 : vector<16xi32> to vector<16x1xi32>
    %scan3A_85 = arith.constant 0 : i32
    %scan3A_86 = arith.constant 0 : i32
    %scan3A_87 = arith.constant 8 : i32
    %scan3A_88 = arith.addi %scan3A_86, %scan3A_87 : i32
    %scan3A_89 = arith.constant 1 : i32
    scf.for %scan3A_111 = %scan3A_86 to %scan3A_88 step %scan3A_89  : i32 {
      %mul3A_112 = arith.constant 16 : i32
      %mul3A_113 = arith.muli %scan3A_111, %mul3A_112 : i32
      %get3A = arith.index_cast %mul3A_113 : i32 to index
      %get3A_114 = tpu.vector_load %arg15[%get3A] {strides = array<i32>} : memref<128xf32, #tpu.memory_space<vmem>>, vector<16xf32>,
      %get3A_115 = vector.shape_cast %get3A_114 : vector<16xf32> to vector<16xf32>
      %get3A_116 = arith.index_cast %mul3A_113 : i32 to index
      %get3A_117 = tpu.vector_load %arg16[%get3A_116] {strides = array<i32>} : memref<128xf32, #tpu.memory_space<vmem>>, vector<16xf32>,
      %get3A_118 = vector.shape_cast %get3A_117 : vector<16xf32> to vector<16xf32>
      %get3A_119 = arith.index_cast %mul3A_113 : i32 to index
      %get3A_120 = tpu.vector_load %arg17[%get3A_119] {strides = array<i32>} : memref<128xf32, #tpu.memory_space<vmem>>, vector<16xf32>,
      %get3A_121 = vector.shape_cast %get3A_120 : vector<16xf32> to vector<16xf32>
      %slice3A = vector.extract_strided_slice %get3A_115 {offsets = [0], sizes = [1], strides = [1]} : vector<16xf32> to vector<1xf32>
      %squeeze3A = vector.extract %slice3A[0] : f32 from vector<1xf32>
      %broadcast_in_dim3A_122 = vector.broadcast %squeeze3A : f32 to vector<16xf32>
      %slice3A_123 = vector.extract_strided_slice %get3A_115 {offsets = [1], sizes = [1], strides = [1]} : vector<16xf32> to vector<1xf32>
      %squeeze3A_124 = vector.extract %slice3A_123[0] : f32 from vector<1xf32>
      %broadcast_in_dim3A_125 = vector.broadcast %squeeze3A_124 : f32 to vector<16xf32>
      %slice3A_126 = vector.extract_strided_slice %get3A_115 {offsets = [2], sizes = [1], strides = [1]} : vector<16xf32> to vector<1xf32>
      %squeeze3A_127 = vector.extract %slice3A_126[0] : f32 from vector<1xf32>
      %broadcast_in_dim3A_128 = vector.broadcast %squeeze3A_127 : f32 to vector<16xf32>
      %slice3A_129 = vector.extract_strided_slice %get3A_115 {offsets = [3], sizes = [1], strides = [1]} : vector<16xf32> to vector<1xf32>
      %squeeze3A_130 = vector.extract %slice3A_129[0] : f32 from vector<1xf32>
      %broadcast_in_dim3A_131 = vector.broadcast %squeeze3A_130 : f32 to vector<16xf32>
      %slice3A_132 = vector.extract_strided_slice %get3A_115 {offsets = [4], sizes = [1], strides = [1]} : vector<16xf32> to vector<1xf32>
      %squeeze3A_133 = vector.extract %slice3A_132[0] : f32 from vector<1xf32>
      %broadcast_in_dim3A_134 = vector.broadcast %squeeze3A_133 : f32 to vector<16xf32>
      %slice3A_135 = vector.extract_strided_slice %get3A_115 {offsets = [5], sizes = [1], strides = [1]} : vector<16xf32> to vector<1xf32>
      %squeeze3A_136 = vector.extract %slice3A_135[0] : f32 from vector<1xf32>
      %broadcast_in_dim3A_137 = vector.broadcast %squeeze3A_136 : f32 to vector<16xf32>
      %slice3A_138 = vector.extract_strided_slice %get3A_115 {offsets = [6], sizes = [1], strides = [1]} : vector<16xf32> to vector<1xf32>
      %squeeze3A_139 = vector.extract %slice3A_138[0] : f32 from vector<1xf32>
      %broadcast_in_dim3A_140 = vector.broadcast %squeeze3A_139 : f32 to vector<16xf32>
      %slice3A_141 = vector.extract_strided_slice %get3A_115 {offsets = [7], sizes = [1], strides = [1]} : vector<16xf32> to vector<1xf32>
      %squeeze3A_142 = vector.extract %slice3A_141[0] : f32 from vector<1xf32>
      %broadcast_in_dim3A_143 = vector.broadcast %squeeze3A_142 : f32 to vector<16xf32>
      %slice3A_144 = vector.extract_strided_slice %get3A_118 {offsets = [0], sizes = [1], strides = [1]} : vector<16xf32> to vector<1xf32>
      %squeeze3A_145 = vector.extract %slice3A_144[0] : f32 from vector<1xf32>
      %broadcast_in_dim3A_146 = vector.broadcast %squeeze3A_145 : f32 to vector<16xf32>
      %slice3A_147 = vector.extract_strided_slice %get3A_118 {offsets = [1], sizes = [1], strides = [1]} : vector<16xf32> to vector<1xf32>
      %squeeze3A_148 = vector.extract %slice3A_147[0] : f32 from vector<1xf32>
      %broadcast_in_dim3A_149 = vector.broadcast %squeeze3A_148 : f32 to vector<16xf32>
      %slice3A_150 = vector.extract_strided_slice %get3A_118 {offsets = [2], sizes = [1], strides = [1]} : vector<16xf32> to vector<1xf32>
      %squeeze3A_151 = vector.extract %slice3A_150[0] : f32 from vector<1xf32>
      %broadcast_in_dim3A_152 = vector.broadcast %squeeze3A_151 : f32 to vector<16xf32>
      %slice3A_153 = vector.extract_strided_slice %get3A_118 {offsets = [3], sizes = [1], strides = [1]} : vector<16xf32> to vector<1xf32>
      %squeeze3A_154 = vector.extract %slice3A_153[0] : f32 from vector<1xf32>
      %broadcast_in_dim3A_155 = vector.broadcast %squeeze3A_154 : f32 to vector<16xf32>
      %slice3A_156 = vector.extract_strided_slice %get3A_118 {offsets = [4], sizes = [1], strides = [1]} : vector<16xf32> to vector<1xf32>
      %squeeze3A_157 = vector.extract %slice3A_156[0] : f32 from vector<1xf32>
      %broadcast_in_dim3A_158 = vector.broadcast %squeeze3A_157 : f32 to vector<16xf32>
      %slice3A_159 = vector.extract_strided_slice %get3A_118 {offsets = [5], sizes = [1], strides = [1]} : vector<16xf32> to vector<1xf32>
      %squeeze3A_160 = vector.extract %slice3A_159[0] : f32 from vector<1xf32>
      %broadcast_in_dim3A_161 = vector.broadcast %squeeze3A_160 : f32 to vector<16xf32>
      %slice3A_162 = vector.extract_strided_slice %get3A_118 {offsets = [6], sizes = [1], strides = [1]} : vector<16xf32> to vector<1xf32>
      %squeeze3A_163 = vector.extract %slice3A_162[0] : f32 from vector<1xf32>
      %broadcast_in_dim3A_164 = vector.broadcast %squeeze3A_163 : f32 to vector<16xf32>
      %slice3A_165 = vector.extract_strided_slice %get3A_118 {offsets = [7], sizes = [1], strides = [1]} : vector<16xf32> to vector<1xf32>
      %squeeze3A_166 = vector.extract %slice3A_165[0] : f32 from vector<1xf32>
      %broadcast_in_dim3A_167 = vector.broadcast %squeeze3A_166 : f32 to vector<16xf32>
      %slice3A_168 = vector.extract_strided_slice %get3A_121 {offsets = [0], sizes = [1], strides = [1]} : vector<16xf32> to vector<1xf32>
      %squeeze3A_169 = vector.extract %slice3A_168[0] : f32 from vector<1xf32>
      %broadcast_in_dim3A_170 = vector.broadcast %squeeze3A_169 : f32 to vector<16xf32>
      %slice3A_171 = vector.extract_strided_slice %get3A_121 {offsets = [1], sizes = [1], strides = [1]} : vector<16xf32> to vector<1xf32>
      %squeeze3A_172 = vector.extract %slice3A_171[0] : f32 from vector<1xf32>
      %broadcast_in_dim3A_173 = vector.broadcast %squeeze3A_172 : f32 to vector<16xf32>
      %slice3A_174 = vector.extract_strided_slice %get3A_121 {offsets = [2], sizes = [1], strides = [1]} : vector<16xf32> to vector<1xf32>
      %squeeze3A_175 = vector.extract %slice3A_174[0] : f32 from vector<1xf32>
      %broadcast_in_dim3A_176 = vector.broadcast %squeeze3A_175 : f32 to vector<16xf32>
      %slice3A_177 = vector.extract_strided_slice %get3A_121 {offsets = [3], sizes = [1], strides = [1]} : vector<16xf32> to vector<1xf32>
      %squeeze3A_178 = vector.extract %slice3A_177[0] : f32 from vector<1xf32>
      %broadcast_in_dim3A_179 = vector.broadcast %squeeze3A_178 : f32 to vector<16xf32>
      %slice3A_180 = vector.extract_strided_slice %get3A_121 {offsets = [4], sizes = [1], strides = [1]} : vector<16xf32> to vector<1xf32>
      %squeeze3A_181 = vector.extract %slice3A_180[0] : f32 from vector<1xf32>
      %broadcast_in_dim3A_182 = vector.broadcast %squeeze3A_181 : f32 to vector<16xf32>
      %slice3A_183 = vector.extract_strided_slice %get3A_121 {offsets = [5], sizes = [1], strides = [1]} : vector<16xf32> to vector<1xf32>
      %squeeze3A_184 = vector.extract %slice3A_183[0] : f32 from vector<1xf32>
      %broadcast_in_dim3A_185 = vector.broadcast %squeeze3A_184 : f32 to vector<16xf32>
      %slice3A_186 = vector.extract_strided_slice %get3A_121 {offsets = [6], sizes = [1], strides = [1]} : vector<16xf32> to vector<1xf32>
      %squeeze3A_187 = vector.extract %slice3A_186[0] : f32 from vector<1xf32>
      %broadcast_in_dim3A_188 = vector.broadcast %squeeze3A_187 : f32 to vector<16xf32>
      %slice3A_189 = vector.extract_strided_slice %get3A_121 {offsets = [7], sizes = [1], strides = [1]} : vector<16xf32> to vector<1xf32>
      %squeeze3A_190 = vector.extract %slice3A_189[0] : f32 from vector<1xf32>
      %broadcast_in_dim3A_191 = vector.broadcast %squeeze3A_190 : f32 to vector<16xf32>
      %add3A_192 = arith.addi %add3A_34, %mul3A_113 : i32
      %add3A_193 = arith.constant 0 : i32
      %add3A_194 = arith.addi %add3A_192, %add3A_193 : i32
      %broadcast_in_dim3A_195 = vector.broadcast %add3A_194 : i32 to vector<16xi32>
      %scan3A_196 = arith.constant 0 : i32
      %scan3A_197 = arith.constant 256 : i32
      %scan3A_198 = arith.addi %scan3A_196, %scan3A_197 : i32
      %scan3A_199 = arith.constant 4 : i32
      %scan3A_200:16 = scf.for %scan3A_1073 = %scan3A_196 to %scan3A_198 step %scan3A_199 iter_args(%scan3A_1074 = %broadcast_in_dim3A_50, %scan3A_1075 = %broadcast_in_dim3A_50, %scan3A_1076 = %broadcast_in_dim3A_50, %scan3A_1077 = %broadcast_in_dim3A_50, %scan3A_1078 = %broadcast_in_dim3A_50, %scan3A_1079 = %broadcast_in_dim3A_50, %scan3A_1080 = %broadcast_in_dim3A_50, %scan3A_1081 = %broadcast_in_dim3A_50, %scan3A_1082 = %broadcast_in_dim3A_52, %scan3A_1083 = %broadcast_in_dim3A_52, %scan3A_1084 = %broadcast_in_dim3A_52, %scan3A_1085 = %broadcast_in_dim3A_52, %scan3A_1086 = %broadcast_in_dim3A_52, %scan3A_1087 = %broadcast_in_dim3A_52, %scan3A_1088 = %broadcast_in_dim3A_52, %scan3A_1089 = %broadcast_in_dim3A_52) -> (vector<16xf32>, vector<16xf32>, vector<16xf32>, vector<16xf32>, vector<16xf32>, vector<16xf32>, vector<16xf32>, vector<16xf32>, vector<16xi32>, vector<16xi32>, vector<16xi32>, vector<16xi32>, vector<16xi32>, vector<16xi32>, vector<16xi32>, vector<16xi32>)  : i32 {
        %mul3A_1090 = arith.constant 16 : i32
        %mul3A_1091 = arith.muli %scan3A_1073, %mul3A_1090 : i32
        %get3A_1092 = arith.index_cast %mul3A_1091 : i32 to index
        %get3A_1093 = tpu.vector_load %arg12[%get3A_1092] {strides = array<i32>} : memref<4096xf32, #tpu.memory_space<vmem>>, vector<16xf32>,
        %get3A_1094 = vector.shape_cast %get3A_1093 : vector<16xf32> to vector<16xf32>
        %get3A_1095 = arith.index_cast %mul3A_1091 : i32 to index
        %get3A_1096 = tpu.vector_load %arg13[%get3A_1095] {strides = array<i32>} : memref<4096xf32, #tpu.memory_space<vmem>>, vector<16xf32>,
        %get3A_1097 = vector.shape_cast %get3A_1096 : vector<16xf32> to vector<16xf32>
        %get3A_1098 = arith.index_cast %mul3A_1091 : i32 to index
        %get3A_1099 = tpu.vector_load %arg14[%get3A_1098] {strides = array<i32>} : memref<4096xf32, #tpu.memory_space<vmem>>, vector<16xf32>,
        %get3A_1100 = vector.shape_cast %get3A_1099 : vector<16xf32> to vector<16xf32>
        %mul3A_1101 = arith.constant 16 : i32
        %mul3A_1102 = arith.muli %scan3A_1073, %mul3A_1101 : i32
        %add3A_1103 = vector.broadcast %mul3A_1102 : i32 to vector<16xi32>
        %add3A_1104 = arith.addi %iota3A, %add3A_1103 : vector<16xi32>
        %sub3A_1105 = arith.subf %get3A_1094, %broadcast_in_dim3A_122 : vector<16xf32>
        %mul3A_1106 = arith.mulf %sub3A_1105, %sub3A_1105 : vector<16xf32>
        %sub3A_1107 = arith.subf %get3A_1097, %broadcast_in_dim3A_146 : vector<16xf32>
        %mul3A_1108 = arith.mulf %sub3A_1107, %sub3A_1107 : vector<16xf32>
        %add3A_1109 = arith.addf %mul3A_1106, %mul3A_1108 : vector<16xf32>
        %sub3A_1110 = arith.subf %get3A_1100, %broadcast_in_dim3A_170 : vector<16xf32>
        %mul3A_1111 = arith.mulf %sub3A_1110, %sub3A_1110 : vector<16xf32>
        %add3A_1112 = arith.addf %add3A_1109, %mul3A_1111 : vector<16xf32>
        %lt3A_1113 = arith.cmpf olt, %add3A_1112, %scan3A_1074 : vector<16xf32>
        %select_n3A_1114 = arith.select %lt3A_1113, %add3A_1112, %scan3A_1074 : vector<16xi1>, vector<16xf32>
        %select_n3A_1115 = arith.select %lt3A_1113, %add3A_1104, %scan3A_1082 : vector<16xi1>, vector<16xi32>
        %sub3A_1116 = arith.subf %get3A_1094, %broadcast_in_dim3A_125 : vector<16xf32>
        %mul3A_1117 = arith.mulf %sub3A_1116, %sub3A_1116 : vector<16xf32>
        %sub3A_1118 = arith.subf %get3A_1097, %broadcast_in_dim3A_149 : vector<16xf32>
        %mul3A_1119 = arith.mulf %sub3A_1118, %sub3A_1118 : vector<16xf32>
        %add3A_1120 = arith.addf %mul3A_1117, %mul3A_1119 : vector<16xf32>
        %sub3A_1121 = arith.subf %get3A_1100, %broadcast_in_dim3A_173 : vector<16xf32>
        %mul3A_1122 = arith.mulf %sub3A_1121, %sub3A_1121 : vector<16xf32>
        %add3A_1123 = arith.addf %add3A_1120, %mul3A_1122 : vector<16xf32>
        %lt3A_1124 = arith.cmpf olt, %add3A_1123, %scan3A_1075 : vector<16xf32>
        %select_n3A_1125 = arith.select %lt3A_1124, %add3A_1123, %scan3A_1075 : vector<16xi1>, vector<16xf32>
        %select_n3A_1126 = arith.select %lt3A_1124, %add3A_1104, %scan3A_1083 : vector<16xi1>, vector<16xi32>
        %sub3A_1127 = arith.subf %get3A_1094, %broadcast_in_dim3A_128 : vector<16xf32>
        %mul3A_1128 = arith.mulf %sub3A_1127, %sub3A_1127 : vector<16xf32>
        %sub3A_1129 = arith.subf %get3A_1097, %broadcast_in_dim3A_152 : vector<16xf32>
        %mul3A_1130 = arith.mulf %sub3A_1129, %sub3A_1129 : vector<16xf32>
        %add3A_1131 = arith.addf %mul3A_1128, %mul3A_1130 : vector<16xf32>
        %sub3A_1132 = arith.subf %get3A_1100, %broadcast_in_dim3A_176 : vector<16xf32>
        %mul3A_1133 = arith.mulf %sub3A_1132, %sub3A_1132 : vector<16xf32>
        %add3A_1134 = arith.addf %add3A_1131, %mul3A_1133 : vector<16xf32>
        %lt3A_1135 = arith.cmpf olt, %add3A_1134, %scan3A_1076 : vector<16xf32>
        %select_n3A_1136 = arith.select %lt3A_1135, %add3A_1134, %scan3A_1076 : vector<16xi1>, vector<16xf32>
        %select_n3A_1137 = arith.select %lt3A_1135, %add3A_1104, %scan3A_1084 : vector<16xi1>, vector<16xi32>
        %sub3A_1138 = arith.subf %get3A_1094, %broadcast_in_dim3A_131 : vector<16xf32>
        %mul3A_1139 = arith.mulf %sub3A_1138, %sub3A_1138 : vector<16xf32>
        %sub3A_1140 = arith.subf %get3A_1097, %broadcast_in_dim3A_155 : vector<16xf32>
        %mul3A_1141 = arith.mulf %sub3A_1140, %sub3A_1140 : vector<16xf32>
        %add3A_1142 = arith.addf %mul3A_1139, %mul3A_1141 : vector<16xf32>
        %sub3A_1143 = arith.subf %get3A_1100, %broadcast_in_dim3A_179 : vector<16xf32>
        %mul3A_1144 = arith.mulf %sub3A_1143, %sub3A_1143 : vector<16xf32>
        %add3A_1145 = arith.addf %add3A_1142, %mul3A_1144 : vector<16xf32>
        %lt3A_1146 = arith.cmpf olt, %add3A_1145, %scan3A_1077 : vector<16xf32>
        %select_n3A_1147 = arith.select %lt3A_1146, %add3A_1145, %scan3A_1077 : vector<16xi1>, vector<16xf32>
        %select_n3A_1148 = arith.select %lt3A_1146, %add3A_1104, %scan3A_1085 : vector<16xi1>, vector<16xi32>
        %sub3A_1149 = arith.subf %get3A_1094, %broadcast_in_dim3A_134 : vector<16xf32>
        %mul3A_1150 = arith.mulf %sub3A_1149, %sub3A_1149 : vector<16xf32>
        %sub3A_1151 = arith.subf %get3A_1097, %broadcast_in_dim3A_158 : vector<16xf32>
        %mul3A_1152 = arith.mulf %sub3A_1151, %sub3A_1151 : vector<16xf32>
        %add3A_1153 = arith.addf %mul3A_1150, %mul3A_1152 : vector<16xf32>
        %sub3A_1154 = arith.subf %get3A_1100, %broadcast_in_dim3A_182 : vector<16xf32>
        %mul3A_1155 = arith.mulf %sub3A_1154, %sub3A_1154 : vector<16xf32>
        %add3A_1156 = arith.addf %add3A_1153, %mul3A_1155 : vector<16xf32>
        %lt3A_1157 = arith.cmpf olt, %add3A_1156, %scan3A_1078 : vector<16xf32>
        %select_n3A_1158 = arith.select %lt3A_1157, %add3A_1156, %scan3A_1078 : vector<16xi1>, vector<16xf32>
        %select_n3A_1159 = arith.select %lt3A_1157, %add3A_1104, %scan3A_1086 : vector<16xi1>, vector<16xi32>
        %sub3A_1160 = arith.subf %get3A_1094, %broadcast_in_dim3A_137 : vector<16xf32>
        %mul3A_1161 = arith.mulf %sub3A_1160, %sub3A_1160 : vector<16xf32>
        %sub3A_1162 = arith.subf %get3A_1097, %broadcast_in_dim3A_161 : vector<16xf32>
        %mul3A_1163 = arith.mulf %sub3A_1162, %sub3A_1162 : vector<16xf32>
        %add3A_1164 = arith.addf %mul3A_1161, %mul3A_1163 : vector<16xf32>
        %sub3A_1165 = arith.subf %get3A_1100, %broadcast_in_dim3A_185 : vector<16xf32>
        %mul3A_1166 = arith.mulf %sub3A_1165, %sub3A_1165 : vector<16xf32>
        %add3A_1167 = arith.addf %add3A_1164, %mul3A_1166 : vector<16xf32>
        %lt3A_1168 = arith.cmpf olt, %add3A_1167, %scan3A_1079 : vector<16xf32>
        %select_n3A_1169 = arith.select %lt3A_1168, %add3A_1167, %scan3A_1079 : vector<16xi1>, vector<16xf32>
        %select_n3A_1170 = arith.select %lt3A_1168, %add3A_1104, %scan3A_1087 : vector<16xi1>, vector<16xi32>
        %sub3A_1171 = arith.subf %get3A_1094, %broadcast_in_dim3A_140 : vector<16xf32>
        %mul3A_1172 = arith.mulf %sub3A_1171, %sub3A_1171 : vector<16xf32>
        %sub3A_1173 = arith.subf %get3A_1097, %broadcast_in_dim3A_164 : vector<16xf32>
        %mul3A_1174 = arith.mulf %sub3A_1173, %sub3A_1173 : vector<16xf32>
        %add3A_1175 = arith.addf %mul3A_1172, %mul3A_1174 : vector<16xf32>
        %sub3A_1176 = arith.subf %get3A_1100, %broadcast_in_dim3A_188 : vector<16xf32>
        %mul3A_1177 = arith.mulf %sub3A_1176, %sub3A_1176 : vector<16xf32>
        %add3A_1178 = arith.addf %add3A_1175, %mul3A_1177 : vector<16xf32>
        %lt3A_1179 = arith.cmpf olt, %add3A_1178, %scan3A_1080 : vector<16xf32>
        %select_n3A_1180 = arith.select %lt3A_1179, %add3A_1178, %scan3A_1080 : vector<16xi1>, vector<16xf32>
        %select_n3A_1181 = arith.select %lt3A_1179, %add3A_1104, %scan3A_1088 : vector<16xi1>, vector<16xi32>
        %sub3A_1182 = arith.subf %get3A_1094, %broadcast_in_dim3A_143 : vector<16xf32>
        %mul3A_1183 = arith.mulf %sub3A_1182, %sub3A_1182 : vector<16xf32>
        %sub3A_1184 = arith.subf %get3A_1097, %broadcast_in_dim3A_167 : vector<16xf32>
        %mul3A_1185 = arith.mulf %sub3A_1184, %sub3A_1184 : vector<16xf32>
        %add3A_1186 = arith.addf %mul3A_1183, %mul3A_1185 : vector<16xf32>
        %sub3A_1187 = arith.subf %get3A_1100, %broadcast_in_dim3A_191 : vector<16xf32>
        %mul3A_1188 = arith.mulf %sub3A_1187, %sub3A_1187 : vector<16xf32>
        %add3A_1189 = arith.addf %add3A_1186, %mul3A_1188 : vector<16xf32>
        %lt3A_1190 = arith.cmpf olt, %add3A_1189, %scan3A_1081 : vector<16xf32>
        %select_n3A_1191 = arith.select %lt3A_1190, %add3A_1189, %scan3A_1081 : vector<16xi1>, vector<16xf32>
        %select_n3A_1192 = arith.select %lt3A_1190, %add3A_1104, %scan3A_1089 : vector<16xi1>, vector<16xi32>
        %broadcast_in_dim3A_1193 = arith.constant 0 : i32
        %broadcast_in_dim3A_1194 = vector.broadcast %broadcast_in_dim3A_1193 : i32 to vector<16xi32>
        %lt3A_1195 = arith.cmpf olt, %add3A_1123, %add3A_1112 : vector<16xf32>
        %select_n3A_1196 = arith.select %lt3A_1195, %add3A_1123, %add3A_1112 : vector<16xi1>, vector<16xf32>
        %broadcast_in_dim3A_1197 = arith.constant 1 : i32
        %broadcast_in_dim3A_1198 = vector.broadcast %broadcast_in_dim3A_1197 : i32 to vector<16xi32>
        %select_n3A_1199 = arith.select %lt3A_1195, %broadcast_in_dim3A_1198, %broadcast_in_dim3A_1194 : vector<16xi1>, vector<16xi32>
        %lt3A_1200 = arith.cmpf olt, %add3A_1134, %select_n3A_1196 : vector<16xf32>
        %select_n3A_1201 = arith.select %lt3A_1200, %add3A_1134, %select_n3A_1196 : vector<16xi1>, vector<16xf32>
        %broadcast_in_dim3A_1202 = arith.constant 2 : i32
        %broadcast_in_dim3A_1203 = vector.broadcast %broadcast_in_dim3A_1202 : i32 to vector<16xi32>
        %select_n3A_1204 = arith.select %lt3A_1200, %broadcast_in_dim3A_1203, %select_n3A_1199 : vector<16xi1>, vector<16xi32>
        %lt3A_1205 = arith.cmpf olt, %add3A_1145, %select_n3A_1201 : vector<16xf32>
        %select_n3A_1206 = arith.select %lt3A_1205, %add3A_1145, %select_n3A_1201 : vector<16xi1>, vector<16xf32>
        %broadcast_in_dim3A_1207 = arith.constant 3 : i32
        %broadcast_in_dim3A_1208 = vector.broadcast %broadcast_in_dim3A_1207 : i32 to vector<16xi32>
        %select_n3A_1209 = arith.select %lt3A_1205, %broadcast_in_dim3A_1208, %select_n3A_1204 : vector<16xi1>, vector<16xi32>
        %lt3A_1210 = arith.cmpf olt, %add3A_1156, %select_n3A_1206 : vector<16xf32>
        %select_n3A_1211 = arith.select %lt3A_1210, %add3A_1156, %select_n3A_1206 : vector<16xi1>, vector<16xf32>
        %broadcast_in_dim3A_1212 = arith.constant 4 : i32
        %broadcast_in_dim3A_1213 = vector.broadcast %broadcast_in_dim3A_1212 : i32 to vector<16xi32>
        %select_n3A_1214 = arith.select %lt3A_1210, %broadcast_in_dim3A_1213, %select_n3A_1209 : vector<16xi1>, vector<16xi32>
        %lt3A_1215 = arith.cmpf olt, %add3A_1167, %select_n3A_1211 : vector<16xf32>
        %select_n3A_1216 = arith.select %lt3A_1215, %add3A_1167, %select_n3A_1211 : vector<16xi1>, vector<16xf32>
        %broadcast_in_dim3A_1217 = arith.constant 5 : i32
        %broadcast_in_dim3A_1218 = vector.broadcast %broadcast_in_dim3A_1217 : i32 to vector<16xi32>
        %select_n3A_1219 = arith.select %lt3A_1215, %broadcast_in_dim3A_1218, %select_n3A_1214 : vector<16xi1>, vector<16xi32>
        %lt3A_1220 = arith.cmpf olt, %add3A_1178, %select_n3A_1216 : vector<16xf32>
        %select_n3A_1221 = arith.select %lt3A_1220, %add3A_1178, %select_n3A_1216 : vector<16xi1>, vector<16xf32>
        %broadcast_in_dim3A_1222 = arith.constant 6 : i32
        %broadcast_in_dim3A_1223 = vector.broadcast %broadcast_in_dim3A_1222 : i32 to vector<16xi32>
        %select_n3A_1224 = arith.select %lt3A_1220, %broadcast_in_dim3A_1223, %select_n3A_1219 : vector<16xi1>, vector<16xi32>
        %lt3A_1225 = arith.cmpf olt, %add3A_1189, %select_n3A_1221 : vector<16xf32>
        %select_n3A_1226 = arith.select %lt3A_1225, %add3A_1189, %select_n3A_1221 : vector<16xi1>, vector<16xf32>
        %broadcast_in_dim3A_1227 = arith.constant 7 : i32
        %broadcast_in_dim3A_1228 = vector.broadcast %broadcast_in_dim3A_1227 : i32 to vector<16xi32>
        %select_n3A_1229 = arith.select %lt3A_1225, %broadcast_in_dim3A_1228, %select_n3A_1224 : vector<16xi1>, vector<16xi32>
        %get3A_1230 = arith.index_cast %mul3A_1091 : i32 to index
        %get3A_1231 = tpu.vector_load %arg20[%get3A_1230] {strides = array<i32>} : memref<4096xf32, #tpu.memory_space<vmem>>, vector<16xf32>,
        %get3A_1232 = vector.shape_cast %get3A_1231 : vector<16xf32> to vector<16xf32>
        %lt3A_1233 = arith.cmpf olt, %select_n3A_1226, %get3A_1232 : vector<16xf32>
        %select_n3A_1234 = arith.select %lt3A_1233, %select_n3A_1226, %get3A_1232 : vector<16xi1>, vector<16xf32>
        %swap3A_1235 = arith.index_cast %mul3A_1091 : i32 to index
        %swap3A_1236 = tpu.vector_load %arg20[%swap3A_1235] {strides = array<i32>} : memref<4096xf32, #tpu.memory_space<vmem>>, vector<16xf32>,
        %swap3A_1237 = vector.shape_cast %swap3A_1236 : vector<16xf32> to vector<16xf32>
        %swap3A_1238 = vector.shape_cast %select_n3A_1234 : vector<16xf32> to vector<16xf32>
        tpu.vector_store %arg20[%swap3A_1235], %swap3A_1238 {strides = array<i32>} : memref<4096xf32, #tpu.memory_space<vmem>>, vector<16xf32>,
        %add3A_1239 = arith.addi %select_n3A_1229, %broadcast_in_dim3A_195 : vector<16xi32>
        %get3A_1240 = arith.index_cast %mul3A_1091 : i32 to index
        %get3A_1241 = tpu.vector_load %arg21[%get3A_1240] {strides = array<i32>} : memref<4096xi32, #tpu.memory_space<vmem>>, vector<16xi32>,
        %get3A_1242 = vector.shape_cast %get3A_1241 : vector<16xi32> to vector<16xi32>
        %select_n3A_1243 = arith.select %lt3A_1233, %add3A_1239, %get3A_1242 : vector<16xi1>, vector<16xi32>
        %swap3A_1244 = arith.index_cast %mul3A_1091 : i32 to index
        %swap3A_1245 = tpu.vector_load %arg21[%swap3A_1244] {strides = array<i32>} : memref<4096xi32, #tpu.memory_space<vmem>>, vector<16xi32>,
        %swap3A_1246 = vector.shape_cast %swap3A_1245 : vector<16xi32> to vector<16xi32>
        %swap3A_1247 = vector.shape_cast %select_n3A_1243 : vector<16xi32> to vector<16xi32>
        tpu.vector_store %arg21[%swap3A_1244], %swap3A_1247 {strides = array<i32>} : memref<4096xi32, #tpu.memory_space<vmem>>, vector<16xi32>,
        %scan3A_1248 = arith.constant 1 : i32
        %scan3A_1249 = arith.addi %scan3A_1073, %scan3A_1248 : i32
        %mul3A_1250 = arith.constant 16 : i32
        %mul3A_1251 = arith.muli %scan3A_1249, %mul3A_1250 : i32
        %get3A_1252 = arith.index_cast %mul3A_1251 : i32 to index
        %get3A_1253 = tpu.vector_load %arg12[%get3A_1252] {strides = array<i32>} : memref<4096xf32, #tpu.memory_space<vmem>>, vector<16xf32>,
        %get3A_1254 = vector.shape_cast %get3A_1253 : vector<16xf32> to vector<16xf32>
        %get3A_1255 = arith.index_cast %mul3A_1251 : i32 to index
        %get3A_1256 = tpu.vector_load %arg13[%get3A_1255] {strides = array<i32>} : memref<4096xf32, #tpu.memory_space<vmem>>, vector<16xf32>,
        %get3A_1257 = vector.shape_cast %get3A_1256 : vector<16xf32> to vector<16xf32>
        %get3A_1258 = arith.index_cast %mul3A_1251 : i32 to index
        %get3A_1259 = tpu.vector_load %arg14[%get3A_1258] {strides = array<i32>} : memref<4096xf32, #tpu.memory_space<vmem>>, vector<16xf32>,
        %get3A_1260 = vector.shape_cast %get3A_1259 : vector<16xf32> to vector<16xf32>
        %mul3A_1261 = arith.constant 16 : i32
        %mul3A_1262 = arith.muli %scan3A_1249, %mul3A_1261 : i32
        %add3A_1263 = vector.broadcast %mul3A_1262 : i32 to vector<16xi32>
        %add3A_1264 = arith.addi %iota3A, %add3A_1263 : vector<16xi32>
        %sub3A_1265 = arith.subf %get3A_1254, %broadcast_in_dim3A_122 : vector<16xf32>
        %mul3A_1266 = arith.mulf %sub3A_1265, %sub3A_1265 : vector<16xf32>
        %sub3A_1267 = arith.subf %get3A_1257, %broadcast_in_dim3A_146 : vector<16xf32>
        %mul3A_1268 = arith.mulf %sub3A_1267, %sub3A_1267 : vector<16xf32>
        %add3A_1269 = arith.addf %mul3A_1266, %mul3A_1268 : vector<16xf32>
        %sub3A_1270 = arith.subf %get3A_1260, %broadcast_in_dim3A_170 : vector<16xf32>
        %mul3A_1271 = arith.mulf %sub3A_1270, %sub3A_1270 : vector<16xf32>
        %add3A_1272 = arith.addf %add3A_1269, %mul3A_1271 : vector<16xf32>
        %lt3A_1273 = arith.cmpf olt, %add3A_1272, %select_n3A_1114 : vector<16xf32>
        %select_n3A_1274 = arith.select %lt3A_1273, %add3A_1272, %select_n3A_1114 : vector<16xi1>, vector<16xf32>
        %select_n3A_1275 = arith.select %lt3A_1273, %add3A_1264, %select_n3A_1115 : vector<16xi1>, vector<16xi32>
        %sub3A_1276 = arith.subf %get3A_1254, %broadcast_in_dim3A_125 : vector<16xf32>
        %mul3A_1277 = arith.mulf %sub3A_1276, %sub3A_1276 : vector<16xf32>
        %sub3A_1278 = arith.subf %get3A_1257, %broadcast_in_dim3A_149 : vector<16xf32>
        %mul3A_1279 = arith.mulf %sub3A_1278, %sub3A_1278 : vector<16xf32>
        %add3A_1280 = arith.addf %mul3A_1277, %mul3A_1279 : vector<16xf32>
        %sub3A_1281 = arith.subf %get3A_1260, %broadcast_in_dim3A_173 : vector<16xf32>
        %mul3A_1282 = arith.mulf %sub3A_1281, %sub3A_1281 : vector<16xf32>
        %add3A_1283 = arith.addf %add3A_1280, %mul3A_1282 : vector<16xf32>
        %lt3A_1284 = arith.cmpf olt, %add3A_1283, %select_n3A_1125 : vector<16xf32>
        %select_n3A_1285 = arith.select %lt3A_1284, %add3A_1283, %select_n3A_1125 : vector<16xi1>, vector<16xf32>
        %select_n3A_1286 = arith.select %lt3A_1284, %add3A_1264, %select_n3A_1126 : vector<16xi1>, vector<16xi32>
        %sub3A_1287 = arith.subf %get3A_1254, %broadcast_in_dim3A_128 : vector<16xf32>
        %mul3A_1288 = arith.mulf %sub3A_1287, %sub3A_1287 : vector<16xf32>
        %sub3A_1289 = arith.subf %get3A_1257, %broadcast_in_dim3A_152 : vector<16xf32>
        %mul3A_1290 = arith.mulf %sub3A_1289, %sub3A_1289 : vector<16xf32>
        %add3A_1291 = arith.addf %mul3A_1288, %mul3A_1290 : vector<16xf32>
        %sub3A_1292 = arith.subf %get3A_1260, %broadcast_in_dim3A_176 : vector<16xf32>
        %mul3A_1293 = arith.mulf %sub3A_1292, %sub3A_1292 : vector<16xf32>
        %add3A_1294 = arith.addf %add3A_1291, %mul3A_1293 : vector<16xf32>
        %lt3A_1295 = arith.cmpf olt, %add3A_1294, %select_n3A_1136 : vector<16xf32>
        %select_n3A_1296 = arith.select %lt3A_1295, %add3A_1294, %select_n3A_1136 : vector<16xi1>, vector<16xf32>
        %select_n3A_1297 = arith.select %lt3A_1295, %add3A_1264, %select_n3A_1137 : vector<16xi1>, vector<16xi32>
        %sub3A_1298 = arith.subf %get3A_1254, %broadcast_in_dim3A_131 : vector<16xf32>
        %mul3A_1299 = arith.mulf %sub3A_1298, %sub3A_1298 : vector<16xf32>
        %sub3A_1300 = arith.subf %get3A_1257, %broadcast_in_dim3A_155 : vector<16xf32>
        %mul3A_1301 = arith.mulf %sub3A_1300, %sub3A_1300 : vector<16xf32>
        %add3A_1302 = arith.addf %mul3A_1299, %mul3A_1301 : vector<16xf32>
        %sub3A_1303 = arith.subf %get3A_1260, %broadcast_in_dim3A_179 : vector<16xf32>
        %mul3A_1304 = arith.mulf %sub3A_1303, %sub3A_1303 : vector<16xf32>
        %add3A_1305 = arith.addf %add3A_1302, %mul3A_1304 : vector<16xf32>
        %lt3A_1306 = arith.cmpf olt, %add3A_1305, %select_n3A_1147 : vector<16xf32>
        %select_n3A_1307 = arith.select %lt3A_1306, %add3A_1305, %select_n3A_1147 : vector<16xi1>, vector<16xf32>
        %select_n3A_1308 = arith.select %lt3A_1306, %add3A_1264, %select_n3A_1148 : vector<16xi1>, vector<16xi32>
        %sub3A_1309 = arith.subf %get3A_1254, %broadcast_in_dim3A_134 : vector<16xf32>
        %mul3A_1310 = arith.mulf %sub3A_1309, %sub3A_1309 : vector<16xf32>
        %sub3A_1311 = arith.subf %get3A_1257, %broadcast_in_dim3A_158 : vector<16xf32>
        %mul3A_1312 = arith.mulf %sub3A_1311, %sub3A_1311 : vector<16xf32>
        %add3A_1313 = arith.addf %mul3A_1310, %mul3A_1312 : vector<16xf32>
        %sub3A_1314 = arith.subf %get3A_1260, %broadcast_in_dim3A_182 : vector<16xf32>
        %mul3A_1315 = arith.mulf %sub3A_1314, %sub3A_1314 : vector<16xf32>
        %add3A_1316 = arith.addf %add3A_1313, %mul3A_1315 : vector<16xf32>
        %lt3A_1317 = arith.cmpf olt, %add3A_1316, %select_n3A_1158 : vector<16xf32>
        %select_n3A_1318 = arith.select %lt3A_1317, %add3A_1316, %select_n3A_1158 : vector<16xi1>, vector<16xf32>
        %select_n3A_1319 = arith.select %lt3A_1317, %add3A_1264, %select_n3A_1159 : vector<16xi1>, vector<16xi32>
        %sub3A_1320 = arith.subf %get3A_1254, %broadcast_in_dim3A_137 : vector<16xf32>
        %mul3A_1321 = arith.mulf %sub3A_1320, %sub3A_1320 : vector<16xf32>
        %sub3A_1322 = arith.subf %get3A_1257, %broadcast_in_dim3A_161 : vector<16xf32>
        %mul3A_1323 = arith.mulf %sub3A_1322, %sub3A_1322 : vector<16xf32>
        %add3A_1324 = arith.addf %mul3A_1321, %mul3A_1323 : vector<16xf32>
        %sub3A_1325 = arith.subf %get3A_1260, %broadcast_in_dim3A_185 : vector<16xf32>
        %mul3A_1326 = arith.mulf %sub3A_1325, %sub3A_1325 : vector<16xf32>
        %add3A_1327 = arith.addf %add3A_1324, %mul3A_1326 : vector<16xf32>
        %lt3A_1328 = arith.cmpf olt, %add3A_1327, %select_n3A_1169 : vector<16xf32>
        %select_n3A_1329 = arith.select %lt3A_1328, %add3A_1327, %select_n3A_1169 : vector<16xi1>, vector<16xf32>
        %select_n3A_1330 = arith.select %lt3A_1328, %add3A_1264, %select_n3A_1170 : vector<16xi1>, vector<16xi32>
        %sub3A_1331 = arith.subf %get3A_1254, %broadcast_in_dim3A_140 : vector<16xf32>
        %mul3A_1332 = arith.mulf %sub3A_1331, %sub3A_1331 : vector<16xf32>
        %sub3A_1333 = arith.subf %get3A_1257, %broadcast_in_dim3A_164 : vector<16xf32>
        %mul3A_1334 = arith.mulf %sub3A_1333, %sub3A_1333 : vector<16xf32>
        %add3A_1335 = arith.addf %mul3A_1332, %mul3A_1334 : vector<16xf32>
        %sub3A_1336 = arith.subf %get3A_1260, %broadcast_in_dim3A_188 : vector<16xf32>
        %mul3A_1337 = arith.mulf %sub3A_1336, %sub3A_1336 : vector<16xf32>
        %add3A_1338 = arith.addf %add3A_1335, %mul3A_1337 : vector<16xf32>
        %lt3A_1339 = arith.cmpf olt, %add3A_1338, %select_n3A_1180 : vector<16xf32>
        %select_n3A_1340 = arith.select %lt3A_1339, %add3A_1338, %select_n3A_1180 : vector<16xi1>, vector<16xf32>
        %select_n3A_1341 = arith.select %lt3A_1339, %add3A_1264, %select_n3A_1181 : vector<16xi1>, vector<16xi32>
        %sub3A_1342 = arith.subf %get3A_1254, %broadcast_in_dim3A_143 : vector<16xf32>
        %mul3A_1343 = arith.mulf %sub3A_1342, %sub3A_1342 : vector<16xf32>
        %sub3A_1344 = arith.subf %get3A_1257, %broadcast_in_dim3A_167 : vector<16xf32>
        %mul3A_1345 = arith.mulf %sub3A_1344, %sub3A_1344 : vector<16xf32>
        %add3A_1346 = arith.addf %mul3A_1343, %mul3A_1345 : vector<16xf32>
        %sub3A_1347 = arith.subf %get3A_1260, %broadcast_in_dim3A_191 : vector<16xf32>
        %mul3A_1348 = arith.mulf %sub3A_1347, %sub3A_1347 : vector<16xf32>
        %add3A_1349 = arith.addf %add3A_1346, %mul3A_1348 : vector<16xf32>
        %lt3A_1350 = arith.cmpf olt, %add3A_1349, %select_n3A_1191 : vector<16xf32>
        %select_n3A_1351 = arith.select %lt3A_1350, %add3A_1349, %select_n3A_1191 : vector<16xi1>, vector<16xf32>
        %select_n3A_1352 = arith.select %lt3A_1350, %add3A_1264, %select_n3A_1192 : vector<16xi1>, vector<16xi32>
        %broadcast_in_dim3A_1353 = arith.constant 0 : i32
        %broadcast_in_dim3A_1354 = vector.broadcast %broadcast_in_dim3A_1353 : i32 to vector<16xi32>
        %lt3A_1355 = arith.cmpf olt, %add3A_1283, %add3A_1272 : vector<16xf32>
        %select_n3A_1356 = arith.select %lt3A_1355, %add3A_1283, %add3A_1272 : vector<16xi1>, vector<16xf32>
        %broadcast_in_dim3A_1357 = arith.constant 1 : i32
        %broadcast_in_dim3A_1358 = vector.broadcast %broadcast_in_dim3A_1357 : i32 to vector<16xi32>
        %select_n3A_1359 = arith.select %lt3A_1355, %broadcast_in_dim3A_1358, %broadcast_in_dim3A_1354 : vector<16xi1>, vector<16xi32>
        %lt3A_1360 = arith.cmpf olt, %add3A_1294, %select_n3A_1356 : vector<16xf32>
        %select_n3A_1361 = arith.select %lt3A_1360, %add3A_1294, %select_n3A_1356 : vector<16xi1>, vector<16xf32>
        %broadcast_in_dim3A_1362 = arith.constant 2 : i32
        %broadcast_in_dim3A_1363 = vector.broadcast %broadcast_in_dim3A_1362 : i32 to vector<16xi32>
        %select_n3A_1364 = arith.select %lt3A_1360, %broadcast_in_dim3A_1363, %select_n3A_1359 : vector<16xi1>, vector<16xi32>
        %lt3A_1365 = arith.cmpf olt, %add3A_1305, %select_n3A_1361 : vector<16xf32>
        %select_n3A_1366 = arith.select %lt3A_1365, %add3A_1305, %select_n3A_1361 : vector<16xi1>, vector<16xf32>
        %broadcast_in_dim3A_1367 = arith.constant 3 : i32
        %broadcast_in_dim3A_1368 = vector.broadcast %broadcast_in_dim3A_1367 : i32 to vector<16xi32>
        %select_n3A_1369 = arith.select %lt3A_1365, %broadcast_in_dim3A_1368, %select_n3A_1364 : vector<16xi1>, vector<16xi32>
        %lt3A_1370 = arith.cmpf olt, %add3A_1316, %select_n3A_1366 : vector<16xf32>
        %select_n3A_1371 = arith.select %lt3A_1370, %add3A_1316, %select_n3A_1366 : vector<16xi1>, vector<16xf32>
        %broadcast_in_dim3A_1372 = arith.constant 4 : i32
        %broadcast_in_dim3A_1373 = vector.broadcast %broadcast_in_dim3A_1372 : i32 to vector<16xi32>
        %select_n3A_1374 = arith.select %lt3A_1370, %broadcast_in_dim3A_1373, %select_n3A_1369 : vector<16xi1>, vector<16xi32>
        %lt3A_1375 = arith.cmpf olt, %add3A_1327, %select_n3A_1371 : vector<16xf32>
        %select_n3A_1376 = arith.select %lt3A_1375, %add3A_1327, %select_n3A_1371 : vector<16xi1>, vector<16xf32>
        %broadcast_in_dim3A_1377 = arith.constant 5 : i32
        %broadcast_in_dim3A_1378 = vector.broadcast %broadcast_in_dim3A_1377 : i32 to vector<16xi32>
        %select_n3A_1379 = arith.select %lt3A_1375, %broadcast_in_dim3A_1378, %select_n3A_1374 : vector<16xi1>, vector<16xi32>
        %lt3A_1380 = arith.cmpf olt, %add3A_1338, %select_n3A_1376 : vector<16xf32>
        %select_n3A_1381 = arith.select %lt3A_1380, %add3A_1338, %select_n3A_1376 : vector<16xi1>, vector<16xf32>
        %broadcast_in_dim3A_1382 = arith.constant 6 : i32
        %broadcast_in_dim3A_1383 = vector.broadcast %broadcast_in_dim3A_1382 : i32 to vector<16xi32>
        %select_n3A_1384 = arith.select %lt3A_1380, %broadcast_in_dim3A_1383, %select_n3A_1379 : vector<16xi1>, vector<16xi32>
        %lt3A_1385 = arith.cmpf olt, %add3A_1349, %select_n3A_1381 : vector<16xf32>
        %select_n3A_1386 = arith.select %lt3A_1385, %add3A_1349, %select_n3A_1381 : vector<16xi1>, vector<16xf32>
        %broadcast_in_dim3A_1387 = arith.constant 7 : i32
        %broadcast_in_dim3A_1388 = vector.broadcast %broadcast_in_dim3A_1387 : i32 to vector<16xi32>
        %select_n3A_1389 = arith.select %lt3A_1385, %broadcast_in_dim3A_1388, %select_n3A_1384 : vector<16xi1>, vector<16xi32>
        %get3A_1390 = arith.index_cast %mul3A_1251 : i32 to index
        %get3A_1391 = tpu.vector_load %arg20[%get3A_1390] {strides = array<i32>} : memref<4096xf32, #tpu.memory_space<vmem>>, vector<16xf32>,
        %get3A_1392 = vector.shape_cast %get3A_1391 : vector<16xf32> to vector<16xf32>
        %lt3A_1393 = arith.cmpf olt, %select_n3A_1386, %get3A_1392 : vector<16xf32>
        %select_n3A_1394 = arith.select %lt3A_1393, %select_n3A_1386, %get3A_1392 : vector<16xi1>, vector<16xf32>
        %swap3A_1395 = arith.index_cast %mul3A_1251 : i32 to index
        %swap3A_1396 = tpu.vector_load %arg20[%swap3A_1395] {strides = array<i32>} : memref<4096xf32, #tpu.memory_space<vmem>>, vector<16xf32>,
        %swap3A_1397 = vector.shape_cast %swap3A_1396 : vector<16xf32> to vector<16xf32>
        %swap3A_1398 = vector.shape_cast %select_n3A_1394 : vector<16xf32> to vector<16xf32>
        tpu.vector_store %arg20[%swap3A_1395], %swap3A_1398 {strides = array<i32>} : memref<4096xf32, #tpu.memory_space<vmem>>, vector<16xf32>,
        %add3A_1399 = arith.addi %select_n3A_1389, %broadcast_in_dim3A_195 : vector<16xi32>
        %get3A_1400 = arith.index_cast %mul3A_1251 : i32 to index
        %get3A_1401 = tpu.vector_load %arg21[%get3A_1400] {strides = array<i32>} : memref<4096xi32, #tpu.memory_space<vmem>>, vector<16xi32>,
        %get3A_1402 = vector.shape_cast %get3A_1401 : vector<16xi32> to vector<16xi32>
        %select_n3A_1403 = arith.select %lt3A_1393, %add3A_1399, %get3A_1402 : vector<16xi1>, vector<16xi32>
        %swap3A_1404 = arith.index_cast %mul3A_1251 : i32 to index
        %swap3A_1405 = tpu.vector_load %arg21[%swap3A_1404] {strides = array<i32>} : memref<4096xi32, #tpu.memory_space<vmem>>, vector<16xi32>,
        %swap3A_1406 = vector.shape_cast %swap3A_1405 : vector<16xi32> to vector<16xi32>
        %swap3A_1407 = vector.shape_cast %select_n3A_1403 : vector<16xi32> to vector<16xi32>
        tpu.vector_store %arg21[%swap3A_1404], %swap3A_1407 {strides = array<i32>} : memref<4096xi32, #tpu.memory_space<vmem>>, vector<16xi32>,
        %scan3A_1408 = arith.constant 2 : i32
        %scan3A_1409 = arith.addi %scan3A_1073, %scan3A_1408 : i32
        %mul3A_1410 = arith.constant 16 : i32
        %mul3A_1411 = arith.muli %scan3A_1409, %mul3A_1410 : i32
        %get3A_1412 = arith.index_cast %mul3A_1411 : i32 to index
        %get3A_1413 = tpu.vector_load %arg12[%get3A_1412] {strides = array<i32>} : memref<4096xf32, #tpu.memory_space<vmem>>, vector<16xf32>,
        %get3A_1414 = vector.shape_cast %get3A_1413 : vector<16xf32> to vector<16xf32>
        %get3A_1415 = arith.index_cast %mul3A_1411 : i32 to index
        %get3A_1416 = tpu.vector_load %arg13[%get3A_1415] {strides = array<i32>} : memref<4096xf32, #tpu.memory_space<vmem>>, vector<16xf32>,
        %get3A_1417 = vector.shape_cast %get3A_1416 : vector<16xf32> to vector<16xf32>
        %get3A_1418 = arith.index_cast %mul3A_1411 : i32 to index
        %get3A_1419 = tpu.vector_load %arg14[%get3A_1418] {strides = array<i32>} : memref<4096xf32, #tpu.memory_space<vmem>>, vector<16xf32>,
        %get3A_1420 = vector.shape_cast %get3A_1419 : vector<16xf32> to vector<16xf32>
        %mul3A_1421 = arith.constant 16 : i32
        %mul3A_1422 = arith.muli %scan3A_1409, %mul3A_1421 : i32
        %add3A_1423 = vector.broadcast %mul3A_1422 : i32 to vector<16xi32>
        %add3A_1424 = arith.addi %iota3A, %add3A_1423 : vector<16xi32>
        %sub3A_1425 = arith.subf %get3A_1414, %broadcast_in_dim3A_122 : vector<16xf32>
        %mul3A_1426 = arith.mulf %sub3A_1425, %sub3A_1425 : vector<16xf32>
        %sub3A_1427 = arith.subf %get3A_1417, %broadcast_in_dim3A_146 : vector<16xf32>
        %mul3A_1428 = arith.mulf %sub3A_1427, %sub3A_1427 : vector<16xf32>
        %add3A_1429 = arith.addf %mul3A_1426, %mul3A_1428 : vector<16xf32>
        %sub3A_1430 = arith.subf %get3A_1420, %broadcast_in_dim3A_170 : vector<16xf32>
        %mul3A_1431 = arith.mulf %sub3A_1430, %sub3A_1430 : vector<16xf32>
        %add3A_1432 = arith.addf %add3A_1429, %mul3A_1431 : vector<16xf32>
        %lt3A_1433 = arith.cmpf olt, %add3A_1432, %select_n3A_1274 : vector<16xf32>
        %select_n3A_1434 = arith.select %lt3A_1433, %add3A_1432, %select_n3A_1274 : vector<16xi1>, vector<16xf32>
        %select_n3A_1435 = arith.select %lt3A_1433, %add3A_1424, %select_n3A_1275 : vector<16xi1>, vector<16xi32>
        %sub3A_1436 = arith.subf %get3A_1414, %broadcast_in_dim3A_125 : vector<16xf32>
        %mul3A_1437 = arith.mulf %sub3A_1436, %sub3A_1436 : vector<16xf32>
        %sub3A_1438 = arith.subf %get3A_1417, %broadcast_in_dim3A_149 : vector<16xf32>
        %mul3A_1439 = arith.mulf %sub3A_1438, %sub3A_1438 : vector<16xf32>
        %add3A_1440 = arith.addf %mul3A_1437, %mul3A_1439 : vector<16xf32>
        %sub3A_1441 = arith.subf %get3A_1420, %broadcast_in_dim3A_173 : vector<16xf32>
        %mul3A_1442 = arith.mulf %sub3A_1441, %sub3A_1441 : vector<16xf32>
        %add3A_1443 = arith.addf %add3A_1440, %mul3A_1442 : vector<16xf32>
        %lt3A_1444 = arith.cmpf olt, %add3A_1443, %select_n3A_1285 : vector<16xf32>
        %select_n3A_1445 = arith.select %lt3A_1444, %add3A_1443, %select_n3A_1285 : vector<16xi1>, vector<16xf32>
        %select_n3A_1446 = arith.select %lt3A_1444, %add3A_1424, %select_n3A_1286 : vector<16xi1>, vector<16xi32>
        %sub3A_1447 = arith.subf %get3A_1414, %broadcast_in_dim3A_128 : vector<16xf32>
        %mul3A_1448 = arith.mulf %sub3A_1447, %sub3A_1447 : vector<16xf32>
        %sub3A_1449 = arith.subf %get3A_1417, %broadcast_in_dim3A_152 : vector<16xf32>
        %mul3A_1450 = arith.mulf %sub3A_1449, %sub3A_1449 : vector<16xf32>
        %add3A_1451 = arith.addf %mul3A_1448, %mul3A_1450 : vector<16xf32>
        %sub3A_1452 = arith.subf %get3A_1420, %broadcast_in_dim3A_176 : vector<16xf32>
        %mul3A_1453 = arith.mulf %sub3A_1452, %sub3A_1452 : vector<16xf32>
        %add3A_1454 = arith.addf %add3A_1451, %mul3A_1453 : vector<16xf32>
        %lt3A_1455 = arith.cmpf olt, %add3A_1454, %select_n3A_1296 : vector<16xf32>
        %select_n3A_1456 = arith.select %lt3A_1455, %add3A_1454, %select_n3A_1296 : vector<16xi1>, vector<16xf32>
        %select_n3A_1457 = arith.select %lt3A_1455, %add3A_1424, %select_n3A_1297 : vector<16xi1>, vector<16xi32>
        %sub3A_1458 = arith.subf %get3A_1414, %broadcast_in_dim3A_131 : vector<16xf32>
        %mul3A_1459 = arith.mulf %sub3A_1458, %sub3A_1458 : vector<16xf32>
        %sub3A_1460 = arith.subf %get3A_1417, %broadcast_in_dim3A_155 : vector<16xf32>
        %mul3A_1461 = arith.mulf %sub3A_1460, %sub3A_1460 : vector<16xf32>
        %add3A_1462 = arith.addf %mul3A_1459, %mul3A_1461 : vector<16xf32>
        %sub3A_1463 = arith.subf %get3A_1420, %broadcast_in_dim3A_179 : vector<16xf32>
        %mul3A_1464 = arith.mulf %sub3A_1463, %sub3A_1463 : vector<16xf32>
        %add3A_1465 = arith.addf %add3A_1462, %mul3A_1464 : vector<16xf32>
        %lt3A_1466 = arith.cmpf olt, %add3A_1465, %select_n3A_1307 : vector<16xf32>
        %select_n3A_1467 = arith.select %lt3A_1466, %add3A_1465, %select_n3A_1307 : vector<16xi1>, vector<16xf32>
        %select_n3A_1468 = arith.select %lt3A_1466, %add3A_1424, %select_n3A_1308 : vector<16xi1>, vector<16xi32>
        %sub3A_1469 = arith.subf %get3A_1414, %broadcast_in_dim3A_134 : vector<16xf32>
        %mul3A_1470 = arith.mulf %sub3A_1469, %sub3A_1469 : vector<16xf32>
        %sub3A_1471 = arith.subf %get3A_1417, %broadcast_in_dim3A_158 : vector<16xf32>
        %mul3A_1472 = arith.mulf %sub3A_1471, %sub3A_1471 : vector<16xf32>
        %add3A_1473 = arith.addf %mul3A_1470, %mul3A_1472 : vector<16xf32>
        %sub3A_1474 = arith.subf %get3A_1420, %broadcast_in_dim3A_182 : vector<16xf32>
        %mul3A_1475 = arith.mulf %sub3A_1474, %sub3A_1474 : vector<16xf32>
        %add3A_1476 = arith.addf %add3A_1473, %mul3A_1475 : vector<16xf32>
        %lt3A_1477 = arith.cmpf olt, %add3A_1476, %select_n3A_1318 : vector<16xf32>
        %select_n3A_1478 = arith.select %lt3A_1477, %add3A_1476, %select_n3A_1318 : vector<16xi1>, vector<16xf32>
        %select_n3A_1479 = arith.select %lt3A_1477, %add3A_1424, %select_n3A_1319 : vector<16xi1>, vector<16xi32>
        %sub3A_1480 = arith.subf %get3A_1414, %broadcast_in_dim3A_137 : vector<16xf32>
        %mul3A_1481 = arith.mulf %sub3A_1480, %sub3A_1480 : vector<16xf32>
        %sub3A_1482 = arith.subf %get3A_1417, %broadcast_in_dim3A_161 : vector<16xf32>
        %mul3A_1483 = arith.mulf %sub3A_1482, %sub3A_1482 : vector<16xf32>
        %add3A_1484 = arith.addf %mul3A_1481, %mul3A_1483 : vector<16xf32>
        %sub3A_1485 = arith.subf %get3A_1420, %broadcast_in_dim3A_185 : vector<16xf32>
        %mul3A_1486 = arith.mulf %sub3A_1485, %sub3A_1485 : vector<16xf32>
        %add3A_1487 = arith.addf %add3A_1484, %mul3A_1486 : vector<16xf32>
        %lt3A_1488 = arith.cmpf olt, %add3A_1487, %select_n3A_1329 : vector<16xf32>
        %select_n3A_1489 = arith.select %lt3A_1488, %add3A_1487, %select_n3A_1329 : vector<16xi1>, vector<16xf32>
        %select_n3A_1490 = arith.select %lt3A_1488, %add3A_1424, %select_n3A_1330 : vector<16xi1>, vector<16xi32>
        %sub3A_1491 = arith.subf %get3A_1414, %broadcast_in_dim3A_140 : vector<16xf32>
        %mul3A_1492 = arith.mulf %sub3A_1491, %sub3A_1491 : vector<16xf32>
        %sub3A_1493 = arith.subf %get3A_1417, %broadcast_in_dim3A_164 : vector<16xf32>
        %mul3A_1494 = arith.mulf %sub3A_1493, %sub3A_1493 : vector<16xf32>
        %add3A_1495 = arith.addf %mul3A_1492, %mul3A_1494 : vector<16xf32>
        %sub3A_1496 = arith.subf %get3A_1420, %broadcast_in_dim3A_188 : vector<16xf32>
        %mul3A_1497 = arith.mulf %sub3A_1496, %sub3A_1496 : vector<16xf32>
        %add3A_1498 = arith.addf %add3A_1495, %mul3A_1497 : vector<16xf32>
        %lt3A_1499 = arith.cmpf olt, %add3A_1498, %select_n3A_1340 : vector<16xf32>
        %select_n3A_1500 = arith.select %lt3A_1499, %add3A_1498, %select_n3A_1340 : vector<16xi1>, vector<16xf32>
        %select_n3A_1501 = arith.select %lt3A_1499, %add3A_1424, %select_n3A_1341 : vector<16xi1>, vector<16xi32>
        %sub3A_1502 = arith.subf %get3A_1414, %broadcast_in_dim3A_143 : vector<16xf32>
        %mul3A_1503 = arith.mulf %sub3A_1502, %sub3A_1502 : vector<16xf32>
        %sub3A_1504 = arith.subf %get3A_1417, %broadcast_in_dim3A_167 : vector<16xf32>
        %mul3A_1505 = arith.mulf %sub3A_1504, %sub3A_1504 : vector<16xf32>
        %add3A_1506 = arith.addf %mul3A_1503, %mul3A_1505 : vector<16xf32>
        %sub3A_1507 = arith.subf %get3A_1420, %broadcast_in_dim3A_191 : vector<16xf32>
        %mul3A_1508 = arith.mulf %sub3A_1507, %sub3A_1507 : vector<16xf32>
        %add3A_1509 = arith.addf %add3A_1506, %mul3A_1508 : vector<16xf32>
        %lt3A_1510 = arith.cmpf olt, %add3A_1509, %select_n3A_1351 : vector<16xf32>
        %select_n3A_1511 = arith.select %lt3A_1510, %add3A_1509, %select_n3A_1351 : vector<16xi1>, vector<16xf32>
        %select_n3A_1512 = arith.select %lt3A_1510, %add3A_1424, %select_n3A_1352 : vector<16xi1>, vector<16xi32>
        %broadcast_in_dim3A_1513 = arith.constant 0 : i32
        %broadcast_in_dim3A_1514 = vector.broadcast %broadcast_in_dim3A_1513 : i32 to vector<16xi32>
        %lt3A_1515 = arith.cmpf olt, %add3A_1443, %add3A_1432 : vector<16xf32>
        %select_n3A_1516 = arith.select %lt3A_1515, %add3A_1443, %add3A_1432 : vector<16xi1>, vector<16xf32>
        %broadcast_in_dim3A_1517 = arith.constant 1 : i32
        %broadcast_in_dim3A_1518 = vector.broadcast %broadcast_in_dim3A_1517 : i32 to vector<16xi32>
        %select_n3A_1519 = arith.select %lt3A_1515, %broadcast_in_dim3A_1518, %broadcast_in_dim3A_1514 : vector<16xi1>, vector<16xi32>
        %lt3A_1520 = arith.cmpf olt, %add3A_1454, %select_n3A_1516 : vector<16xf32>
        %select_n3A_1521 = arith.select %lt3A_1520, %add3A_1454, %select_n3A_1516 : vector<16xi1>, vector<16xf32>
        %broadcast_in_dim3A_1522 = arith.constant 2 : i32
        %broadcast_in_dim3A_1523 = vector.broadcast %broadcast_in_dim3A_1522 : i32 to vector<16xi32>
        %select_n3A_1524 = arith.select %lt3A_1520, %broadcast_in_dim3A_1523, %select_n3A_1519 : vector<16xi1>, vector<16xi32>
        %lt3A_1525 = arith.cmpf olt, %add3A_1465, %select_n3A_1521 : vector<16xf32>
        %select_n3A_1526 = arith.select %lt3A_1525, %add3A_1465, %select_n3A_1521 : vector<16xi1>, vector<16xf32>
        %broadcast_in_dim3A_1527 = arith.constant 3 : i32
        %broadcast_in_dim3A_1528 = vector.broadcast %broadcast_in_dim3A_1527 : i32 to vector<16xi32>
        %select_n3A_1529 = arith.select %lt3A_1525, %broadcast_in_dim3A_1528, %select_n3A_1524 : vector<16xi1>, vector<16xi32>
        %lt3A_1530 = arith.cmpf olt, %add3A_1476, %select_n3A_1526 : vector<16xf32>
        %select_n3A_1531 = arith.select %lt3A_1530, %add3A_1476, %select_n3A_1526 : vector<16xi1>, vector<16xf32>
        %broadcast_in_dim3A_1532 = arith.constant 4 : i32
        %broadcast_in_dim3A_1533 = vector.broadcast %broadcast_in_dim3A_1532 : i32 to vector<16xi32>
        %select_n3A_1534 = arith.select %lt3A_1530, %broadcast_in_dim3A_1533, %select_n3A_1529 : vector<16xi1>, vector<16xi32>
        %lt3A_1535 = arith.cmpf olt, %add3A_1487, %select_n3A_1531 : vector<16xf32>
        %select_n3A_1536 = arith.select %lt3A_1535, %add3A_1487, %select_n3A_1531 : vector<16xi1>, vector<16xf32>
        %broadcast_in_dim3A_1537 = arith.constant 5 : i32
        %broadcast_in_dim3A_1538 = vector.broadcast %broadcast_in_dim3A_1537 : i32 to vector<16xi32>
        %select_n3A_1539 = arith.select %lt3A_1535, %broadcast_in_dim3A_1538, %select_n3A_1534 : vector<16xi1>, vector<16xi32>
        %lt3A_1540 = arith.cmpf olt, %add3A_1498, %select_n3A_1536 : vector<16xf32>
        %select_n3A_1541 = arith.select %lt3A_1540, %add3A_1498, %select_n3A_1536 : vector<16xi1>, vector<16xf32>
        %broadcast_in_dim3A_1542 = arith.constant 6 : i32
        %broadcast_in_dim3A_1543 = vector.broadcast %broadcast_in_dim3A_1542 : i32 to vector<16xi32>
        %select_n3A_1544 = arith.select %lt3A_1540, %broadcast_in_dim3A_1543, %select_n3A_1539 : vector<16xi1>, vector<16xi32>
        %lt3A_1545 = arith.cmpf olt, %add3A_1509, %select_n3A_1541 : vector<16xf32>
        %select_n3A_1546 = arith.select %lt3A_1545, %add3A_1509, %select_n3A_1541 : vector<16xi1>, vector<16xf32>
        %broadcast_in_dim3A_1547 = arith.constant 7 : i32
        %broadcast_in_dim3A_1548 = vector.broadcast %broadcast_in_dim3A_1547 : i32 to vector<16xi32>
        %select_n3A_1549 = arith.select %lt3A_1545, %broadcast_in_dim3A_1548, %select_n3A_1544 : vector<16xi1>, vector<16xi32>
        %get3A_1550 = arith.index_cast %mul3A_1411 : i32 to index
        %get3A_1551 = tpu.vector_load %arg20[%get3A_1550] {strides = array<i32>} : memref<4096xf32, #tpu.memory_space<vmem>>, vector<16xf32>,
        %get3A_1552 = vector.shape_cast %get3A_1551 : vector<16xf32> to vector<16xf32>
        %lt3A_1553 = arith.cmpf olt, %select_n3A_1546, %get3A_1552 : vector<16xf32>
        %select_n3A_1554 = arith.select %lt3A_1553, %select_n3A_1546, %get3A_1552 : vector<16xi1>, vector<16xf32>
        %swap3A_1555 = arith.index_cast %mul3A_1411 : i32 to index
        %swap3A_1556 = tpu.vector_load %arg20[%swap3A_1555] {strides = array<i32>} : memref<4096xf32, #tpu.memory_space<vmem>>, vector<16xf32>,
        %swap3A_1557 = vector.shape_cast %swap3A_1556 : vector<16xf32> to vector<16xf32>
        %swap3A_1558 = vector.shape_cast %select_n3A_1554 : vector<16xf32> to vector<16xf32>
        tpu.vector_store %arg20[%swap3A_1555], %swap3A_1558 {strides = array<i32>} : memref<4096xf32, #tpu.memory_space<vmem>>, vector<16xf32>,
        %add3A_1559 = arith.addi %select_n3A_1549, %broadcast_in_dim3A_195 : vector<16xi32>
        %get3A_1560 = arith.index_cast %mul3A_1411 : i32 to index
        %get3A_1561 = tpu.vector_load %arg21[%get3A_1560] {strides = array<i32>} : memref<4096xi32, #tpu.memory_space<vmem>>, vector<16xi32>,
        %get3A_1562 = vector.shape_cast %get3A_1561 : vector<16xi32> to vector<16xi32>
        %select_n3A_1563 = arith.select %lt3A_1553, %add3A_1559, %get3A_1562 : vector<16xi1>, vector<16xi32>
        %swap3A_1564 = arith.index_cast %mul3A_1411 : i32 to index
        %swap3A_1565 = tpu.vector_load %arg21[%swap3A_1564] {strides = array<i32>} : memref<4096xi32, #tpu.memory_space<vmem>>, vector<16xi32>,
        %swap3A_1566 = vector.shape_cast %swap3A_1565 : vector<16xi32> to vector<16xi32>
        %swap3A_1567 = vector.shape_cast %select_n3A_1563 : vector<16xi32> to vector<16xi32>
        tpu.vector_store %arg21[%swap3A_1564], %swap3A_1567 {strides = array<i32>} : memref<4096xi32, #tpu.memory_space<vmem>>, vector<16xi32>,
        %scan3A_1568 = arith.constant 3 : i32
        %scan3A_1569 = arith.addi %scan3A_1073, %scan3A_1568 : i32
        %mul3A_1570 = arith.constant 16 : i32
        %mul3A_1571 = arith.muli %scan3A_1569, %mul3A_1570 : i32
        %get3A_1572 = arith.index_cast %mul3A_1571 : i32 to index
        %get3A_1573 = tpu.vector_load %arg12[%get3A_1572] {strides = array<i32>} : memref<4096xf32, #tpu.memory_space<vmem>>, vector<16xf32>,
        %get3A_1574 = vector.shape_cast %get3A_1573 : vector<16xf32> to vector<16xf32>
        %get3A_1575 = arith.index_cast %mul3A_1571 : i32 to index
        %get3A_1576 = tpu.vector_load %arg13[%get3A_1575] {strides = array<i32>} : memref<4096xf32, #tpu.memory_space<vmem>>, vector<16xf32>,
        %get3A_1577 = vector.shape_cast %get3A_1576 : vector<16xf32> to vector<16xf32>
        %get3A_1578 = arith.index_cast %mul3A_1571 : i32 to index
        %get3A_1579 = tpu.vector_load %arg14[%get3A_1578] {strides = array<i32>} : memref<4096xf32, #tpu.memory_space<vmem>>, vector<16xf32>,
        %get3A_1580 = vector.shape_cast %get3A_1579 : vector<16xf32> to vector<16xf32>
        %mul3A_1581 = arith.constant 16 : i32
        %mul3A_1582 = arith.muli %scan3A_1569, %mul3A_1581 : i32
        %add3A_1583 = vector.broadcast %mul3A_1582 : i32 to vector<16xi32>
        %add3A_1584 = arith.addi %iota3A, %add3A_1583 : vector<16xi32>
        %sub3A_1585 = arith.subf %get3A_1574, %broadcast_in_dim3A_122 : vector<16xf32>
        %mul3A_1586 = arith.mulf %sub3A_1585, %sub3A_1585 : vector<16xf32>
        %sub3A_1587 = arith.subf %get3A_1577, %broadcast_in_dim3A_146 : vector<16xf32>
        %mul3A_1588 = arith.mulf %sub3A_1587, %sub3A_1587 : vector<16xf32>
        %add3A_1589 = arith.addf %mul3A_1586, %mul3A_1588 : vector<16xf32>
        %sub3A_1590 = arith.subf %get3A_1580, %broadcast_in_dim3A_170 : vector<16xf32>
        %mul3A_1591 = arith.mulf %sub3A_1590, %sub3A_1590 : vector<16xf32>
        %add3A_1592 = arith.addf %add3A_1589, %mul3A_1591 : vector<16xf32>
        %lt3A_1593 = arith.cmpf olt, %add3A_1592, %select_n3A_1434 : vector<16xf32>
        %select_n3A_1594 = arith.select %lt3A_1593, %add3A_1592, %select_n3A_1434 : vector<16xi1>, vector<16xf32>
        %select_n3A_1595 = arith.select %lt3A_1593, %add3A_1584, %select_n3A_1435 : vector<16xi1>, vector<16xi32>
        %sub3A_1596 = arith.subf %get3A_1574, %broadcast_in_dim3A_125 : vector<16xf32>
        %mul3A_1597 = arith.mulf %sub3A_1596, %sub3A_1596 : vector<16xf32>
        %sub3A_1598 = arith.subf %get3A_1577, %broadcast_in_dim3A_149 : vector<16xf32>
        %mul3A_1599 = arith.mulf %sub3A_1598, %sub3A_1598 : vector<16xf32>
        %add3A_1600 = arith.addf %mul3A_1597, %mul3A_1599 : vector<16xf32>
        %sub3A_1601 = arith.subf %get3A_1580, %broadcast_in_dim3A_173 : vector<16xf32>
        %mul3A_1602 = arith.mulf %sub3A_1601, %sub3A_1601 : vector<16xf32>
        %add3A_1603 = arith.addf %add3A_1600, %mul3A_1602 : vector<16xf32>
        %lt3A_1604 = arith.cmpf olt, %add3A_1603, %select_n3A_1445 : vector<16xf32>
        %select_n3A_1605 = arith.select %lt3A_1604, %add3A_1603, %select_n3A_1445 : vector<16xi1>, vector<16xf32>
        %select_n3A_1606 = arith.select %lt3A_1604, %add3A_1584, %select_n3A_1446 : vector<16xi1>, vector<16xi32>
        %sub3A_1607 = arith.subf %get3A_1574, %broadcast_in_dim3A_128 : vector<16xf32>
        %mul3A_1608 = arith.mulf %sub3A_1607, %sub3A_1607 : vector<16xf32>
        %sub3A_1609 = arith.subf %get3A_1577, %broadcast_in_dim3A_152 : vector<16xf32>
        %mul3A_1610 = arith.mulf %sub3A_1609, %sub3A_1609 : vector<16xf32>
        %add3A_1611 = arith.addf %mul3A_1608, %mul3A_1610 : vector<16xf32>
        %sub3A_1612 = arith.subf %get3A_1580, %broadcast_in_dim3A_176 : vector<16xf32>
        %mul3A_1613 = arith.mulf %sub3A_1612, %sub3A_1612 : vector<16xf32>
        %add3A_1614 = arith.addf %add3A_1611, %mul3A_1613 : vector<16xf32>
        %lt3A_1615 = arith.cmpf olt, %add3A_1614, %select_n3A_1456 : vector<16xf32>
        %select_n3A_1616 = arith.select %lt3A_1615, %add3A_1614, %select_n3A_1456 : vector<16xi1>, vector<16xf32>
        %select_n3A_1617 = arith.select %lt3A_1615, %add3A_1584, %select_n3A_1457 : vector<16xi1>, vector<16xi32>
        %sub3A_1618 = arith.subf %get3A_1574, %broadcast_in_dim3A_131 : vector<16xf32>
        %mul3A_1619 = arith.mulf %sub3A_1618, %sub3A_1618 : vector<16xf32>
        %sub3A_1620 = arith.subf %get3A_1577, %broadcast_in_dim3A_155 : vector<16xf32>
        %mul3A_1621 = arith.mulf %sub3A_1620, %sub3A_1620 : vector<16xf32>
        %add3A_1622 = arith.addf %mul3A_1619, %mul3A_1621 : vector<16xf32>
        %sub3A_1623 = arith.subf %get3A_1580, %broadcast_in_dim3A_179 : vector<16xf32>
        %mul3A_1624 = arith.mulf %sub3A_1623, %sub3A_1623 : vector<16xf32>
        %add3A_1625 = arith.addf %add3A_1622, %mul3A_1624 : vector<16xf32>
        %lt3A_1626 = arith.cmpf olt, %add3A_1625, %select_n3A_1467 : vector<16xf32>
        %select_n3A_1627 = arith.select %lt3A_1626, %add3A_1625, %select_n3A_1467 : vector<16xi1>, vector<16xf32>
        %select_n3A_1628 = arith.select %lt3A_1626, %add3A_1584, %select_n3A_1468 : vector<16xi1>, vector<16xi32>
        %sub3A_1629 = arith.subf %get3A_1574, %broadcast_in_dim3A_134 : vector<16xf32>
        %mul3A_1630 = arith.mulf %sub3A_1629, %sub3A_1629 : vector<16xf32>
        %sub3A_1631 = arith.subf %get3A_1577, %broadcast_in_dim3A_158 : vector<16xf32>
        %mul3A_1632 = arith.mulf %sub3A_1631, %sub3A_1631 : vector<16xf32>
        %add3A_1633 = arith.addf %mul3A_1630, %mul3A_1632 : vector<16xf32>
        %sub3A_1634 = arith.subf %get3A_1580, %broadcast_in_dim3A_182 : vector<16xf32>
        %mul3A_1635 = arith.mulf %sub3A_1634, %sub3A_1634 : vector<16xf32>
        %add3A_1636 = arith.addf %add3A_1633, %mul3A_1635 : vector<16xf32>
        %lt3A_1637 = arith.cmpf olt, %add3A_1636, %select_n3A_1478 : vector<16xf32>
        %select_n3A_1638 = arith.select %lt3A_1637, %add3A_1636, %select_n3A_1478 : vector<16xi1>, vector<16xf32>
        %select_n3A_1639 = arith.select %lt3A_1637, %add3A_1584, %select_n3A_1479 : vector<16xi1>, vector<16xi32>
        %sub3A_1640 = arith.subf %get3A_1574, %broadcast_in_dim3A_137 : vector<16xf32>
        %mul3A_1641 = arith.mulf %sub3A_1640, %sub3A_1640 : vector<16xf32>
        %sub3A_1642 = arith.subf %get3A_1577, %broadcast_in_dim3A_161 : vector<16xf32>
        %mul3A_1643 = arith.mulf %sub3A_1642, %sub3A_1642 : vector<16xf32>
        %add3A_1644 = arith.addf %mul3A_1641, %mul3A_1643 : vector<16xf32>
        %sub3A_1645 = arith.subf %get3A_1580, %broadcast_in_dim3A_185 : vector<16xf32>
        %mul3A_1646 = arith.mulf %sub3A_1645, %sub3A_1645 : vector<16xf32>
        %add3A_1647 = arith.addf %add3A_1644, %mul3A_1646 : vector<16xf32>
        %lt3A_1648 = arith.cmpf olt, %add3A_1647, %select_n3A_1489 : vector<16xf32>
        %select_n3A_1649 = arith.select %lt3A_1648, %add3A_1647, %select_n3A_1489 : vector<16xi1>, vector<16xf32>
        %select_n3A_1650 = arith.select %lt3A_1648, %add3A_1584, %select_n3A_1490 : vector<16xi1>, vector<16xi32>
        %sub3A_1651 = arith.subf %get3A_1574, %broadcast_in_dim3A_140 : vector<16xf32>
        %mul3A_1652 = arith.mulf %sub3A_1651, %sub3A_1651 : vector<16xf32>
        %sub3A_1653 = arith.subf %get3A_1577, %broadcast_in_dim3A_164 : vector<16xf32>
        %mul3A_1654 = arith.mulf %sub3A_1653, %sub3A_1653 : vector<16xf32>
        %add3A_1655 = arith.addf %mul3A_1652, %mul3A_1654 : vector<16xf32>
        %sub3A_1656 = arith.subf %get3A_1580, %broadcast_in_dim3A_188 : vector<16xf32>
        %mul3A_1657 = arith.mulf %sub3A_1656, %sub3A_1656 : vector<16xf32>
        %add3A_1658 = arith.addf %add3A_1655, %mul3A_1657 : vector<16xf32>
        %lt3A_1659 = arith.cmpf olt, %add3A_1658, %select_n3A_1500 : vector<16xf32>
        %select_n3A_1660 = arith.select %lt3A_1659, %add3A_1658, %select_n3A_1500 : vector<16xi1>, vector<16xf32>
        %select_n3A_1661 = arith.select %lt3A_1659, %add3A_1584, %select_n3A_1501 : vector<16xi1>, vector<16xi32>
        %sub3A_1662 = arith.subf %get3A_1574, %broadcast_in_dim3A_143 : vector<16xf32>
        %mul3A_1663 = arith.mulf %sub3A_1662, %sub3A_1662 : vector<16xf32>
        %sub3A_1664 = arith.subf %get3A_1577, %broadcast_in_dim3A_167 : vector<16xf32>
        %mul3A_1665 = arith.mulf %sub3A_1664, %sub3A_1664 : vector<16xf32>
        %add3A_1666 = arith.addf %mul3A_1663, %mul3A_1665 : vector<16xf32>
        %sub3A_1667 = arith.subf %get3A_1580, %broadcast_in_dim3A_191 : vector<16xf32>
        %mul3A_1668 = arith.mulf %sub3A_1667, %sub3A_1667 : vector<16xf32>
        %add3A_1669 = arith.addf %add3A_1666, %mul3A_1668 : vector<16xf32>
        %lt3A_1670 = arith.cmpf olt, %add3A_1669, %select_n3A_1511 : vector<16xf32>
        %select_n3A_1671 = arith.select %lt3A_1670, %add3A_1669, %select_n3A_1511 : vector<16xi1>, vector<16xf32>
        %select_n3A_1672 = arith.select %lt3A_1670, %add3A_1584, %select_n3A_1512 : vector<16xi1>, vector<16xi32>
        %broadcast_in_dim3A_1673 = arith.constant 0 : i32
        %broadcast_in_dim3A_1674 = vector.broadcast %broadcast_in_dim3A_1673 : i32 to vector<16xi32>
        %lt3A_1675 = arith.cmpf olt, %add3A_1603, %add3A_1592 : vector<16xf32>
        %select_n3A_1676 = arith.select %lt3A_1675, %add3A_1603, %add3A_1592 : vector<16xi1>, vector<16xf32>
        %broadcast_in_dim3A_1677 = arith.constant 1 : i32
        %broadcast_in_dim3A_1678 = vector.broadcast %broadcast_in_dim3A_1677 : i32 to vector<16xi32>
        %select_n3A_1679 = arith.select %lt3A_1675, %broadcast_in_dim3A_1678, %broadcast_in_dim3A_1674 : vector<16xi1>, vector<16xi32>
        %lt3A_1680 = arith.cmpf olt, %add3A_1614, %select_n3A_1676 : vector<16xf32>
        %select_n3A_1681 = arith.select %lt3A_1680, %add3A_1614, %select_n3A_1676 : vector<16xi1>, vector<16xf32>
        %broadcast_in_dim3A_1682 = arith.constant 2 : i32
        %broadcast_in_dim3A_1683 = vector.broadcast %broadcast_in_dim3A_1682 : i32 to vector<16xi32>
        %select_n3A_1684 = arith.select %lt3A_1680, %broadcast_in_dim3A_1683, %select_n3A_1679 : vector<16xi1>, vector<16xi32>
        %lt3A_1685 = arith.cmpf olt, %add3A_1625, %select_n3A_1681 : vector<16xf32>
        %select_n3A_1686 = arith.select %lt3A_1685, %add3A_1625, %select_n3A_1681 : vector<16xi1>, vector<16xf32>
        %broadcast_in_dim3A_1687 = arith.constant 3 : i32
        %broadcast_in_dim3A_1688 = vector.broadcast %broadcast_in_dim3A_1687 : i32 to vector<16xi32>
        %select_n3A_1689 = arith.select %lt3A_1685, %broadcast_in_dim3A_1688, %select_n3A_1684 : vector<16xi1>, vector<16xi32>
        %lt3A_1690 = arith.cmpf olt, %add3A_1636, %select_n3A_1686 : vector<16xf32>
        %select_n3A_1691 = arith.select %lt3A_1690, %add3A_1636, %select_n3A_1686 : vector<16xi1>, vector<16xf32>
        %broadcast_in_dim3A_1692 = arith.constant 4 : i32
        %broadcast_in_dim3A_1693 = vector.broadcast %broadcast_in_dim3A_1692 : i32 to vector<16xi32>
        %select_n3A_1694 = arith.select %lt3A_1690, %broadcast_in_dim3A_1693, %select_n3A_1689 : vector<16xi1>, vector<16xi32>
        %lt3A_1695 = arith.cmpf olt, %add3A_1647, %select_n3A_1691 : vector<16xf32>
        %select_n3A_1696 = arith.select %lt3A_1695, %add3A_1647, %select_n3A_1691 : vector<16xi1>, vector<16xf32>
        %broadcast_in_dim3A_1697 = arith.constant 5 : i32
        %broadcast_in_dim3A_1698 = vector.broadcast %broadcast_in_dim3A_1697 : i32 to vector<16xi32>
        %select_n3A_1699 = arith.select %lt3A_1695, %broadcast_in_dim3A_1698, %select_n3A_1694 : vector<16xi1>, vector<16xi32>
        %lt3A_1700 = arith.cmpf olt, %add3A_1658, %select_n3A_1696 : vector<16xf32>
        %select_n3A_1701 = arith.select %lt3A_1700, %add3A_1658, %select_n3A_1696 : vector<16xi1>, vector<16xf32>
        %broadcast_in_dim3A_1702 = arith.constant 6 : i32
        %broadcast_in_dim3A_1703 = vector.broadcast %broadcast_in_dim3A_1702 : i32 to vector<16xi32>
        %select_n3A_1704 = arith.select %lt3A_1700, %broadcast_in_dim3A_1703, %select_n3A_1699 : vector<16xi1>, vector<16xi32>
        %lt3A_1705 = arith.cmpf olt, %add3A_1669, %select_n3A_1701 : vector<16xf32>
        %select_n3A_1706 = arith.select %lt3A_1705, %add3A_1669, %select_n3A_1701 : vector<16xi1>, vector<16xf32>
        %broadcast_in_dim3A_1707 = arith.constant 7 : i32
        %broadcast_in_dim3A_1708 = vector.broadcast %broadcast_in_dim3A_1707 : i32 to vector<16xi32>
        %select_n3A_1709 = arith.select %lt3A_1705, %broadcast_in_dim3A_1708, %select_n3A_1704 : vector<16xi1>, vector<16xi32>
        %get3A_1710 = arith.index_cast %mul3A_1571 : i32 to index
        %get3A_1711 = tpu.vector_load %arg20[%get3A_1710] {strides = array<i32>} : memref<4096xf32, #tpu.memory_space<vmem>>, vector<16xf32>,
        %get3A_1712 = vector.shape_cast %get3A_1711 : vector<16xf32> to vector<16xf32>
        %lt3A_1713 = arith.cmpf olt, %select_n3A_1706, %get3A_1712 : vector<16xf32>
        %select_n3A_1714 = arith.select %lt3A_1713, %select_n3A_1706, %get3A_1712 : vector<16xi1>, vector<16xf32>
        %swap3A_1715 = arith.index_cast %mul3A_1571 : i32 to index
        %swap3A_1716 = tpu.vector_load %arg20[%swap3A_1715] {strides = array<i32>} : memref<4096xf32, #tpu.memory_space<vmem>>, vector<16xf32>,
        %swap3A_1717 = vector.shape_cast %swap3A_1716 : vector<16xf32> to vector<16xf32>
        %swap3A_1718 = vector.shape_cast %select_n3A_1714 : vector<16xf32> to vector<16xf32>
        tpu.vector_store %arg20[%swap3A_1715], %swap3A_1718 {strides = array<i32>} : memref<4096xf32, #tpu.memory_space<vmem>>, vector<16xf32>,
        %add3A_1719 = arith.addi %select_n3A_1709, %broadcast_in_dim3A_195 : vector<16xi32>
        %get3A_1720 = arith.index_cast %mul3A_1571 : i32 to index
        %get3A_1721 = tpu.vector_load %arg21[%get3A_1720] {strides = array<i32>} : memref<4096xi32, #tpu.memory_space<vmem>>, vector<16xi32>,
        %get3A_1722 = vector.shape_cast %get3A_1721 : vector<16xi32> to vector<16xi32>
        %select_n3A_1723 = arith.select %lt3A_1713, %add3A_1719, %get3A_1722 : vector<16xi1>, vector<16xi32>
        %swap3A_1724 = arith.index_cast %mul3A_1571 : i32 to index
        %swap3A_1725 = tpu.vector_load %arg21[%swap3A_1724] {strides = array<i32>} : memref<4096xi32, #tpu.memory_space<vmem>>, vector<16xi32>,
        %swap3A_1726 = vector.shape_cast %swap3A_1725 : vector<16xi32> to vector<16xi32>
        %swap3A_1727 = vector.shape_cast %select_n3A_1723 : vector<16xi32> to vector<16xi32>
        tpu.vector_store %arg21[%swap3A_1724], %swap3A_1727 {strides = array<i32>} : memref<4096xi32, #tpu.memory_space<vmem>>, vector<16xi32>,
        scf.yield %select_n3A_1594, %select_n3A_1605, %select_n3A_1616, %select_n3A_1627, %select_n3A_1638, %select_n3A_1649, %select_n3A_1660, %select_n3A_1671, %select_n3A_1595, %select_n3A_1606, %select_n3A_1617, %select_n3A_1628, %select_n3A_1639, %select_n3A_1650, %select_n3A_1661, %select_n3A_1672 : vector<16xf32>, vector<16xf32>, vector<16xf32>, vector<16xf32>, vector<16xf32>, vector<16xf32>, vector<16xf32>, vector<16xf32>, vector<16xi32>, vector<16xi32>, vector<16xi32>, vector<16xi32>, vector<16xi32>, vector<16xi32>, vector<16xi32>, vector<16xi32>
      }
      %scan3A_201 = arith.constant 256 : i32
      %gather3A = vector.shape_cast %reshape3A : vector<16x1xi32> to vector<16xi32>
      %gather3A_202 = tpu.dynamic_gather %scan3A_200#0[%gather3A] in [0] : vector<16xf32>, vector<16xi32> -> vector<16xf32>
      %gather3A_203 = vector.shape_cast %reshape3A : vector<16x1xi32> to vector<16xi32>
      %gather3A_204 = tpu.dynamic_gather %scan3A_200#8[%gather3A_203] in [0] : vector<16xi32>, vector<16xi32> -> vector<16xi32>
      %lt3A_205 = arith.cmpf olt, %gather3A_202, %scan3A_200#0 : vector<16xf32>
      %eq3A_206 = arith.cmpf oeq, %gather3A_202, %scan3A_200#0 : vector<16xf32>
      %lt3A_207 = arith.cmpi slt, %gather3A_204, %scan3A_200#8 : vector<16xi32>
      %and3A_208 = arith.andi %eq3A_206, %lt3A_207 : vector<16xi1>
      %or3A = arith.ori %lt3A_205, %and3A_208 : vector<16xi1>
      %select_n3A_209 = arith.select %or3A, %gather3A_202, %scan3A_200#0 : vector<16xi1>, vector<16xf32>
      %select_n3A_210 = arith.select %or3A, %gather3A_204, %scan3A_200#8 : vector<16xi1>, vector<16xi32>
      %gather3A_211 = vector.shape_cast %reshape3A_70 : vector<16x1xi32> to vector<16xi32>
      %gather3A_212 = tpu.dynamic_gather %select_n3A_209[%gather3A_211] in [0] : vector<16xf32>, vector<16xi32> -> vector<16xf32>
      %gather3A_213 = vector.shape_cast %reshape3A_70 : vector<16x1xi32> to vector<16xi32>
      %gather3A_214 = tpu.dynamic_gather %select_n3A_210[%gather3A_213] in [0] : vector<16xi32>, vector<16xi32> -> vector<16xi32>
      %lt3A_215 = arith.cmpf olt, %gather3A_212, %select_n3A_209 : vector<16xf32>
      %eq3A_216 = arith.cmpf oeq, %gather3A_212, %select_n3A_209 : vector<16xf32>
      %lt3A_217 = arith.cmpi slt, %gather3A_214, %select_n3A_210 : vector<16xi32>
      %and3A_218 = arith.andi %eq3A_216, %lt3A_217 : vector<16xi1>
      %or3A_219 = arith.ori %lt3A_215, %and3A_218 : vector<16xi1>
      %select_n3A_220 = arith.select %or3A_219, %gather3A_212, %select_n3A_209 : vector<16xi1>, vector<16xf32>
      %select_n3A_221 = arith.select %or3A_219, %gather3A_214, %select_n3A_210 : vector<16xi1>, vector<16xi32>
      %gather3A_222 = vector.shape_cast %reshape3A_77 : vector<16x1xi32> to vector<16xi32>
      %gather3A_223 = tpu.dynamic_gather %select_n3A_220[%gather3A_222] in [0] : vector<16xf32>, vector<16xi32> -> vector<16xf32>
      %gather3A_224 = vector.shape_cast %reshape3A_77 : vector<16x1xi32> to vector<16xi32>
      %gather3A_225 = tpu.dynamic_gather %select_n3A_221[%gather3A_224] in [0] : vector<16xi32>, vector<16xi32> -> vector<16xi32>
      %lt3A_226 = arith.cmpf olt, %gather3A_223, %select_n3A_220 : vector<16xf32>
      %eq3A_227 = arith.cmpf oeq, %gather3A_223, %select_n3A_220 : vector<16xf32>
      %lt3A_228 = arith.cmpi slt, %gather3A_225, %select_n3A_221 : vector<16xi32>
      %and3A_229 = arith.andi %eq3A_227, %lt3A_228 : vector<16xi1>
      %or3A_230 = arith.ori %lt3A_226, %and3A_229 : vector<16xi1>
      %select_n3A_231 = arith.select %or3A_230, %gather3A_223, %select_n3A_220 : vector<16xi1>, vector<16xf32>
      %select_n3A_232 = arith.select %or3A_230, %gather3A_225, %select_n3A_221 : vector<16xi1>, vector<16xi32>
      %gather3A_233 = vector.shape_cast %reshape3A_84 : vector<16x1xi32> to vector<16xi32>
      %gather3A_234 = tpu.dynamic_gather %select_n3A_231[%gather3A_233] in [0] : vector<16xf32>, vector<16xi32> -> vector<16xf32>
      %gather3A_235 = vector.shape_cast %reshape3A_84 : vector<16x1xi32> to vector<16xi32>
      %gather3A_236 = tpu.dynamic_gather %select_n3A_232[%gather3A_235] in [0] : vector<16xi32>, vector<16xi32> -> vector<16xi32>
      %lt3A_237 = arith.cmpf olt, %gather3A_234, %select_n3A_231 : vector<16xf32>
      %eq3A_238 = arith.cmpf oeq, %gather3A_234, %select_n3A_231 : vector<16xf32>
      %lt3A_239 = arith.cmpi slt, %gather3A_236, %select_n3A_232 : vector<16xi32>
      %and3A_240 = arith.andi %eq3A_238, %lt3A_239 : vector<16xi1>
      %or3A_241 = arith.ori %lt3A_237, %and3A_240 : vector<16xi1>
      %select_n3A_242 = arith.select %or3A_241, %gather3A_234, %select_n3A_231 : vector<16xi1>, vector<16xf32>
      %select_n3A_243 = arith.select %or3A_241, %gather3A_236, %select_n3A_232 : vector<16xi1>, vector<16xi32>
      %eq3A_244 = arith.constant 0 : i32
      %eq3A_245 = vector.broadcast %eq3A_244 : i32 to vector<16xi32>
      %eq3A_246 = arith.cmpi eq, %iota3A, %eq3A_245 : vector<16xi32>
      %select_n3A_247 = arith.select %eq3A_246, %select_n3A_242, %broadcast_in_dim3A_50 : vector<16xi1>, vector<16xf32>
      %select_n3A_248 = arith.select %eq3A_246, %select_n3A_243, %broadcast_in_dim3A_52 : vector<16xi1>, vector<16xi32>
      %gather3A_249 = vector.shape_cast %reshape3A : vector<16x1xi32> to vector<16xi32>
      %gather3A_250 = tpu.dynamic_gather %scan3A_200#1[%gather3A_249] in [0] : vector<16xf32>, vector<16xi32> -> vector<16xf32>
      %gather3A_251 = vector.shape_cast %reshape3A : vector<16x1xi32> to vector<16xi32>
      %gather3A_252 = tpu.dynamic_gather %scan3A_200#9[%gather3A_251] in [0] : vector<16xi32>, vector<16xi32> -> vector<16xi32>
      %lt3A_253 = arith.cmpf olt, %gather3A_250, %scan3A_200#1 : vector<16xf32>
      %eq3A_254 = arith.cmpf oeq, %gather3A_250, %scan3A_200#1 : vector<16xf32>
      %lt3A_255 = arith.cmpi slt, %gather3A_252, %scan3A_200#9 : vector<16xi32>
      %and3A_256 = arith.andi %eq3A_254, %lt3A_255 : vector<16xi1>
      %or3A_257 = arith.ori %lt3A_253, %and3A_256 : vector<16xi1>
      %select_n3A_258 = arith.select %or3A_257, %gather3A_250, %scan3A_200#1 : vector<16xi1>, vector<16xf32>
      %select_n3A_259 = arith.select %or3A_257, %gather3A_252, %scan3A_200#9 : vector<16xi1>, vector<16xi32>
      %gather3A_260 = vector.shape_cast %reshape3A_70 : vector<16x1xi32> to vector<16xi32>
      %gather3A_261 = tpu.dynamic_gather %select_n3A_258[%gather3A_260] in [0] : vector<16xf32>, vector<16xi32> -> vector<16xf32>
      %gather3A_262 = vector.shape_cast %reshape3A_70 : vector<16x1xi32> to vector<16xi32>
      %gather3A_263 = tpu.dynamic_gather %select_n3A_259[%gather3A_262] in [0] : vector<16xi32>, vector<16xi32> -> vector<16xi32>
      %lt3A_264 = arith.cmpf olt, %gather3A_261, %select_n3A_258 : vector<16xf32>
      %eq3A_265 = arith.cmpf oeq, %gather3A_261, %select_n3A_258 : vector<16xf32>
      %lt3A_266 = arith.cmpi slt, %gather3A_263, %select_n3A_259 : vector<16xi32>
      %and3A_267 = arith.andi %eq3A_265, %lt3A_266 : vector<16xi1>
      %or3A_268 = arith.ori %lt3A_264, %and3A_267 : vector<16xi1>
      %select_n3A_269 = arith.select %or3A_268, %gather3A_261, %select_n3A_258 : vector<16xi1>, vector<16xf32>
      %select_n3A_270 = arith.select %or3A_268, %gather3A_263, %select_n3A_259 : vector<16xi1>, vector<16xi32>
      %gather3A_271 = vector.shape_cast %reshape3A_77 : vector<16x1xi32> to vector<16xi32>
      %gather3A_272 = tpu.dynamic_gather %select_n3A_269[%gather3A_271] in [0] : vector<16xf32>, vector<16xi32> -> vector<16xf32>
      %gather3A_273 = vector.shape_cast %reshape3A_77 : vector<16x1xi32> to vector<16xi32>
      %gather3A_274 = tpu.dynamic_gather %select_n3A_270[%gather3A_273] in [0] : vector<16xi32>, vector<16xi32> -> vector<16xi32>
      %lt3A_275 = arith.cmpf olt, %gather3A_272, %select_n3A_269 : vector<16xf32>
      %eq3A_276 = arith.cmpf oeq, %gather3A_272, %select_n3A_269 : vector<16xf32>
      %lt3A_277 = arith.cmpi slt, %gather3A_274, %select_n3A_270 : vector<16xi32>
      %and3A_278 = arith.andi %eq3A_276, %lt3A_277 : vector<16xi1>
      %or3A_279 = arith.ori %lt3A_275, %and3A_278 : vector<16xi1>
      %select_n3A_280 = arith.select %or3A_279, %gather3A_272, %select_n3A_269 : vector<16xi1>, vector<16xf32>
      %select_n3A_281 = arith.select %or3A_279, %gather3A_274, %select_n3A_270 : vector<16xi1>, vector<16xi32>
      %gather3A_282 = vector.shape_cast %reshape3A_84 : vector<16x1xi32> to vector<16xi32>
      %gather3A_283 = tpu.dynamic_gather %select_n3A_280[%gather3A_282] in [0] : vector<16xf32>, vector<16xi32> -> vector<16xf32>
      %gather3A_284 = vector.shape_cast %reshape3A_84 : vector<16x1xi32> to vector<16xi32>
      %gather3A_285 = tpu.dynamic_gather %select_n3A_281[%gather3A_284] in [0] : vector<16xi32>, vector<16xi32> -> vector<16xi32>
      %lt3A_286 = arith.cmpf olt, %gather3A_283, %select_n3A_280 : vector<16xf32>
      %eq3A_287 = arith.cmpf oeq, %gather3A_283, %select_n3A_280 : vector<16xf32>
      %lt3A_288 = arith.cmpi slt, %gather3A_285, %select_n3A_281 : vector<16xi32>
      %and3A_289 = arith.andi %eq3A_287, %lt3A_288 : vector<16xi1>
      %or3A_290 = arith.ori %lt3A_286, %and3A_289 : vector<16xi1>
      %select_n3A_291 = arith.select %or3A_290, %gather3A_283, %select_n3A_280 : vector<16xi1>, vector<16xf32>
      %select_n3A_292 = arith.select %or3A_290, %gather3A_285, %select_n3A_281 : vector<16xi1>, vector<16xi32>
      %eq3A_293 = arith.constant 1 : i32
      %eq3A_294 = vector.broadcast %eq3A_293 : i32 to vector<16xi32>
      %eq3A_295 = arith.cmpi eq, %iota3A, %eq3A_294 : vector<16xi32>
      %select_n3A_296 = arith.select %eq3A_295, %select_n3A_291, %select_n3A_247 : vector<16xi1>, vector<16xf32>
      %select_n3A_297 = arith.select %eq3A_295, %select_n3A_292, %select_n3A_248 : vector<16xi1>, vector<16xi32>
      %gather3A_298 = vector.shape_cast %reshape3A : vector<16x1xi32> to vector<16xi32>
      %gather3A_299 = tpu.dynamic_gather %scan3A_200#2[%gather3A_298] in [0] : vector<16xf32>, vector<16xi32> -> vector<16xf32>
      %gather3A_300 = vector.shape_cast %reshape3A : vector<16x1xi32> to vector<16xi32>
      %gather3A_301 = tpu.dynamic_gather %scan3A_200#10[%gather3A_300] in [0] : vector<16xi32>, vector<16xi32> -> vector<16xi32>
      %lt3A_302 = arith.cmpf olt, %gather3A_299, %scan3A_200#2 : vector<16xf32>
      %eq3A_303 = arith.cmpf oeq, %gather3A_299, %scan3A_200#2 : vector<16xf32>
      %lt3A_304 = arith.cmpi slt, %gather3A_301, %scan3A_200#10 : vector<16xi32>
      %and3A_305 = arith.andi %eq3A_303, %lt3A_304 : vector<16xi1>
      %or3A_306 = arith.ori %lt3A_302, %and3A_305 : vector<16xi1>
      %select_n3A_307 = arith.select %or3A_306, %gather3A_299, %scan3A_200#2 : vector<16xi1>, vector<16xf32>
      %select_n3A_308 = arith.select %or3A_306, %gather3A_301, %scan3A_200#10 : vector<16xi1>, vector<16xi32>
      %gather3A_309 = vector.shape_cast %reshape3A_70 : vector<16x1xi32> to vector<16xi32>
      %gather3A_310 = tpu.dynamic_gather %select_n3A_307[%gather3A_309] in [0] : vector<16xf32>, vector<16xi32> -> vector<16xf32>
      %gather3A_311 = vector.shape_cast %reshape3A_70 : vector<16x1xi32> to vector<16xi32>
      %gather3A_312 = tpu.dynamic_gather %select_n3A_308[%gather3A_311] in [0] : vector<16xi32>, vector<16xi32> -> vector<16xi32>
      %lt3A_313 = arith.cmpf olt, %gather3A_310, %select_n3A_307 : vector<16xf32>
      %eq3A_314 = arith.cmpf oeq, %gather3A_310, %select_n3A_307 : vector<16xf32>
      %lt3A_315 = arith.cmpi slt, %gather3A_312, %select_n3A_308 : vector<16xi32>
      %and3A_316 = arith.andi %eq3A_314, %lt3A_315 : vector<16xi1>
      %or3A_317 = arith.ori %lt3A_313, %and3A_316 : vector<16xi1>
      %select_n3A_318 = arith.select %or3A_317, %gather3A_310, %select_n3A_307 : vector<16xi1>, vector<16xf32>
      %select_n3A_319 = arith.select %or3A_317, %gather3A_312, %select_n3A_308 : vector<16xi1>, vector<16xi32>
      %gather3A_320 = vector.shape_cast %reshape3A_77 : vector<16x1xi32> to vector<16xi32>
      %gather3A_321 = tpu.dynamic_gather %select_n3A_318[%gather3A_320] in [0] : vector<16xf32>, vector<16xi32> -> vector<16xf32>
      %gather3A_322 = vector.shape_cast %reshape3A_77 : vector<16x1xi32> to vector<16xi32>
      %gather3A_323 = tpu.dynamic_gather %select_n3A_319[%gather3A_322] in [0] : vector<16xi32>, vector<16xi32> -> vector<16xi32>
      %lt3A_324 = arith.cmpf olt, %gather3A_321, %select_n3A_318 : vector<16xf32>
      %eq3A_325 = arith.cmpf oeq, %gather3A_321, %select_n3A_318 : vector<16xf32>
      %lt3A_326 = arith.cmpi slt, %gather3A_323, %select_n3A_319 : vector<16xi32>
      %and3A_327 = arith.andi %eq3A_325, %lt3A_326 : vector<16xi1>
      %or3A_328 = arith.ori %lt3A_324, %and3A_327 : vector<16xi1>
      %select_n3A_329 = arith.select %or3A_328, %gather3A_321, %select_n3A_318 : vector<16xi1>, vector<16xf32>
      %select_n3A_330 = arith.select %or3A_328, %gather3A_323, %select_n3A_319 : vector<16xi1>, vector<16xi32>
      %gather3A_331 = vector.shape_cast %reshape3A_84 : vector<16x1xi32> to vector<16xi32>
      %gather3A_332 = tpu.dynamic_gather %select_n3A_329[%gather3A_331] in [0] : vector<16xf32>, vector<16xi32> -> vector<16xf32>
      %gather3A_333 = vector.shape_cast %reshape3A_84 : vector<16x1xi32> to vector<16xi32>
      %gather3A_334 = tpu.dynamic_gather %select_n3A_330[%gather3A_333] in [0] : vector<16xi32>, vector<16xi32> -> vector<16xi32>
      %lt3A_335 = arith.cmpf olt, %gather3A_332, %select_n3A_329 : vector<16xf32>
      %eq3A_336 = arith.cmpf oeq, %gather3A_332, %select_n3A_329 : vector<16xf32>
      %lt3A_337 = arith.cmpi slt, %gather3A_334, %select_n3A_330 : vector<16xi32>
      %and3A_338 = arith.andi %eq3A_336, %lt3A_337 : vector<16xi1>
      %or3A_339 = arith.ori %lt3A_335, %and3A_338 : vector<16xi1>
      %select_n3A_340 = arith.select %or3A_339, %gather3A_332, %select_n3A_329 : vector<16xi1>, vector<16xf32>
      %select_n3A_341 = arith.select %or3A_339, %gather3A_334, %select_n3A_330 : vector<16xi1>, vector<16xi32>
      %eq3A_342 = arith.constant 2 : i32
      %eq3A_343 = vector.broadcast %eq3A_342 : i32 to vector<16xi32>
      %eq3A_344 = arith.cmpi eq, %iota3A, %eq3A_343 : vector<16xi32>
      %select_n3A_345 = arith.select %eq3A_344, %select_n3A_340, %select_n3A_296 : vector<16xi1>, vector<16xf32>
      %select_n3A_346 = arith.select %eq3A_344, %select_n3A_341, %select_n3A_297 : vector<16xi1>, vector<16xi32>
      %gather3A_347 = vector.shape_cast %reshape3A : vector<16x1xi32> to vector<16xi32>
      %gather3A_348 = tpu.dynamic_gather %scan3A_200#3[%gather3A_347] in [0] : vector<16xf32>, vector<16xi32> -> vector<16xf32>
      %gather3A_349 = vector.shape_cast %reshape3A : vector<16x1xi32> to vector<16xi32>
      %gather3A_350 = tpu.dynamic_gather %scan3A_200#11[%gather3A_349] in [0] : vector<16xi32>, vector<16xi32> -> vector<16xi32>
      %lt3A_351 = arith.cmpf olt, %gather3A_348, %scan3A_200#3 : vector<16xf32>
      %eq3A_352 = arith.cmpf oeq, %gather3A_348, %scan3A_200#3 : vector<16xf32>
      %lt3A_353 = arith.cmpi slt, %gather3A_350, %scan3A_200#11 : vector<16xi32>
      %and3A_354 = arith.andi %eq3A_352, %lt3A_353 : vector<16xi1>
      %or3A_355 = arith.ori %lt3A_351, %and3A_354 : vector<16xi1>
      %select_n3A_356 = arith.select %or3A_355, %gather3A_348, %scan3A_200#3 : vector<16xi1>, vector<16xf32>
      %select_n3A_357 = arith.select %or3A_355, %gather3A_350, %scan3A_200#11 : vector<16xi1>, vector<16xi32>
      %gather3A_358 = vector.shape_cast %reshape3A_70 : vector<16x1xi32> to vector<16xi32>
      %gather3A_359 = tpu.dynamic_gather %select_n3A_356[%gather3A_358] in [0] : vector<16xf32>, vector<16xi32> -> vector<16xf32>
      %gather3A_360 = vector.shape_cast %reshape3A_70 : vector<16x1xi32> to vector<16xi32>
      %gather3A_361 = tpu.dynamic_gather %select_n3A_357[%gather3A_360] in [0] : vector<16xi32>, vector<16xi32> -> vector<16xi32>
      %lt3A_362 = arith.cmpf olt, %gather3A_359, %select_n3A_356 : vector<16xf32>
      %eq3A_363 = arith.cmpf oeq, %gather3A_359, %select_n3A_356 : vector<16xf32>
      %lt3A_364 = arith.cmpi slt, %gather3A_361, %select_n3A_357 : vector<16xi32>
      %and3A_365 = arith.andi %eq3A_363, %lt3A_364 : vector<16xi1>
      %or3A_366 = arith.ori %lt3A_362, %and3A_365 : vector<16xi1>
      %select_n3A_367 = arith.select %or3A_366, %gather3A_359, %select_n3A_356 : vector<16xi1>, vector<16xf32>
      %select_n3A_368 = arith.select %or3A_366, %gather3A_361, %select_n3A_357 : vector<16xi1>, vector<16xi32>
      %gather3A_369 = vector.shape_cast %reshape3A_77 : vector<16x1xi32> to vector<16xi32>
      %gather3A_370 = tpu.dynamic_gather %select_n3A_367[%gather3A_369] in [0] : vector<16xf32>, vector<16xi32> -> vector<16xf32>
      %gather3A_371 = vector.shape_cast %reshape3A_77 : vector<16x1xi32> to vector<16xi32>
      %gather3A_372 = tpu.dynamic_gather %select_n3A_368[%gather3A_371] in [0] : vector<16xi32>, vector<16xi32> -> vector<16xi32>
      %lt3A_373 = arith.cmpf olt, %gather3A_370, %select_n3A_367 : vector<16xf32>
      %eq3A_374 = arith.cmpf oeq, %gather3A_370, %select_n3A_367 : vector<16xf32>
      %lt3A_375 = arith.cmpi slt, %gather3A_372, %select_n3A_368 : vector<16xi32>
      %and3A_376 = arith.andi %eq3A_374, %lt3A_375 : vector<16xi1>
      %or3A_377 = arith.ori %lt3A_373, %and3A_376 : vector<16xi1>
      %select_n3A_378 = arith.select %or3A_377, %gather3A_370, %select_n3A_367 : vector<16xi1>, vector<16xf32>
      %select_n3A_379 = arith.select %or3A_377, %gather3A_372, %select_n3A_368 : vector<16xi1>, vector<16xi32>
      %gather3A_380 = vector.shape_cast %reshape3A_84 : vector<16x1xi32> to vector<16xi32>
      %gather3A_381 = tpu.dynamic_gather %select_n3A_378[%gather3A_380] in [0] : vector<16xf32>, vector<16xi32> -> vector<16xf32>
      %gather3A_382 = vector.shape_cast %reshape3A_84 : vector<16x1xi32> to vector<16xi32>
      %gather3A_383 = tpu.dynamic_gather %select_n3A_379[%gather3A_382] in [0] : vector<16xi32>, vector<16xi32> -> vector<16xi32>
      %lt3A_384 = arith.cmpf olt, %gather3A_381, %select_n3A_378 : vector<16xf32>
      %eq3A_385 = arith.cmpf oeq, %gather3A_381, %select_n3A_378 : vector<16xf32>
      %lt3A_386 = arith.cmpi slt, %gather3A_383, %select_n3A_379 : vector<16xi32>
      %and3A_387 = arith.andi %eq3A_385, %lt3A_386 : vector<16xi1>
      %or3A_388 = arith.ori %lt3A_384, %and3A_387 : vector<16xi1>
      %select_n3A_389 = arith.select %or3A_388, %gather3A_381, %select_n3A_378 : vector<16xi1>, vector<16xf32>
      %select_n3A_390 = arith.select %or3A_388, %gather3A_383, %select_n3A_379 : vector<16xi1>, vector<16xi32>
      %eq3A_391 = arith.constant 3 : i32
      %eq3A_392 = vector.broadcast %eq3A_391 : i32 to vector<16xi32>
      %eq3A_393 = arith.cmpi eq, %iota3A, %eq3A_392 : vector<16xi32>
      %select_n3A_394 = arith.select %eq3A_393, %select_n3A_389, %select_n3A_345 : vector<16xi1>, vector<16xf32>
      %select_n3A_395 = arith.select %eq3A_393, %select_n3A_390, %select_n3A_346 : vector<16xi1>, vector<16xi32>
      %gather3A_396 = vector.shape_cast %reshape3A : vector<16x1xi32> to vector<16xi32>
      %gather3A_397 = tpu.dynamic_gather %scan3A_200#4[%gather3A_396] in [0] : vector<16xf32>, vector<16xi32> -> vector<16xf32>
      %gather3A_398 = vector.shape_cast %reshape3A : vector<16x1xi32> to vector<16xi32>
      %gather3A_399 = tpu.dynamic_gather %scan3A_200#12[%gather3A_398] in [0] : vector<16xi32>, vector<16xi32> -> vector<16xi32>
      %lt3A_400 = arith.cmpf olt, %gather3A_397, %scan3A_200#4 : vector<16xf32>
      %eq3A_401 = arith.cmpf oeq, %gather3A_397, %scan3A_200#4 : vector<16xf32>
      %lt3A_402 = arith.cmpi slt, %gather3A_399, %scan3A_200#12 : vector<16xi32>
      %and3A_403 = arith.andi %eq3A_401, %lt3A_402 : vector<16xi1>
      %or3A_404 = arith.ori %lt3A_400, %and3A_403 : vector<16xi1>
      %select_n3A_405 = arith.select %or3A_404, %gather3A_397, %scan3A_200#4 : vector<16xi1>, vector<16xf32>
      %select_n3A_406 = arith.select %or3A_404, %gather3A_399, %scan3A_200#12 : vector<16xi1>, vector<16xi32>
      %gather3A_407 = vector.shape_cast %reshape3A_70 : vector<16x1xi32> to vector<16xi32>
      %gather3A_408 = tpu.dynamic_gather %select_n3A_405[%gather3A_407] in [0] : vector<16xf32>, vector<16xi32> -> vector<16xf32>
      %gather3A_409 = vector.shape_cast %reshape3A_70 : vector<16x1xi32> to vector<16xi32>
      %gather3A_410 = tpu.dynamic_gather %select_n3A_406[%gather3A_409] in [0] : vector<16xi32>, vector<16xi32> -> vector<16xi32>
      %lt3A_411 = arith.cmpf olt, %gather3A_408, %select_n3A_405 : vector<16xf32>
      %eq3A_412 = arith.cmpf oeq, %gather3A_408, %select_n3A_405 : vector<16xf32>
      %lt3A_413 = arith.cmpi slt, %gather3A_410, %select_n3A_406 : vector<16xi32>
      %and3A_414 = arith.andi %eq3A_412, %lt3A_413 : vector<16xi1>
      %or3A_415 = arith.ori %lt3A_411, %and3A_414 : vector<16xi1>
      %select_n3A_416 = arith.select %or3A_415, %gather3A_408, %select_n3A_405 : vector<16xi1>, vector<16xf32>
      %select_n3A_417 = arith.select %or3A_415, %gather3A_410, %select_n3A_406 : vector<16xi1>, vector<16xi32>
      %gather3A_418 = vector.shape_cast %reshape3A_77 : vector<16x1xi32> to vector<16xi32>
      %gather3A_419 = tpu.dynamic_gather %select_n3A_416[%gather3A_418] in [0] : vector<16xf32>, vector<16xi32> -> vector<16xf32>
      %gather3A_420 = vector.shape_cast %reshape3A_77 : vector<16x1xi32> to vector<16xi32>
      %gather3A_421 = tpu.dynamic_gather %select_n3A_417[%gather3A_420] in [0] : vector<16xi32>, vector<16xi32> -> vector<16xi32>
      %lt3A_422 = arith.cmpf olt, %gather3A_419, %select_n3A_416 : vector<16xf32>
      %eq3A_423 = arith.cmpf oeq, %gather3A_419, %select_n3A_416 : vector<16xf32>
      %lt3A_424 = arith.cmpi slt, %gather3A_421, %select_n3A_417 : vector<16xi32>
      %and3A_425 = arith.andi %eq3A_423, %lt3A_424 : vector<16xi1>
      %or3A_426 = arith.ori %lt3A_422, %and3A_425 : vector<16xi1>
      %select_n3A_427 = arith.select %or3A_426, %gather3A_419, %select_n3A_416 : vector<16xi1>, vector<16xf32>
      %select_n3A_428 = arith.select %or3A_426, %gather3A_421, %select_n3A_417 : vector<16xi1>, vector<16xi32>
      %gather3A_429 = vector.shape_cast %reshape3A_84 : vector<16x1xi32> to vector<16xi32>
      %gather3A_430 = tpu.dynamic_gather %select_n3A_427[%gather3A_429] in [0] : vector<16xf32>, vector<16xi32> -> vector<16xf32>
      %gather3A_431 = vector.shape_cast %reshape3A_84 : vector<16x1xi32> to vector<16xi32>
      %gather3A_432 = tpu.dynamic_gather %select_n3A_428[%gather3A_431] in [0] : vector<16xi32>, vector<16xi32> -> vector<16xi32>
      %lt3A_433 = arith.cmpf olt, %gather3A_430, %select_n3A_427 : vector<16xf32>
      %eq3A_434 = arith.cmpf oeq, %gather3A_430, %select_n3A_427 : vector<16xf32>
      %lt3A_435 = arith.cmpi slt, %gather3A_432, %select_n3A_428 : vector<16xi32>
      %and3A_436 = arith.andi %eq3A_434, %lt3A_435 : vector<16xi1>
      %or3A_437 = arith.ori %lt3A_433, %and3A_436 : vector<16xi1>
      %select_n3A_438 = arith.select %or3A_437, %gather3A_430, %select_n3A_427 : vector<16xi1>, vector<16xf32>
      %select_n3A_439 = arith.select %or3A_437, %gather3A_432, %select_n3A_428 : vector<16xi1>, vector<16xi32>
      %eq3A_440 = arith.constant 4 : i32
      %eq3A_441 = vector.broadcast %eq3A_440 : i32 to vector<16xi32>
      %eq3A_442 = arith.cmpi eq, %iota3A, %eq3A_441 : vector<16xi32>
      %select_n3A_443 = arith.select %eq3A_442, %select_n3A_438, %select_n3A_394 : vector<16xi1>, vector<16xf32>
      %select_n3A_444 = arith.select %eq3A_442, %select_n3A_439, %select_n3A_395 : vector<16xi1>, vector<16xi32>
      %gather3A_445 = vector.shape_cast %reshape3A : vector<16x1xi32> to vector<16xi32>
      %gather3A_446 = tpu.dynamic_gather %scan3A_200#5[%gather3A_445] in [0] : vector<16xf32>, vector<16xi32> -> vector<16xf32>
      %gather3A_447 = vector.shape_cast %reshape3A : vector<16x1xi32> to vector<16xi32>
      %gather3A_448 = tpu.dynamic_gather %scan3A_200#13[%gather3A_447] in [0] : vector<16xi32>, vector<16xi32> -> vector<16xi32>
      %lt3A_449 = arith.cmpf olt, %gather3A_446, %scan3A_200#5 : vector<16xf32>
      %eq3A_450 = arith.cmpf oeq, %gather3A_446, %scan3A_200#5 : vector<16xf32>
      %lt3A_451 = arith.cmpi slt, %gather3A_448, %scan3A_200#13 : vector<16xi32>
      %and3A_452 = arith.andi %eq3A_450, %lt3A_451 : vector<16xi1>
      %or3A_453 = arith.ori %lt3A_449, %and3A_452 : vector<16xi1>
      %select_n3A_454 = arith.select %or3A_453, %gather3A_446, %scan3A_200#5 : vector<16xi1>, vector<16xf32>
      %select_n3A_455 = arith.select %or3A_453, %gather3A_448, %scan3A_200#13 : vector<16xi1>, vector<16xi32>
      %gather3A_456 = vector.shape_cast %reshape3A_70 : vector<16x1xi32> to vector<16xi32>
      %gather3A_457 = tpu.dynamic_gather %select_n3A_454[%gather3A_456] in [0] : vector<16xf32>, vector<16xi32> -> vector<16xf32>
      %gather3A_458 = vector.shape_cast %reshape3A_70 : vector<16x1xi32> to vector<16xi32>
      %gather3A_459 = tpu.dynamic_gather %select_n3A_455[%gather3A_458] in [0] : vector<16xi32>, vector<16xi32> -> vector<16xi32>
      %lt3A_460 = arith.cmpf olt, %gather3A_457, %select_n3A_454 : vector<16xf32>
      %eq3A_461 = arith.cmpf oeq, %gather3A_457, %select_n3A_454 : vector<16xf32>
      %lt3A_462 = arith.cmpi slt, %gather3A_459, %select_n3A_455 : vector<16xi32>
      %and3A_463 = arith.andi %eq3A_461, %lt3A_462 : vector<16xi1>
      %or3A_464 = arith.ori %lt3A_460, %and3A_463 : vector<16xi1>
      %select_n3A_465 = arith.select %or3A_464, %gather3A_457, %select_n3A_454 : vector<16xi1>, vector<16xf32>
      %select_n3A_466 = arith.select %or3A_464, %gather3A_459, %select_n3A_455 : vector<16xi1>, vector<16xi32>
      %gather3A_467 = vector.shape_cast %reshape3A_77 : vector<16x1xi32> to vector<16xi32>
      %gather3A_468 = tpu.dynamic_gather %select_n3A_465[%gather3A_467] in [0] : vector<16xf32>, vector<16xi32> -> vector<16xf32>
      %gather3A_469 = vector.shape_cast %reshape3A_77 : vector<16x1xi32> to vector<16xi32>
      %gather3A_470 = tpu.dynamic_gather %select_n3A_466[%gather3A_469] in [0] : vector<16xi32>, vector<16xi32> -> vector<16xi32>
      %lt3A_471 = arith.cmpf olt, %gather3A_468, %select_n3A_465 : vector<16xf32>
      %eq3A_472 = arith.cmpf oeq, %gather3A_468, %select_n3A_465 : vector<16xf32>
      %lt3A_473 = arith.cmpi slt, %gather3A_470, %select_n3A_466 : vector<16xi32>
      %and3A_474 = arith.andi %eq3A_472, %lt3A_473 : vector<16xi1>
      %or3A_475 = arith.ori %lt3A_471, %and3A_474 : vector<16xi1>
      %select_n3A_476 = arith.select %or3A_475, %gather3A_468, %select_n3A_465 : vector<16xi1>, vector<16xf32>
      %select_n3A_477 = arith.select %or3A_475, %gather3A_470, %select_n3A_466 : vector<16xi1>, vector<16xi32>
      %gather3A_478 = vector.shape_cast %reshape3A_84 : vector<16x1xi32> to vector<16xi32>
      %gather3A_479 = tpu.dynamic_gather %select_n3A_476[%gather3A_478] in [0] : vector<16xf32>, vector<16xi32> -> vector<16xf32>
      %gather3A_480 = vector.shape_cast %reshape3A_84 : vector<16x1xi32> to vector<16xi32>
      %gather3A_481 = tpu.dynamic_gather %select_n3A_477[%gather3A_480] in [0] : vector<16xi32>, vector<16xi32> -> vector<16xi32>
      %lt3A_482 = arith.cmpf olt, %gather3A_479, %select_n3A_476 : vector<16xf32>
      %eq3A_483 = arith.cmpf oeq, %gather3A_479, %select_n3A_476 : vector<16xf32>
      %lt3A_484 = arith.cmpi slt, %gather3A_481, %select_n3A_477 : vector<16xi32>
      %and3A_485 = arith.andi %eq3A_483, %lt3A_484 : vector<16xi1>
      %or3A_486 = arith.ori %lt3A_482, %and3A_485 : vector<16xi1>
      %select_n3A_487 = arith.select %or3A_486, %gather3A_479, %select_n3A_476 : vector<16xi1>, vector<16xf32>
      %select_n3A_488 = arith.select %or3A_486, %gather3A_481, %select_n3A_477 : vector<16xi1>, vector<16xi32>
      %eq3A_489 = arith.constant 5 : i32
      %eq3A_490 = vector.broadcast %eq3A_489 : i32 to vector<16xi32>
      %eq3A_491 = arith.cmpi eq, %iota3A, %eq3A_490 : vector<16xi32>
      %select_n3A_492 = arith.select %eq3A_491, %select_n3A_487, %select_n3A_443 : vector<16xi1>, vector<16xf32>
      %select_n3A_493 = arith.select %eq3A_491, %select_n3A_488, %select_n3A_444 : vector<16xi1>, vector<16xi32>
      %gather3A_494 = vector.shape_cast %reshape3A : vector<16x1xi32> to vector<16xi32>
      %gather3A_495 = tpu.dynamic_gather %scan3A_200#6[%gather3A_494] in [0] : vector<16xf32>, vector<16xi32> -> vector<16xf32>
      %gather3A_496 = vector.shape_cast %reshape3A : vector<16x1xi32> to vector<16xi32>
      %gather3A_497 = tpu.dynamic_gather %scan3A_200#14[%gather3A_496] in [0] : vector<16xi32>, vector<16xi32> -> vector<16xi32>
      %lt3A_498 = arith.cmpf olt, %gather3A_495, %scan3A_200#6 : vector<16xf32>
      %eq3A_499 = arith.cmpf oeq, %gather3A_495, %scan3A_200#6 : vector<16xf32>
      %lt3A_500 = arith.cmpi slt, %gather3A_497, %scan3A_200#14 : vector<16xi32>
      %and3A_501 = arith.andi %eq3A_499, %lt3A_500 : vector<16xi1>
      %or3A_502 = arith.ori %lt3A_498, %and3A_501 : vector<16xi1>
      %select_n3A_503 = arith.select %or3A_502, %gather3A_495, %scan3A_200#6 : vector<16xi1>, vector<16xf32>
      %select_n3A_504 = arith.select %or3A_502, %gather3A_497, %scan3A_200#14 : vector<16xi1>, vector<16xi32>
      %gather3A_505 = vector.shape_cast %reshape3A_70 : vector<16x1xi32> to vector<16xi32>
      %gather3A_506 = tpu.dynamic_gather %select_n3A_503[%gather3A_505] in [0] : vector<16xf32>, vector<16xi32> -> vector<16xf32>
      %gather3A_507 = vector.shape_cast %reshape3A_70 : vector<16x1xi32> to vector<16xi32>
      %gather3A_508 = tpu.dynamic_gather %select_n3A_504[%gather3A_507] in [0] : vector<16xi32>, vector<16xi32> -> vector<16xi32>
      %lt3A_509 = arith.cmpf olt, %gather3A_506, %select_n3A_503 : vector<16xf32>
      %eq3A_510 = arith.cmpf oeq, %gather3A_506, %select_n3A_503 : vector<16xf32>
      %lt3A_511 = arith.cmpi slt, %gather3A_508, %select_n3A_504 : vector<16xi32>
      %and3A_512 = arith.andi %eq3A_510, %lt3A_511 : vector<16xi1>
      %or3A_513 = arith.ori %lt3A_509, %and3A_512 : vector<16xi1>
      %select_n3A_514 = arith.select %or3A_513, %gather3A_506, %select_n3A_503 : vector<16xi1>, vector<16xf32>
      %select_n3A_515 = arith.select %or3A_513, %gather3A_508, %select_n3A_504 : vector<16xi1>, vector<16xi32>
      %gather3A_516 = vector.shape_cast %reshape3A_77 : vector<16x1xi32> to vector<16xi32>
      %gather3A_517 = tpu.dynamic_gather %select_n3A_514[%gather3A_516] in [0] : vector<16xf32>, vector<16xi32> -> vector<16xf32>
      %gather3A_518 = vector.shape_cast %reshape3A_77 : vector<16x1xi32> to vector<16xi32>
      %gather3A_519 = tpu.dynamic_gather %select_n3A_515[%gather3A_518] in [0] : vector<16xi32>, vector<16xi32> -> vector<16xi32>
      %lt3A_520 = arith.cmpf olt, %gather3A_517, %select_n3A_514 : vector<16xf32>
      %eq3A_521 = arith.cmpf oeq, %gather3A_517, %select_n3A_514 : vector<16xf32>
      %lt3A_522 = arith.cmpi slt, %gather3A_519, %select_n3A_515 : vector<16xi32>
      %and3A_523 = arith.andi %eq3A_521, %lt3A_522 : vector<16xi1>
      %or3A_524 = arith.ori %lt3A_520, %and3A_523 : vector<16xi1>
      %select_n3A_525 = arith.select %or3A_524, %gather3A_517, %select_n3A_514 : vector<16xi1>, vector<16xf32>
      %select_n3A_526 = arith.select %or3A_524, %gather3A_519, %select_n3A_515 : vector<16xi1>, vector<16xi32>
      %gather3A_527 = vector.shape_cast %reshape3A_84 : vector<16x1xi32> to vector<16xi32>
      %gather3A_528 = tpu.dynamic_gather %select_n3A_525[%gather3A_527] in [0] : vector<16xf32>, vector<16xi32> -> vector<16xf32>
      %gather3A_529 = vector.shape_cast %reshape3A_84 : vector<16x1xi32> to vector<16xi32>
      %gather3A_530 = tpu.dynamic_gather %select_n3A_526[%gather3A_529] in [0] : vector<16xi32>, vector<16xi32> -> vector<16xi32>
      %lt3A_531 = arith.cmpf olt, %gather3A_528, %select_n3A_525 : vector<16xf32>
      %eq3A_532 = arith.cmpf oeq, %gather3A_528, %select_n3A_525 : vector<16xf32>
      %lt3A_533 = arith.cmpi slt, %gather3A_530, %select_n3A_526 : vector<16xi32>
      %and3A_534 = arith.andi %eq3A_532, %lt3A_533 : vector<16xi1>
      %or3A_535 = arith.ori %lt3A_531, %and3A_534 : vector<16xi1>
      %select_n3A_536 = arith.select %or3A_535, %gather3A_528, %select_n3A_525 : vector<16xi1>, vector<16xf32>
      %select_n3A_537 = arith.select %or3A_535, %gather3A_530, %select_n3A_526 : vector<16xi1>, vector<16xi32>
      %eq3A_538 = arith.constant 6 : i32
      %eq3A_539 = vector.broadcast %eq3A_538 : i32 to vector<16xi32>
      %eq3A_540 = arith.cmpi eq, %iota3A, %eq3A_539 : vector<16xi32>
      %select_n3A_541 = arith.select %eq3A_540, %select_n3A_536, %select_n3A_492 : vector<16xi1>, vector<16xf32>
      %select_n3A_542 = arith.select %eq3A_540, %select_n3A_537, %select_n3A_493 : vector<16xi1>, vector<16xi32>
      %gather3A_543 = vector.shape_cast %reshape3A : vector<16x1xi32> to vector<16xi32>
      %gather3A_544 = tpu.dynamic_gather %scan3A_200#7[%gather3A_543] in [0] : vector<16xf32>, vector<16xi32> -> vector<16xf32>
      %gather3A_545 = vector.shape_cast %reshape3A : vector<16x1xi32> to vector<16xi32>
      %gather3A_546 = tpu.dynamic_gather %scan3A_200#15[%gather3A_545] in [0] : vector<16xi32>, vector<16xi32> -> vector<16xi32>
      %lt3A_547 = arith.cmpf olt, %gather3A_544, %scan3A_200#7 : vector<16xf32>
      %eq3A_548 = arith.cmpf oeq, %gather3A_544, %scan3A_200#7 : vector<16xf32>
      %lt3A_549 = arith.cmpi slt, %gather3A_546, %scan3A_200#15 : vector<16xi32>
      %and3A_550 = arith.andi %eq3A_548, %lt3A_549 : vector<16xi1>
      %or3A_551 = arith.ori %lt3A_547, %and3A_550 : vector<16xi1>
      %select_n3A_552 = arith.select %or3A_551, %gather3A_544, %scan3A_200#7 : vector<16xi1>, vector<16xf32>
      %select_n3A_553 = arith.select %or3A_551, %gather3A_546, %scan3A_200#15 : vector<16xi1>, vector<16xi32>
      %gather3A_554 = vector.shape_cast %reshape3A_70 : vector<16x1xi32> to vector<16xi32>
      %gather3A_555 = tpu.dynamic_gather %select_n3A_552[%gather3A_554] in [0] : vector<16xf32>, vector<16xi32> -> vector<16xf32>
      %gather3A_556 = vector.shape_cast %reshape3A_70 : vector<16x1xi32> to vector<16xi32>
      %gather3A_557 = tpu.dynamic_gather %select_n3A_553[%gather3A_556] in [0] : vector<16xi32>, vector<16xi32> -> vector<16xi32>
      %lt3A_558 = arith.cmpf olt, %gather3A_555, %select_n3A_552 : vector<16xf32>
      %eq3A_559 = arith.cmpf oeq, %gather3A_555, %select_n3A_552 : vector<16xf32>
      %lt3A_560 = arith.cmpi slt, %gather3A_557, %select_n3A_553 : vector<16xi32>
      %and3A_561 = arith.andi %eq3A_559, %lt3A_560 : vector<16xi1>
      %or3A_562 = arith.ori %lt3A_558, %and3A_561 : vector<16xi1>
      %select_n3A_563 = arith.select %or3A_562, %gather3A_555, %select_n3A_552 : vector<16xi1>, vector<16xf32>
      %select_n3A_564 = arith.select %or3A_562, %gather3A_557, %select_n3A_553 : vector<16xi1>, vector<16xi32>
      %gather3A_565 = vector.shape_cast %reshape3A_77 : vector<16x1xi32> to vector<16xi32>
      %gather3A_566 = tpu.dynamic_gather %select_n3A_563[%gather3A_565] in [0] : vector<16xf32>, vector<16xi32> -> vector<16xf32>
      %gather3A_567 = vector.shape_cast %reshape3A_77 : vector<16x1xi32> to vector<16xi32>
      %gather3A_568 = tpu.dynamic_gather %select_n3A_564[%gather3A_567] in [0] : vector<16xi32>, vector<16xi32> -> vector<16xi32>
      %lt3A_569 = arith.cmpf olt, %gather3A_566, %select_n3A_563 : vector<16xf32>
      %eq3A_570 = arith.cmpf oeq, %gather3A_566, %select_n3A_563 : vector<16xf32>
      %lt3A_571 = arith.cmpi slt, %gather3A_568, %select_n3A_564 : vector<16xi32>
      %and3A_572 = arith.andi %eq3A_570, %lt3A_571 : vector<16xi1>
      %or3A_573 = arith.ori %lt3A_569, %and3A_572 : vector<16xi1>
      %select_n3A_574 = arith.select %or3A_573, %gather3A_566, %select_n3A_563 : vector<16xi1>, vector<16xf32>
      %select_n3A_575 = arith.select %or3A_573, %gather3A_568, %select_n3A_564 : vector<16xi1>, vector<16xi32>
      %gather3A_576 = vector.shape_cast %reshape3A_84 : vector<16x1xi32> to vector<16xi32>
      %gather3A_577 = tpu.dynamic_gather %select_n3A_574[%gather3A_576] in [0] : vector<16xf32>, vector<16xi32> -> vector<16xf32>
      %gather3A_578 = vector.shape_cast %reshape3A_84 : vector<16x1xi32> to vector<16xi32>
      %gather3A_579 = tpu.dynamic_gather %select_n3A_575[%gather3A_578] in [0] : vector<16xi32>, vector<16xi32> -> vector<16xi32>
      %lt3A_580 = arith.cmpf olt, %gather3A_577, %select_n3A_574 : vector<16xf32>
      %eq3A_581 = arith.cmpf oeq, %gather3A_577, %select_n3A_574 : vector<16xf32>
      %lt3A_582 = arith.cmpi slt, %gather3A_579, %select_n3A_575 : vector<16xi32>
      %and3A_583 = arith.andi %eq3A_581, %lt3A_582 : vector<16xi1>
      %or3A_584 = arith.ori %lt3A_580, %and3A_583 : vector<16xi1>
      %select_n3A_585 = arith.select %or3A_584, %gather3A_577, %select_n3A_574 : vector<16xi1>, vector<16xf32>
      %select_n3A_586 = arith.select %or3A_584, %gather3A_579, %select_n3A_575 : vector<16xi1>, vector<16xi32>
      %eq3A_587 = arith.constant 7 : i32
      %eq3A_588 = vector.broadcast %eq3A_587 : i32 to vector<16xi32>
      %eq3A_589 = arith.cmpi eq, %iota3A, %eq3A_588 : vector<16xi32>
      %select_n3A_590 = arith.select %eq3A_589, %select_n3A_585, %select_n3A_541 : vector<16xi1>, vector<16xf32>
      %select_n3A_591 = arith.select %eq3A_589, %select_n3A_586, %select_n3A_542 : vector<16xi1>, vector<16xi32>
      %slice3A_592 = vector.extract_strided_slice %get3A_115 {offsets = [8], sizes = [1], strides = [1]} : vector<16xf32> to vector<1xf32>
      %squeeze3A_593 = vector.extract %slice3A_592[0] : f32 from vector<1xf32>
      %broadcast_in_dim3A_594 = vector.broadcast %squeeze3A_593 : f32 to vector<16xf32>
      %slice3A_595 = vector.extract_strided_slice %get3A_115 {offsets = [9], sizes = [1], strides = [1]} : vector<16xf32> to vector<1xf32>
      %squeeze3A_596 = vector.extract %slice3A_595[0] : f32 from vector<1xf32>
      %broadcast_in_dim3A_597 = vector.broadcast %squeeze3A_596 : f32 to vector<16xf32>
      %slice3A_598 = vector.extract_strided_slice %get3A_115 {offsets = [10], sizes = [1], strides = [1]} : vector<16xf32> to vector<1xf32>
      %squeeze3A_599 = vector.extract %slice3A_598[0] : f32 from vector<1xf32>
      %broadcast_in_dim3A_600 = vector.broadcast %squeeze3A_599 : f32 to vector<16xf32>
      %slice3A_601 = vector.extract_strided_slice %get3A_115 {offsets = [11], sizes = [1], strides = [1]} : vector<16xf32> to vector<1xf32>
      %squeeze3A_602 = vector.extract %slice3A_601[0] : f32 from vector<1xf32>
      %broadcast_in_dim3A_603 = vector.broadcast %squeeze3A_602 : f32 to vector<16xf32>
      %slice3A_604 = vector.extract_strided_slice %get3A_115 {offsets = [12], sizes = [1], strides = [1]} : vector<16xf32> to vector<1xf32>
      %squeeze3A_605 = vector.extract %slice3A_604[0] : f32 from vector<1xf32>
      %broadcast_in_dim3A_606 = vector.broadcast %squeeze3A_605 : f32 to vector<16xf32>
      %slice3A_607 = vector.extract_strided_slice %get3A_115 {offsets = [13], sizes = [1], strides = [1]} : vector<16xf32> to vector<1xf32>
      %squeeze3A_608 = vector.extract %slice3A_607[0] : f32 from vector<1xf32>
      %broadcast_in_dim3A_609 = vector.broadcast %squeeze3A_608 : f32 to vector<16xf32>
      %slice3A_610 = vector.extract_strided_slice %get3A_115 {offsets = [14], sizes = [1], strides = [1]} : vector<16xf32> to vector<1xf32>
      %squeeze3A_611 = vector.extract %slice3A_610[0] : f32 from vector<1xf32>
      %broadcast_in_dim3A_612 = vector.broadcast %squeeze3A_611 : f32 to vector<16xf32>
      %slice3A_613 = vector.extract_strided_slice %get3A_115 {offsets = [15], sizes = [1], strides = [1]} : vector<16xf32> to vector<1xf32>
      %squeeze3A_614 = vector.extract %slice3A_613[0] : f32 from vector<1xf32>
      %broadcast_in_dim3A_615 = vector.broadcast %squeeze3A_614 : f32 to vector<16xf32>
      %slice3A_616 = vector.extract_strided_slice %get3A_118 {offsets = [8], sizes = [1], strides = [1]} : vector<16xf32> to vector<1xf32>
      %squeeze3A_617 = vector.extract %slice3A_616[0] : f32 from vector<1xf32>
      %broadcast_in_dim3A_618 = vector.broadcast %squeeze3A_617 : f32 to vector<16xf32>
      %slice3A_619 = vector.extract_strided_slice %get3A_118 {offsets = [9], sizes = [1], strides = [1]} : vector<16xf32> to vector<1xf32>
      %squeeze3A_620 = vector.extract %slice3A_619[0] : f32 from vector<1xf32>
      %broadcast_in_dim3A_621 = vector.broadcast %squeeze3A_620 : f32 to vector<16xf32>
      %slice3A_622 = vector.extract_strided_slice %get3A_118 {offsets = [10], sizes = [1], strides = [1]} : vector<16xf32> to vector<1xf32>
      %squeeze3A_623 = vector.extract %slice3A_622[0] : f32 from vector<1xf32>
      %broadcast_in_dim3A_624 = vector.broadcast %squeeze3A_623 : f32 to vector<16xf32>
      %slice3A_625 = vector.extract_strided_slice %get3A_118 {offsets = [11], sizes = [1], strides = [1]} : vector<16xf32> to vector<1xf32>
      %squeeze3A_626 = vector.extract %slice3A_625[0] : f32 from vector<1xf32>
      %broadcast_in_dim3A_627 = vector.broadcast %squeeze3A_626 : f32 to vector<16xf32>
      %slice3A_628 = vector.extract_strided_slice %get3A_118 {offsets = [12], sizes = [1], strides = [1]} : vector<16xf32> to vector<1xf32>
      %squeeze3A_629 = vector.extract %slice3A_628[0] : f32 from vector<1xf32>
      %broadcast_in_dim3A_630 = vector.broadcast %squeeze3A_629 : f32 to vector<16xf32>
      %slice3A_631 = vector.extract_strided_slice %get3A_118 {offsets = [13], sizes = [1], strides = [1]} : vector<16xf32> to vector<1xf32>
      %squeeze3A_632 = vector.extract %slice3A_631[0] : f32 from vector<1xf32>
      %broadcast_in_dim3A_633 = vector.broadcast %squeeze3A_632 : f32 to vector<16xf32>
      %slice3A_634 = vector.extract_strided_slice %get3A_118 {offsets = [14], sizes = [1], strides = [1]} : vector<16xf32> to vector<1xf32>
      %squeeze3A_635 = vector.extract %slice3A_634[0] : f32 from vector<1xf32>
      %broadcast_in_dim3A_636 = vector.broadcast %squeeze3A_635 : f32 to vector<16xf32>
      %slice3A_637 = vector.extract_strided_slice %get3A_118 {offsets = [15], sizes = [1], strides = [1]} : vector<16xf32> to vector<1xf32>
      %squeeze3A_638 = vector.extract %slice3A_637[0] : f32 from vector<1xf32>
      %broadcast_in_dim3A_639 = vector.broadcast %squeeze3A_638 : f32 to vector<16xf32>
      %slice3A_640 = vector.extract_strided_slice %get3A_121 {offsets = [8], sizes = [1], strides = [1]} : vector<16xf32> to vector<1xf32>
      %squeeze3A_641 = vector.extract %slice3A_640[0] : f32 from vector<1xf32>
      %broadcast_in_dim3A_642 = vector.broadcast %squeeze3A_641 : f32 to vector<16xf32>
      %slice3A_643 = vector.extract_strided_slice %get3A_121 {offsets = [9], sizes = [1], strides = [1]} : vector<16xf32> to vector<1xf32>
      %squeeze3A_644 = vector.extract %slice3A_643[0] : f32 from vector<1xf32>
      %broadcast_in_dim3A_645 = vector.broadcast %squeeze3A_644 : f32 to vector<16xf32>
      %slice3A_646 = vector.extract_strided_slice %get3A_121 {offsets = [10], sizes = [1], strides = [1]} : vector<16xf32> to vector<1xf32>
      %squeeze3A_647 = vector.extract %slice3A_646[0] : f32 from vector<1xf32>
      %broadcast_in_dim3A_648 = vector.broadcast %squeeze3A_647 : f32 to vector<16xf32>
      %slice3A_649 = vector.extract_strided_slice %get3A_121 {offsets = [11], sizes = [1], strides = [1]} : vector<16xf32> to vector<1xf32>
      %squeeze3A_650 = vector.extract %slice3A_649[0] : f32 from vector<1xf32>
      %broadcast_in_dim3A_651 = vector.broadcast %squeeze3A_650 : f32 to vector<16xf32>
      %slice3A_652 = vector.extract_strided_slice %get3A_121 {offsets = [12], sizes = [1], strides = [1]} : vector<16xf32> to vector<1xf32>
      %squeeze3A_653 = vector.extract %slice3A_652[0] : f32 from vector<1xf32>
      %broadcast_in_dim3A_654 = vector.broadcast %squeeze3A_653 : f32 to vector<16xf32>
      %slice3A_655 = vector.extract_strided_slice %get3A_121 {offsets = [13], sizes = [1], strides = [1]} : vector<16xf32> to vector<1xf32>
      %squeeze3A_656 = vector.extract %slice3A_655[0] : f32 from vector<1xf32>
      %broadcast_in_dim3A_657 = vector.broadcast %squeeze3A_656 : f32 to vector<16xf32>
      %slice3A_658 = vector.extract_strided_slice %get3A_121 {offsets = [14], sizes = [1], strides = [1]} : vector<16xf32> to vector<1xf32>
      %squeeze3A_659 = vector.extract %slice3A_658[0] : f32 from vector<1xf32>
      %broadcast_in_dim3A_660 = vector.broadcast %squeeze3A_659 : f32 to vector<16xf32>
      %slice3A_661 = vector.extract_strided_slice %get3A_121 {offsets = [15], sizes = [1], strides = [1]} : vector<16xf32> to vector<1xf32>
      %squeeze3A_662 = vector.extract %slice3A_661[0] : f32 from vector<1xf32>
      %broadcast_in_dim3A_663 = vector.broadcast %squeeze3A_662 : f32 to vector<16xf32>
      %add3A_664 = arith.addi %add3A_34, %mul3A_113 : i32
      %add3A_665 = arith.constant 8 : i32
      %add3A_666 = arith.addi %add3A_664, %add3A_665 : i32
      %broadcast_in_dim3A_667 = vector.broadcast %add3A_666 : i32 to vector<16xi32>
      %scan3A_668 = arith.constant 0 : i32
      %scan3A_669 = arith.constant 256 : i32
      %scan3A_670 = arith.addi %scan3A_668, %scan3A_669 : i32
      %scan3A_671 = arith.constant 4 : i32
      %scan3A_672:16 = scf.for %scan3A_1073 = %scan3A_668 to %scan3A_670 step %scan3A_671 iter_args(%scan3A_1074 = %broadcast_in_dim3A_50, %scan3A_1075 = %broadcast_in_dim3A_50, %scan3A_1076 = %broadcast_in_dim3A_50, %scan3A_1077 = %broadcast_in_dim3A_50, %scan3A_1078 = %broadcast_in_dim3A_50, %scan3A_1079 = %broadcast_in_dim3A_50, %scan3A_1080 = %broadcast_in_dim3A_50, %scan3A_1081 = %broadcast_in_dim3A_50, %scan3A_1082 = %broadcast_in_dim3A_52, %scan3A_1083 = %broadcast_in_dim3A_52, %scan3A_1084 = %broadcast_in_dim3A_52, %scan3A_1085 = %broadcast_in_dim3A_52, %scan3A_1086 = %broadcast_in_dim3A_52, %scan3A_1087 = %broadcast_in_dim3A_52, %scan3A_1088 = %broadcast_in_dim3A_52, %scan3A_1089 = %broadcast_in_dim3A_52) -> (vector<16xf32>, vector<16xf32>, vector<16xf32>, vector<16xf32>, vector<16xf32>, vector<16xf32>, vector<16xf32>, vector<16xf32>, vector<16xi32>, vector<16xi32>, vector<16xi32>, vector<16xi32>, vector<16xi32>, vector<16xi32>, vector<16xi32>, vector<16xi32>)  : i32 {
        %mul3A_1090 = arith.constant 16 : i32
        %mul3A_1091 = arith.muli %scan3A_1073, %mul3A_1090 : i32
        %get3A_1092 = arith.index_cast %mul3A_1091 : i32 to index
        %get3A_1093 = tpu.vector_load %arg12[%get3A_1092] {strides = array<i32>} : memref<4096xf32, #tpu.memory_space<vmem>>, vector<16xf32>,
        %get3A_1094 = vector.shape_cast %get3A_1093 : vector<16xf32> to vector<16xf32>
        %get3A_1095 = arith.index_cast %mul3A_1091 : i32 to index
        %get3A_1096 = tpu.vector_load %arg13[%get3A_1095] {strides = array<i32>} : memref<4096xf32, #tpu.memory_space<vmem>>, vector<16xf32>,
        %get3A_1097 = vector.shape_cast %get3A_1096 : vector<16xf32> to vector<16xf32>
        %get3A_1098 = arith.index_cast %mul3A_1091 : i32 to index
        %get3A_1099 = tpu.vector_load %arg14[%get3A_1098] {strides = array<i32>} : memref<4096xf32, #tpu.memory_space<vmem>>, vector<16xf32>,
        %get3A_1100 = vector.shape_cast %get3A_1099 : vector<16xf32> to vector<16xf32>
        %mul3A_1101 = arith.constant 16 : i32
        %mul3A_1102 = arith.muli %scan3A_1073, %mul3A_1101 : i32
        %add3A_1103 = vector.broadcast %mul3A_1102 : i32 to vector<16xi32>
        %add3A_1104 = arith.addi %iota3A, %add3A_1103 : vector<16xi32>
        %sub3A_1105 = arith.subf %get3A_1094, %broadcast_in_dim3A_594 : vector<16xf32>
        %mul3A_1106 = arith.mulf %sub3A_1105, %sub3A_1105 : vector<16xf32>
        %sub3A_1107 = arith.subf %get3A_1097, %broadcast_in_dim3A_618 : vector<16xf32>
        %mul3A_1108 = arith.mulf %sub3A_1107, %sub3A_1107 : vector<16xf32>
        %add3A_1109 = arith.addf %mul3A_1106, %mul3A_1108 : vector<16xf32>
        %sub3A_1110 = arith.subf %get3A_1100, %broadcast_in_dim3A_642 : vector<16xf32>
        %mul3A_1111 = arith.mulf %sub3A_1110, %sub3A_1110 : vector<16xf32>
        %add3A_1112 = arith.addf %add3A_1109, %mul3A_1111 : vector<16xf32>
        %lt3A_1113 = arith.cmpf olt, %add3A_1112, %scan3A_1074 : vector<16xf32>
        %select_n3A_1114 = arith.select %lt3A_1113, %add3A_1112, %scan3A_1074 : vector<16xi1>, vector<16xf32>
        %select_n3A_1115 = arith.select %lt3A_1113, %add3A_1104, %scan3A_1082 : vector<16xi1>, vector<16xi32>
        %sub3A_1116 = arith.subf %get3A_1094, %broadcast_in_dim3A_597 : vector<16xf32>
        %mul3A_1117 = arith.mulf %sub3A_1116, %sub3A_1116 : vector<16xf32>
        %sub3A_1118 = arith.subf %get3A_1097, %broadcast_in_dim3A_621 : vector<16xf32>
        %mul3A_1119 = arith.mulf %sub3A_1118, %sub3A_1118 : vector<16xf32>
        %add3A_1120 = arith.addf %mul3A_1117, %mul3A_1119 : vector<16xf32>
        %sub3A_1121 = arith.subf %get3A_1100, %broadcast_in_dim3A_645 : vector<16xf32>
        %mul3A_1122 = arith.mulf %sub3A_1121, %sub3A_1121 : vector<16xf32>
        %add3A_1123 = arith.addf %add3A_1120, %mul3A_1122 : vector<16xf32>
        %lt3A_1124 = arith.cmpf olt, %add3A_1123, %scan3A_1075 : vector<16xf32>
        %select_n3A_1125 = arith.select %lt3A_1124, %add3A_1123, %scan3A_1075 : vector<16xi1>, vector<16xf32>
        %select_n3A_1126 = arith.select %lt3A_1124, %add3A_1104, %scan3A_1083 : vector<16xi1>, vector<16xi32>
        %sub3A_1127 = arith.subf %get3A_1094, %broadcast_in_dim3A_600 : vector<16xf32>
        %mul3A_1128 = arith.mulf %sub3A_1127, %sub3A_1127 : vector<16xf32>
        %sub3A_1129 = arith.subf %get3A_1097, %broadcast_in_dim3A_624 : vector<16xf32>
        %mul3A_1130 = arith.mulf %sub3A_1129, %sub3A_1129 : vector<16xf32>
        %add3A_1131 = arith.addf %mul3A_1128, %mul3A_1130 : vector<16xf32>
        %sub3A_1132 = arith.subf %get3A_1100, %broadcast_in_dim3A_648 : vector<16xf32>
        %mul3A_1133 = arith.mulf %sub3A_1132, %sub3A_1132 : vector<16xf32>
        %add3A_1134 = arith.addf %add3A_1131, %mul3A_1133 : vector<16xf32>
        %lt3A_1135 = arith.cmpf olt, %add3A_1134, %scan3A_1076 : vector<16xf32>
        %select_n3A_1136 = arith.select %lt3A_1135, %add3A_1134, %scan3A_1076 : vector<16xi1>, vector<16xf32>
        %select_n3A_1137 = arith.select %lt3A_1135, %add3A_1104, %scan3A_1084 : vector<16xi1>, vector<16xi32>
        %sub3A_1138 = arith.subf %get3A_1094, %broadcast_in_dim3A_603 : vector<16xf32>
        %mul3A_1139 = arith.mulf %sub3A_1138, %sub3A_1138 : vector<16xf32>
        %sub3A_1140 = arith.subf %get3A_1097, %broadcast_in_dim3A_627 : vector<16xf32>
        %mul3A_1141 = arith.mulf %sub3A_1140, %sub3A_1140 : vector<16xf32>
        %add3A_1142 = arith.addf %mul3A_1139, %mul3A_1141 : vector<16xf32>
        %sub3A_1143 = arith.subf %get3A_1100, %broadcast_in_dim3A_651 : vector<16xf32>
        %mul3A_1144 = arith.mulf %sub3A_1143, %sub3A_1143 : vector<16xf32>
        %add3A_1145 = arith.addf %add3A_1142, %mul3A_1144 : vector<16xf32>
        %lt3A_1146 = arith.cmpf olt, %add3A_1145, %scan3A_1077 : vector<16xf32>
        %select_n3A_1147 = arith.select %lt3A_1146, %add3A_1145, %scan3A_1077 : vector<16xi1>, vector<16xf32>
        %select_n3A_1148 = arith.select %lt3A_1146, %add3A_1104, %scan3A_1085 : vector<16xi1>, vector<16xi32>
        %sub3A_1149 = arith.subf %get3A_1094, %broadcast_in_dim3A_606 : vector<16xf32>
        %mul3A_1150 = arith.mulf %sub3A_1149, %sub3A_1149 : vector<16xf32>
        %sub3A_1151 = arith.subf %get3A_1097, %broadcast_in_dim3A_630 : vector<16xf32>
        %mul3A_1152 = arith.mulf %sub3A_1151, %sub3A_1151 : vector<16xf32>
        %add3A_1153 = arith.addf %mul3A_1150, %mul3A_1152 : vector<16xf32>
        %sub3A_1154 = arith.subf %get3A_1100, %broadcast_in_dim3A_654 : vector<16xf32>
        %mul3A_1155 = arith.mulf %sub3A_1154, %sub3A_1154 : vector<16xf32>
        %add3A_1156 = arith.addf %add3A_1153, %mul3A_1155 : vector<16xf32>
        %lt3A_1157 = arith.cmpf olt, %add3A_1156, %scan3A_1078 : vector<16xf32>
        %select_n3A_1158 = arith.select %lt3A_1157, %add3A_1156, %scan3A_1078 : vector<16xi1>, vector<16xf32>
        %select_n3A_1159 = arith.select %lt3A_1157, %add3A_1104, %scan3A_1086 : vector<16xi1>, vector<16xi32>
        %sub3A_1160 = arith.subf %get3A_1094, %broadcast_in_dim3A_609 : vector<16xf32>
        %mul3A_1161 = arith.mulf %sub3A_1160, %sub3A_1160 : vector<16xf32>
        %sub3A_1162 = arith.subf %get3A_1097, %broadcast_in_dim3A_633 : vector<16xf32>
        %mul3A_1163 = arith.mulf %sub3A_1162, %sub3A_1162 : vector<16xf32>
        %add3A_1164 = arith.addf %mul3A_1161, %mul3A_1163 : vector<16xf32>
        %sub3A_1165 = arith.subf %get3A_1100, %broadcast_in_dim3A_657 : vector<16xf32>
        %mul3A_1166 = arith.mulf %sub3A_1165, %sub3A_1165 : vector<16xf32>
        %add3A_1167 = arith.addf %add3A_1164, %mul3A_1166 : vector<16xf32>
        %lt3A_1168 = arith.cmpf olt, %add3A_1167, %scan3A_1079 : vector<16xf32>
        %select_n3A_1169 = arith.select %lt3A_1168, %add3A_1167, %scan3A_1079 : vector<16xi1>, vector<16xf32>
        %select_n3A_1170 = arith.select %lt3A_1168, %add3A_1104, %scan3A_1087 : vector<16xi1>, vector<16xi32>
        %sub3A_1171 = arith.subf %get3A_1094, %broadcast_in_dim3A_612 : vector<16xf32>
        %mul3A_1172 = arith.mulf %sub3A_1171, %sub3A_1171 : vector<16xf32>
        %sub3A_1173 = arith.subf %get3A_1097, %broadcast_in_dim3A_636 : vector<16xf32>
        %mul3A_1174 = arith.mulf %sub3A_1173, %sub3A_1173 : vector<16xf32>
        %add3A_1175 = arith.addf %mul3A_1172, %mul3A_1174 : vector<16xf32>
        %sub3A_1176 = arith.subf %get3A_1100, %broadcast_in_dim3A_660 : vector<16xf32>
        %mul3A_1177 = arith.mulf %sub3A_1176, %sub3A_1176 : vector<16xf32>
        %add3A_1178 = arith.addf %add3A_1175, %mul3A_1177 : vector<16xf32>
        %lt3A_1179 = arith.cmpf olt, %add3A_1178, %scan3A_1080 : vector<16xf32>
        %select_n3A_1180 = arith.select %lt3A_1179, %add3A_1178, %scan3A_1080 : vector<16xi1>, vector<16xf32>
        %select_n3A_1181 = arith.select %lt3A_1179, %add3A_1104, %scan3A_1088 : vector<16xi1>, vector<16xi32>
        %sub3A_1182 = arith.subf %get3A_1094, %broadcast_in_dim3A_615 : vector<16xf32>
        %mul3A_1183 = arith.mulf %sub3A_1182, %sub3A_1182 : vector<16xf32>
        %sub3A_1184 = arith.subf %get3A_1097, %broadcast_in_dim3A_639 : vector<16xf32>
        %mul3A_1185 = arith.mulf %sub3A_1184, %sub3A_1184 : vector<16xf32>
        %add3A_1186 = arith.addf %mul3A_1183, %mul3A_1185 : vector<16xf32>
        %sub3A_1187 = arith.subf %get3A_1100, %broadcast_in_dim3A_663 : vector<16xf32>
        %mul3A_1188 = arith.mulf %sub3A_1187, %sub3A_1187 : vector<16xf32>
        %add3A_1189 = arith.addf %add3A_1186, %mul3A_1188 : vector<16xf32>
        %lt3A_1190 = arith.cmpf olt, %add3A_1189, %scan3A_1081 : vector<16xf32>
        %select_n3A_1191 = arith.select %lt3A_1190, %add3A_1189, %scan3A_1081 : vector<16xi1>, vector<16xf32>
        %select_n3A_1192 = arith.select %lt3A_1190, %add3A_1104, %scan3A_1089 : vector<16xi1>, vector<16xi32>
        %broadcast_in_dim3A_1193 = arith.constant 0 : i32
        %broadcast_in_dim3A_1194 = vector.broadcast %broadcast_in_dim3A_1193 : i32 to vector<16xi32>
        %lt3A_1195 = arith.cmpf olt, %add3A_1123, %add3A_1112 : vector<16xf32>
        %select_n3A_1196 = arith.select %lt3A_1195, %add3A_1123, %add3A_1112 : vector<16xi1>, vector<16xf32>
        %broadcast_in_dim3A_1197 = arith.constant 1 : i32
        %broadcast_in_dim3A_1198 = vector.broadcast %broadcast_in_dim3A_1197 : i32 to vector<16xi32>
        %select_n3A_1199 = arith.select %lt3A_1195, %broadcast_in_dim3A_1198, %broadcast_in_dim3A_1194 : vector<16xi1>, vector<16xi32>
        %lt3A_1200 = arith.cmpf olt, %add3A_1134, %select_n3A_1196 : vector<16xf32>
        %select_n3A_1201 = arith.select %lt3A_1200, %add3A_1134, %select_n3A_1196 : vector<16xi1>, vector<16xf32>
        %broadcast_in_dim3A_1202 = arith.constant 2 : i32
        %broadcast_in_dim3A_1203 = vector.broadcast %broadcast_in_dim3A_1202 : i32 to vector<16xi32>
        %select_n3A_1204 = arith.select %lt3A_1200, %broadcast_in_dim3A_1203, %select_n3A_1199 : vector<16xi1>, vector<16xi32>
        %lt3A_1205 = arith.cmpf olt, %add3A_1145, %select_n3A_1201 : vector<16xf32>
        %select_n3A_1206 = arith.select %lt3A_1205, %add3A_1145, %select_n3A_1201 : vector<16xi1>, vector<16xf32>
        %broadcast_in_dim3A_1207 = arith.constant 3 : i32
        %broadcast_in_dim3A_1208 = vector.broadcast %broadcast_in_dim3A_1207 : i32 to vector<16xi32>
        %select_n3A_1209 = arith.select %lt3A_1205, %broadcast_in_dim3A_1208, %select_n3A_1204 : vector<16xi1>, vector<16xi32>
        %lt3A_1210 = arith.cmpf olt, %add3A_1156, %select_n3A_1206 : vector<16xf32>
        %select_n3A_1211 = arith.select %lt3A_1210, %add3A_1156, %select_n3A_1206 : vector<16xi1>, vector<16xf32>
        %broadcast_in_dim3A_1212 = arith.constant 4 : i32
        %broadcast_in_dim3A_1213 = vector.broadcast %broadcast_in_dim3A_1212 : i32 to vector<16xi32>
        %select_n3A_1214 = arith.select %lt3A_1210, %broadcast_in_dim3A_1213, %select_n3A_1209 : vector<16xi1>, vector<16xi32>
        %lt3A_1215 = arith.cmpf olt, %add3A_1167, %select_n3A_1211 : vector<16xf32>
        %select_n3A_1216 = arith.select %lt3A_1215, %add3A_1167, %select_n3A_1211 : vector<16xi1>, vector<16xf32>
        %broadcast_in_dim3A_1217 = arith.constant 5 : i32
        %broadcast_in_dim3A_1218 = vector.broadcast %broadcast_in_dim3A_1217 : i32 to vector<16xi32>
        %select_n3A_1219 = arith.select %lt3A_1215, %broadcast_in_dim3A_1218, %select_n3A_1214 : vector<16xi1>, vector<16xi32>
        %lt3A_1220 = arith.cmpf olt, %add3A_1178, %select_n3A_1216 : vector<16xf32>
        %select_n3A_1221 = arith.select %lt3A_1220, %add3A_1178, %select_n3A_1216 : vector<16xi1>, vector<16xf32>
        %broadcast_in_dim3A_1222 = arith.constant 6 : i32
        %broadcast_in_dim3A_1223 = vector.broadcast %broadcast_in_dim3A_1222 : i32 to vector<16xi32>
        %select_n3A_1224 = arith.select %lt3A_1220, %broadcast_in_dim3A_1223, %select_n3A_1219 : vector<16xi1>, vector<16xi32>
        %lt3A_1225 = arith.cmpf olt, %add3A_1189, %select_n3A_1221 : vector<16xf32>
        %select_n3A_1226 = arith.select %lt3A_1225, %add3A_1189, %select_n3A_1221 : vector<16xi1>, vector<16xf32>
        %broadcast_in_dim3A_1227 = arith.constant 7 : i32
        %broadcast_in_dim3A_1228 = vector.broadcast %broadcast_in_dim3A_1227 : i32 to vector<16xi32>
        %select_n3A_1229 = arith.select %lt3A_1225, %broadcast_in_dim3A_1228, %select_n3A_1224 : vector<16xi1>, vector<16xi32>
        %get3A_1230 = arith.index_cast %mul3A_1091 : i32 to index
        %get3A_1231 = tpu.vector_load %arg20[%get3A_1230] {strides = array<i32>} : memref<4096xf32, #tpu.memory_space<vmem>>, vector<16xf32>,
        %get3A_1232 = vector.shape_cast %get3A_1231 : vector<16xf32> to vector<16xf32>
        %lt3A_1233 = arith.cmpf olt, %select_n3A_1226, %get3A_1232 : vector<16xf32>
        %select_n3A_1234 = arith.select %lt3A_1233, %select_n3A_1226, %get3A_1232 : vector<16xi1>, vector<16xf32>
        %swap3A_1235 = arith.index_cast %mul3A_1091 : i32 to index
        %swap3A_1236 = tpu.vector_load %arg20[%swap3A_1235] {strides = array<i32>} : memref<4096xf32, #tpu.memory_space<vmem>>, vector<16xf32>,
        %swap3A_1237 = vector.shape_cast %swap3A_1236 : vector<16xf32> to vector<16xf32>
        %swap3A_1238 = vector.shape_cast %select_n3A_1234 : vector<16xf32> to vector<16xf32>
        tpu.vector_store %arg20[%swap3A_1235], %swap3A_1238 {strides = array<i32>} : memref<4096xf32, #tpu.memory_space<vmem>>, vector<16xf32>,
        %add3A_1239 = arith.addi %select_n3A_1229, %broadcast_in_dim3A_667 : vector<16xi32>
        %get3A_1240 = arith.index_cast %mul3A_1091 : i32 to index
        %get3A_1241 = tpu.vector_load %arg21[%get3A_1240] {strides = array<i32>} : memref<4096xi32, #tpu.memory_space<vmem>>, vector<16xi32>,
        %get3A_1242 = vector.shape_cast %get3A_1241 : vector<16xi32> to vector<16xi32>
        %select_n3A_1243 = arith.select %lt3A_1233, %add3A_1239, %get3A_1242 : vector<16xi1>, vector<16xi32>
        %swap3A_1244 = arith.index_cast %mul3A_1091 : i32 to index
        %swap3A_1245 = tpu.vector_load %arg21[%swap3A_1244] {strides = array<i32>} : memref<4096xi32, #tpu.memory_space<vmem>>, vector<16xi32>,
        %swap3A_1246 = vector.shape_cast %swap3A_1245 : vector<16xi32> to vector<16xi32>
        %swap3A_1247 = vector.shape_cast %select_n3A_1243 : vector<16xi32> to vector<16xi32>
        tpu.vector_store %arg21[%swap3A_1244], %swap3A_1247 {strides = array<i32>} : memref<4096xi32, #tpu.memory_space<vmem>>, vector<16xi32>,
        %scan3A_1248 = arith.constant 1 : i32
        %scan3A_1249 = arith.addi %scan3A_1073, %scan3A_1248 : i32
        %mul3A_1250 = arith.constant 16 : i32
        %mul3A_1251 = arith.muli %scan3A_1249, %mul3A_1250 : i32
        %get3A_1252 = arith.index_cast %mul3A_1251 : i32 to index
        %get3A_1253 = tpu.vector_load %arg12[%get3A_1252] {strides = array<i32>} : memref<4096xf32, #tpu.memory_space<vmem>>, vector<16xf32>,
        %get3A_1254 = vector.shape_cast %get3A_1253 : vector<16xf32> to vector<16xf32>
        %get3A_1255 = arith.index_cast %mul3A_1251 : i32 to index
        %get3A_1256 = tpu.vector_load %arg13[%get3A_1255] {strides = array<i32>} : memref<4096xf32, #tpu.memory_space<vmem>>, vector<16xf32>,
        %get3A_1257 = vector.shape_cast %get3A_1256 : vector<16xf32> to vector<16xf32>
        %get3A_1258 = arith.index_cast %mul3A_1251 : i32 to index
        %get3A_1259 = tpu.vector_load %arg14[%get3A_1258] {strides = array<i32>} : memref<4096xf32, #tpu.memory_space<vmem>>, vector<16xf32>,
        %get3A_1260 = vector.shape_cast %get3A_1259 : vector<16xf32> to vector<16xf32>
        %mul3A_1261 = arith.constant 16 : i32
        %mul3A_1262 = arith.muli %scan3A_1249, %mul3A_1261 : i32
        %add3A_1263 = vector.broadcast %mul3A_1262 : i32 to vector<16xi32>
        %add3A_1264 = arith.addi %iota3A, %add3A_1263 : vector<16xi32>
        %sub3A_1265 = arith.subf %get3A_1254, %broadcast_in_dim3A_594 : vector<16xf32>
        %mul3A_1266 = arith.mulf %sub3A_1265, %sub3A_1265 : vector<16xf32>
        %sub3A_1267 = arith.subf %get3A_1257, %broadcast_in_dim3A_618 : vector<16xf32>
        %mul3A_1268 = arith.mulf %sub3A_1267, %sub3A_1267 : vector<16xf32>
        %add3A_1269 = arith.addf %mul3A_1266, %mul3A_1268 : vector<16xf32>
        %sub3A_1270 = arith.subf %get3A_1260, %broadcast_in_dim3A_642 : vector<16xf32>
        %mul3A_1271 = arith.mulf %sub3A_1270, %sub3A_1270 : vector<16xf32>
        %add3A_1272 = arith.addf %add3A_1269, %mul3A_1271 : vector<16xf32>
        %lt3A_1273 = arith.cmpf olt, %add3A_1272, %select_n3A_1114 : vector<16xf32>
        %select_n3A_1274 = arith.select %lt3A_1273, %add3A_1272, %select_n3A_1114 : vector<16xi1>, vector<16xf32>
        %select_n3A_1275 = arith.select %lt3A_1273, %add3A_1264, %select_n3A_1115 : vector<16xi1>, vector<16xi32>
        %sub3A_1276 = arith.subf %get3A_1254, %broadcast_in_dim3A_597 : vector<16xf32>
        %mul3A_1277 = arith.mulf %sub3A_1276, %sub3A_1276 : vector<16xf32>
        %sub3A_1278 = arith.subf %get3A_1257, %broadcast_in_dim3A_621 : vector<16xf32>
        %mul3A_1279 = arith.mulf %sub3A_1278, %sub3A_1278 : vector<16xf32>
        %add3A_1280 = arith.addf %mul3A_1277, %mul3A_1279 : vector<16xf32>
        %sub3A_1281 = arith.subf %get3A_1260, %broadcast_in_dim3A_645 : vector<16xf32>
        %mul3A_1282 = arith.mulf %sub3A_1281, %sub3A_1281 : vector<16xf32>
        %add3A_1283 = arith.addf %add3A_1280, %mul3A_1282 : vector<16xf32>
        %lt3A_1284 = arith.cmpf olt, %add3A_1283, %select_n3A_1125 : vector<16xf32>
        %select_n3A_1285 = arith.select %lt3A_1284, %add3A_1283, %select_n3A_1125 : vector<16xi1>, vector<16xf32>
        %select_n3A_1286 = arith.select %lt3A_1284, %add3A_1264, %select_n3A_1126 : vector<16xi1>, vector<16xi32>
        %sub3A_1287 = arith.subf %get3A_1254, %broadcast_in_dim3A_600 : vector<16xf32>
        %mul3A_1288 = arith.mulf %sub3A_1287, %sub3A_1287 : vector<16xf32>
        %sub3A_1289 = arith.subf %get3A_1257, %broadcast_in_dim3A_624 : vector<16xf32>
        %mul3A_1290 = arith.mulf %sub3A_1289, %sub3A_1289 : vector<16xf32>
        %add3A_1291 = arith.addf %mul3A_1288, %mul3A_1290 : vector<16xf32>
        %sub3A_1292 = arith.subf %get3A_1260, %broadcast_in_dim3A_648 : vector<16xf32>
        %mul3A_1293 = arith.mulf %sub3A_1292, %sub3A_1292 : vector<16xf32>
        %add3A_1294 = arith.addf %add3A_1291, %mul3A_1293 : vector<16xf32>
        %lt3A_1295 = arith.cmpf olt, %add3A_1294, %select_n3A_1136 : vector<16xf32>
        %select_n3A_1296 = arith.select %lt3A_1295, %add3A_1294, %select_n3A_1136 : vector<16xi1>, vector<16xf32>
        %select_n3A_1297 = arith.select %lt3A_1295, %add3A_1264, %select_n3A_1137 : vector<16xi1>, vector<16xi32>
        %sub3A_1298 = arith.subf %get3A_1254, %broadcast_in_dim3A_603 : vector<16xf32>
        %mul3A_1299 = arith.mulf %sub3A_1298, %sub3A_1298 : vector<16xf32>
        %sub3A_1300 = arith.subf %get3A_1257, %broadcast_in_dim3A_627 : vector<16xf32>
        %mul3A_1301 = arith.mulf %sub3A_1300, %sub3A_1300 : vector<16xf32>
        %add3A_1302 = arith.addf %mul3A_1299, %mul3A_1301 : vector<16xf32>
        %sub3A_1303 = arith.subf %get3A_1260, %broadcast_in_dim3A_651 : vector<16xf32>
        %mul3A_1304 = arith.mulf %sub3A_1303, %sub3A_1303 : vector<16xf32>
        %add3A_1305 = arith.addf %add3A_1302, %mul3A_1304 : vector<16xf32>
        %lt3A_1306 = arith.cmpf olt, %add3A_1305, %select_n3A_1147 : vector<16xf32>
        %select_n3A_1307 = arith.select %lt3A_1306, %add3A_1305, %select_n3A_1147 : vector<16xi1>, vector<16xf32>
        %select_n3A_1308 = arith.select %lt3A_1306, %add3A_1264, %select_n3A_1148 : vector<16xi1>, vector<16xi32>
        %sub3A_1309 = arith.subf %get3A_1254, %broadcast_in_dim3A_606 : vector<16xf32>
        %mul3A_1310 = arith.mulf %sub3A_1309, %sub3A_1309 : vector<16xf32>
        %sub3A_1311 = arith.subf %get3A_1257, %broadcast_in_dim3A_630 : vector<16xf32>
        %mul3A_1312 = arith.mulf %sub3A_1311, %sub3A_1311 : vector<16xf32>
        %add3A_1313 = arith.addf %mul3A_1310, %mul3A_1312 : vector<16xf32>
        %sub3A_1314 = arith.subf %get3A_1260, %broadcast_in_dim3A_654 : vector<16xf32>
        %mul3A_1315 = arith.mulf %sub3A_1314, %sub3A_1314 : vector<16xf32>
        %add3A_1316 = arith.addf %add3A_1313, %mul3A_1315 : vector<16xf32>
        %lt3A_1317 = arith.cmpf olt, %add3A_1316, %select_n3A_1158 : vector<16xf32>
        %select_n3A_1318 = arith.select %lt3A_1317, %add3A_1316, %select_n3A_1158 : vector<16xi1>, vector<16xf32>
        %select_n3A_1319 = arith.select %lt3A_1317, %add3A_1264, %select_n3A_1159 : vector<16xi1>, vector<16xi32>
        %sub3A_1320 = arith.subf %get3A_1254, %broadcast_in_dim3A_609 : vector<16xf32>
        %mul3A_1321 = arith.mulf %sub3A_1320, %sub3A_1320 : vector<16xf32>
        %sub3A_1322 = arith.subf %get3A_1257, %broadcast_in_dim3A_633 : vector<16xf32>
        %mul3A_1323 = arith.mulf %sub3A_1322, %sub3A_1322 : vector<16xf32>
        %add3A_1324 = arith.addf %mul3A_1321, %mul3A_1323 : vector<16xf32>
        %sub3A_1325 = arith.subf %get3A_1260, %broadcast_in_dim3A_657 : vector<16xf32>
        %mul3A_1326 = arith.mulf %sub3A_1325, %sub3A_1325 : vector<16xf32>
        %add3A_1327 = arith.addf %add3A_1324, %mul3A_1326 : vector<16xf32>
        %lt3A_1328 = arith.cmpf olt, %add3A_1327, %select_n3A_1169 : vector<16xf32>
        %select_n3A_1329 = arith.select %lt3A_1328, %add3A_1327, %select_n3A_1169 : vector<16xi1>, vector<16xf32>
        %select_n3A_1330 = arith.select %lt3A_1328, %add3A_1264, %select_n3A_1170 : vector<16xi1>, vector<16xi32>
        %sub3A_1331 = arith.subf %get3A_1254, %broadcast_in_dim3A_612 : vector<16xf32>
        %mul3A_1332 = arith.mulf %sub3A_1331, %sub3A_1331 : vector<16xf32>
        %sub3A_1333 = arith.subf %get3A_1257, %broadcast_in_dim3A_636 : vector<16xf32>
        %mul3A_1334 = arith.mulf %sub3A_1333, %sub3A_1333 : vector<16xf32>
        %add3A_1335 = arith.addf %mul3A_1332, %mul3A_1334 : vector<16xf32>
        %sub3A_1336 = arith.subf %get3A_1260, %broadcast_in_dim3A_660 : vector<16xf32>
        %mul3A_1337 = arith.mulf %sub3A_1336, %sub3A_1336 : vector<16xf32>
        %add3A_1338 = arith.addf %add3A_1335, %mul3A_1337 : vector<16xf32>
        %lt3A_1339 = arith.cmpf olt, %add3A_1338, %select_n3A_1180 : vector<16xf32>
        %select_n3A_1340 = arith.select %lt3A_1339, %add3A_1338, %select_n3A_1180 : vector<16xi1>, vector<16xf32>
        %select_n3A_1341 = arith.select %lt3A_1339, %add3A_1264, %select_n3A_1181 : vector<16xi1>, vector<16xi32>
        %sub3A_1342 = arith.subf %get3A_1254, %broadcast_in_dim3A_615 : vector<16xf32>
        %mul3A_1343 = arith.mulf %sub3A_1342, %sub3A_1342 : vector<16xf32>
        %sub3A_1344 = arith.subf %get3A_1257, %broadcast_in_dim3A_639 : vector<16xf32>
        %mul3A_1345 = arith.mulf %sub3A_1344, %sub3A_1344 : vector<16xf32>
        %add3A_1346 = arith.addf %mul3A_1343, %mul3A_1345 : vector<16xf32>
        %sub3A_1347 = arith.subf %get3A_1260, %broadcast_in_dim3A_663 : vector<16xf32>
        %mul3A_1348 = arith.mulf %sub3A_1347, %sub3A_1347 : vector<16xf32>
        %add3A_1349 = arith.addf %add3A_1346, %mul3A_1348 : vector<16xf32>
        %lt3A_1350 = arith.cmpf olt, %add3A_1349, %select_n3A_1191 : vector<16xf32>
        %select_n3A_1351 = arith.select %lt3A_1350, %add3A_1349, %select_n3A_1191 : vector<16xi1>, vector<16xf32>
        %select_n3A_1352 = arith.select %lt3A_1350, %add3A_1264, %select_n3A_1192 : vector<16xi1>, vector<16xi32>
        %broadcast_in_dim3A_1353 = arith.constant 0 : i32
        %broadcast_in_dim3A_1354 = vector.broadcast %broadcast_in_dim3A_1353 : i32 to vector<16xi32>
        %lt3A_1355 = arith.cmpf olt, %add3A_1283, %add3A_1272 : vector<16xf32>
        %select_n3A_1356 = arith.select %lt3A_1355, %add3A_1283, %add3A_1272 : vector<16xi1>, vector<16xf32>
        %broadcast_in_dim3A_1357 = arith.constant 1 : i32
        %broadcast_in_dim3A_1358 = vector.broadcast %broadcast_in_dim3A_1357 : i32 to vector<16xi32>
        %select_n3A_1359 = arith.select %lt3A_1355, %broadcast_in_dim3A_1358, %broadcast_in_dim3A_1354 : vector<16xi1>, vector<16xi32>
        %lt3A_1360 = arith.cmpf olt, %add3A_1294, %select_n3A_1356 : vector<16xf32>
        %select_n3A_1361 = arith.select %lt3A_1360, %add3A_1294, %select_n3A_1356 : vector<16xi1>, vector<16xf32>
        %broadcast_in_dim3A_1362 = arith.constant 2 : i32
        %broadcast_in_dim3A_1363 = vector.broadcast %broadcast_in_dim3A_1362 : i32 to vector<16xi32>
        %select_n3A_1364 = arith.select %lt3A_1360, %broadcast_in_dim3A_1363, %select_n3A_1359 : vector<16xi1>, vector<16xi32>
        %lt3A_1365 = arith.cmpf olt, %add3A_1305, %select_n3A_1361 : vector<16xf32>
        %select_n3A_1366 = arith.select %lt3A_1365, %add3A_1305, %select_n3A_1361 : vector<16xi1>, vector<16xf32>
        %broadcast_in_dim3A_1367 = arith.constant 3 : i32
        %broadcast_in_dim3A_1368 = vector.broadcast %broadcast_in_dim3A_1367 : i32 to vector<16xi32>
        %select_n3A_1369 = arith.select %lt3A_1365, %broadcast_in_dim3A_1368, %select_n3A_1364 : vector<16xi1>, vector<16xi32>
        %lt3A_1370 = arith.cmpf olt, %add3A_1316, %select_n3A_1366 : vector<16xf32>
        %select_n3A_1371 = arith.select %lt3A_1370, %add3A_1316, %select_n3A_1366 : vector<16xi1>, vector<16xf32>
        %broadcast_in_dim3A_1372 = arith.constant 4 : i32
        %broadcast_in_dim3A_1373 = vector.broadcast %broadcast_in_dim3A_1372 : i32 to vector<16xi32>
        %select_n3A_1374 = arith.select %lt3A_1370, %broadcast_in_dim3A_1373, %select_n3A_1369 : vector<16xi1>, vector<16xi32>
        %lt3A_1375 = arith.cmpf olt, %add3A_1327, %select_n3A_1371 : vector<16xf32>
        %select_n3A_1376 = arith.select %lt3A_1375, %add3A_1327, %select_n3A_1371 : vector<16xi1>, vector<16xf32>
        %broadcast_in_dim3A_1377 = arith.constant 5 : i32
        %broadcast_in_dim3A_1378 = vector.broadcast %broadcast_in_dim3A_1377 : i32 to vector<16xi32>
        %select_n3A_1379 = arith.select %lt3A_1375, %broadcast_in_dim3A_1378, %select_n3A_1374 : vector<16xi1>, vector<16xi32>
        %lt3A_1380 = arith.cmpf olt, %add3A_1338, %select_n3A_1376 : vector<16xf32>
        %select_n3A_1381 = arith.select %lt3A_1380, %add3A_1338, %select_n3A_1376 : vector<16xi1>, vector<16xf32>
        %broadcast_in_dim3A_1382 = arith.constant 6 : i32
        %broadcast_in_dim3A_1383 = vector.broadcast %broadcast_in_dim3A_1382 : i32 to vector<16xi32>
        %select_n3A_1384 = arith.select %lt3A_1380, %broadcast_in_dim3A_1383, %select_n3A_1379 : vector<16xi1>, vector<16xi32>
        %lt3A_1385 = arith.cmpf olt, %add3A_1349, %select_n3A_1381 : vector<16xf32>
        %select_n3A_1386 = arith.select %lt3A_1385, %add3A_1349, %select_n3A_1381 : vector<16xi1>, vector<16xf32>
        %broadcast_in_dim3A_1387 = arith.constant 7 : i32
        %broadcast_in_dim3A_1388 = vector.broadcast %broadcast_in_dim3A_1387 : i32 to vector<16xi32>
        %select_n3A_1389 = arith.select %lt3A_1385, %broadcast_in_dim3A_1388, %select_n3A_1384 : vector<16xi1>, vector<16xi32>
        %get3A_1390 = arith.index_cast %mul3A_1251 : i32 to index
        %get3A_1391 = tpu.vector_load %arg20[%get3A_1390] {strides = array<i32>} : memref<4096xf32, #tpu.memory_space<vmem>>, vector<16xf32>,
        %get3A_1392 = vector.shape_cast %get3A_1391 : vector<16xf32> to vector<16xf32>
        %lt3A_1393 = arith.cmpf olt, %select_n3A_1386, %get3A_1392 : vector<16xf32>
        %select_n3A_1394 = arith.select %lt3A_1393, %select_n3A_1386, %get3A_1392 : vector<16xi1>, vector<16xf32>
        %swap3A_1395 = arith.index_cast %mul3A_1251 : i32 to index
        %swap3A_1396 = tpu.vector_load %arg20[%swap3A_1395] {strides = array<i32>} : memref<4096xf32, #tpu.memory_space<vmem>>, vector<16xf32>,
        %swap3A_1397 = vector.shape_cast %swap3A_1396 : vector<16xf32> to vector<16xf32>
        %swap3A_1398 = vector.shape_cast %select_n3A_1394 : vector<16xf32> to vector<16xf32>
        tpu.vector_store %arg20[%swap3A_1395], %swap3A_1398 {strides = array<i32>} : memref<4096xf32, #tpu.memory_space<vmem>>, vector<16xf32>,
        %add3A_1399 = arith.addi %select_n3A_1389, %broadcast_in_dim3A_667 : vector<16xi32>
        %get3A_1400 = arith.index_cast %mul3A_1251 : i32 to index
        %get3A_1401 = tpu.vector_load %arg21[%get3A_1400] {strides = array<i32>} : memref<4096xi32, #tpu.memory_space<vmem>>, vector<16xi32>,
        %get3A_1402 = vector.shape_cast %get3A_1401 : vector<16xi32> to vector<16xi32>
        %select_n3A_1403 = arith.select %lt3A_1393, %add3A_1399, %get3A_1402 : vector<16xi1>, vector<16xi32>
        %swap3A_1404 = arith.index_cast %mul3A_1251 : i32 to index
        %swap3A_1405 = tpu.vector_load %arg21[%swap3A_1404] {strides = array<i32>} : memref<4096xi32, #tpu.memory_space<vmem>>, vector<16xi32>,
        %swap3A_1406 = vector.shape_cast %swap3A_1405 : vector<16xi32> to vector<16xi32>
        %swap3A_1407 = vector.shape_cast %select_n3A_1403 : vector<16xi32> to vector<16xi32>
        tpu.vector_store %arg21[%swap3A_1404], %swap3A_1407 {strides = array<i32>} : memref<4096xi32, #tpu.memory_space<vmem>>, vector<16xi32>,
        %scan3A_1408 = arith.constant 2 : i32
        %scan3A_1409 = arith.addi %scan3A_1073, %scan3A_1408 : i32
        %mul3A_1410 = arith.constant 16 : i32
        %mul3A_1411 = arith.muli %scan3A_1409, %mul3A_1410 : i32
        %get3A_1412 = arith.index_cast %mul3A_1411 : i32 to index
        %get3A_1413 = tpu.vector_load %arg12[%get3A_1412] {strides = array<i32>} : memref<4096xf32, #tpu.memory_space<vmem>>, vector<16xf32>,
        %get3A_1414 = vector.shape_cast %get3A_1413 : vector<16xf32> to vector<16xf32>
        %get3A_1415 = arith.index_cast %mul3A_1411 : i32 to index
        %get3A_1416 = tpu.vector_load %arg13[%get3A_1415] {strides = array<i32>} : memref<4096xf32, #tpu.memory_space<vmem>>, vector<16xf32>,
        %get3A_1417 = vector.shape_cast %get3A_1416 : vector<16xf32> to vector<16xf32>
        %get3A_1418 = arith.index_cast %mul3A_1411 : i32 to index
        %get3A_1419 = tpu.vector_load %arg14[%get3A_1418] {strides = array<i32>} : memref<4096xf32, #tpu.memory_space<vmem>>, vector<16xf32>,
        %get3A_1420 = vector.shape_cast %get3A_1419 : vector<16xf32> to vector<16xf32>
        %mul3A_1421 = arith.constant 16 : i32
        %mul3A_1422 = arith.muli %scan3A_1409, %mul3A_1421 : i32
        %add3A_1423 = vector.broadcast %mul3A_1422 : i32 to vector<16xi32>
        %add3A_1424 = arith.addi %iota3A, %add3A_1423 : vector<16xi32>
        %sub3A_1425 = arith.subf %get3A_1414, %broadcast_in_dim3A_594 : vector<16xf32>
        %mul3A_1426 = arith.mulf %sub3A_1425, %sub3A_1425 : vector<16xf32>
        %sub3A_1427 = arith.subf %get3A_1417, %broadcast_in_dim3A_618 : vector<16xf32>
        %mul3A_1428 = arith.mulf %sub3A_1427, %sub3A_1427 : vector<16xf32>
        %add3A_1429 = arith.addf %mul3A_1426, %mul3A_1428 : vector<16xf32>
        %sub3A_1430 = arith.subf %get3A_1420, %broadcast_in_dim3A_642 : vector<16xf32>
        %mul3A_1431 = arith.mulf %sub3A_1430, %sub3A_1430 : vector<16xf32>
        %add3A_1432 = arith.addf %add3A_1429, %mul3A_1431 : vector<16xf32>
        %lt3A_1433 = arith.cmpf olt, %add3A_1432, %select_n3A_1274 : vector<16xf32>
        %select_n3A_1434 = arith.select %lt3A_1433, %add3A_1432, %select_n3A_1274 : vector<16xi1>, vector<16xf32>
        %select_n3A_1435 = arith.select %lt3A_1433, %add3A_1424, %select_n3A_1275 : vector<16xi1>, vector<16xi32>
        %sub3A_1436 = arith.subf %get3A_1414, %broadcast_in_dim3A_597 : vector<16xf32>
        %mul3A_1437 = arith.mulf %sub3A_1436, %sub3A_1436 : vector<16xf32>
        %sub3A_1438 = arith.subf %get3A_1417, %broadcast_in_dim3A_621 : vector<16xf32>
        %mul3A_1439 = arith.mulf %sub3A_1438, %sub3A_1438 : vector<16xf32>
        %add3A_1440 = arith.addf %mul3A_1437, %mul3A_1439 : vector<16xf32>
        %sub3A_1441 = arith.subf %get3A_1420, %broadcast_in_dim3A_645 : vector<16xf32>
        %mul3A_1442 = arith.mulf %sub3A_1441, %sub3A_1441 : vector<16xf32>
        %add3A_1443 = arith.addf %add3A_1440, %mul3A_1442 : vector<16xf32>
        %lt3A_1444 = arith.cmpf olt, %add3A_1443, %select_n3A_1285 : vector<16xf32>
        %select_n3A_1445 = arith.select %lt3A_1444, %add3A_1443, %select_n3A_1285 : vector<16xi1>, vector<16xf32>
        %select_n3A_1446 = arith.select %lt3A_1444, %add3A_1424, %select_n3A_1286 : vector<16xi1>, vector<16xi32>
        %sub3A_1447 = arith.subf %get3A_1414, %broadcast_in_dim3A_600 : vector<16xf32>
        %mul3A_1448 = arith.mulf %sub3A_1447, %sub3A_1447 : vector<16xf32>
        %sub3A_1449 = arith.subf %get3A_1417, %broadcast_in_dim3A_624 : vector<16xf32>
        %mul3A_1450 = arith.mulf %sub3A_1449, %sub3A_1449 : vector<16xf32>
        %add3A_1451 = arith.addf %mul3A_1448, %mul3A_1450 : vector<16xf32>
        %sub3A_1452 = arith.subf %get3A_1420, %broadcast_in_dim3A_648 : vector<16xf32>
        %mul3A_1453 = arith.mulf %sub3A_1452, %sub3A_1452 : vector<16xf32>
        %add3A_1454 = arith.addf %add3A_1451, %mul3A_1453 : vector<16xf32>
        %lt3A_1455 = arith.cmpf olt, %add3A_1454, %select_n3A_1296 : vector<16xf32>
        %select_n3A_1456 = arith.select %lt3A_1455, %add3A_1454, %select_n3A_1296 : vector<16xi1>, vector<16xf32>
        %select_n3A_1457 = arith.select %lt3A_1455, %add3A_1424, %select_n3A_1297 : vector<16xi1>, vector<16xi32>
        %sub3A_1458 = arith.subf %get3A_1414, %broadcast_in_dim3A_603 : vector<16xf32>
        %mul3A_1459 = arith.mulf %sub3A_1458, %sub3A_1458 : vector<16xf32>
        %sub3A_1460 = arith.subf %get3A_1417, %broadcast_in_dim3A_627 : vector<16xf32>
        %mul3A_1461 = arith.mulf %sub3A_1460, %sub3A_1460 : vector<16xf32>
        %add3A_1462 = arith.addf %mul3A_1459, %mul3A_1461 : vector<16xf32>
        %sub3A_1463 = arith.subf %get3A_1420, %broadcast_in_dim3A_651 : vector<16xf32>
        %mul3A_1464 = arith.mulf %sub3A_1463, %sub3A_1463 : vector<16xf32>
        %add3A_1465 = arith.addf %add3A_1462, %mul3A_1464 : vector<16xf32>
        %lt3A_1466 = arith.cmpf olt, %add3A_1465, %select_n3A_1307 : vector<16xf32>
        %select_n3A_1467 = arith.select %lt3A_1466, %add3A_1465, %select_n3A_1307 : vector<16xi1>, vector<16xf32>
        %select_n3A_1468 = arith.select %lt3A_1466, %add3A_1424, %select_n3A_1308 : vector<16xi1>, vector<16xi32>
        %sub3A_1469 = arith.subf %get3A_1414, %broadcast_in_dim3A_606 : vector<16xf32>
        %mul3A_1470 = arith.mulf %sub3A_1469, %sub3A_1469 : vector<16xf32>
        %sub3A_1471 = arith.subf %get3A_1417, %broadcast_in_dim3A_630 : vector<16xf32>
        %mul3A_1472 = arith.mulf %sub3A_1471, %sub3A_1471 : vector<16xf32>
        %add3A_1473 = arith.addf %mul3A_1470, %mul3A_1472 : vector<16xf32>
        %sub3A_1474 = arith.subf %get3A_1420, %broadcast_in_dim3A_654 : vector<16xf32>
        %mul3A_1475 = arith.mulf %sub3A_1474, %sub3A_1474 : vector<16xf32>
        %add3A_1476 = arith.addf %add3A_1473, %mul3A_1475 : vector<16xf32>
        %lt3A_1477 = arith.cmpf olt, %add3A_1476, %select_n3A_1318 : vector<16xf32>
        %select_n3A_1478 = arith.select %lt3A_1477, %add3A_1476, %select_n3A_1318 : vector<16xi1>, vector<16xf32>
        %select_n3A_1479 = arith.select %lt3A_1477, %add3A_1424, %select_n3A_1319 : vector<16xi1>, vector<16xi32>
        %sub3A_1480 = arith.subf %get3A_1414, %broadcast_in_dim3A_609 : vector<16xf32>
        %mul3A_1481 = arith.mulf %sub3A_1480, %sub3A_1480 : vector<16xf32>
        %sub3A_1482 = arith.subf %get3A_1417, %broadcast_in_dim3A_633 : vector<16xf32>
        %mul3A_1483 = arith.mulf %sub3A_1482, %sub3A_1482 : vector<16xf32>
        %add3A_1484 = arith.addf %mul3A_1481, %mul3A_1483 : vector<16xf32>
        %sub3A_1485 = arith.subf %get3A_1420, %broadcast_in_dim3A_657 : vector<16xf32>
        %mul3A_1486 = arith.mulf %sub3A_1485, %sub3A_1485 : vector<16xf32>
        %add3A_1487 = arith.addf %add3A_1484, %mul3A_1486 : vector<16xf32>
        %lt3A_1488 = arith.cmpf olt, %add3A_1487, %select_n3A_1329 : vector<16xf32>
        %select_n3A_1489 = arith.select %lt3A_1488, %add3A_1487, %select_n3A_1329 : vector<16xi1>, vector<16xf32>
        %select_n3A_1490 = arith.select %lt3A_1488, %add3A_1424, %select_n3A_1330 : vector<16xi1>, vector<16xi32>
        %sub3A_1491 = arith.subf %get3A_1414, %broadcast_in_dim3A_612 : vector<16xf32>
        %mul3A_1492 = arith.mulf %sub3A_1491, %sub3A_1491 : vector<16xf32>
        %sub3A_1493 = arith.subf %get3A_1417, %broadcast_in_dim3A_636 : vector<16xf32>
        %mul3A_1494 = arith.mulf %sub3A_1493, %sub3A_1493 : vector<16xf32>
        %add3A_1495 = arith.addf %mul3A_1492, %mul3A_1494 : vector<16xf32>
        %sub3A_1496 = arith.subf %get3A_1420, %broadcast_in_dim3A_660 : vector<16xf32>
        %mul3A_1497 = arith.mulf %sub3A_1496, %sub3A_1496 : vector<16xf32>
        %add3A_1498 = arith.addf %add3A_1495, %mul3A_1497 : vector<16xf32>
        %lt3A_1499 = arith.cmpf olt, %add3A_1498, %select_n3A_1340 : vector<16xf32>
        %select_n3A_1500 = arith.select %lt3A_1499, %add3A_1498, %select_n3A_1340 : vector<16xi1>, vector<16xf32>
        %select_n3A_1501 = arith.select %lt3A_1499, %add3A_1424, %select_n3A_1341 : vector<16xi1>, vector<16xi32>
        %sub3A_1502 = arith.subf %get3A_1414, %broadcast_in_dim3A_615 : vector<16xf32>
        %mul3A_1503 = arith.mulf %sub3A_1502, %sub3A_1502 : vector<16xf32>
        %sub3A_1504 = arith.subf %get3A_1417, %broadcast_in_dim3A_639 : vector<16xf32>
        %mul3A_1505 = arith.mulf %sub3A_1504, %sub3A_1504 : vector<16xf32>
        %add3A_1506 = arith.addf %mul3A_1503, %mul3A_1505 : vector<16xf32>
        %sub3A_1507 = arith.subf %get3A_1420, %broadcast_in_dim3A_663 : vector<16xf32>
        %mul3A_1508 = arith.mulf %sub3A_1507, %sub3A_1507 : vector<16xf32>
        %add3A_1509 = arith.addf %add3A_1506, %mul3A_1508 : vector<16xf32>
        %lt3A_1510 = arith.cmpf olt, %add3A_1509, %select_n3A_1351 : vector<16xf32>
        %select_n3A_1511 = arith.select %lt3A_1510, %add3A_1509, %select_n3A_1351 : vector<16xi1>, vector<16xf32>
        %select_n3A_1512 = arith.select %lt3A_1510, %add3A_1424, %select_n3A_1352 : vector<16xi1>, vector<16xi32>
        %broadcast_in_dim3A_1513 = arith.constant 0 : i32
        %broadcast_in_dim3A_1514 = vector.broadcast %broadcast_in_dim3A_1513 : i32 to vector<16xi32>
        %lt3A_1515 = arith.cmpf olt, %add3A_1443, %add3A_1432 : vector<16xf32>
        %select_n3A_1516 = arith.select %lt3A_1515, %add3A_1443, %add3A_1432 : vector<16xi1>, vector<16xf32>
        %broadcast_in_dim3A_1517 = arith.constant 1 : i32
        %broadcast_in_dim3A_1518 = vector.broadcast %broadcast_in_dim3A_1517 : i32 to vector<16xi32>
        %select_n3A_1519 = arith.select %lt3A_1515, %broadcast_in_dim3A_1518, %broadcast_in_dim3A_1514 : vector<16xi1>, vector<16xi32>
        %lt3A_1520 = arith.cmpf olt, %add3A_1454, %select_n3A_1516 : vector<16xf32>
        %select_n3A_1521 = arith.select %lt3A_1520, %add3A_1454, %select_n3A_1516 : vector<16xi1>, vector<16xf32>
        %broadcast_in_dim3A_1522 = arith.constant 2 : i32
        %broadcast_in_dim3A_1523 = vector.broadcast %broadcast_in_dim3A_1522 : i32 to vector<16xi32>
        %select_n3A_1524 = arith.select %lt3A_1520, %broadcast_in_dim3A_1523, %select_n3A_1519 : vector<16xi1>, vector<16xi32>
        %lt3A_1525 = arith.cmpf olt, %add3A_1465, %select_n3A_1521 : vector<16xf32>
        %select_n3A_1526 = arith.select %lt3A_1525, %add3A_1465, %select_n3A_1521 : vector<16xi1>, vector<16xf32>
        %broadcast_in_dim3A_1527 = arith.constant 3 : i32
        %broadcast_in_dim3A_1528 = vector.broadcast %broadcast_in_dim3A_1527 : i32 to vector<16xi32>
        %select_n3A_1529 = arith.select %lt3A_1525, %broadcast_in_dim3A_1528, %select_n3A_1524 : vector<16xi1>, vector<16xi32>
        %lt3A_1530 = arith.cmpf olt, %add3A_1476, %select_n3A_1526 : vector<16xf32>
        %select_n3A_1531 = arith.select %lt3A_1530, %add3A_1476, %select_n3A_1526 : vector<16xi1>, vector<16xf32>
        %broadcast_in_dim3A_1532 = arith.constant 4 : i32
        %broadcast_in_dim3A_1533 = vector.broadcast %broadcast_in_dim3A_1532 : i32 to vector<16xi32>
        %select_n3A_1534 = arith.select %lt3A_1530, %broadcast_in_dim3A_1533, %select_n3A_1529 : vector<16xi1>, vector<16xi32>
        %lt3A_1535 = arith.cmpf olt, %add3A_1487, %select_n3A_1531 : vector<16xf32>
        %select_n3A_1536 = arith.select %lt3A_1535, %add3A_1487, %select_n3A_1531 : vector<16xi1>, vector<16xf32>
        %broadcast_in_dim3A_1537 = arith.constant 5 : i32
        %broadcast_in_dim3A_1538 = vector.broadcast %broadcast_in_dim3A_1537 : i32 to vector<16xi32>
        %select_n3A_1539 = arith.select %lt3A_1535, %broadcast_in_dim3A_1538, %select_n3A_1534 : vector<16xi1>, vector<16xi32>
        %lt3A_1540 = arith.cmpf olt, %add3A_1498, %select_n3A_1536 : vector<16xf32>
        %select_n3A_1541 = arith.select %lt3A_1540, %add3A_1498, %select_n3A_1536 : vector<16xi1>, vector<16xf32>
        %broadcast_in_dim3A_1542 = arith.constant 6 : i32
        %broadcast_in_dim3A_1543 = vector.broadcast %broadcast_in_dim3A_1542 : i32 to vector<16xi32>
        %select_n3A_1544 = arith.select %lt3A_1540, %broadcast_in_dim3A_1543, %select_n3A_1539 : vector<16xi1>, vector<16xi32>
        %lt3A_1545 = arith.cmpf olt, %add3A_1509, %select_n3A_1541 : vector<16xf32>
        %select_n3A_1546 = arith.select %lt3A_1545, %add3A_1509, %select_n3A_1541 : vector<16xi1>, vector<16xf32>
        %broadcast_in_dim3A_1547 = arith.constant 7 : i32
        %broadcast_in_dim3A_1548 = vector.broadcast %broadcast_in_dim3A_1547 : i32 to vector<16xi32>
        %select_n3A_1549 = arith.select %lt3A_1545, %broadcast_in_dim3A_1548, %select_n3A_1544 : vector<16xi1>, vector<16xi32>
        %get3A_1550 = arith.index_cast %mul3A_1411 : i32 to index
        %get3A_1551 = tpu.vector_load %arg20[%get3A_1550] {strides = array<i32>} : memref<4096xf32, #tpu.memory_space<vmem>>, vector<16xf32>,
        %get3A_1552 = vector.shape_cast %get3A_1551 : vector<16xf32> to vector<16xf32>
        %lt3A_1553 = arith.cmpf olt, %select_n3A_1546, %get3A_1552 : vector<16xf32>
        %select_n3A_1554 = arith.select %lt3A_1553, %select_n3A_1546, %get3A_1552 : vector<16xi1>, vector<16xf32>
        %swap3A_1555 = arith.index_cast %mul3A_1411 : i32 to index
        %swap3A_1556 = tpu.vector_load %arg20[%swap3A_1555] {strides = array<i32>} : memref<4096xf32, #tpu.memory_space<vmem>>, vector<16xf32>,
        %swap3A_1557 = vector.shape_cast %swap3A_1556 : vector<16xf32> to vector<16xf32>
        %swap3A_1558 = vector.shape_cast %select_n3A_1554 : vector<16xf32> to vector<16xf32>
        tpu.vector_store %arg20[%swap3A_1555], %swap3A_1558 {strides = array<i32>} : memref<4096xf32, #tpu.memory_space<vmem>>, vector<16xf32>,
        %add3A_1559 = arith.addi %select_n3A_1549, %broadcast_in_dim3A_667 : vector<16xi32>
        %get3A_1560 = arith.index_cast %mul3A_1411 : i32 to index
        %get3A_1561 = tpu.vector_load %arg21[%get3A_1560] {strides = array<i32>} : memref<4096xi32, #tpu.memory_space<vmem>>, vector<16xi32>,
        %get3A_1562 = vector.shape_cast %get3A_1561 : vector<16xi32> to vector<16xi32>
        %select_n3A_1563 = arith.select %lt3A_1553, %add3A_1559, %get3A_1562 : vector<16xi1>, vector<16xi32>
        %swap3A_1564 = arith.index_cast %mul3A_1411 : i32 to index
        %swap3A_1565 = tpu.vector_load %arg21[%swap3A_1564] {strides = array<i32>} : memref<4096xi32, #tpu.memory_space<vmem>>, vector<16xi32>,
        %swap3A_1566 = vector.shape_cast %swap3A_1565 : vector<16xi32> to vector<16xi32>
        %swap3A_1567 = vector.shape_cast %select_n3A_1563 : vector<16xi32> to vector<16xi32>
        tpu.vector_store %arg21[%swap3A_1564], %swap3A_1567 {strides = array<i32>} : memref<4096xi32, #tpu.memory_space<vmem>>, vector<16xi32>,
        %scan3A_1568 = arith.constant 3 : i32
        %scan3A_1569 = arith.addi %scan3A_1073, %scan3A_1568 : i32
        %mul3A_1570 = arith.constant 16 : i32
        %mul3A_1571 = arith.muli %scan3A_1569, %mul3A_1570 : i32
        %get3A_1572 = arith.index_cast %mul3A_1571 : i32 to index
        %get3A_1573 = tpu.vector_load %arg12[%get3A_1572] {strides = array<i32>} : memref<4096xf32, #tpu.memory_space<vmem>>, vector<16xf32>,
        %get3A_1574 = vector.shape_cast %get3A_1573 : vector<16xf32> to vector<16xf32>
        %get3A_1575 = arith.index_cast %mul3A_1571 : i32 to index
        %get3A_1576 = tpu.vector_load %arg13[%get3A_1575] {strides = array<i32>} : memref<4096xf32, #tpu.memory_space<vmem>>, vector<16xf32>,
        %get3A_1577 = vector.shape_cast %get3A_1576 : vector<16xf32> to vector<16xf32>
        %get3A_1578 = arith.index_cast %mul3A_1571 : i32 to index
        %get3A_1579 = tpu.vector_load %arg14[%get3A_1578] {strides = array<i32>} : memref<4096xf32, #tpu.memory_space<vmem>>, vector<16xf32>,
        %get3A_1580 = vector.shape_cast %get3A_1579 : vector<16xf32> to vector<16xf32>
        %mul3A_1581 = arith.constant 16 : i32
        %mul3A_1582 = arith.muli %scan3A_1569, %mul3A_1581 : i32
        %add3A_1583 = vector.broadcast %mul3A_1582 : i32 to vector<16xi32>
        %add3A_1584 = arith.addi %iota3A, %add3A_1583 : vector<16xi32>
        %sub3A_1585 = arith.subf %get3A_1574, %broadcast_in_dim3A_594 : vector<16xf32>
        %mul3A_1586 = arith.mulf %sub3A_1585, %sub3A_1585 : vector<16xf32>
        %sub3A_1587 = arith.subf %get3A_1577, %broadcast_in_dim3A_618 : vector<16xf32>
        %mul3A_1588 = arith.mulf %sub3A_1587, %sub3A_1587 : vector<16xf32>
        %add3A_1589 = arith.addf %mul3A_1586, %mul3A_1588 : vector<16xf32>
        %sub3A_1590 = arith.subf %get3A_1580, %broadcast_in_dim3A_642 : vector<16xf32>
        %mul3A_1591 = arith.mulf %sub3A_1590, %sub3A_1590 : vector<16xf32>
        %add3A_1592 = arith.addf %add3A_1589, %mul3A_1591 : vector<16xf32>
        %lt3A_1593 = arith.cmpf olt, %add3A_1592, %select_n3A_1434 : vector<16xf32>
        %select_n3A_1594 = arith.select %lt3A_1593, %add3A_1592, %select_n3A_1434 : vector<16xi1>, vector<16xf32>
        %select_n3A_1595 = arith.select %lt3A_1593, %add3A_1584, %select_n3A_1435 : vector<16xi1>, vector<16xi32>
        %sub3A_1596 = arith.subf %get3A_1574, %broadcast_in_dim3A_597 : vector<16xf32>
        %mul3A_1597 = arith.mulf %sub3A_1596, %sub3A_1596 : vector<16xf32>
        %sub3A_1598 = arith.subf %get3A_1577, %broadcast_in_dim3A_621 : vector<16xf32>
        %mul3A_1599 = arith.mulf %sub3A_1598, %sub3A_1598 : vector<16xf32>
        %add3A_1600 = arith.addf %mul3A_1597, %mul3A_1599 : vector<16xf32>
        %sub3A_1601 = arith.subf %get3A_1580, %broadcast_in_dim3A_645 : vector<16xf32>
        %mul3A_1602 = arith.mulf %sub3A_1601, %sub3A_1601 : vector<16xf32>
        %add3A_1603 = arith.addf %add3A_1600, %mul3A_1602 : vector<16xf32>
        %lt3A_1604 = arith.cmpf olt, %add3A_1603, %select_n3A_1445 : vector<16xf32>
        %select_n3A_1605 = arith.select %lt3A_1604, %add3A_1603, %select_n3A_1445 : vector<16xi1>, vector<16xf32>
        %select_n3A_1606 = arith.select %lt3A_1604, %add3A_1584, %select_n3A_1446 : vector<16xi1>, vector<16xi32>
        %sub3A_1607 = arith.subf %get3A_1574, %broadcast_in_dim3A_600 : vector<16xf32>
        %mul3A_1608 = arith.mulf %sub3A_1607, %sub3A_1607 : vector<16xf32>
        %sub3A_1609 = arith.subf %get3A_1577, %broadcast_in_dim3A_624 : vector<16xf32>
        %mul3A_1610 = arith.mulf %sub3A_1609, %sub3A_1609 : vector<16xf32>
        %add3A_1611 = arith.addf %mul3A_1608, %mul3A_1610 : vector<16xf32>
        %sub3A_1612 = arith.subf %get3A_1580, %broadcast_in_dim3A_648 : vector<16xf32>
        %mul3A_1613 = arith.mulf %sub3A_1612, %sub3A_1612 : vector<16xf32>
        %add3A_1614 = arith.addf %add3A_1611, %mul3A_1613 : vector<16xf32>
        %lt3A_1615 = arith.cmpf olt, %add3A_1614, %select_n3A_1456 : vector<16xf32>
        %select_n3A_1616 = arith.select %lt3A_1615, %add3A_1614, %select_n3A_1456 : vector<16xi1>, vector<16xf32>
        %select_n3A_1617 = arith.select %lt3A_1615, %add3A_1584, %select_n3A_1457 : vector<16xi1>, vector<16xi32>
        %sub3A_1618 = arith.subf %get3A_1574, %broadcast_in_dim3A_603 : vector<16xf32>
        %mul3A_1619 = arith.mulf %sub3A_1618, %sub3A_1618 : vector<16xf32>
        %sub3A_1620 = arith.subf %get3A_1577, %broadcast_in_dim3A_627 : vector<16xf32>
        %mul3A_1621 = arith.mulf %sub3A_1620, %sub3A_1620 : vector<16xf32>
        %add3A_1622 = arith.addf %mul3A_1619, %mul3A_1621 : vector<16xf32>
        %sub3A_1623 = arith.subf %get3A_1580, %broadcast_in_dim3A_651 : vector<16xf32>
        %mul3A_1624 = arith.mulf %sub3A_1623, %sub3A_1623 : vector<16xf32>
        %add3A_1625 = arith.addf %add3A_1622, %mul3A_1624 : vector<16xf32>
        %lt3A_1626 = arith.cmpf olt, %add3A_1625, %select_n3A_1467 : vector<16xf32>
        %select_n3A_1627 = arith.select %lt3A_1626, %add3A_1625, %select_n3A_1467 : vector<16xi1>, vector<16xf32>
        %select_n3A_1628 = arith.select %lt3A_1626, %add3A_1584, %select_n3A_1468 : vector<16xi1>, vector<16xi32>
        %sub3A_1629 = arith.subf %get3A_1574, %broadcast_in_dim3A_606 : vector<16xf32>
        %mul3A_1630 = arith.mulf %sub3A_1629, %sub3A_1629 : vector<16xf32>
        %sub3A_1631 = arith.subf %get3A_1577, %broadcast_in_dim3A_630 : vector<16xf32>
        %mul3A_1632 = arith.mulf %sub3A_1631, %sub3A_1631 : vector<16xf32>
        %add3A_1633 = arith.addf %mul3A_1630, %mul3A_1632 : vector<16xf32>
        %sub3A_1634 = arith.subf %get3A_1580, %broadcast_in_dim3A_654 : vector<16xf32>
        %mul3A_1635 = arith.mulf %sub3A_1634, %sub3A_1634 : vector<16xf32>
        %add3A_1636 = arith.addf %add3A_1633, %mul3A_1635 : vector<16xf32>
        %lt3A_1637 = arith.cmpf olt, %add3A_1636, %select_n3A_1478 : vector<16xf32>
        %select_n3A_1638 = arith.select %lt3A_1637, %add3A_1636, %select_n3A_1478 : vector<16xi1>, vector<16xf32>
        %select_n3A_1639 = arith.select %lt3A_1637, %add3A_1584, %select_n3A_1479 : vector<16xi1>, vector<16xi32>
        %sub3A_1640 = arith.subf %get3A_1574, %broadcast_in_dim3A_609 : vector<16xf32>
        %mul3A_1641 = arith.mulf %sub3A_1640, %sub3A_1640 : vector<16xf32>
        %sub3A_1642 = arith.subf %get3A_1577, %broadcast_in_dim3A_633 : vector<16xf32>
        %mul3A_1643 = arith.mulf %sub3A_1642, %sub3A_1642 : vector<16xf32>
        %add3A_1644 = arith.addf %mul3A_1641, %mul3A_1643 : vector<16xf32>
        %sub3A_1645 = arith.subf %get3A_1580, %broadcast_in_dim3A_657 : vector<16xf32>
        %mul3A_1646 = arith.mulf %sub3A_1645, %sub3A_1645 : vector<16xf32>
        %add3A_1647 = arith.addf %add3A_1644, %mul3A_1646 : vector<16xf32>
        %lt3A_1648 = arith.cmpf olt, %add3A_1647, %select_n3A_1489 : vector<16xf32>
        %select_n3A_1649 = arith.select %lt3A_1648, %add3A_1647, %select_n3A_1489 : vector<16xi1>, vector<16xf32>
        %select_n3A_1650 = arith.select %lt3A_1648, %add3A_1584, %select_n3A_1490 : vector<16xi1>, vector<16xi32>
        %sub3A_1651 = arith.subf %get3A_1574, %broadcast_in_dim3A_612 : vector<16xf32>
        %mul3A_1652 = arith.mulf %sub3A_1651, %sub3A_1651 : vector<16xf32>
        %sub3A_1653 = arith.subf %get3A_1577, %broadcast_in_dim3A_636 : vector<16xf32>
        %mul3A_1654 = arith.mulf %sub3A_1653, %sub3A_1653 : vector<16xf32>
        %add3A_1655 = arith.addf %mul3A_1652, %mul3A_1654 : vector<16xf32>
        %sub3A_1656 = arith.subf %get3A_1580, %broadcast_in_dim3A_660 : vector<16xf32>
        %mul3A_1657 = arith.mulf %sub3A_1656, %sub3A_1656 : vector<16xf32>
        %add3A_1658 = arith.addf %add3A_1655, %mul3A_1657 : vector<16xf32>
        %lt3A_1659 = arith.cmpf olt, %add3A_1658, %select_n3A_1500 : vector<16xf32>
        %select_n3A_1660 = arith.select %lt3A_1659, %add3A_1658, %select_n3A_1500 : vector<16xi1>, vector<16xf32>
        %select_n3A_1661 = arith.select %lt3A_1659, %add3A_1584, %select_n3A_1501 : vector<16xi1>, vector<16xi32>
        %sub3A_1662 = arith.subf %get3A_1574, %broadcast_in_dim3A_615 : vector<16xf32>
        %mul3A_1663 = arith.mulf %sub3A_1662, %sub3A_1662 : vector<16xf32>
        %sub3A_1664 = arith.subf %get3A_1577, %broadcast_in_dim3A_639 : vector<16xf32>
        %mul3A_1665 = arith.mulf %sub3A_1664, %sub3A_1664 : vector<16xf32>
        %add3A_1666 = arith.addf %mul3A_1663, %mul3A_1665 : vector<16xf32>
        %sub3A_1667 = arith.subf %get3A_1580, %broadcast_in_dim3A_663 : vector<16xf32>
        %mul3A_1668 = arith.mulf %sub3A_1667, %sub3A_1667 : vector<16xf32>
        %add3A_1669 = arith.addf %add3A_1666, %mul3A_1668 : vector<16xf32>
        %lt3A_1670 = arith.cmpf olt, %add3A_1669, %select_n3A_1511 : vector<16xf32>
        %select_n3A_1671 = arith.select %lt3A_1670, %add3A_1669, %select_n3A_1511 : vector<16xi1>, vector<16xf32>
        %select_n3A_1672 = arith.select %lt3A_1670, %add3A_1584, %select_n3A_1512 : vector<16xi1>, vector<16xi32>
        %broadcast_in_dim3A_1673 = arith.constant 0 : i32
        %broadcast_in_dim3A_1674 = vector.broadcast %broadcast_in_dim3A_1673 : i32 to vector<16xi32>
        %lt3A_1675 = arith.cmpf olt, %add3A_1603, %add3A_1592 : vector<16xf32>
        %select_n3A_1676 = arith.select %lt3A_1675, %add3A_1603, %add3A_1592 : vector<16xi1>, vector<16xf32>
        %broadcast_in_dim3A_1677 = arith.constant 1 : i32
        %broadcast_in_dim3A_1678 = vector.broadcast %broadcast_in_dim3A_1677 : i32 to vector<16xi32>
        %select_n3A_1679 = arith.select %lt3A_1675, %broadcast_in_dim3A_1678, %broadcast_in_dim3A_1674 : vector<16xi1>, vector<16xi32>
        %lt3A_1680 = arith.cmpf olt, %add3A_1614, %select_n3A_1676 : vector<16xf32>
        %select_n3A_1681 = arith.select %lt3A_1680, %add3A_1614, %select_n3A_1676 : vector<16xi1>, vector<16xf32>
        %broadcast_in_dim3A_1682 = arith.constant 2 : i32
        %broadcast_in_dim3A_1683 = vector.broadcast %broadcast_in_dim3A_1682 : i32 to vector<16xi32>
        %select_n3A_1684 = arith.select %lt3A_1680, %broadcast_in_dim3A_1683, %select_n3A_1679 : vector<16xi1>, vector<16xi32>
        %lt3A_1685 = arith.cmpf olt, %add3A_1625, %select_n3A_1681 : vector<16xf32>
        %select_n3A_1686 = arith.select %lt3A_1685, %add3A_1625, %select_n3A_1681 : vector<16xi1>, vector<16xf32>
        %broadcast_in_dim3A_1687 = arith.constant 3 : i32
        %broadcast_in_dim3A_1688 = vector.broadcast %broadcast_in_dim3A_1687 : i32 to vector<16xi32>
        %select_n3A_1689 = arith.select %lt3A_1685, %broadcast_in_dim3A_1688, %select_n3A_1684 : vector<16xi1>, vector<16xi32>
        %lt3A_1690 = arith.cmpf olt, %add3A_1636, %select_n3A_1686 : vector<16xf32>
        %select_n3A_1691 = arith.select %lt3A_1690, %add3A_1636, %select_n3A_1686 : vector<16xi1>, vector<16xf32>
        %broadcast_in_dim3A_1692 = arith.constant 4 : i32
        %broadcast_in_dim3A_1693 = vector.broadcast %broadcast_in_dim3A_1692 : i32 to vector<16xi32>
        %select_n3A_1694 = arith.select %lt3A_1690, %broadcast_in_dim3A_1693, %select_n3A_1689 : vector<16xi1>, vector<16xi32>
        %lt3A_1695 = arith.cmpf olt, %add3A_1647, %select_n3A_1691 : vector<16xf32>
        %select_n3A_1696 = arith.select %lt3A_1695, %add3A_1647, %select_n3A_1691 : vector<16xi1>, vector<16xf32>
        %broadcast_in_dim3A_1697 = arith.constant 5 : i32
        %broadcast_in_dim3A_1698 = vector.broadcast %broadcast_in_dim3A_1697 : i32 to vector<16xi32>
        %select_n3A_1699 = arith.select %lt3A_1695, %broadcast_in_dim3A_1698, %select_n3A_1694 : vector<16xi1>, vector<16xi32>
        %lt3A_1700 = arith.cmpf olt, %add3A_1658, %select_n3A_1696 : vector<16xf32>
        %select_n3A_1701 = arith.select %lt3A_1700, %add3A_1658, %select_n3A_1696 : vector<16xi1>, vector<16xf32>
        %broadcast_in_dim3A_1702 = arith.constant 6 : i32
        %broadcast_in_dim3A_1703 = vector.broadcast %broadcast_in_dim3A_1702 : i32 to vector<16xi32>
        %select_n3A_1704 = arith.select %lt3A_1700, %broadcast_in_dim3A_1703, %select_n3A_1699 : vector<16xi1>, vector<16xi32>
        %lt3A_1705 = arith.cmpf olt, %add3A_1669, %select_n3A_1701 : vector<16xf32>
        %select_n3A_1706 = arith.select %lt3A_1705, %add3A_1669, %select_n3A_1701 : vector<16xi1>, vector<16xf32>
        %broadcast_in_dim3A_1707 = arith.constant 7 : i32
        %broadcast_in_dim3A_1708 = vector.broadcast %broadcast_in_dim3A_1707 : i32 to vector<16xi32>
        %select_n3A_1709 = arith.select %lt3A_1705, %broadcast_in_dim3A_1708, %select_n3A_1704 : vector<16xi1>, vector<16xi32>
        %get3A_1710 = arith.index_cast %mul3A_1571 : i32 to index
        %get3A_1711 = tpu.vector_load %arg20[%get3A_1710] {strides = array<i32>} : memref<4096xf32, #tpu.memory_space<vmem>>, vector<16xf32>,
        %get3A_1712 = vector.shape_cast %get3A_1711 : vector<16xf32> to vector<16xf32>
        %lt3A_1713 = arith.cmpf olt, %select_n3A_1706, %get3A_1712 : vector<16xf32>
        %select_n3A_1714 = arith.select %lt3A_1713, %select_n3A_1706, %get3A_1712 : vector<16xi1>, vector<16xf32>
        %swap3A_1715 = arith.index_cast %mul3A_1571 : i32 to index
        %swap3A_1716 = tpu.vector_load %arg20[%swap3A_1715] {strides = array<i32>} : memref<4096xf32, #tpu.memory_space<vmem>>, vector<16xf32>,
        %swap3A_1717 = vector.shape_cast %swap3A_1716 : vector<16xf32> to vector<16xf32>
        %swap3A_1718 = vector.shape_cast %select_n3A_1714 : vector<16xf32> to vector<16xf32>
        tpu.vector_store %arg20[%swap3A_1715], %swap3A_1718 {strides = array<i32>} : memref<4096xf32, #tpu.memory_space<vmem>>, vector<16xf32>,
        %add3A_1719 = arith.addi %select_n3A_1709, %broadcast_in_dim3A_667 : vector<16xi32>
        %get3A_1720 = arith.index_cast %mul3A_1571 : i32 to index
        %get3A_1721 = tpu.vector_load %arg21[%get3A_1720] {strides = array<i32>} : memref<4096xi32, #tpu.memory_space<vmem>>, vector<16xi32>,
        %get3A_1722 = vector.shape_cast %get3A_1721 : vector<16xi32> to vector<16xi32>
        %select_n3A_1723 = arith.select %lt3A_1713, %add3A_1719, %get3A_1722 : vector<16xi1>, vector<16xi32>
        %swap3A_1724 = arith.index_cast %mul3A_1571 : i32 to index
        %swap3A_1725 = tpu.vector_load %arg21[%swap3A_1724] {strides = array<i32>} : memref<4096xi32, #tpu.memory_space<vmem>>, vector<16xi32>,
        %swap3A_1726 = vector.shape_cast %swap3A_1725 : vector<16xi32> to vector<16xi32>
        %swap3A_1727 = vector.shape_cast %select_n3A_1723 : vector<16xi32> to vector<16xi32>
        tpu.vector_store %arg21[%swap3A_1724], %swap3A_1727 {strides = array<i32>} : memref<4096xi32, #tpu.memory_space<vmem>>, vector<16xi32>,
        scf.yield %select_n3A_1594, %select_n3A_1605, %select_n3A_1616, %select_n3A_1627, %select_n3A_1638, %select_n3A_1649, %select_n3A_1660, %select_n3A_1671, %select_n3A_1595, %select_n3A_1606, %select_n3A_1617, %select_n3A_1628, %select_n3A_1639, %select_n3A_1650, %select_n3A_1661, %select_n3A_1672 : vector<16xf32>, vector<16xf32>, vector<16xf32>, vector<16xf32>, vector<16xf32>, vector<16xf32>, vector<16xf32>, vector<16xf32>, vector<16xi32>, vector<16xi32>, vector<16xi32>, vector<16xi32>, vector<16xi32>, vector<16xi32>, vector<16xi32>, vector<16xi32>
      }
      %scan3A_673 = arith.constant 256 : i32
      %gather3A_674 = vector.shape_cast %reshape3A : vector<16x1xi32> to vector<16xi32>
      %gather3A_675 = tpu.dynamic_gather %scan3A_672#0[%gather3A_674] in [0] : vector<16xf32>, vector<16xi32> -> vector<16xf32>
      %gather3A_676 = vector.shape_cast %reshape3A : vector<16x1xi32> to vector<16xi32>
      %gather3A_677 = tpu.dynamic_gather %scan3A_672#8[%gather3A_676] in [0] : vector<16xi32>, vector<16xi32> -> vector<16xi32>
      %lt3A_678 = arith.cmpf olt, %gather3A_675, %scan3A_672#0 : vector<16xf32>
      %eq3A_679 = arith.cmpf oeq, %gather3A_675, %scan3A_672#0 : vector<16xf32>
      %lt3A_680 = arith.cmpi slt, %gather3A_677, %scan3A_672#8 : vector<16xi32>
      %and3A_681 = arith.andi %eq3A_679, %lt3A_680 : vector<16xi1>
      %or3A_682 = arith.ori %lt3A_678, %and3A_681 : vector<16xi1>
      %select_n3A_683 = arith.select %or3A_682, %gather3A_675, %scan3A_672#0 : vector<16xi1>, vector<16xf32>
      %select_n3A_684 = arith.select %or3A_682, %gather3A_677, %scan3A_672#8 : vector<16xi1>, vector<16xi32>
      %gather3A_685 = vector.shape_cast %reshape3A_70 : vector<16x1xi32> to vector<16xi32>
      %gather3A_686 = tpu.dynamic_gather %select_n3A_683[%gather3A_685] in [0] : vector<16xf32>, vector<16xi32> -> vector<16xf32>
      %gather3A_687 = vector.shape_cast %reshape3A_70 : vector<16x1xi32> to vector<16xi32>
      %gather3A_688 = tpu.dynamic_gather %select_n3A_684[%gather3A_687] in [0] : vector<16xi32>, vector<16xi32> -> vector<16xi32>
      %lt3A_689 = arith.cmpf olt, %gather3A_686, %select_n3A_683 : vector<16xf32>
      %eq3A_690 = arith.cmpf oeq, %gather3A_686, %select_n3A_683 : vector<16xf32>
      %lt3A_691 = arith.cmpi slt, %gather3A_688, %select_n3A_684 : vector<16xi32>
      %and3A_692 = arith.andi %eq3A_690, %lt3A_691 : vector<16xi1>
      %or3A_693 = arith.ori %lt3A_689, %and3A_692 : vector<16xi1>
      %select_n3A_694 = arith.select %or3A_693, %gather3A_686, %select_n3A_683 : vector<16xi1>, vector<16xf32>
      %select_n3A_695 = arith.select %or3A_693, %gather3A_688, %select_n3A_684 : vector<16xi1>, vector<16xi32>
      %gather3A_696 = vector.shape_cast %reshape3A_77 : vector<16x1xi32> to vector<16xi32>
      %gather3A_697 = tpu.dynamic_gather %select_n3A_694[%gather3A_696] in [0] : vector<16xf32>, vector<16xi32> -> vector<16xf32>
      %gather3A_698 = vector.shape_cast %reshape3A_77 : vector<16x1xi32> to vector<16xi32>
      %gather3A_699 = tpu.dynamic_gather %select_n3A_695[%gather3A_698] in [0] : vector<16xi32>, vector<16xi32> -> vector<16xi32>
      %lt3A_700 = arith.cmpf olt, %gather3A_697, %select_n3A_694 : vector<16xf32>
      %eq3A_701 = arith.cmpf oeq, %gather3A_697, %select_n3A_694 : vector<16xf32>
      %lt3A_702 = arith.cmpi slt, %gather3A_699, %select_n3A_695 : vector<16xi32>
      %and3A_703 = arith.andi %eq3A_701, %lt3A_702 : vector<16xi1>
      %or3A_704 = arith.ori %lt3A_700, %and3A_703 : vector<16xi1>
      %select_n3A_705 = arith.select %or3A_704, %gather3A_697, %select_n3A_694 : vector<16xi1>, vector<16xf32>
      %select_n3A_706 = arith.select %or3A_704, %gather3A_699, %select_n3A_695 : vector<16xi1>, vector<16xi32>
      %gather3A_707 = vector.shape_cast %reshape3A_84 : vector<16x1xi32> to vector<16xi32>
      %gather3A_708 = tpu.dynamic_gather %select_n3A_705[%gather3A_707] in [0] : vector<16xf32>, vector<16xi32> -> vector<16xf32>
      %gather3A_709 = vector.shape_cast %reshape3A_84 : vector<16x1xi32> to vector<16xi32>
      %gather3A_710 = tpu.dynamic_gather %select_n3A_706[%gather3A_709] in [0] : vector<16xi32>, vector<16xi32> -> vector<16xi32>
      %lt3A_711 = arith.cmpf olt, %gather3A_708, %select_n3A_705 : vector<16xf32>
      %eq3A_712 = arith.cmpf oeq, %gather3A_708, %select_n3A_705 : vector<16xf32>
      %lt3A_713 = arith.cmpi slt, %gather3A_710, %select_n3A_706 : vector<16xi32>
      %and3A_714 = arith.andi %eq3A_712, %lt3A_713 : vector<16xi1>
      %or3A_715 = arith.ori %lt3A_711, %and3A_714 : vector<16xi1>
      %select_n3A_716 = arith.select %or3A_715, %gather3A_708, %select_n3A_705 : vector<16xi1>, vector<16xf32>
      %select_n3A_717 = arith.select %or3A_715, %gather3A_710, %select_n3A_706 : vector<16xi1>, vector<16xi32>
      %eq3A_718 = arith.constant 8 : i32
      %eq3A_719 = vector.broadcast %eq3A_718 : i32 to vector<16xi32>
      %eq3A_720 = arith.cmpi eq, %iota3A, %eq3A_719 : vector<16xi32>
      %select_n3A_721 = arith.select %eq3A_720, %select_n3A_716, %select_n3A_590 : vector<16xi1>, vector<16xf32>
      %select_n3A_722 = arith.select %eq3A_720, %select_n3A_717, %select_n3A_591 : vector<16xi1>, vector<16xi32>
      %gather3A_723 = vector.shape_cast %reshape3A : vector<16x1xi32> to vector<16xi32>
      %gather3A_724 = tpu.dynamic_gather %scan3A_672#1[%gather3A_723] in [0] : vector<16xf32>, vector<16xi32> -> vector<16xf32>
      %gather3A_725 = vector.shape_cast %reshape3A : vector<16x1xi32> to vector<16xi32>
      %gather3A_726 = tpu.dynamic_gather %scan3A_672#9[%gather3A_725] in [0] : vector<16xi32>, vector<16xi32> -> vector<16xi32>
      %lt3A_727 = arith.cmpf olt, %gather3A_724, %scan3A_672#1 : vector<16xf32>
      %eq3A_728 = arith.cmpf oeq, %gather3A_724, %scan3A_672#1 : vector<16xf32>
      %lt3A_729 = arith.cmpi slt, %gather3A_726, %scan3A_672#9 : vector<16xi32>
      %and3A_730 = arith.andi %eq3A_728, %lt3A_729 : vector<16xi1>
      %or3A_731 = arith.ori %lt3A_727, %and3A_730 : vector<16xi1>
      %select_n3A_732 = arith.select %or3A_731, %gather3A_724, %scan3A_672#1 : vector<16xi1>, vector<16xf32>
      %select_n3A_733 = arith.select %or3A_731, %gather3A_726, %scan3A_672#9 : vector<16xi1>, vector<16xi32>
      %gather3A_734 = vector.shape_cast %reshape3A_70 : vector<16x1xi32> to vector<16xi32>
      %gather3A_735 = tpu.dynamic_gather %select_n3A_732[%gather3A_734] in [0] : vector<16xf32>, vector<16xi32> -> vector<16xf32>
      %gather3A_736 = vector.shape_cast %reshape3A_70 : vector<16x1xi32> to vector<16xi32>
      %gather3A_737 = tpu.dynamic_gather %select_n3A_733[%gather3A_736] in [0] : vector<16xi32>, vector<16xi32> -> vector<16xi32>
      %lt3A_738 = arith.cmpf olt, %gather3A_735, %select_n3A_732 : vector<16xf32>
      %eq3A_739 = arith.cmpf oeq, %gather3A_735, %select_n3A_732 : vector<16xf32>
      %lt3A_740 = arith.cmpi slt, %gather3A_737, %select_n3A_733 : vector<16xi32>
      %and3A_741 = arith.andi %eq3A_739, %lt3A_740 : vector<16xi1>
      %or3A_742 = arith.ori %lt3A_738, %and3A_741 : vector<16xi1>
      %select_n3A_743 = arith.select %or3A_742, %gather3A_735, %select_n3A_732 : vector<16xi1>, vector<16xf32>
      %select_n3A_744 = arith.select %or3A_742, %gather3A_737, %select_n3A_733 : vector<16xi1>, vector<16xi32>
      %gather3A_745 = vector.shape_cast %reshape3A_77 : vector<16x1xi32> to vector<16xi32>
      %gather3A_746 = tpu.dynamic_gather %select_n3A_743[%gather3A_745] in [0] : vector<16xf32>, vector<16xi32> -> vector<16xf32>
      %gather3A_747 = vector.shape_cast %reshape3A_77 : vector<16x1xi32> to vector<16xi32>
      %gather3A_748 = tpu.dynamic_gather %select_n3A_744[%gather3A_747] in [0] : vector<16xi32>, vector<16xi32> -> vector<16xi32>
      %lt3A_749 = arith.cmpf olt, %gather3A_746, %select_n3A_743 : vector<16xf32>
      %eq3A_750 = arith.cmpf oeq, %gather3A_746, %select_n3A_743 : vector<16xf32>
      %lt3A_751 = arith.cmpi slt, %gather3A_748, %select_n3A_744 : vector<16xi32>
      %and3A_752 = arith.andi %eq3A_750, %lt3A_751 : vector<16xi1>
      %or3A_753 = arith.ori %lt3A_749, %and3A_752 : vector<16xi1>
      %select_n3A_754 = arith.select %or3A_753, %gather3A_746, %select_n3A_743 : vector<16xi1>, vector<16xf32>
      %select_n3A_755 = arith.select %or3A_753, %gather3A_748, %select_n3A_744 : vector<16xi1>, vector<16xi32>
      %gather3A_756 = vector.shape_cast %reshape3A_84 : vector<16x1xi32> to vector<16xi32>
      %gather3A_757 = tpu.dynamic_gather %select_n3A_754[%gather3A_756] in [0] : vector<16xf32>, vector<16xi32> -> vector<16xf32>
      %gather3A_758 = vector.shape_cast %reshape3A_84 : vector<16x1xi32> to vector<16xi32>
      %gather3A_759 = tpu.dynamic_gather %select_n3A_755[%gather3A_758] in [0] : vector<16xi32>, vector<16xi32> -> vector<16xi32>
      %lt3A_760 = arith.cmpf olt, %gather3A_757, %select_n3A_754 : vector<16xf32>
      %eq3A_761 = arith.cmpf oeq, %gather3A_757, %select_n3A_754 : vector<16xf32>
      %lt3A_762 = arith.cmpi slt, %gather3A_759, %select_n3A_755 : vector<16xi32>
      %and3A_763 = arith.andi %eq3A_761, %lt3A_762 : vector<16xi1>
      %or3A_764 = arith.ori %lt3A_760, %and3A_763 : vector<16xi1>
      %select_n3A_765 = arith.select %or3A_764, %gather3A_757, %select_n3A_754 : vector<16xi1>, vector<16xf32>
      %select_n3A_766 = arith.select %or3A_764, %gather3A_759, %select_n3A_755 : vector<16xi1>, vector<16xi32>
      %eq3A_767 = arith.constant 9 : i32
      %eq3A_768 = vector.broadcast %eq3A_767 : i32 to vector<16xi32>
      %eq3A_769 = arith.cmpi eq, %iota3A, %eq3A_768 : vector<16xi32>
      %select_n3A_770 = arith.select %eq3A_769, %select_n3A_765, %select_n3A_721 : vector<16xi1>, vector<16xf32>
      %select_n3A_771 = arith.select %eq3A_769, %select_n3A_766, %select_n3A_722 : vector<16xi1>, vector<16xi32>
      %gather3A_772 = vector.shape_cast %reshape3A : vector<16x1xi32> to vector<16xi32>
      %gather3A_773 = tpu.dynamic_gather %scan3A_672#2[%gather3A_772] in [0] : vector<16xf32>, vector<16xi32> -> vector<16xf32>
      %gather3A_774 = vector.shape_cast %reshape3A : vector<16x1xi32> to vector<16xi32>
      %gather3A_775 = tpu.dynamic_gather %scan3A_672#10[%gather3A_774] in [0] : vector<16xi32>, vector<16xi32> -> vector<16xi32>
      %lt3A_776 = arith.cmpf olt, %gather3A_773, %scan3A_672#2 : vector<16xf32>
      %eq3A_777 = arith.cmpf oeq, %gather3A_773, %scan3A_672#2 : vector<16xf32>
      %lt3A_778 = arith.cmpi slt, %gather3A_775, %scan3A_672#10 : vector<16xi32>
      %and3A_779 = arith.andi %eq3A_777, %lt3A_778 : vector<16xi1>
      %or3A_780 = arith.ori %lt3A_776, %and3A_779 : vector<16xi1>
      %select_n3A_781 = arith.select %or3A_780, %gather3A_773, %scan3A_672#2 : vector<16xi1>, vector<16xf32>
      %select_n3A_782 = arith.select %or3A_780, %gather3A_775, %scan3A_672#10 : vector<16xi1>, vector<16xi32>
      %gather3A_783 = vector.shape_cast %reshape3A_70 : vector<16x1xi32> to vector<16xi32>
      %gather3A_784 = tpu.dynamic_gather %select_n3A_781[%gather3A_783] in [0] : vector<16xf32>, vector<16xi32> -> vector<16xf32>
      %gather3A_785 = vector.shape_cast %reshape3A_70 : vector<16x1xi32> to vector<16xi32>
      %gather3A_786 = tpu.dynamic_gather %select_n3A_782[%gather3A_785] in [0] : vector<16xi32>, vector<16xi32> -> vector<16xi32>
      %lt3A_787 = arith.cmpf olt, %gather3A_784, %select_n3A_781 : vector<16xf32>
      %eq3A_788 = arith.cmpf oeq, %gather3A_784, %select_n3A_781 : vector<16xf32>
      %lt3A_789 = arith.cmpi slt, %gather3A_786, %select_n3A_782 : vector<16xi32>
      %and3A_790 = arith.andi %eq3A_788, %lt3A_789 : vector<16xi1>
      %or3A_791 = arith.ori %lt3A_787, %and3A_790 : vector<16xi1>
      %select_n3A_792 = arith.select %or3A_791, %gather3A_784, %select_n3A_781 : vector<16xi1>, vector<16xf32>
      %select_n3A_793 = arith.select %or3A_791, %gather3A_786, %select_n3A_782 : vector<16xi1>, vector<16xi32>
      %gather3A_794 = vector.shape_cast %reshape3A_77 : vector<16x1xi32> to vector<16xi32>
      %gather3A_795 = tpu.dynamic_gather %select_n3A_792[%gather3A_794] in [0] : vector<16xf32>, vector<16xi32> -> vector<16xf32>
      %gather3A_796 = vector.shape_cast %reshape3A_77 : vector<16x1xi32> to vector<16xi32>
      %gather3A_797 = tpu.dynamic_gather %select_n3A_793[%gather3A_796] in [0] : vector<16xi32>, vector<16xi32> -> vector<16xi32>
      %lt3A_798 = arith.cmpf olt, %gather3A_795, %select_n3A_792 : vector<16xf32>
      %eq3A_799 = arith.cmpf oeq, %gather3A_795, %select_n3A_792 : vector<16xf32>
      %lt3A_800 = arith.cmpi slt, %gather3A_797, %select_n3A_793 : vector<16xi32>
      %and3A_801 = arith.andi %eq3A_799, %lt3A_800 : vector<16xi1>
      %or3A_802 = arith.ori %lt3A_798, %and3A_801 : vector<16xi1>
      %select_n3A_803 = arith.select %or3A_802, %gather3A_795, %select_n3A_792 : vector<16xi1>, vector<16xf32>
      %select_n3A_804 = arith.select %or3A_802, %gather3A_797, %select_n3A_793 : vector<16xi1>, vector<16xi32>
      %gather3A_805 = vector.shape_cast %reshape3A_84 : vector<16x1xi32> to vector<16xi32>
      %gather3A_806 = tpu.dynamic_gather %select_n3A_803[%gather3A_805] in [0] : vector<16xf32>, vector<16xi32> -> vector<16xf32>
      %gather3A_807 = vector.shape_cast %reshape3A_84 : vector<16x1xi32> to vector<16xi32>
      %gather3A_808 = tpu.dynamic_gather %select_n3A_804[%gather3A_807] in [0] : vector<16xi32>, vector<16xi32> -> vector<16xi32>
      %lt3A_809 = arith.cmpf olt, %gather3A_806, %select_n3A_803 : vector<16xf32>
      %eq3A_810 = arith.cmpf oeq, %gather3A_806, %select_n3A_803 : vector<16xf32>
      %lt3A_811 = arith.cmpi slt, %gather3A_808, %select_n3A_804 : vector<16xi32>
      %and3A_812 = arith.andi %eq3A_810, %lt3A_811 : vector<16xi1>
      %or3A_813 = arith.ori %lt3A_809, %and3A_812 : vector<16xi1>
      %select_n3A_814 = arith.select %or3A_813, %gather3A_806, %select_n3A_803 : vector<16xi1>, vector<16xf32>
      %select_n3A_815 = arith.select %or3A_813, %gather3A_808, %select_n3A_804 : vector<16xi1>, vector<16xi32>
      %eq3A_816 = arith.constant 10 : i32
      %eq3A_817 = vector.broadcast %eq3A_816 : i32 to vector<16xi32>
      %eq3A_818 = arith.cmpi eq, %iota3A, %eq3A_817 : vector<16xi32>
      %select_n3A_819 = arith.select %eq3A_818, %select_n3A_814, %select_n3A_770 : vector<16xi1>, vector<16xf32>
      %select_n3A_820 = arith.select %eq3A_818, %select_n3A_815, %select_n3A_771 : vector<16xi1>, vector<16xi32>
      %gather3A_821 = vector.shape_cast %reshape3A : vector<16x1xi32> to vector<16xi32>
      %gather3A_822 = tpu.dynamic_gather %scan3A_672#3[%gather3A_821] in [0] : vector<16xf32>, vector<16xi32> -> vector<16xf32>
      %gather3A_823 = vector.shape_cast %reshape3A : vector<16x1xi32> to vector<16xi32>
      %gather3A_824 = tpu.dynamic_gather %scan3A_672#11[%gather3A_823] in [0] : vector<16xi32>, vector<16xi32> -> vector<16xi32>
      %lt3A_825 = arith.cmpf olt, %gather3A_822, %scan3A_672#3 : vector<16xf32>
      %eq3A_826 = arith.cmpf oeq, %gather3A_822, %scan3A_672#3 : vector<16xf32>
      %lt3A_827 = arith.cmpi slt, %gather3A_824, %scan3A_672#11 : vector<16xi32>
      %and3A_828 = arith.andi %eq3A_826, %lt3A_827 : vector<16xi1>
      %or3A_829 = arith.ori %lt3A_825, %and3A_828 : vector<16xi1>
      %select_n3A_830 = arith.select %or3A_829, %gather3A_822, %scan3A_672#3 : vector<16xi1>, vector<16xf32>
      %select_n3A_831 = arith.select %or3A_829, %gather3A_824, %scan3A_672#11 : vector<16xi1>, vector<16xi32>
      %gather3A_832 = vector.shape_cast %reshape3A_70 : vector<16x1xi32> to vector<16xi32>
      %gather3A_833 = tpu.dynamic_gather %select_n3A_830[%gather3A_832] in [0] : vector<16xf32>, vector<16xi32> -> vector<16xf32>
      %gather3A_834 = vector.shape_cast %reshape3A_70 : vector<16x1xi32> to vector<16xi32>
      %gather3A_835 = tpu.dynamic_gather %select_n3A_831[%gather3A_834] in [0] : vector<16xi32>, vector<16xi32> -> vector<16xi32>
      %lt3A_836 = arith.cmpf olt, %gather3A_833, %select_n3A_830 : vector<16xf32>
      %eq3A_837 = arith.cmpf oeq, %gather3A_833, %select_n3A_830 : vector<16xf32>
      %lt3A_838 = arith.cmpi slt, %gather3A_835, %select_n3A_831 : vector<16xi32>
      %and3A_839 = arith.andi %eq3A_837, %lt3A_838 : vector<16xi1>
      %or3A_840 = arith.ori %lt3A_836, %and3A_839 : vector<16xi1>
      %select_n3A_841 = arith.select %or3A_840, %gather3A_833, %select_n3A_830 : vector<16xi1>, vector<16xf32>
      %select_n3A_842 = arith.select %or3A_840, %gather3A_835, %select_n3A_831 : vector<16xi1>, vector<16xi32>
      %gather3A_843 = vector.shape_cast %reshape3A_77 : vector<16x1xi32> to vector<16xi32>
      %gather3A_844 = tpu.dynamic_gather %select_n3A_841[%gather3A_843] in [0] : vector<16xf32>, vector<16xi32> -> vector<16xf32>
      %gather3A_845 = vector.shape_cast %reshape3A_77 : vector<16x1xi32> to vector<16xi32>
      %gather3A_846 = tpu.dynamic_gather %select_n3A_842[%gather3A_845] in [0] : vector<16xi32>, vector<16xi32> -> vector<16xi32>
      %lt3A_847 = arith.cmpf olt, %gather3A_844, %select_n3A_841 : vector<16xf32>
      %eq3A_848 = arith.cmpf oeq, %gather3A_844, %select_n3A_841 : vector<16xf32>
      %lt3A_849 = arith.cmpi slt, %gather3A_846, %select_n3A_842 : vector<16xi32>
      %and3A_850 = arith.andi %eq3A_848, %lt3A_849 : vector<16xi1>
      %or3A_851 = arith.ori %lt3A_847, %and3A_850 : vector<16xi1>
      %select_n3A_852 = arith.select %or3A_851, %gather3A_844, %select_n3A_841 : vector<16xi1>, vector<16xf32>
      %select_n3A_853 = arith.select %or3A_851, %gather3A_846, %select_n3A_842 : vector<16xi1>, vector<16xi32>
      %gather3A_854 = vector.shape_cast %reshape3A_84 : vector<16x1xi32> to vector<16xi32>
      %gather3A_855 = tpu.dynamic_gather %select_n3A_852[%gather3A_854] in [0] : vector<16xf32>, vector<16xi32> -> vector<16xf32>
      %gather3A_856 = vector.shape_cast %reshape3A_84 : vector<16x1xi32> to vector<16xi32>
      %gather3A_857 = tpu.dynamic_gather %select_n3A_853[%gather3A_856] in [0] : vector<16xi32>, vector<16xi32> -> vector<16xi32>
      %lt3A_858 = arith.cmpf olt, %gather3A_855, %select_n3A_852 : vector<16xf32>
      %eq3A_859 = arith.cmpf oeq, %gather3A_855, %select_n3A_852 : vector<16xf32>
      %lt3A_860 = arith.cmpi slt, %gather3A_857, %select_n3A_853 : vector<16xi32>
      %and3A_861 = arith.andi %eq3A_859, %lt3A_860 : vector<16xi1>
      %or3A_862 = arith.ori %lt3A_858, %and3A_861 : vector<16xi1>
      %select_n3A_863 = arith.select %or3A_862, %gather3A_855, %select_n3A_852 : vector<16xi1>, vector<16xf32>
      %select_n3A_864 = arith.select %or3A_862, %gather3A_857, %select_n3A_853 : vector<16xi1>, vector<16xi32>
      %eq3A_865 = arith.constant 11 : i32
      %eq3A_866 = vector.broadcast %eq3A_865 : i32 to vector<16xi32>
      %eq3A_867 = arith.cmpi eq, %iota3A, %eq3A_866 : vector<16xi32>
      %select_n3A_868 = arith.select %eq3A_867, %select_n3A_863, %select_n3A_819 : vector<16xi1>, vector<16xf32>
      %select_n3A_869 = arith.select %eq3A_867, %select_n3A_864, %select_n3A_820 : vector<16xi1>, vector<16xi32>
      %gather3A_870 = vector.shape_cast %reshape3A : vector<16x1xi32> to vector<16xi32>
      %gather3A_871 = tpu.dynamic_gather %scan3A_672#4[%gather3A_870] in [0] : vector<16xf32>, vector<16xi32> -> vector<16xf32>
      %gather3A_872 = vector.shape_cast %reshape3A : vector<16x1xi32> to vector<16xi32>
      %gather3A_873 = tpu.dynamic_gather %scan3A_672#12[%gather3A_872] in [0] : vector<16xi32>, vector<16xi32> -> vector<16xi32>
      %lt3A_874 = arith.cmpf olt, %gather3A_871, %scan3A_672#4 : vector<16xf32>
      %eq3A_875 = arith.cmpf oeq, %gather3A_871, %scan3A_672#4 : vector<16xf32>
      %lt3A_876 = arith.cmpi slt, %gather3A_873, %scan3A_672#12 : vector<16xi32>
      %and3A_877 = arith.andi %eq3A_875, %lt3A_876 : vector<16xi1>
      %or3A_878 = arith.ori %lt3A_874, %and3A_877 : vector<16xi1>
      %select_n3A_879 = arith.select %or3A_878, %gather3A_871, %scan3A_672#4 : vector<16xi1>, vector<16xf32>
      %select_n3A_880 = arith.select %or3A_878, %gather3A_873, %scan3A_672#12 : vector<16xi1>, vector<16xi32>
      %gather3A_881 = vector.shape_cast %reshape3A_70 : vector<16x1xi32> to vector<16xi32>
      %gather3A_882 = tpu.dynamic_gather %select_n3A_879[%gather3A_881] in [0] : vector<16xf32>, vector<16xi32> -> vector<16xf32>
      %gather3A_883 = vector.shape_cast %reshape3A_70 : vector<16x1xi32> to vector<16xi32>
      %gather3A_884 = tpu.dynamic_gather %select_n3A_880[%gather3A_883] in [0] : vector<16xi32>, vector<16xi32> -> vector<16xi32>
      %lt3A_885 = arith.cmpf olt, %gather3A_882, %select_n3A_879 : vector<16xf32>
      %eq3A_886 = arith.cmpf oeq, %gather3A_882, %select_n3A_879 : vector<16xf32>
      %lt3A_887 = arith.cmpi slt, %gather3A_884, %select_n3A_880 : vector<16xi32>
      %and3A_888 = arith.andi %eq3A_886, %lt3A_887 : vector<16xi1>
      %or3A_889 = arith.ori %lt3A_885, %and3A_888 : vector<16xi1>
      %select_n3A_890 = arith.select %or3A_889, %gather3A_882, %select_n3A_879 : vector<16xi1>, vector<16xf32>
      %select_n3A_891 = arith.select %or3A_889, %gather3A_884, %select_n3A_880 : vector<16xi1>, vector<16xi32>
      %gather3A_892 = vector.shape_cast %reshape3A_77 : vector<16x1xi32> to vector<16xi32>
      %gather3A_893 = tpu.dynamic_gather %select_n3A_890[%gather3A_892] in [0] : vector<16xf32>, vector<16xi32> -> vector<16xf32>
      %gather3A_894 = vector.shape_cast %reshape3A_77 : vector<16x1xi32> to vector<16xi32>
      %gather3A_895 = tpu.dynamic_gather %select_n3A_891[%gather3A_894] in [0] : vector<16xi32>, vector<16xi32> -> vector<16xi32>
      %lt3A_896 = arith.cmpf olt, %gather3A_893, %select_n3A_890 : vector<16xf32>
      %eq3A_897 = arith.cmpf oeq, %gather3A_893, %select_n3A_890 : vector<16xf32>
      %lt3A_898 = arith.cmpi slt, %gather3A_895, %select_n3A_891 : vector<16xi32>
      %and3A_899 = arith.andi %eq3A_897, %lt3A_898 : vector<16xi1>
      %or3A_900 = arith.ori %lt3A_896, %and3A_899 : vector<16xi1>
      %select_n3A_901 = arith.select %or3A_900, %gather3A_893, %select_n3A_890 : vector<16xi1>, vector<16xf32>
      %select_n3A_902 = arith.select %or3A_900, %gather3A_895, %select_n3A_891 : vector<16xi1>, vector<16xi32>
      %gather3A_903 = vector.shape_cast %reshape3A_84 : vector<16x1xi32> to vector<16xi32>
      %gather3A_904 = tpu.dynamic_gather %select_n3A_901[%gather3A_903] in [0] : vector<16xf32>, vector<16xi32> -> vector<16xf32>
      %gather3A_905 = vector.shape_cast %reshape3A_84 : vector<16x1xi32> to vector<16xi32>
      %gather3A_906 = tpu.dynamic_gather %select_n3A_902[%gather3A_905] in [0] : vector<16xi32>, vector<16xi32> -> vector<16xi32>
      %lt3A_907 = arith.cmpf olt, %gather3A_904, %select_n3A_901 : vector<16xf32>
      %eq3A_908 = arith.cmpf oeq, %gather3A_904, %select_n3A_901 : vector<16xf32>
      %lt3A_909 = arith.cmpi slt, %gather3A_906, %select_n3A_902 : vector<16xi32>
      %and3A_910 = arith.andi %eq3A_908, %lt3A_909 : vector<16xi1>
      %or3A_911 = arith.ori %lt3A_907, %and3A_910 : vector<16xi1>
      %select_n3A_912 = arith.select %or3A_911, %gather3A_904, %select_n3A_901 : vector<16xi1>, vector<16xf32>
      %select_n3A_913 = arith.select %or3A_911, %gather3A_906, %select_n3A_902 : vector<16xi1>, vector<16xi32>
      %eq3A_914 = arith.constant 12 : i32
      %eq3A_915 = vector.broadcast %eq3A_914 : i32 to vector<16xi32>
      %eq3A_916 = arith.cmpi eq, %iota3A, %eq3A_915 : vector<16xi32>
      %select_n3A_917 = arith.select %eq3A_916, %select_n3A_912, %select_n3A_868 : vector<16xi1>, vector<16xf32>
      %select_n3A_918 = arith.select %eq3A_916, %select_n3A_913, %select_n3A_869 : vector<16xi1>, vector<16xi32>
      %gather3A_919 = vector.shape_cast %reshape3A : vector<16x1xi32> to vector<16xi32>
      %gather3A_920 = tpu.dynamic_gather %scan3A_672#5[%gather3A_919] in [0] : vector<16xf32>, vector<16xi32> -> vector<16xf32>
      %gather3A_921 = vector.shape_cast %reshape3A : vector<16x1xi32> to vector<16xi32>
      %gather3A_922 = tpu.dynamic_gather %scan3A_672#13[%gather3A_921] in [0] : vector<16xi32>, vector<16xi32> -> vector<16xi32>
      %lt3A_923 = arith.cmpf olt, %gather3A_920, %scan3A_672#5 : vector<16xf32>
      %eq3A_924 = arith.cmpf oeq, %gather3A_920, %scan3A_672#5 : vector<16xf32>
      %lt3A_925 = arith.cmpi slt, %gather3A_922, %scan3A_672#13 : vector<16xi32>
      %and3A_926 = arith.andi %eq3A_924, %lt3A_925 : vector<16xi1>
      %or3A_927 = arith.ori %lt3A_923, %and3A_926 : vector<16xi1>
      %select_n3A_928 = arith.select %or3A_927, %gather3A_920, %scan3A_672#5 : vector<16xi1>, vector<16xf32>
      %select_n3A_929 = arith.select %or3A_927, %gather3A_922, %scan3A_672#13 : vector<16xi1>, vector<16xi32>
      %gather3A_930 = vector.shape_cast %reshape3A_70 : vector<16x1xi32> to vector<16xi32>
      %gather3A_931 = tpu.dynamic_gather %select_n3A_928[%gather3A_930] in [0] : vector<16xf32>, vector<16xi32> -> vector<16xf32>
      %gather3A_932 = vector.shape_cast %reshape3A_70 : vector<16x1xi32> to vector<16xi32>
      %gather3A_933 = tpu.dynamic_gather %select_n3A_929[%gather3A_932] in [0] : vector<16xi32>, vector<16xi32> -> vector<16xi32>
      %lt3A_934 = arith.cmpf olt, %gather3A_931, %select_n3A_928 : vector<16xf32>
      %eq3A_935 = arith.cmpf oeq, %gather3A_931, %select_n3A_928 : vector<16xf32>
      %lt3A_936 = arith.cmpi slt, %gather3A_933, %select_n3A_929 : vector<16xi32>
      %and3A_937 = arith.andi %eq3A_935, %lt3A_936 : vector<16xi1>
      %or3A_938 = arith.ori %lt3A_934, %and3A_937 : vector<16xi1>
      %select_n3A_939 = arith.select %or3A_938, %gather3A_931, %select_n3A_928 : vector<16xi1>, vector<16xf32>
      %select_n3A_940 = arith.select %or3A_938, %gather3A_933, %select_n3A_929 : vector<16xi1>, vector<16xi32>
      %gather3A_941 = vector.shape_cast %reshape3A_77 : vector<16x1xi32> to vector<16xi32>
      %gather3A_942 = tpu.dynamic_gather %select_n3A_939[%gather3A_941] in [0] : vector<16xf32>, vector<16xi32> -> vector<16xf32>
      %gather3A_943 = vector.shape_cast %reshape3A_77 : vector<16x1xi32> to vector<16xi32>
      %gather3A_944 = tpu.dynamic_gather %select_n3A_940[%gather3A_943] in [0] : vector<16xi32>, vector<16xi32> -> vector<16xi32>
      %lt3A_945 = arith.cmpf olt, %gather3A_942, %select_n3A_939 : vector<16xf32>
      %eq3A_946 = arith.cmpf oeq, %gather3A_942, %select_n3A_939 : vector<16xf32>
      %lt3A_947 = arith.cmpi slt, %gather3A_944, %select_n3A_940 : vector<16xi32>
      %and3A_948 = arith.andi %eq3A_946, %lt3A_947 : vector<16xi1>
      %or3A_949 = arith.ori %lt3A_945, %and3A_948 : vector<16xi1>
      %select_n3A_950 = arith.select %or3A_949, %gather3A_942, %select_n3A_939 : vector<16xi1>, vector<16xf32>
      %select_n3A_951 = arith.select %or3A_949, %gather3A_944, %select_n3A_940 : vector<16xi1>, vector<16xi32>
      %gather3A_952 = vector.shape_cast %reshape3A_84 : vector<16x1xi32> to vector<16xi32>
      %gather3A_953 = tpu.dynamic_gather %select_n3A_950[%gather3A_952] in [0] : vector<16xf32>, vector<16xi32> -> vector<16xf32>
      %gather3A_954 = vector.shape_cast %reshape3A_84 : vector<16x1xi32> to vector<16xi32>
      %gather3A_955 = tpu.dynamic_gather %select_n3A_951[%gather3A_954] in [0] : vector<16xi32>, vector<16xi32> -> vector<16xi32>
      %lt3A_956 = arith.cmpf olt, %gather3A_953, %select_n3A_950 : vector<16xf32>
      %eq3A_957 = arith.cmpf oeq, %gather3A_953, %select_n3A_950 : vector<16xf32>
      %lt3A_958 = arith.cmpi slt, %gather3A_955, %select_n3A_951 : vector<16xi32>
      %and3A_959 = arith.andi %eq3A_957, %lt3A_958 : vector<16xi1>
      %or3A_960 = arith.ori %lt3A_956, %and3A_959 : vector<16xi1>
      %select_n3A_961 = arith.select %or3A_960, %gather3A_953, %select_n3A_950 : vector<16xi1>, vector<16xf32>
      %select_n3A_962 = arith.select %or3A_960, %gather3A_955, %select_n3A_951 : vector<16xi1>, vector<16xi32>
      %eq3A_963 = arith.constant 13 : i32
      %eq3A_964 = vector.broadcast %eq3A_963 : i32 to vector<16xi32>
      %eq3A_965 = arith.cmpi eq, %iota3A, %eq3A_964 : vector<16xi32>
      %select_n3A_966 = arith.select %eq3A_965, %select_n3A_961, %select_n3A_917 : vector<16xi1>, vector<16xf32>
      %select_n3A_967 = arith.select %eq3A_965, %select_n3A_962, %select_n3A_918 : vector<16xi1>, vector<16xi32>
      %gather3A_968 = vector.shape_cast %reshape3A : vector<16x1xi32> to vector<16xi32>
      %gather3A_969 = tpu.dynamic_gather %scan3A_672#6[%gather3A_968] in [0] : vector<16xf32>, vector<16xi32> -> vector<16xf32>
      %gather3A_970 = vector.shape_cast %reshape3A : vector<16x1xi32> to vector<16xi32>
      %gather3A_971 = tpu.dynamic_gather %scan3A_672#14[%gather3A_970] in [0] : vector<16xi32>, vector<16xi32> -> vector<16xi32>
      %lt3A_972 = arith.cmpf olt, %gather3A_969, %scan3A_672#6 : vector<16xf32>
      %eq3A_973 = arith.cmpf oeq, %gather3A_969, %scan3A_672#6 : vector<16xf32>
      %lt3A_974 = arith.cmpi slt, %gather3A_971, %scan3A_672#14 : vector<16xi32>
      %and3A_975 = arith.andi %eq3A_973, %lt3A_974 : vector<16xi1>
      %or3A_976 = arith.ori %lt3A_972, %and3A_975 : vector<16xi1>
      %select_n3A_977 = arith.select %or3A_976, %gather3A_969, %scan3A_672#6 : vector<16xi1>, vector<16xf32>
      %select_n3A_978 = arith.select %or3A_976, %gather3A_971, %scan3A_672#14 : vector<16xi1>, vector<16xi32>
      %gather3A_979 = vector.shape_cast %reshape3A_70 : vector<16x1xi32> to vector<16xi32>
      %gather3A_980 = tpu.dynamic_gather %select_n3A_977[%gather3A_979] in [0] : vector<16xf32>, vector<16xi32> -> vector<16xf32>
      %gather3A_981 = vector.shape_cast %reshape3A_70 : vector<16x1xi32> to vector<16xi32>
      %gather3A_982 = tpu.dynamic_gather %select_n3A_978[%gather3A_981] in [0] : vector<16xi32>, vector<16xi32> -> vector<16xi32>
      %lt3A_983 = arith.cmpf olt, %gather3A_980, %select_n3A_977 : vector<16xf32>
      %eq3A_984 = arith.cmpf oeq, %gather3A_980, %select_n3A_977 : vector<16xf32>
      %lt3A_985 = arith.cmpi slt, %gather3A_982, %select_n3A_978 : vector<16xi32>
      %and3A_986 = arith.andi %eq3A_984, %lt3A_985 : vector<16xi1>
      %or3A_987 = arith.ori %lt3A_983, %and3A_986 : vector<16xi1>
      %select_n3A_988 = arith.select %or3A_987, %gather3A_980, %select_n3A_977 : vector<16xi1>, vector<16xf32>
      %select_n3A_989 = arith.select %or3A_987, %gather3A_982, %select_n3A_978 : vector<16xi1>, vector<16xi32>
      %gather3A_990 = vector.shape_cast %reshape3A_77 : vector<16x1xi32> to vector<16xi32>
      %gather3A_991 = tpu.dynamic_gather %select_n3A_988[%gather3A_990] in [0] : vector<16xf32>, vector<16xi32> -> vector<16xf32>
      %gather3A_992 = vector.shape_cast %reshape3A_77 : vector<16x1xi32> to vector<16xi32>
      %gather3A_993 = tpu.dynamic_gather %select_n3A_989[%gather3A_992] in [0] : vector<16xi32>, vector<16xi32> -> vector<16xi32>
      %lt3A_994 = arith.cmpf olt, %gather3A_991, %select_n3A_988 : vector<16xf32>
      %eq3A_995 = arith.cmpf oeq, %gather3A_991, %select_n3A_988 : vector<16xf32>
      %lt3A_996 = arith.cmpi slt, %gather3A_993, %select_n3A_989 : vector<16xi32>
      %and3A_997 = arith.andi %eq3A_995, %lt3A_996 : vector<16xi1>
      %or3A_998 = arith.ori %lt3A_994, %and3A_997 : vector<16xi1>
      %select_n3A_999 = arith.select %or3A_998, %gather3A_991, %select_n3A_988 : vector<16xi1>, vector<16xf32>
      %select_n3A_1000 = arith.select %or3A_998, %gather3A_993, %select_n3A_989 : vector<16xi1>, vector<16xi32>
      %gather3A_1001 = vector.shape_cast %reshape3A_84 : vector<16x1xi32> to vector<16xi32>
      %gather3A_1002 = tpu.dynamic_gather %select_n3A_999[%gather3A_1001] in [0] : vector<16xf32>, vector<16xi32> -> vector<16xf32>
      %gather3A_1003 = vector.shape_cast %reshape3A_84 : vector<16x1xi32> to vector<16xi32>
      %gather3A_1004 = tpu.dynamic_gather %select_n3A_1000[%gather3A_1003] in [0] : vector<16xi32>, vector<16xi32> -> vector<16xi32>
      %lt3A_1005 = arith.cmpf olt, %gather3A_1002, %select_n3A_999 : vector<16xf32>
      %eq3A_1006 = arith.cmpf oeq, %gather3A_1002, %select_n3A_999 : vector<16xf32>
      %lt3A_1007 = arith.cmpi slt, %gather3A_1004, %select_n3A_1000 : vector<16xi32>
      %and3A_1008 = arith.andi %eq3A_1006, %lt3A_1007 : vector<16xi1>
      %or3A_1009 = arith.ori %lt3A_1005, %and3A_1008 : vector<16xi1>
      %select_n3A_1010 = arith.select %or3A_1009, %gather3A_1002, %select_n3A_999 : vector<16xi1>, vector<16xf32>
      %select_n3A_1011 = arith.select %or3A_1009, %gather3A_1004, %select_n3A_1000 : vector<16xi1>, vector<16xi32>
      %eq3A_1012 = arith.constant 14 : i32
      %eq3A_1013 = vector.broadcast %eq3A_1012 : i32 to vector<16xi32>
      %eq3A_1014 = arith.cmpi eq, %iota3A, %eq3A_1013 : vector<16xi32>
      %select_n3A_1015 = arith.select %eq3A_1014, %select_n3A_1010, %select_n3A_966 : vector<16xi1>, vector<16xf32>
      %select_n3A_1016 = arith.select %eq3A_1014, %select_n3A_1011, %select_n3A_967 : vector<16xi1>, vector<16xi32>
      %gather3A_1017 = vector.shape_cast %reshape3A : vector<16x1xi32> to vector<16xi32>
      %gather3A_1018 = tpu.dynamic_gather %scan3A_672#7[%gather3A_1017] in [0] : vector<16xf32>, vector<16xi32> -> vector<16xf32>
      %gather3A_1019 = vector.shape_cast %reshape3A : vector<16x1xi32> to vector<16xi32>
      %gather3A_1020 = tpu.dynamic_gather %scan3A_672#15[%gather3A_1019] in [0] : vector<16xi32>, vector<16xi32> -> vector<16xi32>
      %lt3A_1021 = arith.cmpf olt, %gather3A_1018, %scan3A_672#7 : vector<16xf32>
      %eq3A_1022 = arith.cmpf oeq, %gather3A_1018, %scan3A_672#7 : vector<16xf32>
      %lt3A_1023 = arith.cmpi slt, %gather3A_1020, %scan3A_672#15 : vector<16xi32>
      %and3A_1024 = arith.andi %eq3A_1022, %lt3A_1023 : vector<16xi1>
      %or3A_1025 = arith.ori %lt3A_1021, %and3A_1024 : vector<16xi1>
      %select_n3A_1026 = arith.select %or3A_1025, %gather3A_1018, %scan3A_672#7 : vector<16xi1>, vector<16xf32>
      %select_n3A_1027 = arith.select %or3A_1025, %gather3A_1020, %scan3A_672#15 : vector<16xi1>, vector<16xi32>
      %gather3A_1028 = vector.shape_cast %reshape3A_70 : vector<16x1xi32> to vector<16xi32>
      %gather3A_1029 = tpu.dynamic_gather %select_n3A_1026[%gather3A_1028] in [0] : vector<16xf32>, vector<16xi32> -> vector<16xf32>
      %gather3A_1030 = vector.shape_cast %reshape3A_70 : vector<16x1xi32> to vector<16xi32>
      %gather3A_1031 = tpu.dynamic_gather %select_n3A_1027[%gather3A_1030] in [0] : vector<16xi32>, vector<16xi32> -> vector<16xi32>
      %lt3A_1032 = arith.cmpf olt, %gather3A_1029, %select_n3A_1026 : vector<16xf32>
      %eq3A_1033 = arith.cmpf oeq, %gather3A_1029, %select_n3A_1026 : vector<16xf32>
      %lt3A_1034 = arith.cmpi slt, %gather3A_1031, %select_n3A_1027 : vector<16xi32>
      %and3A_1035 = arith.andi %eq3A_1033, %lt3A_1034 : vector<16xi1>
      %or3A_1036 = arith.ori %lt3A_1032, %and3A_1035 : vector<16xi1>
      %select_n3A_1037 = arith.select %or3A_1036, %gather3A_1029, %select_n3A_1026 : vector<16xi1>, vector<16xf32>
      %select_n3A_1038 = arith.select %or3A_1036, %gather3A_1031, %select_n3A_1027 : vector<16xi1>, vector<16xi32>
      %gather3A_1039 = vector.shape_cast %reshape3A_77 : vector<16x1xi32> to vector<16xi32>
      %gather3A_1040 = tpu.dynamic_gather %select_n3A_1037[%gather3A_1039] in [0] : vector<16xf32>, vector<16xi32> -> vector<16xf32>
      %gather3A_1041 = vector.shape_cast %reshape3A_77 : vector<16x1xi32> to vector<16xi32>
      %gather3A_1042 = tpu.dynamic_gather %select_n3A_1038[%gather3A_1041] in [0] : vector<16xi32>, vector<16xi32> -> vector<16xi32>
      %lt3A_1043 = arith.cmpf olt, %gather3A_1040, %select_n3A_1037 : vector<16xf32>
      %eq3A_1044 = arith.cmpf oeq, %gather3A_1040, %select_n3A_1037 : vector<16xf32>
      %lt3A_1045 = arith.cmpi slt, %gather3A_1042, %select_n3A_1038 : vector<16xi32>
      %and3A_1046 = arith.andi %eq3A_1044, %lt3A_1045 : vector<16xi1>
      %or3A_1047 = arith.ori %lt3A_1043, %and3A_1046 : vector<16xi1>
      %select_n3A_1048 = arith.select %or3A_1047, %gather3A_1040, %select_n3A_1037 : vector<16xi1>, vector<16xf32>
      %select_n3A_1049 = arith.select %or3A_1047, %gather3A_1042, %select_n3A_1038 : vector<16xi1>, vector<16xi32>
      %gather3A_1050 = vector.shape_cast %reshape3A_84 : vector<16x1xi32> to vector<16xi32>
      %gather3A_1051 = tpu.dynamic_gather %select_n3A_1048[%gather3A_1050] in [0] : vector<16xf32>, vector<16xi32> -> vector<16xf32>
      %gather3A_1052 = vector.shape_cast %reshape3A_84 : vector<16x1xi32> to vector<16xi32>
      %gather3A_1053 = tpu.dynamic_gather %select_n3A_1049[%gather3A_1052] in [0] : vector<16xi32>, vector<16xi32> -> vector<16xi32>
      %lt3A_1054 = arith.cmpf olt, %gather3A_1051, %select_n3A_1048 : vector<16xf32>
      %eq3A_1055 = arith.cmpf oeq, %gather3A_1051, %select_n3A_1048 : vector<16xf32>
      %lt3A_1056 = arith.cmpi slt, %gather3A_1053, %select_n3A_1049 : vector<16xi32>
      %and3A_1057 = arith.andi %eq3A_1055, %lt3A_1056 : vector<16xi1>
      %or3A_1058 = arith.ori %lt3A_1054, %and3A_1057 : vector<16xi1>
      %select_n3A_1059 = arith.select %or3A_1058, %gather3A_1051, %select_n3A_1048 : vector<16xi1>, vector<16xf32>
      %select_n3A_1060 = arith.select %or3A_1058, %gather3A_1053, %select_n3A_1049 : vector<16xi1>, vector<16xi32>
      %eq3A_1061 = arith.constant 15 : i32
      %eq3A_1062 = vector.broadcast %eq3A_1061 : i32 to vector<16xi32>
      %eq3A_1063 = arith.cmpi eq, %iota3A, %eq3A_1062 : vector<16xi32>
      %select_n3A_1064 = arith.select %eq3A_1063, %select_n3A_1059, %select_n3A_1015 : vector<16xi1>, vector<16xf32>
      %select_n3A_1065 = arith.select %eq3A_1063, %select_n3A_1060, %select_n3A_1016 : vector<16xi1>, vector<16xi32>
      %swap3A = arith.index_cast %mul3A_113 : i32 to index
      %swap3A_1066 = tpu.vector_load %arg18[%swap3A] {strides = array<i32>} : memref<128xf32, #tpu.memory_space<vmem>>, vector<16xf32>,
      %swap3A_1067 = vector.shape_cast %swap3A_1066 : vector<16xf32> to vector<16xf32>
      %swap3A_1068 = vector.shape_cast %select_n3A_1064 : vector<16xf32> to vector<16xf32>
      tpu.vector_store %arg18[%swap3A], %swap3A_1068 {strides = array<i32>} : memref<128xf32, #tpu.memory_space<vmem>>, vector<16xf32>,
      %swap3A_1069 = arith.index_cast %mul3A_113 : i32 to index
      %swap3A_1070 = tpu.vector_load %arg19[%swap3A_1069] {strides = array<i32>} : memref<128xi32, #tpu.memory_space<vmem>>, vector<16xi32>,
      %swap3A_1071 = vector.shape_cast %swap3A_1070 : vector<16xi32> to vector<16xi32>
      %swap3A_1072 = vector.shape_cast %select_n3A_1065 : vector<16xi32> to vector<16xi32>
      tpu.vector_store %arg19[%swap3A_1069], %swap3A_1072 {strides = array<i32>} : memref<128xi32, #tpu.memory_space<vmem>>, vector<16xi32>,
    }
    %scan3A_90 = arith.constant 8 : i32
    %mul3A_91 = arith.constant 1024 : i32
    %mul3A_92 = arith.muli %select_n3A, %mul3A_91 : i32
    %mul3A_93 = arith.constant 128 : i32
    %mul3A_94 = arith.muli %select_n3A_30, %mul3A_93 : i32
    %add3A_95 = arith.addi %mul3A_92, %mul3A_94 : i32
    "tpu.region"() ({
      %run_scoped3A = tpu.sem_alloc : memref<!tpu.dma_semaphore, #tpu.memory_space<semaphore_mem>>
      %dma_start3A = tpu.memref_slice %arg8[%add3A_95] : memref<4096xf32, #tpu.memory_space<hbm>> -> memref<128xf32, #tpu.memory_space<hbm>>
      %dma_start3A_111 = tpu.memref_slice %arg8[%add3A_95] : memref<4096xf32, #tpu.memory_space<hbm>> -> memref<128xf32, #tpu.memory_space<hbm>>
      tpu.enqueue_dma source(%arg18 : memref<128xf32, #tpu.memory_space<vmem>>) target(%dma_start3A_111 : memref<128xf32, #tpu.memory_space<hbm>>) target_semaphore(%run_scoped3A : memref<!tpu.dma_semaphore, #tpu.memory_space<semaphore_mem>>)
      %dma_wait3A = tpu.memref_slice %arg8[%add3A_95] : memref<4096xf32, #tpu.memory_space<hbm>> -> memref<128xf32, #tpu.memory_space<hbm>>
      %dma_wait3A_112 = tpu.memref_slice %arg8[%add3A_95] : memref<4096xf32, #tpu.memory_space<hbm>> -> memref<128xf32, #tpu.memory_space<hbm>>
      tpu.wait_dma2 semaphore(%run_scoped3A : memref<!tpu.dma_semaphore, #tpu.memory_space<semaphore_mem>>) src(%arg18 : memref<128xf32, #tpu.memory_space<vmem>>) dst(%dma_wait3A_112 : memref<128xf32, #tpu.memory_space<hbm>>)
      tpu.yield
    }) : () -> ()
    %mul3A_96 = arith.constant 1024 : i32
    %mul3A_97 = arith.muli %select_n3A, %mul3A_96 : i32
    %mul3A_98 = arith.constant 128 : i32
    %mul3A_99 = arith.muli %select_n3A_30, %mul3A_98 : i32
    %add3A_100 = arith.addi %mul3A_97, %mul3A_99 : i32
    "tpu.region"() ({
      %run_scoped3A = tpu.sem_alloc : memref<!tpu.dma_semaphore, #tpu.memory_space<semaphore_mem>>
      %dma_start3A = tpu.memref_slice %arg9[%add3A_100] : memref<4096xi32, #tpu.memory_space<hbm>> -> memref<128xi32, #tpu.memory_space<hbm>>
      %dma_start3A_111 = tpu.memref_slice %arg9[%add3A_100] : memref<4096xi32, #tpu.memory_space<hbm>> -> memref<128xi32, #tpu.memory_space<hbm>>
      tpu.enqueue_dma source(%arg19 : memref<128xi32, #tpu.memory_space<vmem>>) target(%dma_start3A_111 : memref<128xi32, #tpu.memory_space<hbm>>) target_semaphore(%run_scoped3A : memref<!tpu.dma_semaphore, #tpu.memory_space<semaphore_mem>>)
      %dma_wait3A = tpu.memref_slice %arg9[%add3A_100] : memref<4096xi32, #tpu.memory_space<hbm>> -> memref<128xi32, #tpu.memory_space<hbm>>
      %dma_wait3A_112 = tpu.memref_slice %arg9[%add3A_100] : memref<4096xi32, #tpu.memory_space<hbm>> -> memref<128xi32, #tpu.memory_space<hbm>>
      tpu.wait_dma2 semaphore(%run_scoped3A : memref<!tpu.dma_semaphore, #tpu.memory_space<semaphore_mem>>) src(%arg19 : memref<128xi32, #tpu.memory_space<vmem>>) dst(%dma_wait3A_112 : memref<128xi32, #tpu.memory_space<hbm>>)
      tpu.yield
    }) : () -> ()
    %mul3A_101 = arith.constant 8 : i32
    %mul3A_102 = arith.muli %select_n3A, %mul3A_101 : i32
    %add3A_103 = arith.addi %mul3A_102, %select_n3A_30 : i32
    %mul3A_104 = arith.constant 4096 : i32
    %mul3A_105 = arith.muli %add3A_103, %mul3A_104 : i32
    "tpu.region"() ({
      %run_scoped3A = tpu.sem_alloc : memref<!tpu.dma_semaphore, #tpu.memory_space<semaphore_mem>>
      %dma_start3A = tpu.memref_slice %arg10[%mul3A_105] : memref<131072xf32, #tpu.memory_space<hbm>> -> memref<4096xf32, #tpu.memory_space<hbm>>
      %dma_start3A_111 = tpu.memref_slice %arg10[%mul3A_105] : memref<131072xf32, #tpu.memory_space<hbm>> -> memref<4096xf32, #tpu.memory_space<hbm>>
      tpu.enqueue_dma source(%arg20 : memref<4096xf32, #tpu.memory_space<vmem>>) target(%dma_start3A_111 : memref<4096xf32, #tpu.memory_space<hbm>>) target_semaphore(%run_scoped3A : memref<!tpu.dma_semaphore, #tpu.memory_space<semaphore_mem>>)
      %dma_wait3A = tpu.memref_slice %arg10[%mul3A_105] : memref<131072xf32, #tpu.memory_space<hbm>> -> memref<4096xf32, #tpu.memory_space<hbm>>
      %dma_wait3A_112 = tpu.memref_slice %arg10[%mul3A_105] : memref<131072xf32, #tpu.memory_space<hbm>> -> memref<4096xf32, #tpu.memory_space<hbm>>
      tpu.wait_dma2 semaphore(%run_scoped3A : memref<!tpu.dma_semaphore, #tpu.memory_space<semaphore_mem>>) src(%arg20 : memref<4096xf32, #tpu.memory_space<vmem>>) dst(%dma_wait3A_112 : memref<4096xf32, #tpu.memory_space<hbm>>)
      tpu.yield
    }) : () -> ()
    %mul3A_106 = arith.constant 8 : i32
    %mul3A_107 = arith.muli %select_n3A, %mul3A_106 : i32
    %add3A_108 = arith.addi %mul3A_107, %select_n3A_30 : i32
    %mul3A_109 = arith.constant 4096 : i32
    %mul3A_110 = arith.muli %add3A_108, %mul3A_109 : i32
    "tpu.region"() ({
      %run_scoped3A = tpu.sem_alloc : memref<!tpu.dma_semaphore, #tpu.memory_space<semaphore_mem>>
      %dma_start3A = tpu.memref_slice %arg11[%mul3A_110] : memref<131072xi32, #tpu.memory_space<hbm>> -> memref<4096xi32, #tpu.memory_space<hbm>>
      %dma_start3A_111 = tpu.memref_slice %arg11[%mul3A_110] : memref<131072xi32, #tpu.memory_space<hbm>> -> memref<4096xi32, #tpu.memory_space<hbm>>
      tpu.enqueue_dma source(%arg21 : memref<4096xi32, #tpu.memory_space<vmem>>) target(%dma_start3A_111 : memref<4096xi32, #tpu.memory_space<hbm>>) target_semaphore(%run_scoped3A : memref<!tpu.dma_semaphore, #tpu.memory_space<semaphore_mem>>)
      %dma_wait3A = tpu.memref_slice %arg11[%mul3A_110] : memref<131072xi32, #tpu.memory_space<hbm>> -> memref<4096xi32, #tpu.memory_space<hbm>>
      %dma_wait3A_112 = tpu.memref_slice %arg11[%mul3A_110] : memref<131072xi32, #tpu.memory_space<hbm>> -> memref<4096xi32, #tpu.memory_space<hbm>>
      tpu.wait_dma2 semaphore(%run_scoped3A : memref<!tpu.dma_semaphore, #tpu.memory_space<semaphore_mem>>) src(%arg21 : memref<4096xi32, #tpu.memory_space<vmem>>) dst(%dma_wait3A_112 : memref<4096xi32, #tpu.memory_space<hbm>>)
      tpu.yield
    }) : () -> ()
    return
  }
}

module attributes {stable_mosaic.version = 14 : i64} {
  func.func @_merge_block(%arg0: memref<24x1x512xf32, #tpu.memory_space<vmem>>, %arg1: memref<24x1x512xi32, #tpu.memory_space<vmem>>, %arg2: memref<4096xf32, #tpu.memory_space<vmem>>, %arg3: memref<4096xi32, #tpu.memory_space<vmem>>, %arg4: memref<4x1x4096xf32, #tpu.memory_space<vmem>>, %arg5: memref<4x1x4096xi32, #tpu.memory_space<vmem>>, %arg6: memref<131072xf32, #tpu.memory_space<vmem>>, %arg7: memref<131072xi32, #tpu.memory_space<vmem>>, %arg8: memref<4x4096xf32, #tpu.memory_space<vmem>>, %arg9: memref<4x4096xi32, #tpu.memory_space<vmem>>, %arg10: memref<4x4096xf32, #tpu.memory_space<vmem>>, %arg11: memref<4x4096xi32, #tpu.memory_space<vmem>>) attributes {dimension_semantics = [], scalar_prefetch = 0 : i64, scratch_operands = 0 : i64, tpu.core_type = #tpu.core_type<tc>} {
    %get3A = arith.constant 0 : index
    %get3A_0 = arith.constant 0 : index
    %get3A_1 = arith.constant 0 : index
    %get3A_2 = vector.load %arg4[%get3A, %get3A_0, %get3A_1] : memref<4x1x4096xf32, #tpu.memory_space<vmem>>, vector<1x1x4096xf32>
    %get3A_3 = vector.shape_cast %get3A_2 : vector<1x1x4096xf32> to vector<1x4096xf32>
    %get3A_4 = arith.constant 0 : index
    %get3A_5 = arith.constant 0 : index
    %get3A_6 = arith.constant 0 : index
    %get3A_7 = vector.load %arg5[%get3A_4, %get3A_5, %get3A_6] : memref<4x1x4096xi32, #tpu.memory_space<vmem>>, vector<1x1x4096xi32>
    %get3A_8 = vector.shape_cast %get3A_7 : vector<1x1x4096xi32> to vector<1x4096xi32>
    %get3A_9 = arith.constant 0 : index
    %get3A_10 = vector.load %arg6[%get3A_9] : memref<131072xf32, #tpu.memory_space<vmem>>, vector<4096xf32>
    %reshape3A = vector.shape_cast %get3A_10 : vector<4096xf32> to vector<1x4096xf32>
    %get3A_11 = arith.constant 0 : index
    %get3A_12 = vector.load %arg7[%get3A_11] : memref<131072xi32, #tpu.memory_space<vmem>>, vector<4096xi32>
    %reshape3A_13 = vector.shape_cast %get3A_12 : vector<4096xi32> to vector<1x4096xi32>
    %lt3A = arith.cmpf olt, %reshape3A, %get3A_3 : vector<1x4096xf32>
    %select_n3A = arith.select %lt3A, %reshape3A, %get3A_3 : vector<1x4096xi1>, vector<1x4096xf32>
    %select_n3A_14 = arith.select %lt3A, %reshape3A_13, %get3A_8 : vector<1x4096xi1>, vector<1x4096xi32>
    %get3A_15 = arith.constant 4096 : index
    %get3A_16 = vector.load %arg6[%get3A_15] : memref<131072xf32, #tpu.memory_space<vmem>>, vector<4096xf32>
    %reshape3A_17 = vector.shape_cast %get3A_16 : vector<4096xf32> to vector<1x4096xf32>
    %get3A_18 = arith.constant 4096 : index
    %get3A_19 = vector.load %arg7[%get3A_18] : memref<131072xi32, #tpu.memory_space<vmem>>, vector<4096xi32>
    %reshape3A_20 = vector.shape_cast %get3A_19 : vector<4096xi32> to vector<1x4096xi32>
    %lt3A_21 = arith.cmpf olt, %reshape3A_17, %select_n3A : vector<1x4096xf32>
    %select_n3A_22 = arith.select %lt3A_21, %reshape3A_17, %select_n3A : vector<1x4096xi1>, vector<1x4096xf32>
    %select_n3A_23 = arith.select %lt3A_21, %reshape3A_20, %select_n3A_14 : vector<1x4096xi1>, vector<1x4096xi32>
    %get3A_24 = arith.constant 8192 : index
    %get3A_25 = vector.load %arg6[%get3A_24] : memref<131072xf32, #tpu.memory_space<vmem>>, vector<4096xf32>
    %reshape3A_26 = vector.shape_cast %get3A_25 : vector<4096xf32> to vector<1x4096xf32>
    %get3A_27 = arith.constant 8192 : index
    %get3A_28 = vector.load %arg7[%get3A_27] : memref<131072xi32, #tpu.memory_space<vmem>>, vector<4096xi32>
    %reshape3A_29 = vector.shape_cast %get3A_28 : vector<4096xi32> to vector<1x4096xi32>
    %lt3A_30 = arith.cmpf olt, %reshape3A_26, %select_n3A_22 : vector<1x4096xf32>
    %select_n3A_31 = arith.select %lt3A_30, %reshape3A_26, %select_n3A_22 : vector<1x4096xi1>, vector<1x4096xf32>
    %select_n3A_32 = arith.select %lt3A_30, %reshape3A_29, %select_n3A_23 : vector<1x4096xi1>, vector<1x4096xi32>
    %get3A_33 = arith.constant 12288 : index
    %get3A_34 = vector.load %arg6[%get3A_33] : memref<131072xf32, #tpu.memory_space<vmem>>, vector<4096xf32>
    %reshape3A_35 = vector.shape_cast %get3A_34 : vector<4096xf32> to vector<1x4096xf32>
    %get3A_36 = arith.constant 12288 : index
    %get3A_37 = vector.load %arg7[%get3A_36] : memref<131072xi32, #tpu.memory_space<vmem>>, vector<4096xi32>
    %reshape3A_38 = vector.shape_cast %get3A_37 : vector<4096xi32> to vector<1x4096xi32>
    %lt3A_39 = arith.cmpf olt, %reshape3A_35, %select_n3A_31 : vector<1x4096xf32>
    %select_n3A_40 = arith.select %lt3A_39, %reshape3A_35, %select_n3A_31 : vector<1x4096xi1>, vector<1x4096xf32>
    %select_n3A_41 = arith.select %lt3A_39, %reshape3A_38, %select_n3A_32 : vector<1x4096xi1>, vector<1x4096xi32>
    %get3A_42 = arith.constant 16384 : index
    %get3A_43 = vector.load %arg6[%get3A_42] : memref<131072xf32, #tpu.memory_space<vmem>>, vector<4096xf32>
    %reshape3A_44 = vector.shape_cast %get3A_43 : vector<4096xf32> to vector<1x4096xf32>
    %get3A_45 = arith.constant 16384 : index
    %get3A_46 = vector.load %arg7[%get3A_45] : memref<131072xi32, #tpu.memory_space<vmem>>, vector<4096xi32>
    %reshape3A_47 = vector.shape_cast %get3A_46 : vector<4096xi32> to vector<1x4096xi32>
    %lt3A_48 = arith.cmpf olt, %reshape3A_44, %select_n3A_40 : vector<1x4096xf32>
    %select_n3A_49 = arith.select %lt3A_48, %reshape3A_44, %select_n3A_40 : vector<1x4096xi1>, vector<1x4096xf32>
    %select_n3A_50 = arith.select %lt3A_48, %reshape3A_47, %select_n3A_41 : vector<1x4096xi1>, vector<1x4096xi32>
    %get3A_51 = arith.constant 20480 : index
    %get3A_52 = vector.load %arg6[%get3A_51] : memref<131072xf32, #tpu.memory_space<vmem>>, vector<4096xf32>
    %reshape3A_53 = vector.shape_cast %get3A_52 : vector<4096xf32> to vector<1x4096xf32>
    %get3A_54 = arith.constant 20480 : index
    %get3A_55 = vector.load %arg7[%get3A_54] : memref<131072xi32, #tpu.memory_space<vmem>>, vector<4096xi32>
    %reshape3A_56 = vector.shape_cast %get3A_55 : vector<4096xi32> to vector<1x4096xi32>
    %lt3A_57 = arith.cmpf olt, %reshape3A_53, %select_n3A_49 : vector<1x4096xf32>
    %select_n3A_58 = arith.select %lt3A_57, %reshape3A_53, %select_n3A_49 : vector<1x4096xi1>, vector<1x4096xf32>
    %select_n3A_59 = arith.select %lt3A_57, %reshape3A_56, %select_n3A_50 : vector<1x4096xi1>, vector<1x4096xi32>
    %get3A_60 = arith.constant 24576 : index
    %get3A_61 = vector.load %arg6[%get3A_60] : memref<131072xf32, #tpu.memory_space<vmem>>, vector<4096xf32>
    %reshape3A_62 = vector.shape_cast %get3A_61 : vector<4096xf32> to vector<1x4096xf32>
    %get3A_63 = arith.constant 24576 : index
    %get3A_64 = vector.load %arg7[%get3A_63] : memref<131072xi32, #tpu.memory_space<vmem>>, vector<4096xi32>
    %reshape3A_65 = vector.shape_cast %get3A_64 : vector<4096xi32> to vector<1x4096xi32>
    %lt3A_66 = arith.cmpf olt, %reshape3A_62, %select_n3A_58 : vector<1x4096xf32>
    %select_n3A_67 = arith.select %lt3A_66, %reshape3A_62, %select_n3A_58 : vector<1x4096xi1>, vector<1x4096xf32>
    %select_n3A_68 = arith.select %lt3A_66, %reshape3A_65, %select_n3A_59 : vector<1x4096xi1>, vector<1x4096xi32>
    %get3A_69 = arith.constant 28672 : index
    %get3A_70 = vector.load %arg6[%get3A_69] : memref<131072xf32, #tpu.memory_space<vmem>>, vector<4096xf32>
    %reshape3A_71 = vector.shape_cast %get3A_70 : vector<4096xf32> to vector<1x4096xf32>
    %get3A_72 = arith.constant 28672 : index
    %get3A_73 = vector.load %arg7[%get3A_72] : memref<131072xi32, #tpu.memory_space<vmem>>, vector<4096xi32>
    %reshape3A_74 = vector.shape_cast %get3A_73 : vector<4096xi32> to vector<1x4096xi32>
    %lt3A_75 = arith.cmpf olt, %reshape3A_71, %select_n3A_67 : vector<1x4096xf32>
    %select_n3A_76 = arith.select %lt3A_75, %reshape3A_71, %select_n3A_67 : vector<1x4096xi1>, vector<1x4096xf32>
    %select_n3A_77 = arith.select %lt3A_75, %reshape3A_74, %select_n3A_68 : vector<1x4096xi1>, vector<1x4096xi32>
    %swap3A = arith.constant 0 : index
    %swap3A_78 = arith.constant 0 : index
    %swap3A_79 = vector.load %arg10[%swap3A, %swap3A_78] : memref<4x4096xf32, #tpu.memory_space<vmem>>, vector<1x4096xf32>
    tpu.vector_store %arg10[%swap3A, %swap3A_78], %select_n3A_76 {strides = array<i32>} : memref<4x4096xf32, #tpu.memory_space<vmem>>, vector<1x4096xf32>,
    %swap3A_80 = arith.constant 0 : index
    %swap3A_81 = arith.constant 0 : index
    %swap3A_82 = vector.load %arg11[%swap3A_80, %swap3A_81] : memref<4x4096xi32, #tpu.memory_space<vmem>>, vector<1x4096xi32>
    tpu.vector_store %arg11[%swap3A_80, %swap3A_81], %select_n3A_77 {strides = array<i32>} : memref<4x4096xi32, #tpu.memory_space<vmem>>, vector<1x4096xi32>,
    %get3A_83 = arith.constant 0 : index
    %get3A_84 = arith.constant 0 : index
    %get3A_85 = arith.constant 0 : index
    %get3A_86 = vector.load %arg0[%get3A_83, %get3A_84, %get3A_85] : memref<24x1x512xf32, #tpu.memory_space<vmem>>, vector<1x1x512xf32>
    %get3A_87 = vector.shape_cast %get3A_86 : vector<1x1x512xf32> to vector<1x512xf32>
    %swap3A_88 = arith.constant 0 : index
    %swap3A_89 = arith.constant 0 : index
    %swap3A_90 = vector.load %arg8[%swap3A_88, %swap3A_89] : memref<4x4096xf32, #tpu.memory_space<vmem>>, vector<1x512xf32>
    tpu.vector_store %arg8[%swap3A_88, %swap3A_89], %get3A_87 {strides = array<i32>} : memref<4x4096xf32, #tpu.memory_space<vmem>>, vector<1x512xf32>,
    %get3A_91 = arith.constant 0 : index
    %get3A_92 = arith.constant 0 : index
    %get3A_93 = arith.constant 0 : index
    %get3A_94 = vector.load %arg1[%get3A_91, %get3A_92, %get3A_93] : memref<24x1x512xi32, #tpu.memory_space<vmem>>, vector<1x1x512xi32>
    %get3A_95 = vector.shape_cast %get3A_94 : vector<1x1x512xi32> to vector<1x512xi32>
    %swap3A_96 = arith.constant 0 : index
    %swap3A_97 = arith.constant 0 : index
    %swap3A_98 = vector.load %arg9[%swap3A_96, %swap3A_97] : memref<4x4096xi32, #tpu.memory_space<vmem>>, vector<1x512xi32>
    tpu.vector_store %arg9[%swap3A_96, %swap3A_97], %get3A_95 {strides = array<i32>} : memref<4x4096xi32, #tpu.memory_space<vmem>>, vector<1x512xi32>,
    %get3A_99 = arith.constant 1 : index
    %get3A_100 = arith.constant 0 : index
    %get3A_101 = arith.constant 0 : index
    %get3A_102 = vector.load %arg0[%get3A_99, %get3A_100, %get3A_101] : memref<24x1x512xf32, #tpu.memory_space<vmem>>, vector<1x1x512xf32>
    %get3A_103 = vector.shape_cast %get3A_102 : vector<1x1x512xf32> to vector<1x512xf32>
    %swap3A_104 = arith.constant 0 : index
    %swap3A_105 = arith.constant 512 : index
    %swap3A_106 = vector.load %arg8[%swap3A_104, %swap3A_105] : memref<4x4096xf32, #tpu.memory_space<vmem>>, vector<1x512xf32>
    tpu.vector_store %arg8[%swap3A_104, %swap3A_105], %get3A_103 {strides = array<i32>} : memref<4x4096xf32, #tpu.memory_space<vmem>>, vector<1x512xf32>,
    %get3A_107 = arith.constant 1 : index
    %get3A_108 = arith.constant 0 : index
    %get3A_109 = arith.constant 0 : index
    %get3A_110 = vector.load %arg1[%get3A_107, %get3A_108, %get3A_109] : memref<24x1x512xi32, #tpu.memory_space<vmem>>, vector<1x1x512xi32>
    %get3A_111 = vector.shape_cast %get3A_110 : vector<1x1x512xi32> to vector<1x512xi32>
    %swap3A_112 = arith.constant 0 : index
    %swap3A_113 = arith.constant 512 : index
    %swap3A_114 = vector.load %arg9[%swap3A_112, %swap3A_113] : memref<4x4096xi32, #tpu.memory_space<vmem>>, vector<1x512xi32>
    tpu.vector_store %arg9[%swap3A_112, %swap3A_113], %get3A_111 {strides = array<i32>} : memref<4x4096xi32, #tpu.memory_space<vmem>>, vector<1x512xi32>,
    %get3A_115 = arith.constant 2 : index
    %get3A_116 = arith.constant 0 : index
    %get3A_117 = arith.constant 0 : index
    %get3A_118 = vector.load %arg0[%get3A_115, %get3A_116, %get3A_117] : memref<24x1x512xf32, #tpu.memory_space<vmem>>, vector<1x1x512xf32>
    %get3A_119 = vector.shape_cast %get3A_118 : vector<1x1x512xf32> to vector<1x512xf32>
    %swap3A_120 = arith.constant 0 : index
    %swap3A_121 = arith.constant 1024 : index
    %swap3A_122 = vector.load %arg8[%swap3A_120, %swap3A_121] : memref<4x4096xf32, #tpu.memory_space<vmem>>, vector<1x512xf32>
    tpu.vector_store %arg8[%swap3A_120, %swap3A_121], %get3A_119 {strides = array<i32>} : memref<4x4096xf32, #tpu.memory_space<vmem>>, vector<1x512xf32>,
    %get3A_123 = arith.constant 2 : index
    %get3A_124 = arith.constant 0 : index
    %get3A_125 = arith.constant 0 : index
    %get3A_126 = vector.load %arg1[%get3A_123, %get3A_124, %get3A_125] : memref<24x1x512xi32, #tpu.memory_space<vmem>>, vector<1x1x512xi32>
    %get3A_127 = vector.shape_cast %get3A_126 : vector<1x1x512xi32> to vector<1x512xi32>
    %swap3A_128 = arith.constant 0 : index
    %swap3A_129 = arith.constant 1024 : index
    %swap3A_130 = vector.load %arg9[%swap3A_128, %swap3A_129] : memref<4x4096xi32, #tpu.memory_space<vmem>>, vector<1x512xi32>
    tpu.vector_store %arg9[%swap3A_128, %swap3A_129], %get3A_127 {strides = array<i32>} : memref<4x4096xi32, #tpu.memory_space<vmem>>, vector<1x512xi32>,
    %get3A_131 = arith.constant 3 : index
    %get3A_132 = arith.constant 0 : index
    %get3A_133 = arith.constant 0 : index
    %get3A_134 = vector.load %arg0[%get3A_131, %get3A_132, %get3A_133] : memref<24x1x512xf32, #tpu.memory_space<vmem>>, vector<1x1x512xf32>
    %get3A_135 = vector.shape_cast %get3A_134 : vector<1x1x512xf32> to vector<1x512xf32>
    %swap3A_136 = arith.constant 0 : index
    %swap3A_137 = arith.constant 1536 : index
    %swap3A_138 = vector.load %arg8[%swap3A_136, %swap3A_137] : memref<4x4096xf32, #tpu.memory_space<vmem>>, vector<1x512xf32>
    tpu.vector_store %arg8[%swap3A_136, %swap3A_137], %get3A_135 {strides = array<i32>} : memref<4x4096xf32, #tpu.memory_space<vmem>>, vector<1x512xf32>,
    %get3A_139 = arith.constant 3 : index
    %get3A_140 = arith.constant 0 : index
    %get3A_141 = arith.constant 0 : index
    %get3A_142 = vector.load %arg1[%get3A_139, %get3A_140, %get3A_141] : memref<24x1x512xi32, #tpu.memory_space<vmem>>, vector<1x1x512xi32>
    %get3A_143 = vector.shape_cast %get3A_142 : vector<1x1x512xi32> to vector<1x512xi32>
    %swap3A_144 = arith.constant 0 : index
    %swap3A_145 = arith.constant 1536 : index
    %swap3A_146 = vector.load %arg9[%swap3A_144, %swap3A_145] : memref<4x4096xi32, #tpu.memory_space<vmem>>, vector<1x512xi32>
    tpu.vector_store %arg9[%swap3A_144, %swap3A_145], %get3A_143 {strides = array<i32>} : memref<4x4096xi32, #tpu.memory_space<vmem>>, vector<1x512xi32>,
    %get3A_147 = arith.constant 4 : index
    %get3A_148 = arith.constant 0 : index
    %get3A_149 = arith.constant 0 : index
    %get3A_150 = vector.load %arg0[%get3A_147, %get3A_148, %get3A_149] : memref<24x1x512xf32, #tpu.memory_space<vmem>>, vector<1x1x512xf32>
    %get3A_151 = vector.shape_cast %get3A_150 : vector<1x1x512xf32> to vector<1x512xf32>
    %swap3A_152 = arith.constant 0 : index
    %swap3A_153 = arith.constant 2048 : index
    %swap3A_154 = vector.load %arg8[%swap3A_152, %swap3A_153] : memref<4x4096xf32, #tpu.memory_space<vmem>>, vector<1x512xf32>
    tpu.vector_store %arg8[%swap3A_152, %swap3A_153], %get3A_151 {strides = array<i32>} : memref<4x4096xf32, #tpu.memory_space<vmem>>, vector<1x512xf32>,
    %get3A_155 = arith.constant 4 : index
    %get3A_156 = arith.constant 0 : index
    %get3A_157 = arith.constant 0 : index
    %get3A_158 = vector.load %arg1[%get3A_155, %get3A_156, %get3A_157] : memref<24x1x512xi32, #tpu.memory_space<vmem>>, vector<1x1x512xi32>
    %get3A_159 = vector.shape_cast %get3A_158 : vector<1x1x512xi32> to vector<1x512xi32>
    %swap3A_160 = arith.constant 0 : index
    %swap3A_161 = arith.constant 2048 : index
    %swap3A_162 = vector.load %arg9[%swap3A_160, %swap3A_161] : memref<4x4096xi32, #tpu.memory_space<vmem>>, vector<1x512xi32>
    tpu.vector_store %arg9[%swap3A_160, %swap3A_161], %get3A_159 {strides = array<i32>} : memref<4x4096xi32, #tpu.memory_space<vmem>>, vector<1x512xi32>,
    %get3A_163 = arith.constant 5 : index
    %get3A_164 = arith.constant 0 : index
    %get3A_165 = arith.constant 0 : index
    %get3A_166 = vector.load %arg0[%get3A_163, %get3A_164, %get3A_165] : memref<24x1x512xf32, #tpu.memory_space<vmem>>, vector<1x1x512xf32>
    %get3A_167 = vector.shape_cast %get3A_166 : vector<1x1x512xf32> to vector<1x512xf32>
    %swap3A_168 = arith.constant 0 : index
    %swap3A_169 = arith.constant 2560 : index
    %swap3A_170 = vector.load %arg8[%swap3A_168, %swap3A_169] : memref<4x4096xf32, #tpu.memory_space<vmem>>, vector<1x512xf32>
    tpu.vector_store %arg8[%swap3A_168, %swap3A_169], %get3A_167 {strides = array<i32>} : memref<4x4096xf32, #tpu.memory_space<vmem>>, vector<1x512xf32>,
    %get3A_171 = arith.constant 5 : index
    %get3A_172 = arith.constant 0 : index
    %get3A_173 = arith.constant 0 : index
    %get3A_174 = vector.load %arg1[%get3A_171, %get3A_172, %get3A_173] : memref<24x1x512xi32, #tpu.memory_space<vmem>>, vector<1x1x512xi32>
    %get3A_175 = vector.shape_cast %get3A_174 : vector<1x1x512xi32> to vector<1x512xi32>
    %swap3A_176 = arith.constant 0 : index
    %swap3A_177 = arith.constant 2560 : index
    %swap3A_178 = vector.load %arg9[%swap3A_176, %swap3A_177] : memref<4x4096xi32, #tpu.memory_space<vmem>>, vector<1x512xi32>
    tpu.vector_store %arg9[%swap3A_176, %swap3A_177], %get3A_175 {strides = array<i32>} : memref<4x4096xi32, #tpu.memory_space<vmem>>, vector<1x512xi32>,
    %get3A_179 = arith.constant 0 : index
    %get3A_180 = vector.load %arg2[%get3A_179] : memref<4096xf32, #tpu.memory_space<vmem>>, vector<1024xf32>
    %reshape3A_181 = vector.shape_cast %get3A_180 : vector<1024xf32> to vector<1x1024xf32>
    %swap3A_182 = arith.constant 0 : index
    %swap3A_183 = arith.constant 3072 : index
    %swap3A_184 = vector.load %arg8[%swap3A_182, %swap3A_183] : memref<4x4096xf32, #tpu.memory_space<vmem>>, vector<1x1024xf32>
    tpu.vector_store %arg8[%swap3A_182, %swap3A_183], %reshape3A_181 {strides = array<i32>} : memref<4x4096xf32, #tpu.memory_space<vmem>>, vector<1x1024xf32>,
    %get3A_185 = arith.constant 0 : index
    %get3A_186 = vector.load %arg3[%get3A_185] : memref<4096xi32, #tpu.memory_space<vmem>>, vector<1024xi32>
    %reshape3A_187 = vector.shape_cast %get3A_186 : vector<1024xi32> to vector<1x1024xi32>
    %swap3A_188 = arith.constant 0 : index
    %swap3A_189 = arith.constant 3072 : index
    %swap3A_190 = vector.load %arg9[%swap3A_188, %swap3A_189] : memref<4x4096xi32, #tpu.memory_space<vmem>>, vector<1x1024xi32>
    tpu.vector_store %arg9[%swap3A_188, %swap3A_189], %reshape3A_187 {strides = array<i32>} : memref<4x4096xi32, #tpu.memory_space<vmem>>, vector<1x1024xi32>,
    %get3A_191 = arith.constant 1 : index
    %get3A_192 = arith.constant 0 : index
    %get3A_193 = arith.constant 0 : index
    %get3A_194 = vector.load %arg4[%get3A_191, %get3A_192, %get3A_193] : memref<4x1x4096xf32, #tpu.memory_space<vmem>>, vector<1x1x4096xf32>
    %get3A_195 = vector.shape_cast %get3A_194 : vector<1x1x4096xf32> to vector<1x4096xf32>
    %get3A_196 = arith.constant 1 : index
    %get3A_197 = arith.constant 0 : index
    %get3A_198 = arith.constant 0 : index
    %get3A_199 = vector.load %arg5[%get3A_196, %get3A_197, %get3A_198] : memref<4x1x4096xi32, #tpu.memory_space<vmem>>, vector<1x1x4096xi32>
    %get3A_200 = vector.shape_cast %get3A_199 : vector<1x1x4096xi32> to vector<1x4096xi32>
    %get3A_201 = arith.constant 32768 : index
    %get3A_202 = vector.load %arg6[%get3A_201] : memref<131072xf32, #tpu.memory_space<vmem>>, vector<4096xf32>
    %reshape3A_203 = vector.shape_cast %get3A_202 : vector<4096xf32> to vector<1x4096xf32>
    %get3A_204 = arith.constant 32768 : index
    %get3A_205 = vector.load %arg7[%get3A_204] : memref<131072xi32, #tpu.memory_space<vmem>>, vector<4096xi32>
    %reshape3A_206 = vector.shape_cast %get3A_205 : vector<4096xi32> to vector<1x4096xi32>
    %lt3A_207 = arith.cmpf olt, %reshape3A_203, %get3A_195 : vector<1x4096xf32>
    %select_n3A_208 = arith.select %lt3A_207, %reshape3A_203, %get3A_195 : vector<1x4096xi1>, vector<1x4096xf32>
    %select_n3A_209 = arith.select %lt3A_207, %reshape3A_206, %get3A_200 : vector<1x4096xi1>, vector<1x4096xi32>
    %get3A_210 = arith.constant 36864 : index
    %get3A_211 = vector.load %arg6[%get3A_210] : memref<131072xf32, #tpu.memory_space<vmem>>, vector<4096xf32>
    %reshape3A_212 = vector.shape_cast %get3A_211 : vector<4096xf32> to vector<1x4096xf32>
    %get3A_213 = arith.constant 36864 : index
    %get3A_214 = vector.load %arg7[%get3A_213] : memref<131072xi32, #tpu.memory_space<vmem>>, vector<4096xi32>
    %reshape3A_215 = vector.shape_cast %get3A_214 : vector<4096xi32> to vector<1x4096xi32>
    %lt3A_216 = arith.cmpf olt, %reshape3A_212, %select_n3A_208 : vector<1x4096xf32>
    %select_n3A_217 = arith.select %lt3A_216, %reshape3A_212, %select_n3A_208 : vector<1x4096xi1>, vector<1x4096xf32>
    %select_n3A_218 = arith.select %lt3A_216, %reshape3A_215, %select_n3A_209 : vector<1x4096xi1>, vector<1x4096xi32>
    %get3A_219 = arith.constant 40960 : index
    %get3A_220 = vector.load %arg6[%get3A_219] : memref<131072xf32, #tpu.memory_space<vmem>>, vector<4096xf32>
    %reshape3A_221 = vector.shape_cast %get3A_220 : vector<4096xf32> to vector<1x4096xf32>
    %get3A_222 = arith.constant 40960 : index
    %get3A_223 = vector.load %arg7[%get3A_222] : memref<131072xi32, #tpu.memory_space<vmem>>, vector<4096xi32>
    %reshape3A_224 = vector.shape_cast %get3A_223 : vector<4096xi32> to vector<1x4096xi32>
    %lt3A_225 = arith.cmpf olt, %reshape3A_221, %select_n3A_217 : vector<1x4096xf32>
    %select_n3A_226 = arith.select %lt3A_225, %reshape3A_221, %select_n3A_217 : vector<1x4096xi1>, vector<1x4096xf32>
    %select_n3A_227 = arith.select %lt3A_225, %reshape3A_224, %select_n3A_218 : vector<1x4096xi1>, vector<1x4096xi32>
    %get3A_228 = arith.constant 45056 : index
    %get3A_229 = vector.load %arg6[%get3A_228] : memref<131072xf32, #tpu.memory_space<vmem>>, vector<4096xf32>
    %reshape3A_230 = vector.shape_cast %get3A_229 : vector<4096xf32> to vector<1x4096xf32>
    %get3A_231 = arith.constant 45056 : index
    %get3A_232 = vector.load %arg7[%get3A_231] : memref<131072xi32, #tpu.memory_space<vmem>>, vector<4096xi32>
    %reshape3A_233 = vector.shape_cast %get3A_232 : vector<4096xi32> to vector<1x4096xi32>
    %lt3A_234 = arith.cmpf olt, %reshape3A_230, %select_n3A_226 : vector<1x4096xf32>
    %select_n3A_235 = arith.select %lt3A_234, %reshape3A_230, %select_n3A_226 : vector<1x4096xi1>, vector<1x4096xf32>
    %select_n3A_236 = arith.select %lt3A_234, %reshape3A_233, %select_n3A_227 : vector<1x4096xi1>, vector<1x4096xi32>
    %get3A_237 = arith.constant 49152 : index
    %get3A_238 = vector.load %arg6[%get3A_237] : memref<131072xf32, #tpu.memory_space<vmem>>, vector<4096xf32>
    %reshape3A_239 = vector.shape_cast %get3A_238 : vector<4096xf32> to vector<1x4096xf32>
    %get3A_240 = arith.constant 49152 : index
    %get3A_241 = vector.load %arg7[%get3A_240] : memref<131072xi32, #tpu.memory_space<vmem>>, vector<4096xi32>
    %reshape3A_242 = vector.shape_cast %get3A_241 : vector<4096xi32> to vector<1x4096xi32>
    %lt3A_243 = arith.cmpf olt, %reshape3A_239, %select_n3A_235 : vector<1x4096xf32>
    %select_n3A_244 = arith.select %lt3A_243, %reshape3A_239, %select_n3A_235 : vector<1x4096xi1>, vector<1x4096xf32>
    %select_n3A_245 = arith.select %lt3A_243, %reshape3A_242, %select_n3A_236 : vector<1x4096xi1>, vector<1x4096xi32>
    %get3A_246 = arith.constant 53248 : index
    %get3A_247 = vector.load %arg6[%get3A_246] : memref<131072xf32, #tpu.memory_space<vmem>>, vector<4096xf32>
    %reshape3A_248 = vector.shape_cast %get3A_247 : vector<4096xf32> to vector<1x4096xf32>
    %get3A_249 = arith.constant 53248 : index
    %get3A_250 = vector.load %arg7[%get3A_249] : memref<131072xi32, #tpu.memory_space<vmem>>, vector<4096xi32>
    %reshape3A_251 = vector.shape_cast %get3A_250 : vector<4096xi32> to vector<1x4096xi32>
    %lt3A_252 = arith.cmpf olt, %reshape3A_248, %select_n3A_244 : vector<1x4096xf32>
    %select_n3A_253 = arith.select %lt3A_252, %reshape3A_248, %select_n3A_244 : vector<1x4096xi1>, vector<1x4096xf32>
    %select_n3A_254 = arith.select %lt3A_252, %reshape3A_251, %select_n3A_245 : vector<1x4096xi1>, vector<1x4096xi32>
    %get3A_255 = arith.constant 57344 : index
    %get3A_256 = vector.load %arg6[%get3A_255] : memref<131072xf32, #tpu.memory_space<vmem>>, vector<4096xf32>
    %reshape3A_257 = vector.shape_cast %get3A_256 : vector<4096xf32> to vector<1x4096xf32>
    %get3A_258 = arith.constant 57344 : index
    %get3A_259 = vector.load %arg7[%get3A_258] : memref<131072xi32, #tpu.memory_space<vmem>>, vector<4096xi32>
    %reshape3A_260 = vector.shape_cast %get3A_259 : vector<4096xi32> to vector<1x4096xi32>
    %lt3A_261 = arith.cmpf olt, %reshape3A_257, %select_n3A_253 : vector<1x4096xf32>
    %select_n3A_262 = arith.select %lt3A_261, %reshape3A_257, %select_n3A_253 : vector<1x4096xi1>, vector<1x4096xf32>
    %select_n3A_263 = arith.select %lt3A_261, %reshape3A_260, %select_n3A_254 : vector<1x4096xi1>, vector<1x4096xi32>
    %get3A_264 = arith.constant 61440 : index
    %get3A_265 = vector.load %arg6[%get3A_264] : memref<131072xf32, #tpu.memory_space<vmem>>, vector<4096xf32>
    %reshape3A_266 = vector.shape_cast %get3A_265 : vector<4096xf32> to vector<1x4096xf32>
    %get3A_267 = arith.constant 61440 : index
    %get3A_268 = vector.load %arg7[%get3A_267] : memref<131072xi32, #tpu.memory_space<vmem>>, vector<4096xi32>
    %reshape3A_269 = vector.shape_cast %get3A_268 : vector<4096xi32> to vector<1x4096xi32>
    %lt3A_270 = arith.cmpf olt, %reshape3A_266, %select_n3A_262 : vector<1x4096xf32>
    %select_n3A_271 = arith.select %lt3A_270, %reshape3A_266, %select_n3A_262 : vector<1x4096xi1>, vector<1x4096xf32>
    %select_n3A_272 = arith.select %lt3A_270, %reshape3A_269, %select_n3A_263 : vector<1x4096xi1>, vector<1x4096xi32>
    %swap3A_273 = arith.constant 1 : index
    %swap3A_274 = arith.constant 0 : index
    %swap3A_275 = vector.load %arg10[%swap3A_273, %swap3A_274] : memref<4x4096xf32, #tpu.memory_space<vmem>>, vector<1x4096xf32>
    tpu.vector_store %arg10[%swap3A_273, %swap3A_274], %select_n3A_271 {strides = array<i32>} : memref<4x4096xf32, #tpu.memory_space<vmem>>, vector<1x4096xf32>,
    %swap3A_276 = arith.constant 1 : index
    %swap3A_277 = arith.constant 0 : index
    %swap3A_278 = vector.load %arg11[%swap3A_276, %swap3A_277] : memref<4x4096xi32, #tpu.memory_space<vmem>>, vector<1x4096xi32>
    tpu.vector_store %arg11[%swap3A_276, %swap3A_277], %select_n3A_272 {strides = array<i32>} : memref<4x4096xi32, #tpu.memory_space<vmem>>, vector<1x4096xi32>,
    %get3A_279 = arith.constant 6 : index
    %get3A_280 = arith.constant 0 : index
    %get3A_281 = arith.constant 0 : index
    %get3A_282 = vector.load %arg0[%get3A_279, %get3A_280, %get3A_281] : memref<24x1x512xf32, #tpu.memory_space<vmem>>, vector<1x1x512xf32>
    %get3A_283 = vector.shape_cast %get3A_282 : vector<1x1x512xf32> to vector<1x512xf32>
    %swap3A_284 = arith.constant 1 : index
    %swap3A_285 = arith.constant 0 : index
    %swap3A_286 = vector.load %arg8[%swap3A_284, %swap3A_285] : memref<4x4096xf32, #tpu.memory_space<vmem>>, vector<1x512xf32>
    tpu.vector_store %arg8[%swap3A_284, %swap3A_285], %get3A_283 {strides = array<i32>} : memref<4x4096xf32, #tpu.memory_space<vmem>>, vector<1x512xf32>,
    %get3A_287 = arith.constant 6 : index
    %get3A_288 = arith.constant 0 : index
    %get3A_289 = arith.constant 0 : index
    %get3A_290 = vector.load %arg1[%get3A_287, %get3A_288, %get3A_289] : memref<24x1x512xi32, #tpu.memory_space<vmem>>, vector<1x1x512xi32>
    %get3A_291 = vector.shape_cast %get3A_290 : vector<1x1x512xi32> to vector<1x512xi32>
    %swap3A_292 = arith.constant 1 : index
    %swap3A_293 = arith.constant 0 : index
    %swap3A_294 = vector.load %arg9[%swap3A_292, %swap3A_293] : memref<4x4096xi32, #tpu.memory_space<vmem>>, vector<1x512xi32>
    tpu.vector_store %arg9[%swap3A_292, %swap3A_293], %get3A_291 {strides = array<i32>} : memref<4x4096xi32, #tpu.memory_space<vmem>>, vector<1x512xi32>,
    %get3A_295 = arith.constant 7 : index
    %get3A_296 = arith.constant 0 : index
    %get3A_297 = arith.constant 0 : index
    %get3A_298 = vector.load %arg0[%get3A_295, %get3A_296, %get3A_297] : memref<24x1x512xf32, #tpu.memory_space<vmem>>, vector<1x1x512xf32>
    %get3A_299 = vector.shape_cast %get3A_298 : vector<1x1x512xf32> to vector<1x512xf32>
    %swap3A_300 = arith.constant 1 : index
    %swap3A_301 = arith.constant 512 : index
    %swap3A_302 = vector.load %arg8[%swap3A_300, %swap3A_301] : memref<4x4096xf32, #tpu.memory_space<vmem>>, vector<1x512xf32>
    tpu.vector_store %arg8[%swap3A_300, %swap3A_301], %get3A_299 {strides = array<i32>} : memref<4x4096xf32, #tpu.memory_space<vmem>>, vector<1x512xf32>,
    %get3A_303 = arith.constant 7 : index
    %get3A_304 = arith.constant 0 : index
    %get3A_305 = arith.constant 0 : index
    %get3A_306 = vector.load %arg1[%get3A_303, %get3A_304, %get3A_305] : memref<24x1x512xi32, #tpu.memory_space<vmem>>, vector<1x1x512xi32>
    %get3A_307 = vector.shape_cast %get3A_306 : vector<1x1x512xi32> to vector<1x512xi32>
    %swap3A_308 = arith.constant 1 : index
    %swap3A_309 = arith.constant 512 : index
    %swap3A_310 = vector.load %arg9[%swap3A_308, %swap3A_309] : memref<4x4096xi32, #tpu.memory_space<vmem>>, vector<1x512xi32>
    tpu.vector_store %arg9[%swap3A_308, %swap3A_309], %get3A_307 {strides = array<i32>} : memref<4x4096xi32, #tpu.memory_space<vmem>>, vector<1x512xi32>,
    %get3A_311 = arith.constant 8 : index
    %get3A_312 = arith.constant 0 : index
    %get3A_313 = arith.constant 0 : index
    %get3A_314 = vector.load %arg0[%get3A_311, %get3A_312, %get3A_313] : memref<24x1x512xf32, #tpu.memory_space<vmem>>, vector<1x1x512xf32>
    %get3A_315 = vector.shape_cast %get3A_314 : vector<1x1x512xf32> to vector<1x512xf32>
    %swap3A_316 = arith.constant 1 : index
    %swap3A_317 = arith.constant 1024 : index
    %swap3A_318 = vector.load %arg8[%swap3A_316, %swap3A_317] : memref<4x4096xf32, #tpu.memory_space<vmem>>, vector<1x512xf32>
    tpu.vector_store %arg8[%swap3A_316, %swap3A_317], %get3A_315 {strides = array<i32>} : memref<4x4096xf32, #tpu.memory_space<vmem>>, vector<1x512xf32>,
    %get3A_319 = arith.constant 8 : index
    %get3A_320 = arith.constant 0 : index
    %get3A_321 = arith.constant 0 : index
    %get3A_322 = vector.load %arg1[%get3A_319, %get3A_320, %get3A_321] : memref<24x1x512xi32, #tpu.memory_space<vmem>>, vector<1x1x512xi32>
    %get3A_323 = vector.shape_cast %get3A_322 : vector<1x1x512xi32> to vector<1x512xi32>
    %swap3A_324 = arith.constant 1 : index
    %swap3A_325 = arith.constant 1024 : index
    %swap3A_326 = vector.load %arg9[%swap3A_324, %swap3A_325] : memref<4x4096xi32, #tpu.memory_space<vmem>>, vector<1x512xi32>
    tpu.vector_store %arg9[%swap3A_324, %swap3A_325], %get3A_323 {strides = array<i32>} : memref<4x4096xi32, #tpu.memory_space<vmem>>, vector<1x512xi32>,
    %get3A_327 = arith.constant 9 : index
    %get3A_328 = arith.constant 0 : index
    %get3A_329 = arith.constant 0 : index
    %get3A_330 = vector.load %arg0[%get3A_327, %get3A_328, %get3A_329] : memref<24x1x512xf32, #tpu.memory_space<vmem>>, vector<1x1x512xf32>
    %get3A_331 = vector.shape_cast %get3A_330 : vector<1x1x512xf32> to vector<1x512xf32>
    %swap3A_332 = arith.constant 1 : index
    %swap3A_333 = arith.constant 1536 : index
    %swap3A_334 = vector.load %arg8[%swap3A_332, %swap3A_333] : memref<4x4096xf32, #tpu.memory_space<vmem>>, vector<1x512xf32>
    tpu.vector_store %arg8[%swap3A_332, %swap3A_333], %get3A_331 {strides = array<i32>} : memref<4x4096xf32, #tpu.memory_space<vmem>>, vector<1x512xf32>,
    %get3A_335 = arith.constant 9 : index
    %get3A_336 = arith.constant 0 : index
    %get3A_337 = arith.constant 0 : index
    %get3A_338 = vector.load %arg1[%get3A_335, %get3A_336, %get3A_337] : memref<24x1x512xi32, #tpu.memory_space<vmem>>, vector<1x1x512xi32>
    %get3A_339 = vector.shape_cast %get3A_338 : vector<1x1x512xi32> to vector<1x512xi32>
    %swap3A_340 = arith.constant 1 : index
    %swap3A_341 = arith.constant 1536 : index
    %swap3A_342 = vector.load %arg9[%swap3A_340, %swap3A_341] : memref<4x4096xi32, #tpu.memory_space<vmem>>, vector<1x512xi32>
    tpu.vector_store %arg9[%swap3A_340, %swap3A_341], %get3A_339 {strides = array<i32>} : memref<4x4096xi32, #tpu.memory_space<vmem>>, vector<1x512xi32>,
    %get3A_343 = arith.constant 10 : index
    %get3A_344 = arith.constant 0 : index
    %get3A_345 = arith.constant 0 : index
    %get3A_346 = vector.load %arg0[%get3A_343, %get3A_344, %get3A_345] : memref<24x1x512xf32, #tpu.memory_space<vmem>>, vector<1x1x512xf32>
    %get3A_347 = vector.shape_cast %get3A_346 : vector<1x1x512xf32> to vector<1x512xf32>
    %swap3A_348 = arith.constant 1 : index
    %swap3A_349 = arith.constant 2048 : index
    %swap3A_350 = vector.load %arg8[%swap3A_348, %swap3A_349] : memref<4x4096xf32, #tpu.memory_space<vmem>>, vector<1x512xf32>
    tpu.vector_store %arg8[%swap3A_348, %swap3A_349], %get3A_347 {strides = array<i32>} : memref<4x4096xf32, #tpu.memory_space<vmem>>, vector<1x512xf32>,
    %get3A_351 = arith.constant 10 : index
    %get3A_352 = arith.constant 0 : index
    %get3A_353 = arith.constant 0 : index
    %get3A_354 = vector.load %arg1[%get3A_351, %get3A_352, %get3A_353] : memref<24x1x512xi32, #tpu.memory_space<vmem>>, vector<1x1x512xi32>
    %get3A_355 = vector.shape_cast %get3A_354 : vector<1x1x512xi32> to vector<1x512xi32>
    %swap3A_356 = arith.constant 1 : index
    %swap3A_357 = arith.constant 2048 : index
    %swap3A_358 = vector.load %arg9[%swap3A_356, %swap3A_357] : memref<4x4096xi32, #tpu.memory_space<vmem>>, vector<1x512xi32>
    tpu.vector_store %arg9[%swap3A_356, %swap3A_357], %get3A_355 {strides = array<i32>} : memref<4x4096xi32, #tpu.memory_space<vmem>>, vector<1x512xi32>,
    %get3A_359 = arith.constant 11 : index
    %get3A_360 = arith.constant 0 : index
    %get3A_361 = arith.constant 0 : index
    %get3A_362 = vector.load %arg0[%get3A_359, %get3A_360, %get3A_361] : memref<24x1x512xf32, #tpu.memory_space<vmem>>, vector<1x1x512xf32>
    %get3A_363 = vector.shape_cast %get3A_362 : vector<1x1x512xf32> to vector<1x512xf32>
    %swap3A_364 = arith.constant 1 : index
    %swap3A_365 = arith.constant 2560 : index
    %swap3A_366 = vector.load %arg8[%swap3A_364, %swap3A_365] : memref<4x4096xf32, #tpu.memory_space<vmem>>, vector<1x512xf32>
    tpu.vector_store %arg8[%swap3A_364, %swap3A_365], %get3A_363 {strides = array<i32>} : memref<4x4096xf32, #tpu.memory_space<vmem>>, vector<1x512xf32>,
    %get3A_367 = arith.constant 11 : index
    %get3A_368 = arith.constant 0 : index
    %get3A_369 = arith.constant 0 : index
    %get3A_370 = vector.load %arg1[%get3A_367, %get3A_368, %get3A_369] : memref<24x1x512xi32, #tpu.memory_space<vmem>>, vector<1x1x512xi32>
    %get3A_371 = vector.shape_cast %get3A_370 : vector<1x1x512xi32> to vector<1x512xi32>
    %swap3A_372 = arith.constant 1 : index
    %swap3A_373 = arith.constant 2560 : index
    %swap3A_374 = vector.load %arg9[%swap3A_372, %swap3A_373] : memref<4x4096xi32, #tpu.memory_space<vmem>>, vector<1x512xi32>
    tpu.vector_store %arg9[%swap3A_372, %swap3A_373], %get3A_371 {strides = array<i32>} : memref<4x4096xi32, #tpu.memory_space<vmem>>, vector<1x512xi32>,
    %get3A_375 = arith.constant 1024 : index
    %get3A_376 = vector.load %arg2[%get3A_375] : memref<4096xf32, #tpu.memory_space<vmem>>, vector<1024xf32>
    %reshape3A_377 = vector.shape_cast %get3A_376 : vector<1024xf32> to vector<1x1024xf32>
    %swap3A_378 = arith.constant 1 : index
    %swap3A_379 = arith.constant 3072 : index
    %swap3A_380 = vector.load %arg8[%swap3A_378, %swap3A_379] : memref<4x4096xf32, #tpu.memory_space<vmem>>, vector<1x1024xf32>
    tpu.vector_store %arg8[%swap3A_378, %swap3A_379], %reshape3A_377 {strides = array<i32>} : memref<4x4096xf32, #tpu.memory_space<vmem>>, vector<1x1024xf32>,
    %get3A_381 = arith.constant 1024 : index
    %get3A_382 = vector.load %arg3[%get3A_381] : memref<4096xi32, #tpu.memory_space<vmem>>, vector<1024xi32>
    %reshape3A_383 = vector.shape_cast %get3A_382 : vector<1024xi32> to vector<1x1024xi32>
    %swap3A_384 = arith.constant 1 : index
    %swap3A_385 = arith.constant 3072 : index
    %swap3A_386 = vector.load %arg9[%swap3A_384, %swap3A_385] : memref<4x4096xi32, #tpu.memory_space<vmem>>, vector<1x1024xi32>
    tpu.vector_store %arg9[%swap3A_384, %swap3A_385], %reshape3A_383 {strides = array<i32>} : memref<4x4096xi32, #tpu.memory_space<vmem>>, vector<1x1024xi32>,
    %get3A_387 = arith.constant 2 : index
    %get3A_388 = arith.constant 0 : index
    %get3A_389 = arith.constant 0 : index
    %get3A_390 = vector.load %arg4[%get3A_387, %get3A_388, %get3A_389] : memref<4x1x4096xf32, #tpu.memory_space<vmem>>, vector<1x1x4096xf32>
    %get3A_391 = vector.shape_cast %get3A_390 : vector<1x1x4096xf32> to vector<1x4096xf32>
    %get3A_392 = arith.constant 2 : index
    %get3A_393 = arith.constant 0 : index
    %get3A_394 = arith.constant 0 : index
    %get3A_395 = vector.load %arg5[%get3A_392, %get3A_393, %get3A_394] : memref<4x1x4096xi32, #tpu.memory_space<vmem>>, vector<1x1x4096xi32>
    %get3A_396 = vector.shape_cast %get3A_395 : vector<1x1x4096xi32> to vector<1x4096xi32>
    %get3A_397 = arith.constant 65536 : index
    %get3A_398 = vector.load %arg6[%get3A_397] : memref<131072xf32, #tpu.memory_space<vmem>>, vector<4096xf32>
    %reshape3A_399 = vector.shape_cast %get3A_398 : vector<4096xf32> to vector<1x4096xf32>
    %get3A_400 = arith.constant 65536 : index
    %get3A_401 = vector.load %arg7[%get3A_400] : memref<131072xi32, #tpu.memory_space<vmem>>, vector<4096xi32>
    %reshape3A_402 = vector.shape_cast %get3A_401 : vector<4096xi32> to vector<1x4096xi32>
    %lt3A_403 = arith.cmpf olt, %reshape3A_399, %get3A_391 : vector<1x4096xf32>
    %select_n3A_404 = arith.select %lt3A_403, %reshape3A_399, %get3A_391 : vector<1x4096xi1>, vector<1x4096xf32>
    %select_n3A_405 = arith.select %lt3A_403, %reshape3A_402, %get3A_396 : vector<1x4096xi1>, vector<1x4096xi32>
    %get3A_406 = arith.constant 69632 : index
    %get3A_407 = vector.load %arg6[%get3A_406] : memref<131072xf32, #tpu.memory_space<vmem>>, vector<4096xf32>
    %reshape3A_408 = vector.shape_cast %get3A_407 : vector<4096xf32> to vector<1x4096xf32>
    %get3A_409 = arith.constant 69632 : index
    %get3A_410 = vector.load %arg7[%get3A_409] : memref<131072xi32, #tpu.memory_space<vmem>>, vector<4096xi32>
    %reshape3A_411 = vector.shape_cast %get3A_410 : vector<4096xi32> to vector<1x4096xi32>
    %lt3A_412 = arith.cmpf olt, %reshape3A_408, %select_n3A_404 : vector<1x4096xf32>
    %select_n3A_413 = arith.select %lt3A_412, %reshape3A_408, %select_n3A_404 : vector<1x4096xi1>, vector<1x4096xf32>
    %select_n3A_414 = arith.select %lt3A_412, %reshape3A_411, %select_n3A_405 : vector<1x4096xi1>, vector<1x4096xi32>
    %get3A_415 = arith.constant 73728 : index
    %get3A_416 = vector.load %arg6[%get3A_415] : memref<131072xf32, #tpu.memory_space<vmem>>, vector<4096xf32>
    %reshape3A_417 = vector.shape_cast %get3A_416 : vector<4096xf32> to vector<1x4096xf32>
    %get3A_418 = arith.constant 73728 : index
    %get3A_419 = vector.load %arg7[%get3A_418] : memref<131072xi32, #tpu.memory_space<vmem>>, vector<4096xi32>
    %reshape3A_420 = vector.shape_cast %get3A_419 : vector<4096xi32> to vector<1x4096xi32>
    %lt3A_421 = arith.cmpf olt, %reshape3A_417, %select_n3A_413 : vector<1x4096xf32>
    %select_n3A_422 = arith.select %lt3A_421, %reshape3A_417, %select_n3A_413 : vector<1x4096xi1>, vector<1x4096xf32>
    %select_n3A_423 = arith.select %lt3A_421, %reshape3A_420, %select_n3A_414 : vector<1x4096xi1>, vector<1x4096xi32>
    %get3A_424 = arith.constant 77824 : index
    %get3A_425 = vector.load %arg6[%get3A_424] : memref<131072xf32, #tpu.memory_space<vmem>>, vector<4096xf32>
    %reshape3A_426 = vector.shape_cast %get3A_425 : vector<4096xf32> to vector<1x4096xf32>
    %get3A_427 = arith.constant 77824 : index
    %get3A_428 = vector.load %arg7[%get3A_427] : memref<131072xi32, #tpu.memory_space<vmem>>, vector<4096xi32>
    %reshape3A_429 = vector.shape_cast %get3A_428 : vector<4096xi32> to vector<1x4096xi32>
    %lt3A_430 = arith.cmpf olt, %reshape3A_426, %select_n3A_422 : vector<1x4096xf32>
    %select_n3A_431 = arith.select %lt3A_430, %reshape3A_426, %select_n3A_422 : vector<1x4096xi1>, vector<1x4096xf32>
    %select_n3A_432 = arith.select %lt3A_430, %reshape3A_429, %select_n3A_423 : vector<1x4096xi1>, vector<1x4096xi32>
    %get3A_433 = arith.constant 81920 : index
    %get3A_434 = vector.load %arg6[%get3A_433] : memref<131072xf32, #tpu.memory_space<vmem>>, vector<4096xf32>
    %reshape3A_435 = vector.shape_cast %get3A_434 : vector<4096xf32> to vector<1x4096xf32>
    %get3A_436 = arith.constant 81920 : index
    %get3A_437 = vector.load %arg7[%get3A_436] : memref<131072xi32, #tpu.memory_space<vmem>>, vector<4096xi32>
    %reshape3A_438 = vector.shape_cast %get3A_437 : vector<4096xi32> to vector<1x4096xi32>
    %lt3A_439 = arith.cmpf olt, %reshape3A_435, %select_n3A_431 : vector<1x4096xf32>
    %select_n3A_440 = arith.select %lt3A_439, %reshape3A_435, %select_n3A_431 : vector<1x4096xi1>, vector<1x4096xf32>
    %select_n3A_441 = arith.select %lt3A_439, %reshape3A_438, %select_n3A_432 : vector<1x4096xi1>, vector<1x4096xi32>
    %get3A_442 = arith.constant 86016 : index
    %get3A_443 = vector.load %arg6[%get3A_442] : memref<131072xf32, #tpu.memory_space<vmem>>, vector<4096xf32>
    %reshape3A_444 = vector.shape_cast %get3A_443 : vector<4096xf32> to vector<1x4096xf32>
    %get3A_445 = arith.constant 86016 : index
    %get3A_446 = vector.load %arg7[%get3A_445] : memref<131072xi32, #tpu.memory_space<vmem>>, vector<4096xi32>
    %reshape3A_447 = vector.shape_cast %get3A_446 : vector<4096xi32> to vector<1x4096xi32>
    %lt3A_448 = arith.cmpf olt, %reshape3A_444, %select_n3A_440 : vector<1x4096xf32>
    %select_n3A_449 = arith.select %lt3A_448, %reshape3A_444, %select_n3A_440 : vector<1x4096xi1>, vector<1x4096xf32>
    %select_n3A_450 = arith.select %lt3A_448, %reshape3A_447, %select_n3A_441 : vector<1x4096xi1>, vector<1x4096xi32>
    %get3A_451 = arith.constant 90112 : index
    %get3A_452 = vector.load %arg6[%get3A_451] : memref<131072xf32, #tpu.memory_space<vmem>>, vector<4096xf32>
    %reshape3A_453 = vector.shape_cast %get3A_452 : vector<4096xf32> to vector<1x4096xf32>
    %get3A_454 = arith.constant 90112 : index
    %get3A_455 = vector.load %arg7[%get3A_454] : memref<131072xi32, #tpu.memory_space<vmem>>, vector<4096xi32>
    %reshape3A_456 = vector.shape_cast %get3A_455 : vector<4096xi32> to vector<1x4096xi32>
    %lt3A_457 = arith.cmpf olt, %reshape3A_453, %select_n3A_449 : vector<1x4096xf32>
    %select_n3A_458 = arith.select %lt3A_457, %reshape3A_453, %select_n3A_449 : vector<1x4096xi1>, vector<1x4096xf32>
    %select_n3A_459 = arith.select %lt3A_457, %reshape3A_456, %select_n3A_450 : vector<1x4096xi1>, vector<1x4096xi32>
    %get3A_460 = arith.constant 94208 : index
    %get3A_461 = vector.load %arg6[%get3A_460] : memref<131072xf32, #tpu.memory_space<vmem>>, vector<4096xf32>
    %reshape3A_462 = vector.shape_cast %get3A_461 : vector<4096xf32> to vector<1x4096xf32>
    %get3A_463 = arith.constant 94208 : index
    %get3A_464 = vector.load %arg7[%get3A_463] : memref<131072xi32, #tpu.memory_space<vmem>>, vector<4096xi32>
    %reshape3A_465 = vector.shape_cast %get3A_464 : vector<4096xi32> to vector<1x4096xi32>
    %lt3A_466 = arith.cmpf olt, %reshape3A_462, %select_n3A_458 : vector<1x4096xf32>
    %select_n3A_467 = arith.select %lt3A_466, %reshape3A_462, %select_n3A_458 : vector<1x4096xi1>, vector<1x4096xf32>
    %select_n3A_468 = arith.select %lt3A_466, %reshape3A_465, %select_n3A_459 : vector<1x4096xi1>, vector<1x4096xi32>
    %swap3A_469 = arith.constant 2 : index
    %swap3A_470 = arith.constant 0 : index
    %swap3A_471 = vector.load %arg10[%swap3A_469, %swap3A_470] : memref<4x4096xf32, #tpu.memory_space<vmem>>, vector<1x4096xf32>
    tpu.vector_store %arg10[%swap3A_469, %swap3A_470], %select_n3A_467 {strides = array<i32>} : memref<4x4096xf32, #tpu.memory_space<vmem>>, vector<1x4096xf32>,
    %swap3A_472 = arith.constant 2 : index
    %swap3A_473 = arith.constant 0 : index
    %swap3A_474 = vector.load %arg11[%swap3A_472, %swap3A_473] : memref<4x4096xi32, #tpu.memory_space<vmem>>, vector<1x4096xi32>
    tpu.vector_store %arg11[%swap3A_472, %swap3A_473], %select_n3A_468 {strides = array<i32>} : memref<4x4096xi32, #tpu.memory_space<vmem>>, vector<1x4096xi32>,
    %get3A_475 = arith.constant 12 : index
    %get3A_476 = arith.constant 0 : index
    %get3A_477 = arith.constant 0 : index
    %get3A_478 = vector.load %arg0[%get3A_475, %get3A_476, %get3A_477] : memref<24x1x512xf32, #tpu.memory_space<vmem>>, vector<1x1x512xf32>
    %get3A_479 = vector.shape_cast %get3A_478 : vector<1x1x512xf32> to vector<1x512xf32>
    %swap3A_480 = arith.constant 2 : index
    %swap3A_481 = arith.constant 0 : index
    %swap3A_482 = vector.load %arg8[%swap3A_480, %swap3A_481] : memref<4x4096xf32, #tpu.memory_space<vmem>>, vector<1x512xf32>
    tpu.vector_store %arg8[%swap3A_480, %swap3A_481], %get3A_479 {strides = array<i32>} : memref<4x4096xf32, #tpu.memory_space<vmem>>, vector<1x512xf32>,
    %get3A_483 = arith.constant 12 : index
    %get3A_484 = arith.constant 0 : index
    %get3A_485 = arith.constant 0 : index
    %get3A_486 = vector.load %arg1[%get3A_483, %get3A_484, %get3A_485] : memref<24x1x512xi32, #tpu.memory_space<vmem>>, vector<1x1x512xi32>
    %get3A_487 = vector.shape_cast %get3A_486 : vector<1x1x512xi32> to vector<1x512xi32>
    %swap3A_488 = arith.constant 2 : index
    %swap3A_489 = arith.constant 0 : index
    %swap3A_490 = vector.load %arg9[%swap3A_488, %swap3A_489] : memref<4x4096xi32, #tpu.memory_space<vmem>>, vector<1x512xi32>
    tpu.vector_store %arg9[%swap3A_488, %swap3A_489], %get3A_487 {strides = array<i32>} : memref<4x4096xi32, #tpu.memory_space<vmem>>, vector<1x512xi32>,
    %get3A_491 = arith.constant 13 : index
    %get3A_492 = arith.constant 0 : index
    %get3A_493 = arith.constant 0 : index
    %get3A_494 = vector.load %arg0[%get3A_491, %get3A_492, %get3A_493] : memref<24x1x512xf32, #tpu.memory_space<vmem>>, vector<1x1x512xf32>
    %get3A_495 = vector.shape_cast %get3A_494 : vector<1x1x512xf32> to vector<1x512xf32>
    %swap3A_496 = arith.constant 2 : index
    %swap3A_497 = arith.constant 512 : index
    %swap3A_498 = vector.load %arg8[%swap3A_496, %swap3A_497] : memref<4x4096xf32, #tpu.memory_space<vmem>>, vector<1x512xf32>
    tpu.vector_store %arg8[%swap3A_496, %swap3A_497], %get3A_495 {strides = array<i32>} : memref<4x4096xf32, #tpu.memory_space<vmem>>, vector<1x512xf32>,
    %get3A_499 = arith.constant 13 : index
    %get3A_500 = arith.constant 0 : index
    %get3A_501 = arith.constant 0 : index
    %get3A_502 = vector.load %arg1[%get3A_499, %get3A_500, %get3A_501] : memref<24x1x512xi32, #tpu.memory_space<vmem>>, vector<1x1x512xi32>
    %get3A_503 = vector.shape_cast %get3A_502 : vector<1x1x512xi32> to vector<1x512xi32>
    %swap3A_504 = arith.constant 2 : index
    %swap3A_505 = arith.constant 512 : index
    %swap3A_506 = vector.load %arg9[%swap3A_504, %swap3A_505] : memref<4x4096xi32, #tpu.memory_space<vmem>>, vector<1x512xi32>
    tpu.vector_store %arg9[%swap3A_504, %swap3A_505], %get3A_503 {strides = array<i32>} : memref<4x4096xi32, #tpu.memory_space<vmem>>, vector<1x512xi32>,
    %get3A_507 = arith.constant 14 : index
    %get3A_508 = arith.constant 0 : index
    %get3A_509 = arith.constant 0 : index
    %get3A_510 = vector.load %arg0[%get3A_507, %get3A_508, %get3A_509] : memref<24x1x512xf32, #tpu.memory_space<vmem>>, vector<1x1x512xf32>
    %get3A_511 = vector.shape_cast %get3A_510 : vector<1x1x512xf32> to vector<1x512xf32>
    %swap3A_512 = arith.constant 2 : index
    %swap3A_513 = arith.constant 1024 : index
    %swap3A_514 = vector.load %arg8[%swap3A_512, %swap3A_513] : memref<4x4096xf32, #tpu.memory_space<vmem>>, vector<1x512xf32>
    tpu.vector_store %arg8[%swap3A_512, %swap3A_513], %get3A_511 {strides = array<i32>} : memref<4x4096xf32, #tpu.memory_space<vmem>>, vector<1x512xf32>,
    %get3A_515 = arith.constant 14 : index
    %get3A_516 = arith.constant 0 : index
    %get3A_517 = arith.constant 0 : index
    %get3A_518 = vector.load %arg1[%get3A_515, %get3A_516, %get3A_517] : memref<24x1x512xi32, #tpu.memory_space<vmem>>, vector<1x1x512xi32>
    %get3A_519 = vector.shape_cast %get3A_518 : vector<1x1x512xi32> to vector<1x512xi32>
    %swap3A_520 = arith.constant 2 : index
    %swap3A_521 = arith.constant 1024 : index
    %swap3A_522 = vector.load %arg9[%swap3A_520, %swap3A_521] : memref<4x4096xi32, #tpu.memory_space<vmem>>, vector<1x512xi32>
    tpu.vector_store %arg9[%swap3A_520, %swap3A_521], %get3A_519 {strides = array<i32>} : memref<4x4096xi32, #tpu.memory_space<vmem>>, vector<1x512xi32>,
    %get3A_523 = arith.constant 15 : index
    %get3A_524 = arith.constant 0 : index
    %get3A_525 = arith.constant 0 : index
    %get3A_526 = vector.load %arg0[%get3A_523, %get3A_524, %get3A_525] : memref<24x1x512xf32, #tpu.memory_space<vmem>>, vector<1x1x512xf32>
    %get3A_527 = vector.shape_cast %get3A_526 : vector<1x1x512xf32> to vector<1x512xf32>
    %swap3A_528 = arith.constant 2 : index
    %swap3A_529 = arith.constant 1536 : index
    %swap3A_530 = vector.load %arg8[%swap3A_528, %swap3A_529] : memref<4x4096xf32, #tpu.memory_space<vmem>>, vector<1x512xf32>
    tpu.vector_store %arg8[%swap3A_528, %swap3A_529], %get3A_527 {strides = array<i32>} : memref<4x4096xf32, #tpu.memory_space<vmem>>, vector<1x512xf32>,
    %get3A_531 = arith.constant 15 : index
    %get3A_532 = arith.constant 0 : index
    %get3A_533 = arith.constant 0 : index
    %get3A_534 = vector.load %arg1[%get3A_531, %get3A_532, %get3A_533] : memref<24x1x512xi32, #tpu.memory_space<vmem>>, vector<1x1x512xi32>
    %get3A_535 = vector.shape_cast %get3A_534 : vector<1x1x512xi32> to vector<1x512xi32>
    %swap3A_536 = arith.constant 2 : index
    %swap3A_537 = arith.constant 1536 : index
    %swap3A_538 = vector.load %arg9[%swap3A_536, %swap3A_537] : memref<4x4096xi32, #tpu.memory_space<vmem>>, vector<1x512xi32>
    tpu.vector_store %arg9[%swap3A_536, %swap3A_537], %get3A_535 {strides = array<i32>} : memref<4x4096xi32, #tpu.memory_space<vmem>>, vector<1x512xi32>,
    %get3A_539 = arith.constant 16 : index
    %get3A_540 = arith.constant 0 : index
    %get3A_541 = arith.constant 0 : index
    %get3A_542 = vector.load %arg0[%get3A_539, %get3A_540, %get3A_541] : memref<24x1x512xf32, #tpu.memory_space<vmem>>, vector<1x1x512xf32>
    %get3A_543 = vector.shape_cast %get3A_542 : vector<1x1x512xf32> to vector<1x512xf32>
    %swap3A_544 = arith.constant 2 : index
    %swap3A_545 = arith.constant 2048 : index
    %swap3A_546 = vector.load %arg8[%swap3A_544, %swap3A_545] : memref<4x4096xf32, #tpu.memory_space<vmem>>, vector<1x512xf32>
    tpu.vector_store %arg8[%swap3A_544, %swap3A_545], %get3A_543 {strides = array<i32>} : memref<4x4096xf32, #tpu.memory_space<vmem>>, vector<1x512xf32>,
    %get3A_547 = arith.constant 16 : index
    %get3A_548 = arith.constant 0 : index
    %get3A_549 = arith.constant 0 : index
    %get3A_550 = vector.load %arg1[%get3A_547, %get3A_548, %get3A_549] : memref<24x1x512xi32, #tpu.memory_space<vmem>>, vector<1x1x512xi32>
    %get3A_551 = vector.shape_cast %get3A_550 : vector<1x1x512xi32> to vector<1x512xi32>
    %swap3A_552 = arith.constant 2 : index
    %swap3A_553 = arith.constant 2048 : index
    %swap3A_554 = vector.load %arg9[%swap3A_552, %swap3A_553] : memref<4x4096xi32, #tpu.memory_space<vmem>>, vector<1x512xi32>
    tpu.vector_store %arg9[%swap3A_552, %swap3A_553], %get3A_551 {strides = array<i32>} : memref<4x4096xi32, #tpu.memory_space<vmem>>, vector<1x512xi32>,
    %get3A_555 = arith.constant 17 : index
    %get3A_556 = arith.constant 0 : index
    %get3A_557 = arith.constant 0 : index
    %get3A_558 = vector.load %arg0[%get3A_555, %get3A_556, %get3A_557] : memref<24x1x512xf32, #tpu.memory_space<vmem>>, vector<1x1x512xf32>
    %get3A_559 = vector.shape_cast %get3A_558 : vector<1x1x512xf32> to vector<1x512xf32>
    %swap3A_560 = arith.constant 2 : index
    %swap3A_561 = arith.constant 2560 : index
    %swap3A_562 = vector.load %arg8[%swap3A_560, %swap3A_561] : memref<4x4096xf32, #tpu.memory_space<vmem>>, vector<1x512xf32>
    tpu.vector_store %arg8[%swap3A_560, %swap3A_561], %get3A_559 {strides = array<i32>} : memref<4x4096xf32, #tpu.memory_space<vmem>>, vector<1x512xf32>,
    %get3A_563 = arith.constant 17 : index
    %get3A_564 = arith.constant 0 : index
    %get3A_565 = arith.constant 0 : index
    %get3A_566 = vector.load %arg1[%get3A_563, %get3A_564, %get3A_565] : memref<24x1x512xi32, #tpu.memory_space<vmem>>, vector<1x1x512xi32>
    %get3A_567 = vector.shape_cast %get3A_566 : vector<1x1x512xi32> to vector<1x512xi32>
    %swap3A_568 = arith.constant 2 : index
    %swap3A_569 = arith.constant 2560 : index
    %swap3A_570 = vector.load %arg9[%swap3A_568, %swap3A_569] : memref<4x4096xi32, #tpu.memory_space<vmem>>, vector<1x512xi32>
    tpu.vector_store %arg9[%swap3A_568, %swap3A_569], %get3A_567 {strides = array<i32>} : memref<4x4096xi32, #tpu.memory_space<vmem>>, vector<1x512xi32>,
    %get3A_571 = arith.constant 2048 : index
    %get3A_572 = vector.load %arg2[%get3A_571] : memref<4096xf32, #tpu.memory_space<vmem>>, vector<1024xf32>
    %reshape3A_573 = vector.shape_cast %get3A_572 : vector<1024xf32> to vector<1x1024xf32>
    %swap3A_574 = arith.constant 2 : index
    %swap3A_575 = arith.constant 3072 : index
    %swap3A_576 = vector.load %arg8[%swap3A_574, %swap3A_575] : memref<4x4096xf32, #tpu.memory_space<vmem>>, vector<1x1024xf32>
    tpu.vector_store %arg8[%swap3A_574, %swap3A_575], %reshape3A_573 {strides = array<i32>} : memref<4x4096xf32, #tpu.memory_space<vmem>>, vector<1x1024xf32>,
    %get3A_577 = arith.constant 2048 : index
    %get3A_578 = vector.load %arg3[%get3A_577] : memref<4096xi32, #tpu.memory_space<vmem>>, vector<1024xi32>
    %reshape3A_579 = vector.shape_cast %get3A_578 : vector<1024xi32> to vector<1x1024xi32>
    %swap3A_580 = arith.constant 2 : index
    %swap3A_581 = arith.constant 3072 : index
    %swap3A_582 = vector.load %arg9[%swap3A_580, %swap3A_581] : memref<4x4096xi32, #tpu.memory_space<vmem>>, vector<1x1024xi32>
    tpu.vector_store %arg9[%swap3A_580, %swap3A_581], %reshape3A_579 {strides = array<i32>} : memref<4x4096xi32, #tpu.memory_space<vmem>>, vector<1x1024xi32>,
    %get3A_583 = arith.constant 3 : index
    %get3A_584 = arith.constant 0 : index
    %get3A_585 = arith.constant 0 : index
    %get3A_586 = vector.load %arg4[%get3A_583, %get3A_584, %get3A_585] : memref<4x1x4096xf32, #tpu.memory_space<vmem>>, vector<1x1x4096xf32>
    %get3A_587 = vector.shape_cast %get3A_586 : vector<1x1x4096xf32> to vector<1x4096xf32>
    %get3A_588 = arith.constant 3 : index
    %get3A_589 = arith.constant 0 : index
    %get3A_590 = arith.constant 0 : index
    %get3A_591 = vector.load %arg5[%get3A_588, %get3A_589, %get3A_590] : memref<4x1x4096xi32, #tpu.memory_space<vmem>>, vector<1x1x4096xi32>
    %get3A_592 = vector.shape_cast %get3A_591 : vector<1x1x4096xi32> to vector<1x4096xi32>
    %get3A_593 = arith.constant 98304 : index
    %get3A_594 = vector.load %arg6[%get3A_593] : memref<131072xf32, #tpu.memory_space<vmem>>, vector<4096xf32>
    %reshape3A_595 = vector.shape_cast %get3A_594 : vector<4096xf32> to vector<1x4096xf32>
    %get3A_596 = arith.constant 98304 : index
    %get3A_597 = vector.load %arg7[%get3A_596] : memref<131072xi32, #tpu.memory_space<vmem>>, vector<4096xi32>
    %reshape3A_598 = vector.shape_cast %get3A_597 : vector<4096xi32> to vector<1x4096xi32>
    %lt3A_599 = arith.cmpf olt, %reshape3A_595, %get3A_587 : vector<1x4096xf32>
    %select_n3A_600 = arith.select %lt3A_599, %reshape3A_595, %get3A_587 : vector<1x4096xi1>, vector<1x4096xf32>
    %select_n3A_601 = arith.select %lt3A_599, %reshape3A_598, %get3A_592 : vector<1x4096xi1>, vector<1x4096xi32>
    %get3A_602 = arith.constant 102400 : index
    %get3A_603 = vector.load %arg6[%get3A_602] : memref<131072xf32, #tpu.memory_space<vmem>>, vector<4096xf32>
    %reshape3A_604 = vector.shape_cast %get3A_603 : vector<4096xf32> to vector<1x4096xf32>
    %get3A_605 = arith.constant 102400 : index
    %get3A_606 = vector.load %arg7[%get3A_605] : memref<131072xi32, #tpu.memory_space<vmem>>, vector<4096xi32>
    %reshape3A_607 = vector.shape_cast %get3A_606 : vector<4096xi32> to vector<1x4096xi32>
    %lt3A_608 = arith.cmpf olt, %reshape3A_604, %select_n3A_600 : vector<1x4096xf32>
    %select_n3A_609 = arith.select %lt3A_608, %reshape3A_604, %select_n3A_600 : vector<1x4096xi1>, vector<1x4096xf32>
    %select_n3A_610 = arith.select %lt3A_608, %reshape3A_607, %select_n3A_601 : vector<1x4096xi1>, vector<1x4096xi32>
    %get3A_611 = arith.constant 106496 : index
    %get3A_612 = vector.load %arg6[%get3A_611] : memref<131072xf32, #tpu.memory_space<vmem>>, vector<4096xf32>
    %reshape3A_613 = vector.shape_cast %get3A_612 : vector<4096xf32> to vector<1x4096xf32>
    %get3A_614 = arith.constant 106496 : index
    %get3A_615 = vector.load %arg7[%get3A_614] : memref<131072xi32, #tpu.memory_space<vmem>>, vector<4096xi32>
    %reshape3A_616 = vector.shape_cast %get3A_615 : vector<4096xi32> to vector<1x4096xi32>
    %lt3A_617 = arith.cmpf olt, %reshape3A_613, %select_n3A_609 : vector<1x4096xf32>
    %select_n3A_618 = arith.select %lt3A_617, %reshape3A_613, %select_n3A_609 : vector<1x4096xi1>, vector<1x4096xf32>
    %select_n3A_619 = arith.select %lt3A_617, %reshape3A_616, %select_n3A_610 : vector<1x4096xi1>, vector<1x4096xi32>
    %get3A_620 = arith.constant 110592 : index
    %get3A_621 = vector.load %arg6[%get3A_620] : memref<131072xf32, #tpu.memory_space<vmem>>, vector<4096xf32>
    %reshape3A_622 = vector.shape_cast %get3A_621 : vector<4096xf32> to vector<1x4096xf32>
    %get3A_623 = arith.constant 110592 : index
    %get3A_624 = vector.load %arg7[%get3A_623] : memref<131072xi32, #tpu.memory_space<vmem>>, vector<4096xi32>
    %reshape3A_625 = vector.shape_cast %get3A_624 : vector<4096xi32> to vector<1x4096xi32>
    %lt3A_626 = arith.cmpf olt, %reshape3A_622, %select_n3A_618 : vector<1x4096xf32>
    %select_n3A_627 = arith.select %lt3A_626, %reshape3A_622, %select_n3A_618 : vector<1x4096xi1>, vector<1x4096xf32>
    %select_n3A_628 = arith.select %lt3A_626, %reshape3A_625, %select_n3A_619 : vector<1x4096xi1>, vector<1x4096xi32>
    %get3A_629 = arith.constant 114688 : index
    %get3A_630 = vector.load %arg6[%get3A_629] : memref<131072xf32, #tpu.memory_space<vmem>>, vector<4096xf32>
    %reshape3A_631 = vector.shape_cast %get3A_630 : vector<4096xf32> to vector<1x4096xf32>
    %get3A_632 = arith.constant 114688 : index
    %get3A_633 = vector.load %arg7[%get3A_632] : memref<131072xi32, #tpu.memory_space<vmem>>, vector<4096xi32>
    %reshape3A_634 = vector.shape_cast %get3A_633 : vector<4096xi32> to vector<1x4096xi32>
    %lt3A_635 = arith.cmpf olt, %reshape3A_631, %select_n3A_627 : vector<1x4096xf32>
    %select_n3A_636 = arith.select %lt3A_635, %reshape3A_631, %select_n3A_627 : vector<1x4096xi1>, vector<1x4096xf32>
    %select_n3A_637 = arith.select %lt3A_635, %reshape3A_634, %select_n3A_628 : vector<1x4096xi1>, vector<1x4096xi32>
    %get3A_638 = arith.constant 118784 : index
    %get3A_639 = vector.load %arg6[%get3A_638] : memref<131072xf32, #tpu.memory_space<vmem>>, vector<4096xf32>
    %reshape3A_640 = vector.shape_cast %get3A_639 : vector<4096xf32> to vector<1x4096xf32>
    %get3A_641 = arith.constant 118784 : index
    %get3A_642 = vector.load %arg7[%get3A_641] : memref<131072xi32, #tpu.memory_space<vmem>>, vector<4096xi32>
    %reshape3A_643 = vector.shape_cast %get3A_642 : vector<4096xi32> to vector<1x4096xi32>
    %lt3A_644 = arith.cmpf olt, %reshape3A_640, %select_n3A_636 : vector<1x4096xf32>
    %select_n3A_645 = arith.select %lt3A_644, %reshape3A_640, %select_n3A_636 : vector<1x4096xi1>, vector<1x4096xf32>
    %select_n3A_646 = arith.select %lt3A_644, %reshape3A_643, %select_n3A_637 : vector<1x4096xi1>, vector<1x4096xi32>
    %get3A_647 = arith.constant 122880 : index
    %get3A_648 = vector.load %arg6[%get3A_647] : memref<131072xf32, #tpu.memory_space<vmem>>, vector<4096xf32>
    %reshape3A_649 = vector.shape_cast %get3A_648 : vector<4096xf32> to vector<1x4096xf32>
    %get3A_650 = arith.constant 122880 : index
    %get3A_651 = vector.load %arg7[%get3A_650] : memref<131072xi32, #tpu.memory_space<vmem>>, vector<4096xi32>
    %reshape3A_652 = vector.shape_cast %get3A_651 : vector<4096xi32> to vector<1x4096xi32>
    %lt3A_653 = arith.cmpf olt, %reshape3A_649, %select_n3A_645 : vector<1x4096xf32>
    %select_n3A_654 = arith.select %lt3A_653, %reshape3A_649, %select_n3A_645 : vector<1x4096xi1>, vector<1x4096xf32>
    %select_n3A_655 = arith.select %lt3A_653, %reshape3A_652, %select_n3A_646 : vector<1x4096xi1>, vector<1x4096xi32>
    %get3A_656 = arith.constant 126976 : index
    %get3A_657 = vector.load %arg6[%get3A_656] : memref<131072xf32, #tpu.memory_space<vmem>>, vector<4096xf32>
    %reshape3A_658 = vector.shape_cast %get3A_657 : vector<4096xf32> to vector<1x4096xf32>
    %get3A_659 = arith.constant 126976 : index
    %get3A_660 = vector.load %arg7[%get3A_659] : memref<131072xi32, #tpu.memory_space<vmem>>, vector<4096xi32>
    %reshape3A_661 = vector.shape_cast %get3A_660 : vector<4096xi32> to vector<1x4096xi32>
    %lt3A_662 = arith.cmpf olt, %reshape3A_658, %select_n3A_654 : vector<1x4096xf32>
    %select_n3A_663 = arith.select %lt3A_662, %reshape3A_658, %select_n3A_654 : vector<1x4096xi1>, vector<1x4096xf32>
    %select_n3A_664 = arith.select %lt3A_662, %reshape3A_661, %select_n3A_655 : vector<1x4096xi1>, vector<1x4096xi32>
    %swap3A_665 = arith.constant 3 : index
    %swap3A_666 = arith.constant 0 : index
    %swap3A_667 = vector.load %arg10[%swap3A_665, %swap3A_666] : memref<4x4096xf32, #tpu.memory_space<vmem>>, vector<1x4096xf32>
    tpu.vector_store %arg10[%swap3A_665, %swap3A_666], %select_n3A_663 {strides = array<i32>} : memref<4x4096xf32, #tpu.memory_space<vmem>>, vector<1x4096xf32>,
    %swap3A_668 = arith.constant 3 : index
    %swap3A_669 = arith.constant 0 : index
    %swap3A_670 = vector.load %arg11[%swap3A_668, %swap3A_669] : memref<4x4096xi32, #tpu.memory_space<vmem>>, vector<1x4096xi32>
    tpu.vector_store %arg11[%swap3A_668, %swap3A_669], %select_n3A_664 {strides = array<i32>} : memref<4x4096xi32, #tpu.memory_space<vmem>>, vector<1x4096xi32>,
    %get3A_671 = arith.constant 18 : index
    %get3A_672 = arith.constant 0 : index
    %get3A_673 = arith.constant 0 : index
    %get3A_674 = vector.load %arg0[%get3A_671, %get3A_672, %get3A_673] : memref<24x1x512xf32, #tpu.memory_space<vmem>>, vector<1x1x512xf32>
    %get3A_675 = vector.shape_cast %get3A_674 : vector<1x1x512xf32> to vector<1x512xf32>
    %swap3A_676 = arith.constant 3 : index
    %swap3A_677 = arith.constant 0 : index
    %swap3A_678 = vector.load %arg8[%swap3A_676, %swap3A_677] : memref<4x4096xf32, #tpu.memory_space<vmem>>, vector<1x512xf32>
    tpu.vector_store %arg8[%swap3A_676, %swap3A_677], %get3A_675 {strides = array<i32>} : memref<4x4096xf32, #tpu.memory_space<vmem>>, vector<1x512xf32>,
    %get3A_679 = arith.constant 18 : index
    %get3A_680 = arith.constant 0 : index
    %get3A_681 = arith.constant 0 : index
    %get3A_682 = vector.load %arg1[%get3A_679, %get3A_680, %get3A_681] : memref<24x1x512xi32, #tpu.memory_space<vmem>>, vector<1x1x512xi32>
    %get3A_683 = vector.shape_cast %get3A_682 : vector<1x1x512xi32> to vector<1x512xi32>
    %swap3A_684 = arith.constant 3 : index
    %swap3A_685 = arith.constant 0 : index
    %swap3A_686 = vector.load %arg9[%swap3A_684, %swap3A_685] : memref<4x4096xi32, #tpu.memory_space<vmem>>, vector<1x512xi32>
    tpu.vector_store %arg9[%swap3A_684, %swap3A_685], %get3A_683 {strides = array<i32>} : memref<4x4096xi32, #tpu.memory_space<vmem>>, vector<1x512xi32>,
    %get3A_687 = arith.constant 19 : index
    %get3A_688 = arith.constant 0 : index
    %get3A_689 = arith.constant 0 : index
    %get3A_690 = vector.load %arg0[%get3A_687, %get3A_688, %get3A_689] : memref<24x1x512xf32, #tpu.memory_space<vmem>>, vector<1x1x512xf32>
    %get3A_691 = vector.shape_cast %get3A_690 : vector<1x1x512xf32> to vector<1x512xf32>
    %swap3A_692 = arith.constant 3 : index
    %swap3A_693 = arith.constant 512 : index
    %swap3A_694 = vector.load %arg8[%swap3A_692, %swap3A_693] : memref<4x4096xf32, #tpu.memory_space<vmem>>, vector<1x512xf32>
    tpu.vector_store %arg8[%swap3A_692, %swap3A_693], %get3A_691 {strides = array<i32>} : memref<4x4096xf32, #tpu.memory_space<vmem>>, vector<1x512xf32>,
    %get3A_695 = arith.constant 19 : index
    %get3A_696 = arith.constant 0 : index
    %get3A_697 = arith.constant 0 : index
    %get3A_698 = vector.load %arg1[%get3A_695, %get3A_696, %get3A_697] : memref<24x1x512xi32, #tpu.memory_space<vmem>>, vector<1x1x512xi32>
    %get3A_699 = vector.shape_cast %get3A_698 : vector<1x1x512xi32> to vector<1x512xi32>
    %swap3A_700 = arith.constant 3 : index
    %swap3A_701 = arith.constant 512 : index
    %swap3A_702 = vector.load %arg9[%swap3A_700, %swap3A_701] : memref<4x4096xi32, #tpu.memory_space<vmem>>, vector<1x512xi32>
    tpu.vector_store %arg9[%swap3A_700, %swap3A_701], %get3A_699 {strides = array<i32>} : memref<4x4096xi32, #tpu.memory_space<vmem>>, vector<1x512xi32>,
    %get3A_703 = arith.constant 20 : index
    %get3A_704 = arith.constant 0 : index
    %get3A_705 = arith.constant 0 : index
    %get3A_706 = vector.load %arg0[%get3A_703, %get3A_704, %get3A_705] : memref<24x1x512xf32, #tpu.memory_space<vmem>>, vector<1x1x512xf32>
    %get3A_707 = vector.shape_cast %get3A_706 : vector<1x1x512xf32> to vector<1x512xf32>
    %swap3A_708 = arith.constant 3 : index
    %swap3A_709 = arith.constant 1024 : index
    %swap3A_710 = vector.load %arg8[%swap3A_708, %swap3A_709] : memref<4x4096xf32, #tpu.memory_space<vmem>>, vector<1x512xf32>
    tpu.vector_store %arg8[%swap3A_708, %swap3A_709], %get3A_707 {strides = array<i32>} : memref<4x4096xf32, #tpu.memory_space<vmem>>, vector<1x512xf32>,
    %get3A_711 = arith.constant 20 : index
    %get3A_712 = arith.constant 0 : index
    %get3A_713 = arith.constant 0 : index
    %get3A_714 = vector.load %arg1[%get3A_711, %get3A_712, %get3A_713] : memref<24x1x512xi32, #tpu.memory_space<vmem>>, vector<1x1x512xi32>
    %get3A_715 = vector.shape_cast %get3A_714 : vector<1x1x512xi32> to vector<1x512xi32>
    %swap3A_716 = arith.constant 3 : index
    %swap3A_717 = arith.constant 1024 : index
    %swap3A_718 = vector.load %arg9[%swap3A_716, %swap3A_717] : memref<4x4096xi32, #tpu.memory_space<vmem>>, vector<1x512xi32>
    tpu.vector_store %arg9[%swap3A_716, %swap3A_717], %get3A_715 {strides = array<i32>} : memref<4x4096xi32, #tpu.memory_space<vmem>>, vector<1x512xi32>,
    %get3A_719 = arith.constant 21 : index
    %get3A_720 = arith.constant 0 : index
    %get3A_721 = arith.constant 0 : index
    %get3A_722 = vector.load %arg0[%get3A_719, %get3A_720, %get3A_721] : memref<24x1x512xf32, #tpu.memory_space<vmem>>, vector<1x1x512xf32>
    %get3A_723 = vector.shape_cast %get3A_722 : vector<1x1x512xf32> to vector<1x512xf32>
    %swap3A_724 = arith.constant 3 : index
    %swap3A_725 = arith.constant 1536 : index
    %swap3A_726 = vector.load %arg8[%swap3A_724, %swap3A_725] : memref<4x4096xf32, #tpu.memory_space<vmem>>, vector<1x512xf32>
    tpu.vector_store %arg8[%swap3A_724, %swap3A_725], %get3A_723 {strides = array<i32>} : memref<4x4096xf32, #tpu.memory_space<vmem>>, vector<1x512xf32>,
    %get3A_727 = arith.constant 21 : index
    %get3A_728 = arith.constant 0 : index
    %get3A_729 = arith.constant 0 : index
    %get3A_730 = vector.load %arg1[%get3A_727, %get3A_728, %get3A_729] : memref<24x1x512xi32, #tpu.memory_space<vmem>>, vector<1x1x512xi32>
    %get3A_731 = vector.shape_cast %get3A_730 : vector<1x1x512xi32> to vector<1x512xi32>
    %swap3A_732 = arith.constant 3 : index
    %swap3A_733 = arith.constant 1536 : index
    %swap3A_734 = vector.load %arg9[%swap3A_732, %swap3A_733] : memref<4x4096xi32, #tpu.memory_space<vmem>>, vector<1x512xi32>
    tpu.vector_store %arg9[%swap3A_732, %swap3A_733], %get3A_731 {strides = array<i32>} : memref<4x4096xi32, #tpu.memory_space<vmem>>, vector<1x512xi32>,
    %get3A_735 = arith.constant 22 : index
    %get3A_736 = arith.constant 0 : index
    %get3A_737 = arith.constant 0 : index
    %get3A_738 = vector.load %arg0[%get3A_735, %get3A_736, %get3A_737] : memref<24x1x512xf32, #tpu.memory_space<vmem>>, vector<1x1x512xf32>
    %get3A_739 = vector.shape_cast %get3A_738 : vector<1x1x512xf32> to vector<1x512xf32>
    %swap3A_740 = arith.constant 3 : index
    %swap3A_741 = arith.constant 2048 : index
    %swap3A_742 = vector.load %arg8[%swap3A_740, %swap3A_741] : memref<4x4096xf32, #tpu.memory_space<vmem>>, vector<1x512xf32>
    tpu.vector_store %arg8[%swap3A_740, %swap3A_741], %get3A_739 {strides = array<i32>} : memref<4x4096xf32, #tpu.memory_space<vmem>>, vector<1x512xf32>,
    %get3A_743 = arith.constant 22 : index
    %get3A_744 = arith.constant 0 : index
    %get3A_745 = arith.constant 0 : index
    %get3A_746 = vector.load %arg1[%get3A_743, %get3A_744, %get3A_745] : memref<24x1x512xi32, #tpu.memory_space<vmem>>, vector<1x1x512xi32>
    %get3A_747 = vector.shape_cast %get3A_746 : vector<1x1x512xi32> to vector<1x512xi32>
    %swap3A_748 = arith.constant 3 : index
    %swap3A_749 = arith.constant 2048 : index
    %swap3A_750 = vector.load %arg9[%swap3A_748, %swap3A_749] : memref<4x4096xi32, #tpu.memory_space<vmem>>, vector<1x512xi32>
    tpu.vector_store %arg9[%swap3A_748, %swap3A_749], %get3A_747 {strides = array<i32>} : memref<4x4096xi32, #tpu.memory_space<vmem>>, vector<1x512xi32>,
    %get3A_751 = arith.constant 23 : index
    %get3A_752 = arith.constant 0 : index
    %get3A_753 = arith.constant 0 : index
    %get3A_754 = vector.load %arg0[%get3A_751, %get3A_752, %get3A_753] : memref<24x1x512xf32, #tpu.memory_space<vmem>>, vector<1x1x512xf32>
    %get3A_755 = vector.shape_cast %get3A_754 : vector<1x1x512xf32> to vector<1x512xf32>
    %swap3A_756 = arith.constant 3 : index
    %swap3A_757 = arith.constant 2560 : index
    %swap3A_758 = vector.load %arg8[%swap3A_756, %swap3A_757] : memref<4x4096xf32, #tpu.memory_space<vmem>>, vector<1x512xf32>
    tpu.vector_store %arg8[%swap3A_756, %swap3A_757], %get3A_755 {strides = array<i32>} : memref<4x4096xf32, #tpu.memory_space<vmem>>, vector<1x512xf32>,
    %get3A_759 = arith.constant 23 : index
    %get3A_760 = arith.constant 0 : index
    %get3A_761 = arith.constant 0 : index
    %get3A_762 = vector.load %arg1[%get3A_759, %get3A_760, %get3A_761] : memref<24x1x512xi32, #tpu.memory_space<vmem>>, vector<1x1x512xi32>
    %get3A_763 = vector.shape_cast %get3A_762 : vector<1x1x512xi32> to vector<1x512xi32>
    %swap3A_764 = arith.constant 3 : index
    %swap3A_765 = arith.constant 2560 : index
    %swap3A_766 = vector.load %arg9[%swap3A_764, %swap3A_765] : memref<4x4096xi32, #tpu.memory_space<vmem>>, vector<1x512xi32>
    tpu.vector_store %arg9[%swap3A_764, %swap3A_765], %get3A_763 {strides = array<i32>} : memref<4x4096xi32, #tpu.memory_space<vmem>>, vector<1x512xi32>,
    %get3A_767 = arith.constant 3072 : index
    %get3A_768 = vector.load %arg2[%get3A_767] : memref<4096xf32, #tpu.memory_space<vmem>>, vector<1024xf32>
    %reshape3A_769 = vector.shape_cast %get3A_768 : vector<1024xf32> to vector<1x1024xf32>
    %swap3A_770 = arith.constant 3 : index
    %swap3A_771 = arith.constant 3072 : index
    %swap3A_772 = vector.load %arg8[%swap3A_770, %swap3A_771] : memref<4x4096xf32, #tpu.memory_space<vmem>>, vector<1x1024xf32>
    tpu.vector_store %arg8[%swap3A_770, %swap3A_771], %reshape3A_769 {strides = array<i32>} : memref<4x4096xf32, #tpu.memory_space<vmem>>, vector<1x1024xf32>,
    %get3A_773 = arith.constant 3072 : index
    %get3A_774 = vector.load %arg3[%get3A_773] : memref<4096xi32, #tpu.memory_space<vmem>>, vector<1024xi32>
    %reshape3A_775 = vector.shape_cast %get3A_774 : vector<1024xi32> to vector<1x1024xi32>
    %swap3A_776 = arith.constant 3 : index
    %swap3A_777 = arith.constant 3072 : index
    %swap3A_778 = vector.load %arg9[%swap3A_776, %swap3A_777] : memref<4x4096xi32, #tpu.memory_space<vmem>>, vector<1x1024xi32>
    tpu.vector_store %arg9[%swap3A_776, %swap3A_777], %reshape3A_775 {strides = array<i32>} : memref<4x4096xi32, #tpu.memory_space<vmem>>, vector<1x1024xi32>,
    return
  }
}

module attributes {stable_mosaic.version = 14 : i64} {
  func.func @_prep_block(%arg0: i32, %arg1: memref<1x4096x3xf32, #tpu.memory_space<vmem>>, %arg2: memref<1x4096x3xf32, #tpu.memory_space<vmem>>, %arg3: memref<4096xf32, #tpu.memory_space<vmem>>, %arg4: memref<4096xf32, #tpu.memory_space<vmem>>, %arg5: memref<4096xf32, #tpu.memory_space<vmem>>, %arg6: memref<4096xf32, #tpu.memory_space<vmem>>, %arg7: memref<4096xf32, #tpu.memory_space<vmem>>, %arg8: memref<4096xf32, #tpu.memory_space<vmem>>) attributes {dimension_semantics = [#tpu.dimension_semantics<arbitrary>], iteration_bounds = array<i64: 4>, scalar_prefetch = 0 : i64, scratch_operands = 0 : i64, tpu.core_type = #tpu.core_type<tc>, window_params = [{transform_indices = @transform_0, window_bounds = array<i64: 1, 4096, 3>}, {transform_indices = @transform_1, window_bounds = array<i64: 1, 4096, 3>}, {transform_indices = @transform_2, window_bounds = array<i64: 4096>}, {transform_indices = @transform_3, window_bounds = array<i64: 4096>}, {transform_indices = @transform_4, window_bounds = array<i64: 4096>}, {transform_indices = @transform_5, window_bounds = array<i64: 4096>}, {transform_indices = @transform_6, window_bounds = array<i64: 4096>}, {transform_indices = @transform_7, window_bounds = array<i64: 4096>}]} {
    %get3A = arith.constant 0 : index
    %get3A_0 = arith.constant 0 : index
    %get3A_1 = arith.constant 0 : index
    %get3A_2 = vector.load %arg1[%get3A, %get3A_0, %get3A_1] : memref<1x4096x3xf32, #tpu.memory_space<vmem>>, vector<1x4096x3xf32>
    %get3A_3 = vector.shape_cast %get3A_2 : vector<1x4096x3xf32> to vector<4096x3xf32>
    %transpose3A = tpu.transpose %get3A_3, [1, 0] : vector<4096x3xf32> -> vector<3x4096xf32>
    %get3A_4 = arith.constant 0 : index
    %get3A_5 = arith.constant 0 : index
    %get3A_6 = arith.constant 0 : index
    %get3A_7 = vector.load %arg2[%get3A_4, %get3A_5, %get3A_6] : memref<1x4096x3xf32, #tpu.memory_space<vmem>>, vector<1x4096x3xf32>
    %get3A_8 = vector.shape_cast %get3A_7 : vector<1x4096x3xf32> to vector<4096x3xf32>
    %transpose3A_9 = tpu.transpose %get3A_8, [1, 0] : vector<4096x3xf32> -> vector<3x4096xf32>
    %slice3A = vector.extract_strided_slice %transpose3A {offsets = [0, 0], sizes = [1, 4096], strides = [1, 1]} : vector<3x4096xf32> to vector<1x4096xf32>
    %squeeze3A = vector.shape_cast %slice3A : vector<1x4096xf32> to vector<4096xf32>
    %swap3A = arith.constant 0 : index
    %swap3A_10 = vector.load %arg3[%swap3A] : memref<4096xf32, #tpu.memory_space<vmem>>, vector<4096xf32>
    tpu.vector_store %arg3[%swap3A], %squeeze3A {strides = array<i32>} : memref<4096xf32, #tpu.memory_space<vmem>>, vector<4096xf32>,
    %slice3A_11 = vector.extract_strided_slice %transpose3A {offsets = [1, 0], sizes = [1, 4096], strides = [1, 1]} : vector<3x4096xf32> to vector<1x4096xf32>
    %squeeze3A_12 = vector.shape_cast %slice3A_11 : vector<1x4096xf32> to vector<4096xf32>
    %swap3A_13 = arith.constant 0 : index
    %swap3A_14 = vector.load %arg4[%swap3A_13] : memref<4096xf32, #tpu.memory_space<vmem>>, vector<4096xf32>
    tpu.vector_store %arg4[%swap3A_13], %squeeze3A_12 {strides = array<i32>} : memref<4096xf32, #tpu.memory_space<vmem>>, vector<4096xf32>,
    %slice3A_15 = vector.extract_strided_slice %transpose3A {offsets = [2, 0], sizes = [1, 4096], strides = [1, 1]} : vector<3x4096xf32> to vector<1x4096xf32>
    %squeeze3A_16 = vector.shape_cast %slice3A_15 : vector<1x4096xf32> to vector<4096xf32>
    %swap3A_17 = arith.constant 0 : index
    %swap3A_18 = vector.load %arg5[%swap3A_17] : memref<4096xf32, #tpu.memory_space<vmem>>, vector<4096xf32>
    tpu.vector_store %arg5[%swap3A_17], %squeeze3A_16 {strides = array<i32>} : memref<4096xf32, #tpu.memory_space<vmem>>, vector<4096xf32>,
    %slice3A_19 = vector.extract_strided_slice %transpose3A_9 {offsets = [0, 0], sizes = [1, 4096], strides = [1, 1]} : vector<3x4096xf32> to vector<1x4096xf32>
    %squeeze3A_20 = vector.shape_cast %slice3A_19 : vector<1x4096xf32> to vector<4096xf32>
    %swap3A_21 = arith.constant 0 : index
    %swap3A_22 = vector.load %arg6[%swap3A_21] : memref<4096xf32, #tpu.memory_space<vmem>>, vector<4096xf32>
    tpu.vector_store %arg6[%swap3A_21], %squeeze3A_20 {strides = array<i32>} : memref<4096xf32, #tpu.memory_space<vmem>>, vector<4096xf32>,
    %slice3A_23 = vector.extract_strided_slice %transpose3A_9 {offsets = [1, 0], sizes = [1, 4096], strides = [1, 1]} : vector<3x4096xf32> to vector<1x4096xf32>
    %squeeze3A_24 = vector.shape_cast %slice3A_23 : vector<1x4096xf32> to vector<4096xf32>
    %swap3A_25 = arith.constant 0 : index
    %swap3A_26 = vector.load %arg7[%swap3A_25] : memref<4096xf32, #tpu.memory_space<vmem>>, vector<4096xf32>
    tpu.vector_store %arg7[%swap3A_25], %squeeze3A_24 {strides = array<i32>} : memref<4096xf32, #tpu.memory_space<vmem>>, vector<4096xf32>,
    %slice3A_27 = vector.extract_strided_slice %transpose3A_9 {offsets = [2, 0], sizes = [1, 4096], strides = [1, 1]} : vector<3x4096xf32> to vector<1x4096xf32>
    %squeeze3A_28 = vector.shape_cast %slice3A_27 : vector<1x4096xf32> to vector<4096xf32>
    %swap3A_29 = arith.constant 0 : index
    %swap3A_30 = vector.load %arg8[%swap3A_29] : memref<4096xf32, #tpu.memory_space<vmem>>, vector<4096xf32>
    tpu.vector_store %arg8[%swap3A_29], %squeeze3A_28 {strides = array<i32>} : memref<4096xf32, #tpu.memory_space<vmem>>, vector<4096xf32>,
    return
  }
  func.func @transform_0(%arg0: i32) -> (i32, i32, i32) {
    %c0_i32 = arith.constant 0 : i32
    %c0_i32_0 = arith.constant 0 : i32
    %c0_i32_1 = arith.constant 0 : i32
    return %arg0, %c0_i32, %c0_i32_0 : i32, i32, i32
  }
  func.func @transform_1(%arg0: i32) -> (i32, i32, i32) {
    %c0_i32 = arith.constant 0 : i32
    %c0_i32_0 = arith.constant 0 : i32
    %c0_i32_1 = arith.constant 0 : i32
    return %arg0, %c0_i32, %c0_i32_0 : i32, i32, i32
  }
  func.func @transform_2(%arg0: i32) -> i32 {
    %c0_i32 = arith.constant 0 : i32
    return %arg0 : i32
  }
  func.func @transform_3(%arg0: i32) -> i32 {
    %c0_i32 = arith.constant 0 : i32
    return %arg0 : i32
  }
  func.func @transform_4(%arg0: i32) -> i32 {
    %c0_i32 = arith.constant 0 : i32
    return %arg0 : i32
  }
  func.func @transform_5(%arg0: i32) -> i32 {
    %c0_i32 = arith.constant 0 : i32
    return %arg0 : i32
  }
  func.func @transform_6(%arg0: i32) -> i32 {
    %c0_i32 = arith.constant 0 : i32
    return %arg0 : i32
  }
  func.func @transform_7(%arg0: i32) -> i32 {
    %c0_i32 = arith.constant 0 : i32
    return %arg0 : i32
  }
}

module attributes {stable_mosaic.version = 14 : i64} {
  func.func @_tc_block(%arg0: i32, %arg1: i32, %arg2: memref<1x512x3xf32, #tpu.memory_space<vmem>>, %arg3: memref<4096xf32, #tpu.memory_space<vmem>>, %arg4: memref<4096xf32, #tpu.memory_space<vmem>>, %arg5: memref<4096xf32, #tpu.memory_space<vmem>>, %arg6: memref<1x1x512xf32, #tpu.memory_space<vmem>>, %arg7: memref<1x1x512xi32, #tpu.memory_space<vmem>>, %arg8: memref<1x1x4096xf32, #tpu.memory_space<vmem>>, %arg9: memref<1x1x4096xi32, #tpu.memory_space<vmem>>) attributes {dimension_semantics = [#tpu.dimension_semantics<parallel>, #tpu.dimension_semantics<arbitrary>], iteration_bounds = array<i64: 4, 6>, scalar_prefetch = 0 : i64, scratch_operands = 0 : i64, tpu.core_type = #tpu.core_type<tc>, window_params = [{transform_indices = @transform_0, window_bounds = array<i64: 1, 512, 3>}, {transform_indices = @transform_1, window_bounds = array<i64: 4096>}, {transform_indices = @transform_2, window_bounds = array<i64: 4096>}, {transform_indices = @transform_3, window_bounds = array<i64: 4096>}, {transform_indices = @transform_4, window_bounds = array<i64: 1, 1, 512>}, {transform_indices = @transform_5, window_bounds = array<i64: 1, 1, 512>}, {transform_indices = @transform_6, window_bounds = array<i64: 1, 1, 4096>}, {transform_indices = @transform_7, window_bounds = array<i64: 1, 1, 4096>}]} {
    %get3A = arith.constant 0 : index
    %get3A_0 = arith.constant 0 : index
    %get3A_1 = arith.constant 0 : index
    %get3A_2 = vector.load %arg2[%get3A, %get3A_0, %get3A_1] : memref<1x512x3xf32, #tpu.memory_space<vmem>>, vector<1x512x3xf32>
    %get3A_3 = vector.shape_cast %get3A_2 : vector<1x512x3xf32> to vector<512x3xf32>
    %get3A_4 = arith.constant 0 : index
    %get3A_5 = vector.load %arg3[%get3A_4] : memref<4096xf32, #tpu.memory_space<vmem>>, vector<4096xf32>
    %get3A_6 = arith.constant 0 : index
    %get3A_7 = vector.load %arg4[%get3A_6] : memref<4096xf32, #tpu.memory_space<vmem>>, vector<4096xf32>
    %get3A_8 = arith.constant 0 : index
    %get3A_9 = vector.load %arg5[%get3A_8] : memref<4096xf32, #tpu.memory_space<vmem>>, vector<4096xf32>
    %slice3A = vector.extract_strided_slice %get3A_3 {offsets = [0, 0], sizes = [512, 1], strides = [1, 1]} : vector<512x3xf32> to vector<512x1xf32>
    %reshape3A = vector.shape_cast %get3A_5 : vector<4096xf32> to vector<1x4096xf32>
    %sub3A = vector.broadcast %slice3A : vector<512x1xf32> to vector<512x4096xf32>
    %sub3A_10 = vector.broadcast %reshape3A : vector<1x4096xf32> to vector<512x4096xf32>
    %sub3A_11 = arith.subf %sub3A, %sub3A_10 : vector<512x4096xf32>
    %mul3A = arith.mulf %sub3A_11, %sub3A_11 : vector<512x4096xf32>
    %slice3A_12 = vector.extract_strided_slice %get3A_3 {offsets = [0, 1], sizes = [512, 1], strides = [1, 1]} : vector<512x3xf32> to vector<512x1xf32>
    %reshape3A_13 = vector.shape_cast %get3A_7 : vector<4096xf32> to vector<1x4096xf32>
    %sub3A_14 = vector.broadcast %slice3A_12 : vector<512x1xf32> to vector<512x4096xf32>
    %sub3A_15 = vector.broadcast %reshape3A_13 : vector<1x4096xf32> to vector<512x4096xf32>
    %sub3A_16 = arith.subf %sub3A_14, %sub3A_15 : vector<512x4096xf32>
    %mul3A_17 = arith.mulf %sub3A_16, %sub3A_16 : vector<512x4096xf32>
    %add3A = arith.addf %mul3A, %mul3A_17 : vector<512x4096xf32>
    %slice3A_18 = vector.extract_strided_slice %get3A_3 {offsets = [0, 2], sizes = [512, 1], strides = [1, 1]} : vector<512x3xf32> to vector<512x1xf32>
    %reshape3A_19 = vector.shape_cast %get3A_9 : vector<4096xf32> to vector<1x4096xf32>
    %sub3A_20 = vector.broadcast %slice3A_18 : vector<512x1xf32> to vector<512x4096xf32>
    %sub3A_21 = vector.broadcast %reshape3A_19 : vector<1x4096xf32> to vector<512x4096xf32>
    %sub3A_22 = arith.subf %sub3A_20, %sub3A_21 : vector<512x4096xf32>
    %mul3A_23 = arith.mulf %sub3A_22, %sub3A_22 : vector<512x4096xf32>
    %add3A_24 = arith.addf %add3A, %mul3A_23 : vector<512x4096xf32>
    %reduce_min3A = arith.constant dense<0x7F800000> : vector<512xf32>
    %reduce_min3A_25 = vector.multi_reduction <minimumf>, %add3A_24, %reduce_min3A [1] : vector<512x4096xf32> to vector<512xf32>
    %broadcast_in_dim3A = vector.shape_cast %reduce_min3A_25 : vector<512xf32> to vector<512x1xf32>
    %iota3A = tpu.iota {dimensions = array<i32: 1>} : vector<512x4096xi32>
    %eq3A = vector.broadcast %broadcast_in_dim3A : vector<512x1xf32> to vector<512x4096xf32>
    %eq3A_26 = arith.cmpf oeq, %add3A_24, %eq3A : vector<512x4096xf32>
    %jit3A = arith.constant 4096 : i32
    %broadcast_in_dim3A_27 = vector.broadcast %jit3A : i32 to vector<512x4096xi32>
    %select_n3A = arith.select %eq3A_26, %iota3A, %broadcast_in_dim3A_27 : vector<512x4096xi1>, vector<512x4096xi32>
    %reduce_min3A_28 = arith.constant dense<2147483647> : vector<512xi32>
    %reduce_min3A_29 = vector.multi_reduction <minsi>, %select_n3A, %reduce_min3A_28 [1] : vector<512x4096xi32> to vector<512xi32>
    %broadcast_in_dim3A_30 = vector.shape_cast %reduce_min3A_29 : vector<512xi32> to vector<512x1xi32>
    %transpose3A = tpu.transpose %broadcast_in_dim3A, [1, 0] : vector<512x1xf32> -> vector<1x512xf32>
    %swap3A = arith.constant 0 : index
    %swap3A_31 = arith.constant 0 : index
    %swap3A_32 = arith.constant 0 : index
    %swap3A_33 = vector.load %arg6[%swap3A, %swap3A_31, %swap3A_32] : memref<1x1x512xf32, #tpu.memory_space<vmem>>, vector<1x1x512xf32>
    %swap3A_34 = vector.shape_cast %swap3A_33 : vector<1x1x512xf32> to vector<1x512xf32>
    %swap3A_35 = vector.shape_cast %transpose3A : vector<1x512xf32> to vector<1x1x512xf32>
    tpu.vector_store %arg6[%swap3A, %swap3A_31, %swap3A_32], %swap3A_35 {strides = array<i32>} : memref<1x1x512xf32, #tpu.memory_space<vmem>>, vector<1x1x512xf32>,
    %transpose3A_36 = tpu.transpose %broadcast_in_dim3A_30, [1, 0] : vector<512x1xi32> -> vector<1x512xi32>
    %swap3A_37 = arith.constant 0 : index
    %swap3A_38 = arith.constant 0 : index
    %swap3A_39 = arith.constant 0 : index
    %swap3A_40 = vector.load %arg7[%swap3A_37, %swap3A_38, %swap3A_39] : memref<1x1x512xi32, #tpu.memory_space<vmem>>, vector<1x1x512xi32>
    %swap3A_41 = vector.shape_cast %swap3A_40 : vector<1x1x512xi32> to vector<1x512xi32>
    %swap3A_42 = vector.shape_cast %transpose3A_36 : vector<1x512xi32> to vector<1x1x512xi32>
    tpu.vector_store %arg7[%swap3A_37, %swap3A_38, %swap3A_39], %swap3A_42 {strides = array<i32>} : memref<1x1x512xi32, #tpu.memory_space<vmem>>, vector<1x1x512xi32>,
    %reduce_min3A_43 = arith.constant dense<0x7F800000> : vector<4096xf32>
    %reduce_min3A_44 = vector.multi_reduction <minimumf>, %add3A_24, %reduce_min3A_43 [0] : vector<512x4096xf32> to vector<4096xf32>
    %broadcast_in_dim3A_45 = vector.shape_cast %reduce_min3A_44 : vector<4096xf32> to vector<1x4096xf32>
    %iota3A_46 = tpu.iota {dimensions = array<i32: 0>} : vector<512x4096xi32>
    %eq3A_47 = vector.broadcast %broadcast_in_dim3A_45 : vector<1x4096xf32> to vector<512x4096xf32>
    %eq3A_48 = arith.cmpf oeq, %add3A_24, %eq3A_47 : vector<512x4096xf32>
    %jit3A_49 = arith.constant 4096 : i32
    %broadcast_in_dim3A_50 = vector.broadcast %jit3A_49 : i32 to vector<512x4096xi32>
    %select_n3A_51 = arith.select %eq3A_48, %iota3A_46, %broadcast_in_dim3A_50 : vector<512x4096xi1>, vector<512x4096xi32>
    %reduce_min3A_52 = arith.constant dense<2147483647> : vector<4096xi32>
    %reduce_min3A_53 = vector.multi_reduction <minsi>, %select_n3A_51, %reduce_min3A_52 [0] : vector<512x4096xi32> to vector<4096xi32>
    %broadcast_in_dim3A_54 = vector.shape_cast %reduce_min3A_53 : vector<4096xi32> to vector<1x4096xi32>
    %mul3A_55 = arith.constant 512 : i32
    %mul3A_56 = arith.muli %arg1, %mul3A_55 : i32
    %add3A_57 = vector.broadcast %mul3A_56 : i32 to vector<1x4096xi32>
    %add3A_58 = arith.addi %broadcast_in_dim3A_54, %add3A_57 : vector<1x4096xi32>
    %eq3A_59 = arith.constant 0 : i32
    %eq3A_60 = arith.cmpi eq, %arg1, %eq3A_59 : i32
    %convert_element_type3A = arith.extui %eq3A_60 : i1 to i32
    %cond3A = arith.constant 0 : i32
    %cond3A_61 = arith.cmpi ne, %convert_element_type3A, %cond3A : i32
    scf.if %cond3A_61 {
      %swap3A_66 = arith.constant 0 : index
      %swap3A_67 = arith.constant 0 : index
      %swap3A_68 = arith.constant 0 : index
      %swap3A_69 = vector.load %arg8[%swap3A_66, %swap3A_67, %swap3A_68] : memref<1x1x4096xf32, #tpu.memory_space<vmem>>, vector<1x1x4096xf32>
      %swap3A_70 = vector.shape_cast %swap3A_69 : vector<1x1x4096xf32> to vector<1x4096xf32>
      %swap3A_71 = vector.shape_cast %broadcast_in_dim3A_45 : vector<1x4096xf32> to vector<1x1x4096xf32>
      tpu.vector_store %arg8[%swap3A_66, %swap3A_67, %swap3A_68], %swap3A_71 {strides = array<i32>} : memref<1x1x4096xf32, #tpu.memory_space<vmem>>, vector<1x1x4096xf32>,
      %swap3A_72 = arith.constant 0 : index
      %swap3A_73 = arith.constant 0 : index
      %swap3A_74 = arith.constant 0 : index
      %swap3A_75 = vector.load %arg9[%swap3A_72, %swap3A_73, %swap3A_74] : memref<1x1x4096xi32, #tpu.memory_space<vmem>>, vector<1x1x4096xi32>
      %swap3A_76 = vector.shape_cast %swap3A_75 : vector<1x1x4096xi32> to vector<1x4096xi32>
      %swap3A_77 = vector.shape_cast %add3A_58 : vector<1x4096xi32> to vector<1x1x4096xi32>
      tpu.vector_store %arg9[%swap3A_72, %swap3A_73, %swap3A_74], %swap3A_77 {strides = array<i32>} : memref<1x1x4096xi32, #tpu.memory_space<vmem>>, vector<1x1x4096xi32>,
    } else {
    }
    %gt3A = arith.constant 0 : i32
    %gt3A_62 = arith.cmpi sgt, %arg1, %gt3A : i32
    %convert_element_type3A_63 = arith.extui %gt3A_62 : i1 to i32
    %cond3A_64 = arith.constant 0 : i32
    %cond3A_65 = arith.cmpi ne, %convert_element_type3A_63, %cond3A_64 : i32
    scf.if %cond3A_65 {
      %get3A_66 = arith.constant 0 : index
      %get3A_67 = arith.constant 0 : index
      %get3A_68 = arith.constant 0 : index
      %get3A_69 = vector.load %arg8[%get3A_66, %get3A_67, %get3A_68] : memref<1x1x4096xf32, #tpu.memory_space<vmem>>, vector<1x1x4096xf32>
      %get3A_70 = vector.shape_cast %get3A_69 : vector<1x1x4096xf32> to vector<1x4096xf32>
      %get3A_71 = arith.constant 0 : index
      %get3A_72 = arith.constant 0 : index
      %get3A_73 = arith.constant 0 : index
      %get3A_74 = vector.load %arg9[%get3A_71, %get3A_72, %get3A_73] : memref<1x1x4096xi32, #tpu.memory_space<vmem>>, vector<1x1x4096xi32>
      %get3A_75 = vector.shape_cast %get3A_74 : vector<1x1x4096xi32> to vector<1x4096xi32>
      %lt3A = arith.cmpf olt, %broadcast_in_dim3A_45, %get3A_70 : vector<1x4096xf32>
      %select_n3A_76 = arith.select %lt3A, %broadcast_in_dim3A_45, %get3A_70 : vector<1x4096xi1>, vector<1x4096xf32>
      %swap3A_77 = arith.constant 0 : index
      %swap3A_78 = arith.constant 0 : index
      %swap3A_79 = arith.constant 0 : index
      %swap3A_80 = vector.load %arg8[%swap3A_77, %swap3A_78, %swap3A_79] : memref<1x1x4096xf32, #tpu.memory_space<vmem>>, vector<1x1x4096xf32>
      %swap3A_81 = vector.shape_cast %swap3A_80 : vector<1x1x4096xf32> to vector<1x4096xf32>
      %swap3A_82 = vector.shape_cast %select_n3A_76 : vector<1x4096xf32> to vector<1x1x4096xf32>
      tpu.vector_store %arg8[%swap3A_77, %swap3A_78, %swap3A_79], %swap3A_82 {strides = array<i32>} : memref<1x1x4096xf32, #tpu.memory_space<vmem>>, vector<1x1x4096xf32>,
      %select_n3A_83 = arith.select %lt3A, %add3A_58, %get3A_75 : vector<1x4096xi1>, vector<1x4096xi32>
      %swap3A_84 = arith.constant 0 : index
      %swap3A_85 = arith.constant 0 : index
      %swap3A_86 = arith.constant 0 : index
      %swap3A_87 = vector.load %arg9[%swap3A_84, %swap3A_85, %swap3A_86] : memref<1x1x4096xi32, #tpu.memory_space<vmem>>, vector<1x1x4096xi32>
      %swap3A_88 = vector.shape_cast %swap3A_87 : vector<1x1x4096xi32> to vector<1x4096xi32>
      %swap3A_89 = vector.shape_cast %select_n3A_83 : vector<1x4096xi32> to vector<1x1x4096xi32>
      tpu.vector_store %arg9[%swap3A_84, %swap3A_85, %swap3A_86], %swap3A_89 {strides = array<i32>} : memref<1x1x4096xi32, #tpu.memory_space<vmem>>, vector<1x1x4096xi32>,
    } else {
    }
    return
  }
  func.func @transform_0(%arg0: i32, %arg1: i32) -> (i32, i32, i32) {
    %c0_i32 = arith.constant 0 : i32
    %c0_i32_0 = arith.constant 0 : i32
    return %arg0, %arg1, %c0_i32 : i32, i32, i32
  }
  func.func @transform_1(%arg0: i32, %arg1: i32) -> i32 {
    %c0_i32 = arith.constant 0 : i32
    return %arg0 : i32
  }
  func.func @transform_2(%arg0: i32, %arg1: i32) -> i32 {
    %c0_i32 = arith.constant 0 : i32
    return %arg0 : i32
  }
  func.func @transform_3(%arg0: i32, %arg1: i32) -> i32 {
    %c0_i32 = arith.constant 0 : i32
    return %arg0 : i32
  }
  func.func @transform_4(%arg0: i32, %arg1: i32) -> (i32, i32, i32) {
    %mul3A = arith.constant 6 : i32
    %mul3A_0 = arith.muli %arg0, %mul3A : i32
    %add3A = arith.addi %mul3A_0, %arg1 : i32
    %c0_i32 = arith.constant 0 : i32
    %c0_i32_1 = arith.constant 0 : i32
    %c0_i32_2 = arith.constant 0 : i32
    return %add3A, %c0_i32, %c0_i32_1 : i32, i32, i32
  }
  func.func @transform_5(%arg0: i32, %arg1: i32) -> (i32, i32, i32) {
    %mul3A = arith.constant 6 : i32
    %mul3A_0 = arith.muli %arg0, %mul3A : i32
    %add3A = arith.addi %mul3A_0, %arg1 : i32
    %c0_i32 = arith.constant 0 : i32
    %c0_i32_1 = arith.constant 0 : i32
    %c0_i32_2 = arith.constant 0 : i32
    return %add3A, %c0_i32, %c0_i32_1 : i32, i32, i32
  }
  func.func @transform_6(%arg0: i32, %arg1: i32) -> (i32, i32, i32) {
    %c0_i32 = arith.constant 0 : i32
    %c0_i32_0 = arith.constant 0 : i32
    %c0_i32_1 = arith.constant 0 : i32
    return %arg0, %c0_i32, %c0_i32_0 : i32, i32, i32
  }
  func.func @transform_7(%arg0: i32, %arg1: i32) -> (i32, i32, i32) {
    %c0_i32 = arith.constant 0 : i32
    %c0_i32_0 = arith.constant 0 : i32
    %c0_i32_1 = arith.constant 0 : i32
    return %arg0, %c0_i32, %c0_i32_0 : i32, i32, i32
  }
}

</mosaic_0001>

<sc_bundles>
// kernel: kernel.6.cloned.1.call-start
scs
__scs_entry_jumppad:
0x0: {  	(pc) =	sbr.rel $0x88, $3  }
0x1: {  	(tag) =	ssettag $0x0;
	lr =	simm.s32 $0x1  }
0x2: {  	[smem:$0x3F9F] =	sst lr;
	_ =	strace $0xD0000000  }
0x3: {  	_ = 	snop  }
0x4: {  	_ = 	snop  }
0x5: {  	_ = 	snop  }
0x6: {  	_ = 	snop  }
0x7: {  	_ = 	snop  }
__scs_overlays_trampoline_lowered:
0x8: {  	[smem:$0x3FAE] =	sst s0  }
0x9: {  	[smem:$0x3FAF] =	sst s1  }
0xa: {  	[smem:$0x3FB0] =	sst s2  }
0xb: {  	[smem:$0x3FB1] =	sst s3  }
0xc: {  	[smem:$0x3FB2] =	sst s4  }
0xd: {  	[smem:$0x3FB3] =	sst s5  }
0xe: {  	[smem:$0x3FB4] =	sst s6  }
0xf: {  	[smem:$0x3FB5] =	sst s7  }
0x10: {  	[smem:$0x3FB6] =	sst s8  }
0x11: {  	[smem:$0x3FB7] =	sst s9;
	s0 =	simm.s32 @!p0 $0x0  }
0x12: {  	s1 =	sld [smem:$0x3F9D];
	s0 =	simm.s32 @p0 $0x1  }
0x13: {  	[smem:$0x3FB8] =	sst s0;
	s0 =	simm.s32 @!p1 $0x0  }
0x14: {  	s2 =	sld [smem:$0x3F9C];
	s0 =	simm.s32 @p1 $0x1  }
0x15: {  	[smem:$0x3FB9] =	sst s0;
	s0 =	simm.s32 @!p2 $0x0  }
0x16: {  	s3 =	sld [smem:$0x3FDB];
	s0 =	simm.s32 @p2 $0x1  }
0x17: {  	s4 =	simm.s32 $0x1BF5;
	[smem:$0x3FBB] =	sst s0  }
0x18: {  	s0 =	sld [smem:$0x3F9E];
	_ =	swait.ge [sflag:s4], $0x0  }
0x19: {  	s7 =	sld [smem:$0x3F9F]  }
0x1a: {  	s8 =	sadd.s32 $0xFFFFE003, lr  }
0x1b: {  	s9 =	sadd.s32 $0xFFFFFEF7, lr;
	s5 =	simm.s32 $0xFFFFFFFF;
	p2 =	slt.u32 s8, $0xFFFFF086  }
0x1c: {  	p1 =	slt.u32 s9, $0xF7A;
	s5 =	simm.s32 @!p2 $0x0  }
0x1d: {  	s5 =	simm.s32 @p1 $0x1;
	p0 =	seq.s32 s7, s2  }
0x1e: {  	s7 =	smul.u32 @!p0 $0xF7A, s2;
	p2 =	seq.s32 @!p0 s5, $0x0  }
0x1f: {  	s9 =	smul.u32 $0xF7A, s1;
	s8 =	simm.s32 @!p0 $0x1BF5;
	p2 =	por !p2, p0  }
0x20: {  	[sflag:s8] =	ssyncset.s32 @!p0 $0xFFFFF086;
	s6 =	sadd.s32 @!p0 s3, s7;
	s7 =	simm.s32 @!p0 $0x108  }
0x21: {  	s3 =	sadd.s32 s3, s9;
	s6 =	sadd.s32 @!p0 $0x88, s6;
	s7 =	simm.s32 @p2 $0x1082  }
0x22: {  	[simem:s7], [sflag:s8] =	dma.local @!p0 [hbm:s6], $0xF7A  }
0x23: {  	s9 =	sor.u32 $0xD0000000, s2;
	s6 =	simm.s32 $0x108;
	_ =	swait.ge @!p0 [sflag:s8], $0x0  }
0x24: {  	s3 =	sadd.s32 $0x88, s3;
	s6 =	simm.s32 @!p1 $0x1082;
	[sflag:s4] =	ssyncset.s32 $0xFFFFF086  }
0x25: {  	[simem:s6], [sflag:s4] =	dma.local [hbm:s3], $0xF7A  }
0x26: {  	[smem:$0x3F9F] =	sst s1;
	(tag) =	ssettag s2;
	_ =	strace s9  }
0x27: {  	s1 =	sld [smem:$0x3FAF]  }
0x28: {  	s2 =	sld [smem:$0x3FB0]  }
0x29: {  	s4 =	sld [smem:$0x3FB2]  }
0x2a: {  	p0 =	seq.s32 s5, $0x0;
	s5 =	sld [smem:$0x3FB3]  }
0x2b: {  	s6 =	sld [smem:$0x3FB4]  }
0x2c: {  	s7 =	sld [smem:$0x3FB5]  }
0x2d: {  	s3 =	simm.s32 $0x108;
	s8 =	sld [smem:$0x3FB6]  }
0x2e: {  	s3 =	simm.s32 @!p0 $0x1082;
	s9 =	sld [smem:$0x3FB7]  }
0x2f: {  	lr =	sadd.s32 s0, s3;
	s0 =	sld [smem:$0x3FAE]  }
0x30: {  	s3 =	sld [smem:$0x3FB1]  }
0x31: {  	[smem:$0x3FBA] =	sst s10  }
0x32: {  	s10 =	sld [smem:$0x3FB8];
	_ =	sdelay $0x3  }
0x33: {  	p0 =	seq.s32 s10, $0x1;
	s10 =	sld [smem:$0x3FBA];
	_ =	sdelay $0x3  }
0x34: {  	[smem:$0x3FBA] =	sst s10  }
0x35: {  	s10 =	sld [smem:$0x3FB9];
	_ =	sdelay $0x3  }
0x36: {  	p1 =	seq.s32 s10, $0x1;
	s10 =	sld [smem:$0x3FBA];
	_ =	sdelay $0x3  }
0x37: {  	[smem:$0x3FBA] =	sst s10  }
0x38: {  	s10 =	sld [smem:$0x3FBB]  }
0x39: {  	_ = 	snop;
	(pc) =	sbr.ind lr, $3  }
0x3a: {  	_ = 	snop  }
0x3b: {  	_ = 	snop  }
0x3c: {  	p2 =	seq.s32 s10, $0x1;
	s10 =	sld [smem:$0x3FBA]  }
0x3d: {  	_ =	shalt  }
0x3e: {  	_ =	shalt  }
0x3f: {  	_ =	shalt  }
0x40: {  	_ =	shalt  }
0x41: {  	_ =	shalt  }
0x42: {  	_ =	shalt  }
0x43: {  	_ =	shalt  }
0x44: {  	_ =	shalt  }
0x45: {  	_ =	shalt  }
0x46: {  	_ =	shalt  }
0x47: {  	_ =	shalt  }
0x48: {  	_ =	shalt  }
0x49: {  	_ =	shalt  }
0x4a: {  	_ =	shalt  }
0x4b: {  	_ =	shalt  }
0x4c: {  	_ =	shalt  }
0x4d: {  	_ =	shalt  }
0x4e: {  	_ =	shalt  }
0x4f: {  	_ =	shalt  }
0x50: {  	_ =	shalt  }
0x51: {  	_ =	shalt  }
0x52: {  	_ =	shalt  }
0x53: {  	_ =	shalt  }
0x54: {  	_ =	shalt  }
0x55: {  	_ =	shalt  }
0x56: {  	_ =	shalt  }
0x57: {  	_ =	shalt  }
0x58: {  	_ =	shalt  }
0x59: {  	_ =	shalt  }
0x5a: {  	_ =	shalt  }
0x5b: {  	_ =	shalt  }
0x5c: {  	_ =	shalt  }
0x5d: {  	_ =	shalt  }
0x5e: {  	_ =	shalt  }
0x5f: {  	_ =	shalt  }
0x60: {  	_ =	shalt  }
0x61: {  	_ =	shalt  }
0x62: {  	_ =	shalt  }
0x63: {  	_ =	shalt  }
0x64: {  	_ =	shalt  }
0x65: {  	_ =	shalt  }
0x66: {  	_ =	shalt  }
0x67: {  	_ =	shalt  }
0x68: {  	_ =	shalt  }
0x69: {  	_ =	shalt  }
0x6a: {  	_ =	shalt  }
0x6b: {  	_ =	shalt  }
0x6c: {  	_ =	shalt  }
0x6d: {  	_ =	shalt  }
0x6e: {  	_ =	shalt  }
0x6f: {  	_ =	shalt  }
0x70: {  	_ =	shalt  }
0x71: {  	_ =	shalt  }
0x72: {  	_ =	shalt  }
0x73: {  	_ =	shalt  }
0x74: {  	_ =	shalt  }
0x75: {  	_ =	shalt  }
0x76: {  	_ =	shalt  }
0x77: {  	_ =	shalt  }
0x78: {  	_ =	shalt  }
0x79: {  	_ =	shalt  }
0x7a: {  	_ =	shalt  }
0x7b: {  	_ =	shalt  }
0x7c: {  	_ =	shalt  }
0x7d: {  	_ =	shalt  }
0x7e: {  	_ =	shalt  }
0x7f: {  	_ =	shalt  }
0x80: {  	_ =	shalt  }
0x81: {  	_ =	shalt  }
0x82: {  	_ =	shalt  }
0x83: {  	_ =	shalt  }
0x84: {  	_ =	shalt  }
0x85: {  	_ =	shalt  }
0x86: {  	_ =	shalt  }
0x87: {  	_ =	shalt  }
.Lfunc_end0:
.L_simem_size_0:
called_computation_lowered:
.L_overlay_start_0:
0x88: {  	s2 =	sld [smem:$0x3FD9]  }
0x89: {  	s3 =	sld [smem:$0x3FFE];
	_ =	sdelay $0x1  }
0x8a: {  	s1 =	srdreg.scid  }
0x8b: {  	s0 =	sand.u32 $0x1, s1  }
0x8c: {  	s14 =	sshll.u32 s0, $0xA;
	s2 =	sadd.s32 s3, s2  }
0x8d: {  	s2 =	sadd.s32 s2, s14  }
0x8e: {  	[smem:$0x3FC6] =	sst s2  }
0x8f: {  	_ = 	snop  }
0x90: {  	s2 =	sld [smem:$0x3FD0];
	_ =	sdelay $0x2  }
0x91: {  	s15 =	simm.s32 $0xA;
	s4 =	simm.s32 $0x10  }
0x92: {  	[smem:s4], [sflag:s15] =	dma.local [hbm:s2], $0x1  }
0x93: {  	_ =	swait.eq [sflag:s15], $0x1  }
0x94: {  	s16 =	sld [smem:$0x10]  }
0x95: {  	s17 =	sld [smem:$0x11];
	[sflag:s15] =	ssyncset.done $0x0  }
0x96: {  	s5 =	sld [smem:$0x12];
	[sflag:s15] =	ssyncadd.s32 $0xFFFFFFFF  }
0x97: {  	s18 =	sld [smem:$0x13];
	(tm) =	ssettm $0x1  }
0x98: {  	s6 =	sld [smem:$0x3FFB];
	_ =	sdelay $0x3  }
0x99: {  	_ =	strace s6  }
0x9a: {  	s6 =	sld [smem:$0x3FFC];
	_ =	sdelay $0x3  }
0x9b: {  	_ =	strace s6  }
0x9c: {  	s6 =	sld [smem:$0x3FFD];
	_ =	sdelay $0x3  }
0x9d: {  	_ =	strace s6  }
0x9e: {  	_ =	strace $0x8FFFFFFF  }
0x9f: {  	s19 =	sld [smem:$0x3FDB];
	_ =	sdelay $0x1  }
0xa0: {  	s7 =	simm.s32 $_scs_section_size  }
0xa1: {  	s8 =	simm.s32 $_size__tile_overlayer_lowered;
	s9 =	simm.s32 $_tile_overlayer_lowered  }
0xa2: {  	s22 =	simm.s32 $0x1BFF;
	s21 =	sshll.u32 s9, $0x1;
	s6 =	sadd.s32 s7, s19  }
0xa3: {  	s10 =	simm.s32 $0x0;
	s20 =	sshll.u32 s8, $0x1;
	s8 =	sadd.s32 s21, s6  }
0xa4: {  	[timem:s10], [sflag:s22] =	dma.local [hbm:s8], s20  }
0xa5: {  	_ =	swait.ge [sflag:s22], s20  }
0xa6: {  	s7 =	ssub.s32 $0x0, s20;
	[sflag:s22] =	ssyncset.done $0x0  }
0xa7: {  	[sflag:s22] =	ssyncadd.s32 s7;
	_ =	sdelay $0x1  }
0xa8: {  	s23 =	simm.s32 $0x1B8B  }
0xa9: {  	_ =	swait.ge [sflag:s23], $0x1  }
0xaa: {  	[sflag:s23] =	ssyncset.done $0x0  }
0xab: {  	s25 =	simm.s32 $0x1B8E;
	s24 =	sld [smem:$0x3FFE];
	[sflag:s23] =	ssyncadd.s32 $0xFFFFFFFF  }
0xac: {  	s26 =	simm.s32 $execute0_lowered;
	[smem:$0x3FD2] =	sst s25  }
0xad: {  	s8 =	sshll.u32 s26, $0x1;
	_ =	strace $0x80000046;
	[dreg:$0x1] =	wrdreg $0xFFFFFFFF  }
0xae: {  	s28 =	simm.s32 $_size_execute0_lowered;
	s6 =	sadd.s32 s6, s8;
	[dreg:$0x0] =	wrdreg $0x0  }
0xaf: {  	s8 =	sshll.u32 s28, $0x1;
	[dreg:$0x2] =	wrdreg s6  }
0xb0: {  	[dreg:$0x3] =	wrdreg s8  }
0xb1: {  	[dreg:$0x4] =	wrdreg $0xC0  }
0xb2: {  	_ =	task [dreg:s10], $0x5FFFF  }
0xb3: {  	[dreg:$0x1] =	wrdreg $0xFFFFFFFF  }
0xb4: {  	[dreg:$0x0] =	wrdreg $0x60  }
0xb5: {  	[dreg:$0x2] =	wrdreg s16  }
0xb6: {  	[dreg:$0x3] =	wrdreg s24  }
0xb7: {  	[dreg:$0x4] =	wrdreg s18  }
0xb8: {  	[dreg:$0x5] =	wrdreg s17  }
0xb9: {  	[dreg:$0x6] =	wrdreg s5  }
0xba: {  	[dreg:$0x7] =	wrdreg $0x9  }
0xbb: {  	_ =	task.clear_ibuf [dreg:s10], $0x8FFFF;
	_ =	strace $0x90000046  }
0xbc: {  	s29 =	simm.s32 $0x9;
	_ =	strace $0x80000048  }
0xbd: {  	_ =	swait.ge [sflag:s29], $0x1  }
0xbe: {  	[sflag:s29] =	ssyncadd.s32 $0xFFFFFFFF  }
0xbf: {  	_ =	strace $0x90000048  }
0xc0: {  	_ =	sfence  }
0xc1: {  	s30 =	sld [smem:$0x0];
	_ =	sdelay $0x2  }
0xc2: {  	s31 =	sshll.u32 s1, $0xD;
	s1 =	sshrl.u32 s1, $0x2  }
0xc3: {  	s3 =	sand.u32 $0x4000, s31;
	s1 =	sadd.s32 s1, s30  }
0xc4: {  	s0 =	sor.u32 s3, s0;
	s1 =	sshll.u32 s1, $0x11  }
0xc5: {  	s0 =	sor.u32 s1, s0  }
0xc6: {  	s0 =	sadd.s32 $0x8F2B, s0  }
0xc7: {  	[sflag:s0] =	ssyncadd.remote.s32 $0x1  }
0xc8: {  	_ =	sfence.sel $0xFFFF  }
0xc9: {  	[dreg:$0x0] =	wrdreg $0xFFFFFFFF;
	(pc) =	sbr.abs _section_cstart, $3  }
0xca: {  	[dreg:$0x1] =	wrdreg $0xFFFFFFFF  }
0xcb: {  	_ =	task.clear_ibuf [dreg:s10], $0x2FFFF;
	_ =	strace $0x9FFFFFFF  }
0xcc: {  	(tm) =	ssettm $0x7FFFFFFF  }
0xcd: {  	_ =	shalt  }
tec
execute0_lowered:
.L_overlay_start_1:
0x0: {  	(tag) =	ssettag $0x1  }
0x1: {  	s0 =	rddreg [dreg:$0x0]  }
0x2: {  	s1 =	rddreg [dreg:$0x1]  }
0x3: {  	s4 =	rddreg [dreg:$0x2]  }
0x4: {  	s9 =	stileid.u32;
	s5 =	rddreg [dreg:$0x3]  }
0x5: {  	s2 =	srdreg.scid;
	s6 =	rddreg [dreg:$0x4];
	v0 =	vimm.s32 $0xFEDCBA98;
	v1 =	vimm.s32 $0x76543210;
	v2 =	vimm.s32 $0x3210FEDC;
	s15 =	simm.s32 $0x1  }
0x6: {  	v3 =	vimm.s32 $0xBA987654;
	s20 =	simm.s32 $0x3100;
	s21 =	simm.s32 $0x3180;
	s22 =	simm.s32 $0x3200  }
0x7: {  	v4 =	vimm.s32 $0x10FEDCBA;
	v5 =	vimm.s32 $0x98765432;
	s23 =	simm.s32 $0x3280;
	s24 =	simm.s32 $0x4280;
	s25 =	simm.s32 $0x0  }
0x8: {  	v6 =	vimm.s32 $0xFEDCBA9;
	v7 =	vimm.s32 $0x87654321;
	s3 =	sshll.u32 s9, $0x1;
	s7 =	sand.u32 $0x1, s2;
	s2 =	simm.s32 $0x0;
	v0 =	vunpack.c.l.s4.s8 v0  }
0x9: {  	s9 =	sshrl.u32 s9, $0x2;
	v1 =	vunpack.c.l.s4.s8 v1;
	v2 =	vunpack.c.l.s4.s8 v2;
	v3 =	vunpack.c.l.s4.s8 v3;
	s3 =	sand.u32 $0x6, s3;
	[smem:$0x7FF] =	sst s2  }
0xa: {  	v4 =	vunpack.c.l.s4.s8 v4;
	v5 =	vunpack.c.l.s4.s8 v5;
	v6 =	vunpack.c.l.s4.s8 v6;
	s10 =	sshll.u32 s9, $0xC;
	s12 =	sshll.u32 s9, $0x7;
	s9 =	sshll.u32 s9, $0x9  }
0xb: {  	v7 =	vunpack.c.l.s4.s8 v7;
	s8 =	sor.u32 s7, s3;
	_ =	strace $0x80000047;
	v0 =	vunpack.c.0.s8.s32 v0;
	s7 =	ssub.s32 $0x2, s7;
	v2 =	vunpack.c.0.s8.s32 v2  }
0xc: {  	s4 =	sadd.s32 s4, s9;
	s5 =	sadd.s32 s5, s9;
	s6 =	sadd.s32 s6, s9;
	v3 =	vunpack.c.0.s8.s32 v3;
	v4 =	vunpack.c.0.s8.s32 v4;
	v8 =	vunpack.c.0.s8.s32 v1  }
0xd: {  	v5 =	vunpack.c.0.s8.s32 v5;
	v6 =	vunpack.c.0.s8.s32 v6;
	s3 =	sshll.u32 s8, $0x7;
	s13 =	sshll.u32 s8, $0x4;
	s8 =	sshll.u32 s8, $0x9;
	v0 =	vand.u32 $0xF, v0  }
0xe: {  	v7 =	vunpack.c.0.s8.s32 v7;
	s31 =	sshrl.u32 s7, $0x1;
	s3 =	sor.u32 $0xC00, s3;
	s12 =	sor.u32 s12, s13;
	v3 =	vcombine.low v3, v2;
	v0 =	vcombine.low v0, v8  }
0xf: {  	s8 =	sor.u32 s10, s8;
	s14 =	ssub.s32 s7, s31;
	v4 =	vcombine.low v5, v4;
	s11 =	sor.u32 s10, s3  }
0x10: {  	v63 =	vcombine.low v7, v6;
	s12 =	sadd.s32 s12, s1;
	s14 =	smax.u32 s14, $0x1;
	s11 =	sshrl.u32 s11, $0x3;
	[tilespmem:$0x1FFC0] =	vst v0;
	v0 =	vand.u32 $0xF, v3  }
0x11: {  	s10 =	sadd.s32 $0xBA00, s12;
	s30 =	sadd.s32 s11, s1;
	s1 =	sadd.s32 s8, s1;
	[tilespmem:$0x1FFD0] =	vst v0;
	v0 =	vand.u32 $0xF, v4  }
0x12: {  	s7 =	sadd.s32 s0, s11;
	s11 =	sadd.s32 $0xBC00, s12;
	s8 =	sadd.s32 $0x2A00, s30;
	[tilespmem:$0x1FFE0] =	vst v0;
	v0 =	vand.u32 $0xF, v63  }
0x13: {  	v1 =	vimm.s32 $0x0;
	v2 =	vimm.f32 $+Inf;
	s9 =	sadd.s32 $0x3200, s30;
	s12 =	sadd.s32 $0x3A00, s1;
	s13 =	sadd.s32 $0x7A00, s1;
	[tilespmem:$0x1FFF0] =	vst v0  }
.LBB2_1:
0x14: {  	[tilespmem:s2], [sflag:$0x1] =	stream.linear.gather [hbm4b:s4+s2], $0x1000, $0x38;
	[tilespmem:$0x5280] =	vst v63  }
0x15: {  	_ =	swait.ge [sflag:s15], $0x1000  }
0x16: {  	[sflag:s15] =	ssyncset.done $0x0  }
0x17: {  	s0 =	simm.s32 $0x1000;
	[sflag:s15] =	ssyncadd.s32 $0xFFFFF000  }
0x18: {  	[tilespmem:s0], [sflag:$0x1] =	stream.linear.gather [hbm4b:s5+s2], $0x1000, $0x38;
	[tilespmem:$0x5280] =	vst v63  }
0x19: {  	_ =	swait.ge [sflag:s15], $0x1000  }
0x1a: {  	[sflag:s15] =	ssyncset.done $0x0  }
0x1b: {  	s29 =	simm.s32 $0x2000;
	[sflag:s15] =	ssyncadd.s32 $0xFFFFF000  }
0x1c: {  	[tilespmem:s29], [sflag:$0x1] =	stream.linear.gather [hbm4b:s6+s2], $0x1000, $0x38;
	[tilespmem:$0x5280] =	vst v63  }
0x1d: {  	_ =	swait.ge [sflag:s15], $0x1000  }
0x1e: {  	[sflag:s15] =	ssyncset.done $0x0  }
0x1f: {  	s30 =	simm.s32 $0x3000;
	[sflag:s15] =	ssyncadd.s32 $0xFFFFF000  }
0x20: {  	[tilespmem:s30], [sflag:$0x1] =	stream.linear.gather [hbm4b:s7+s2], $0x80, $0x38;
	[tilespmem:$0x5280] =	vst v63  }
0x21: {  	_ =	swait.ge [sflag:s15], $0x80  }
0x22: {  	[sflag:s15] =	ssyncset.done $0x0  }
0x23: {  	s31 =	simm.s32 $0x3080;
	[sflag:s15] =	ssyncadd.s32 $0xFFFFFF80  }
0x24: {  	[tilespmem:s31], [sflag:$0x1] =	stream.linear.gather [hbm4b:s8+s2], $0x80, $0x38;
	[tilespmem:$0x5280] =	vst v63  }
0x25: {  	_ =	swait.ge [sflag:s15], $0x80  }
0x26: {  	[sflag:s15] =	ssyncset.done $0x0  }
0x27: {  	[sflag:s15] =	ssyncadd.s32 $0xFFFFFF80  }
0x28: {  	[tilespmem:s20], [sflag:$0x1] =	stream.linear.gather [hbm4b:s9+s2], $0x80, $0x38;
	[tilespmem:$0x5280] =	vst v63  }
0x29: {  	_ =	swait.ge [sflag:s15], $0x80  }
0x2a: {  	[sflag:s15] =	ssyncset.done $0x0  }
0x2b: {  	s1 =	simm.s32 $0x0;
	s0 =	simm.s32 $0x40;
	[sflag:s15] =	ssyncadd.s32 $0xFFFFFF80  }
.LBB2_2:
0x2c: {  	p0 =	sne.s32 s0, $0x3FC0;
	[tilespmem:s1+$0x3280] =	vst v2;
	s16 =	smov.u32 s0;
	s0 =	sadd.s32 $0x40, s0  }
.Ltmp0:
0x2d: {  	[tilespmem:s1+$0x4280] =	vst v1;
	(pc) =	sbr.rel @p0 .LBB2_2-.Ltmp0, $2  }
0x2e: {  	_ =	sdelay $0x2  }
0x2f: {  	s1 =	sshra.s32 s16, $0x2  }
0x30: {  	[tilespmem:s1+$0x3280] =	vst v2  }
0x31: {  	s26 =	simm.s32 $0x0;
	[tilespmem:s1+$0x4280] =	vst v1  }
.LBB2_4:
0x32: {  	s28 =	sshll.u32 s26, $0x4  }
0x33: {  	v2 =	vld [tilespmem:s28+$0x3000]  }
0x34: {  	v1 =	vld [tilespmem:s28+$0x3080]  }
0x35: {  	v47 =	vld [tilespmem:s28+$0x3100];
	s29 =	sor.u32 s3, s28  }
0x36: {  	v63 =	vmov s29  }
0x37: {  	[tilespmem:$0x1FFB0] =	vst v63  }
0x38: {  	[tilespmem:$0x1FE70] =	vst v2  }
0x39: {  	v0 =	vbroadcast v2, $0x0;
	[tilespmem:$0x1FF00] =	vst v1  }
0x3a: {  	v43 =	vbroadcast v2, $0x1;
	[tilespmem:$0x1FF90] =	vst v47  }
0x3b: {  	v44 =	vbroadcast v2, $0x2;
	[tilespmem:$0x1FE00] =	vst v0  }
0x3c: {  	v45 =	vbroadcast v2, $0x3;
	[tilespmem:$0x1FE10] =	vst v43  }
0x3d: {  	v46 =	vbroadcast v2, $0x4;
	[tilespmem:$0x1FE20] =	vst v44  }
0x3e: {  	v3 =	vbroadcast v2, $0x5;
	[tilespmem:$0x1FE30] =	vst v45  }
0x3f: {  	v48 =	vbroadcast v2, $0x6;
	[tilespmem:$0x1FE40] =	vst v46  }
0x40: {  	v2 =	vbroadcast v2, $0x7;
	[tilespmem:$0x1FE50] =	vst v3  }
0x41: {  	v49 =	vbroadcast v1, $0x0;
	[tilespmem:$0x1FE60] =	vst v48  }
0x42: {  	v50 =	vbroadcast v1, $0x1;
	[tilespmem:$0x1FE80] =	vst v2  }
0x43: {  	v51 =	vbroadcast v1, $0x2;
	[tilespmem:$0x1FE90] =	vst v49  }
0x44: {  	v52 =	vbroadcast v1, $0x3;
	[tilespmem:$0x1FEA0] =	vst v50  }
0x45: {  	v53 =	vbroadcast v1, $0x4;
	[tilespmem:$0x1FEB0] =	vst v51  }
0x46: {  	v54 =	vbroadcast v1, $0x5;
	[tilespmem:$0x1FEC0] =	vst v52  }
0x47: {  	v55 =	vbroadcast v1, $0x6;
	[tilespmem:$0x1FED0] =	vst v53  }
0x48: {  	v1 =	vbroadcast v1, $0x7;
	[tilespmem:$0x1FEE0] =	vst v54  }
0x49: {  	v56 =	vbroadcast v47, $0x0;
	[tilespmem:$0x1FEF0] =	vst v55  }
0x4a: {  	v57 =	vbroadcast v47, $0x1;
	[tilespmem:$0x1FF10] =	vst v1  }
0x4b: {  	v22 =	vimm.f32 $+Inf;
	v58 =	vbroadcast v47, $0x2;
	[tilespmem:$0x1FF20] =	vst v56  }
0x4c: {  	v20 =	vimm.s32 $0x0;
	v19 =	vimm.s32 $0x0;
	v59 =	vbroadcast v47, $0x3;
	[tilespmem:$0x1FF30] =	vst v57  }
0x4d: {  	v21 =	vimm.s32 $0x0;
	v18 =	vimm.s32 $0x0;
	v60 =	vbroadcast v47, $0x4;
	[tilespmem:$0x1FF40] =	vst v58  }
0x4e: {  	v8 =	vimm.s32 $0x0;
	v10 =	vimm.s32 $0x0;
	v61 =	vbroadcast v47, $0x5;
	[tilespmem:$0x1FF50] =	vst v59  }
0x4f: {  	v14 =	vimm.s32 $0x0;
	v23 =	vimm.f32 $+Inf;
	v62 =	vbroadcast v47, $0x6;
	[tilespmem:$0x1FF60] =	vst v60  }
0x50: {  	s30 =	simm.s32 $0xFFFFFFFC;
	v24 =	vimm.f32 $+Inf;
	[tilespmem:$0x1FF70] =	vst v61;
	v0 =	vbroadcast v47, $0x7;
	v45 =	vimm.s32 $0x0  }
0x51: {  	s31 =	simm.s32 $0x32A0;
	s1 =	simm.s32 $0x42A0;
	s0 =	simm.s32 $0x20;
	[tilespmem:$0x1FF80] =	vst v62;
	v43 =	vimm.f32 $+Inf;
	v44 =	vimm.f32 $+Inf;
	v46 =	vimm.f32 $+Inf  }
0x52: {  	s16 =	simm.s32 $0x1020;
	s17 =	simm.s32 $0x2020;
	s18 =	simm.s32 $0x0;
	v49 =	vimm.f32 $+Inf;
	v50 =	vimm.f32 $+Inf;
	v59 =	vimm.s32 $0x0;
	[tilespmem:$0x1FFA0] =	vst v0  }
.LBB2_5:
0x53: {  	v0 =	vld [tilespmem:s0+$0xFFFFFFE0]  }
0x54: {  	v3 =	vld [tilespmem:s16+$0xFFFFFFE0]  }
0x55: {  	v4 =	vld [tilespmem:s17+$0xFFFFFFE0]  }
0x56: {  	[tilespmem:$0x1FDE0] =	vst v19;
	v19 =	vld [tilespmem:$0x1FE00]  }
0x57: {  	v28 =	vld [tilespmem:$0x1FE90]  }
0x58: {  	[tilespmem:$0x1FDB0] =	vst v22;
	v22 =	vld [tilespmem:$0x1FE10]  }
0x59: {  	v29 =	vld [tilespmem:$0x1FEA0]  }
0x5a: {  	v25 =	vld [tilespmem:$0x1FE20]  }
0x5b: {  	v30 =	vld [tilespmem:$0x1FEB0]  }
0x5c: {  	v42 =	vld [tilespmem:$0x1FF40]  }
0x5d: {  	[tilespmem:$0x1FDD0] =	vst v21;
	v21 =	vld [tilespmem:$0x1FF20]  }
0x5e: {  	v26 =	vld [tilespmem:$0x1FE30];
	v5 =	vsub.f32 v0, v19;
	v6 =	vsub.f32 v3, v28  }
0x5f: {  	[tilespmem:$0x1FDC0] =	vst v8;
	v31 =	vld [tilespmem:$0x1FEC0];
	v7 =	vsub.f32 v0, v22;
	v8 =	vsub.f32 v3, v29  }
0x60: {  	v47 =	vld [tilespmem:$0x1FF30];
	v9 =	vsub.f32 v0, v25;
	v5 =	vmul.f32 v5, v5;
	v6 =	vmul.f32 v6, v6  }
0x61: {  	v51 =	vsub.f32 v3, v30;
	v52 =	vsub.f32 v4, v42  }
0x62: {  	v33 =	vld [tilespmem:$0x1FF50];
	v5 =	vadd.f32 v6, v5;
	v6 =	vsub.f32 v4, v21  }
0x63: {  	v48 =	vld [tilespmem:$0x1FEE0];
	v53 =	vsub.f32 v0, v26;
	v7 =	vmul.f32 v7, v7;
	v8 =	vmul.f32 v8, v8  }
0x64: {  	[tilespmem:$0x1FDA0] =	vst v23;
	v23 =	vld [tilespmem:$0x1FE40];
	v54 =	vsub.f32 v3, v31;
	v9 =	vmul.f32 v9, v9;
	v6 =	vmul.f32 v6, v6  }
0x65: {  	v32 =	vld [tilespmem:$0x1FED0];
	v35 =	vmul.f32 v52, v52;
	v7 =	vadd.f32 v8, v7;
	v8 =	vsub.f32 v4, v47  }
0x66: {  	[tilespmem:$0x1FD90] =	vst v24;
	v24 =	vld [tilespmem:$0x1FF60];
	v36 =	vmul.f32 v53, v53;
	v52 =	vadd.f32 v6, v5;
	v6 =	vmul.f32 v54, v54  }
0x67: {  	v34 =	vld [tilespmem:$0x1FF70];
	v51 =	vmul.f32 v51, v51;
	v8 =	vmul.f32 v8, v8  }
0x68: {  	v37 =	vsub.f32 v3, v48;
	v5 =	vadd.f32 v6, v36;
	v36 =	vld [tilespmem:$0x1FE50]  }
0x69: {  	v9 =	vadd.f32 v51, v9;
	v54 =	vadd.f32 v8, v7  }
0x6a: {  	v7 =	vsub.f32 v0, v23;
	v8 =	vsub.f32 v3, v32  }
0x6b: {  	v51 =	vadd.f32 v35, v9;
	v35 =	vld [tilespmem:$0x1FEF0];
	v6 =	vsub.f32 v4, v33  }
0x6c: {  	v56 =	vsub.f32 v4, v24;
	v7 =	vmul.f32 v7, v7;
	v8 =	vmul.f32 v8, v8  }
0x6d: {  	v57 =	vsub.f32 v4, v34;
	v6 =	vmul.f32 v6, v6;
	v9 =	vsub.f32 v0, v36  }
0x6e: {  	v41 =	vld [tilespmem:$0x1FE60];
	v53 =	vmul.f32 v37, v37;
	vm0 =	vlt.f32 v54, v52;
	v38 =	vadd.f32 v8, v7  }
0x6f: {  	v27 =	vld [tilespmem:$0x1FF80];
	v55 =	vadd.f32 v6, v5;
	v6 =	vmul.f32 v56, v56;
	v9 =	vmul.f32 v9, v9  }
0x70: {  	v39 =	vld [tilespmem:$0x1FF10];
	v40 =	vsub.f32 v3, v35;
	v60 =	vsel vm0, v54, v52;
	v8 =	vmul.f32 v57, v57  }
0x71: {  	vm1 =	vlt.f32 v51, v60;
	v56 =	vadd.f32 v6, v38;
	v38 =	vld [tilespmem:$0x1FE80];
	v7 =	vadd.f32 v53, v9  }
0x72: {  	v5 =	vsel vm1, v51, v60  }
0x73: {  	v9 =	vsub.f32 v0, v41;
	v53 =	vadd.f32 v8, v7;
	v7 =	vmul.f32 v40, v40;
	v40 =	vld [tilespmem:$0x1FFA0]  }
0x74: {  	vm2 =	vlt.f32 v55, v5  }
0x75: {  	v3 =	vsub.f32 v3, v39;
	v5 =	vsel vm2, v55, v5;
	v6 =	vmul.f32 v9, v9  }
0x76: {  	vm3 =	vlt.f32 v56, v5;
	v8 =	vsub.f32 v4, v27;
	v0 =	vsub.f32 v0, v38  }
0x77: {  	v3 =	vmul.f32 v3, v3;
	v5 =	vsel vm3, v56, v5;
	v6 =	vadd.f32 v7, v6  }
0x78: {  	v7 =	vmul.f32 v8, v8;
	v0 =	vmul.f32 v0, v0;
	v4 =	vsub.f32 v4, v40  }
0x79: {  	vm4 =	vlt.f32 v53, v5  }
0x7a: {  	v57 =	vadd.f32 v7, v6;
	v0 =	vadd.f32 v3, v0;
	v61 =	vmul.f32 v4, v4  }
0x7b: {  	v63 =	vld [tilespmem:s31+$0xFFFFFFE0];
	v62 =	vsel vm4, v53, v5  }
0x7c: {  	vm5 =	vlt.f32 v57, v62;
	v58 =	vadd.f32 v61, v0  }
0x7d: {  	v37 =	vsel vm5, v57, v62  }
0x7e: {  	vm6 =	vlt.f32 v58, v37  }
0x7f: {  	v0 =	vsel vm6, v58, v37  }
0x80: {  	v60 =	vsel vm0, $0x1, v59;
	vm13 =	vlt.f32 v0, v63  }
0x81: {  	[tilespmem:$0x1FDF0] =	vst v20;
	v3 =	vsel vm1, $0x2, v60;
	v0 =	vsel vm13, v0, v63  }
0x82: {  	v20 =	vld [tilespmem:$0x1FFB0];
	v3 =	vsel vm2, $0x3, v3;
	[tilespmem:s31+$0xFFFFFFE0] =	vst v0  }
0x83: {  	v61 =	vsel vm3, $0x4, v3;
	v62 =	vld [tilespmem:s1+$0xFFFFFFE0]  }
0x84: {  	v0 =	vsel vm4, $0x5, v61  }
0x85: {  	v0 =	vsel vm5, $0x6, v0  }
0x86: {  	v0 =	vsel vm6, $0x7, v0  }
0x87: {  	v0 =	vadd.s32 v20, v0  }
0x88: {  	v0 =	vsel vm13, v0, v62  }
0x89: {  	[tilespmem:s1+$0xFFFFFFE0] =	vst v0  }
0x8a: {  	v3 =	vld [tilespmem:s0+$0xFFFFFFF0]  }
0x8b: {  	v4 =	vld [tilespmem:s16+$0xFFFFFFF0];
	_ =	sdelay $0x2  }
0x8c: {  	v5 =	vld [tilespmem:s17+$0xFFFFFFF0];
	_ =	sdelay $0x1  }
0x8d: {  	v63 =	vsub.f32 v3, v19;
	v6 =	vsub.f32 v4, v28  }
0x8e: {  	v7 =	vsub.f32 v3, v22;
	v8 =	vsub.f32 v4, v29  }
0x8f: {  	v9 =	vsub.f32 v3, v25;
	v2 =	vsub.f32 v4, v30  }
0x90: {  	v60 =	vsub.f32 v5, v42;
	v62 =	vsub.f32 v3, v26;
	v0 =	vmul.f32 v63, v63  }
0x91: {  	v1 =	vsub.f32 v5, v34;
	v6 =	vmul.f32 v6, v6;
	v7 =	vmul.f32 v7, v7  }
0x92: {  	v8 =	vmul.f32 v8, v8;
	v9 =	vmul.f32 v9, v9;
	v63 =	vsub.f32 v4, v31  }
0x93: {  	v59 =	vmul.f32 v2, v2;
	v0 =	vadd.f32 v6, v0;
	v6 =	vsub.f32 v5, v21  }
0x94: {  	v7 =	vadd.f32 v8, v7;
	v8 =	vsub.f32 v5, v47  }
0x95: {  	v37 =	vmul.f32 v62, v62;
	v9 =	vadd.f32 v59, v9;
	v59 =	vmul.f32 v60, v60  }
0x96: {  	v2 =	vsub.f32 v4, v48;
	v6 =	vmul.f32 v6, v6;
	v8 =	vmul.f32 v8, v8  }
0x97: {  	v1 =	vmul.f32 v1, v1;
	v59 =	vadd.f32 v59, v9;
	v9 =	vsub.f32 v3, v36  }
0x98: {  	v61 =	vadd.f32 v6, v0;
	v6 =	vmul.f32 v63, v63;
	v60 =	vadd.f32 v8, v7  }
0x99: {  	v2 =	vmul.f32 v2, v2;
	v7 =	vsub.f32 v3, v23;
	v8 =	vsub.f32 v4, v32  }
0x9a: {  	v9 =	vmul.f32 v9, v9;
	v0 =	vadd.f32 v6, v37;
	v6 =	vsub.f32 v5, v33  }
0x9b: {  	v7 =	vmul.f32 v7, v7;
	v8 =	vmul.f32 v8, v8  }
0x9c: {  	v63 =	vsub.f32 v5, v24;
	v2 =	vadd.f32 v2, v9;
	v6 =	vmul.f32 v6, v6  }
0x9d: {  	vm14 =	vlt.f32 v60, v61;
	v37 =	vadd.f32 v8, v7;
	v7 =	vsub.f32 v3, v41  }
0x9e: {  	v8 =	vsub.f32 v4, v35;
	v62 =	vadd.f32 v6, v0;
	v6 =	vmul.f32 v63, v63  }
0x9f: {  	v3 =	vsub.f32 v3, v38;
	v63 =	vadd.f32 v1, v2;
	v1 =	vsel vm14, v60, v61  }
0xa0: {  	v4 =	vsub.f32 v4, v39;
	vm15 =	vlt.f32 v59, v1;
	v0 =	vadd.f32 v6, v37  }
0xa1: {  	v37 =	vmul.f32 v7, v7;
	v6 =	vmul.f32 v8, v8;
	v1 =	vsel vm15, v59, v1  }
0xa2: {  	v3 =	vmul.f32 v3, v3;
	v7 =	vsub.f32 v5, v27;
	vm9 =	vlt.f32 v62, v1  }
0xa3: {  	v5 =	vsub.f32 v5, v40;
	v2 =	vadd.f32 v6, v37;
	v1 =	vsel vm9, v62, v1  }
0xa4: {  	v6 =	vmul.f32 v7, v7;
	v7 =	vmul.f32 v4, v4;
	vm10 =	vlt.f32 v0, v1  }
0xa5: {  	v37 =	vmul.f32 v5, v5;
	v1 =	vsel vm10, v0, v1  }
0xa6: {  	v4 =	vadd.f32 v6, v2;
	v2 =	vadd.f32 v7, v3;
	vm11 =	vlt.f32 v63, v1  }
0xa7: {  	v6 =	vld [tilespmem:s31+$0xFFFFFFF0];
	v1 =	vsel vm11, v63, v1  }
0xa8: {  	v5 =	vadd.f32 v37, v2;
	vm12 =	vlt.f32 v4, v1  }
0xa9: {  	v1 =	vsel vm12, v4, v1  }
0xaa: {  	vm13 =	vlt.f32 v5, v1  }
0xab: {  	v37 =	vimm.s32 $0x0;
	v1 =	vsel vm13, v5, v1  }
0xac: {  	v2 =	vsel vm14, $0x1, v37;
	vm14 =	vlt.f32 v1, v6  }
0xad: {  	v2 =	vsel vm15, $0x2, v2;
	v1 =	vsel vm14, v1, v6  }
0xae: {  	v2 =	vsel vm9, $0x3, v2;
	[tilespmem:s31+$0xFFFFFFF0] =	vst v1  }
0xaf: {  	v1 =	vsel vm10, $0x4, v2;
	v37 =	vld [tilespmem:s1+$0xFFFFFFF0]  }
0xb0: {  	v1 =	vsel vm11, $0x5, v1  }
0xb1: {  	v1 =	vsel vm12, $0x6, v1  }
0xb2: {  	v1 =	vsel vm13, $0x7, v1  }
0xb3: {  	v1 =	vadd.s32 v20, v1  }
0xb4: {  	v1 =	vsel vm14, v1, v37  }
0xb5: {  	[tilespmem:s1+$0xFFFFFFF0] =	vst v1  }
0xb6: {  	v1 =	vld [tilespmem:s0+$0x0]  }
0xb7: {  	v2 =	vld [tilespmem:s16+$0x0];
	_ =	sdelay $0x2  }
0xb8: {  	v37 =	vmov v10;
	v10 =	vld [tilespmem:s17+$0x0]  }
0xb9: {  	v3 =	vsub.f32 v1, v19  }
0xba: {  	v6 =	vsub.f32 v2, v28;
	v7 =	vsub.f32 v1, v22  }
0xbb: {  	v8 =	vsub.f32 v2, v29;
	v9 =	vsub.f32 v1, v25  }
0xbc: {  	v11 =	vsub.f32 v2, v30;
	v3 =	vmul.f32 v3, v3;
	v6 =	vmul.f32 v6, v6  }
0xbd: {  	v12 =	vsub.f32 v10, v42;
	v7 =	vmul.f32 v7, v7;
	v8 =	vmul.f32 v8, v8  }
0xbe: {  	v9 =	vmul.f32 v9, v9;
	v3 =	vadd.f32 v6, v3;
	v6 =	vsub.f32 v10, v21  }
0xbf: {  	v11 =	vmul.f32 v11, v11;
	v7 =	vadd.f32 v8, v7;
	v8 =	vsub.f32 v10, v47  }
0xc0: {  	[tilespmem:$0x1FD80] =	vst v14;
	v13 =	vsub.f32 v1, v26;
	v14 =	vsub.f32 v2, v31;
	v6 =	vmul.f32 v6, v6  }
0xc1: {  	v9 =	vadd.f32 v11, v9;
	v11 =	vmul.f32 v12, v12;
	v8 =	vmul.f32 v8, v8  }
0xc2: {  	v16 =	vsub.f32 v10, v24;
	v12 =	vadd.f32 v6, v3  }
0xc3: {  	v42 =	vmul.f32 v13, v13;
	v13 =	vadd.f32 v8, v7;
	v7 =	vadd.f32 v11, v9  }
0xc4: {  	v6 =	vmul.f32 v14, v14;
	v8 =	vsub.f32 v1, v23;
	v9 =	vsub.f32 v2, v32  }
0xc5: {  	v11 =	vsub.f32 v1, v36;
	v14 =	vsub.f32 v2, v48  }
0xc6: {  	v3 =	vadd.f32 v6, v42;
	v8 =	vmul.f32 v8, v8;
	v15 =	vmul.f32 v9, v9  }
0xc7: {  	v6 =	vsub.f32 v10, v33;
	v11 =	vmul.f32 v11, v11;
	v14 =	vmul.f32 v14, v14  }
0xc8: {  	vm10 =	vlt.f32 v52, v50;
	v17 =	vsub.f32 v10, v34;
	v42 =	vadd.f32 v15, v8  }
0xc9: {  	v6 =	vmul.f32 v6, v6;
	v11 =	vadd.f32 v14, v11;
	v15 =	vsub.f32 v1, v41  }
0xca: {  	vm15 =	vlt.f32 v13, v12;
	v41 =	vsub.f32 v2, v35;
	v1 =	vsub.f32 v1, v38  }
0xcb: {  	v14 =	vmul.f32 v17, v17;
	v9 =	vadd.f32 v6, v3;
	v6 =	vmul.f32 v16, v16  }
0xcc: {  	v2 =	vsub.f32 v2, v39;
	v3 =	vmul.f32 v41, v41;
	v1 =	vmul.f32 v1, v1  }
0xcd: {  	v8 =	vadd.f32 v6, v42;
	v6 =	vadd.f32 v14, v11;
	v14 =	vsel vm15, v13, v12  }
0xce: {  	v11 =	vmul.f32 v15, v15;
	v15 =	vsub.f32 v10, v27;
	vm9 =	vlt.f32 v7, v14  }
0xcf: {  	v17 =	vld [tilespmem:$0x1FD80];
	v2 =	vmul.f32 v2, v2;
	v10 =	vsub.f32 v10, v40;
	v14 =	vsel vm9, v7, v14  }
0xd0: {  	v27 =	vld [tilespmem:$0x1FDA0];
	v3 =	vadd.f32 v3, v11;
	v11 =	vmul.f32 v15, v15;
	vm2 =	vlt.f32 v9, v14  }
0xd1: {  	vm11 =	vlt.f32 v54, v49;
	v1 =	vadd.f32 v2, v1;
	v14 =	vsel vm2, v9, v14  }
0xd2: {  	v10 =	vmul.f32 v10, v10;
	v3 =	vadd.f32 v11, v3;
	vm3 =	vlt.f32 v8, v14  }
0xd3: {  	v11 =	vsel vm10, v52, v50;
	v52 =	vlaneseq.u32;
	v42 =	vsel vm3, v8, v14  }
0xd4: {  	v14 =	vsel vm11, v54, v49;
	v49 =	vadd.f32 v10, v1;
	v1 =	vor.u32 s18, v52  }
0xd5: {  	v17 =	vsel vm11, v1, v17;
	vm11 =	vlt.f32 v57, v27  }
0xd6: {  	v38 =	vsel vm11, v57, v27;
	v27 =	vld [tilespmem:$0x1FDB0];
	_ =	sdelay $0x1  }
0xd7: {  	vm6 =	vlt.f32 v6, v42  }
0xd8: {  	vm12 =	vlt.f32 v51, v46;
	v15 =	vld [tilespmem:s31+$0x0];
	v2 =	vsel vm6, v6, v42  }
0xd9: {  	v16 =	vsel vm12, v51, v46;
	v10 =	vsel vm10, v1, v45;
	vm7 =	vlt.f32 v3, v2  }
0xda: {  	v45 =	vsel vm12, v1, v37;
	v2 =	vsel vm7, v3, v2;
	vm12 =	vlt.f32 v58, v27  }
0xdb: {  	vm13 =	vlt.f32 v49, v2;
	v35 =	vsel vm12, v58, v27;
	v27 =	vld [tilespmem:$0x1FDC0]  }
0xdc: {  	v46 =	vimm.s32 $0x0;
	v2 =	vsel vm13, v49, v2  }
0xdd: {  	v50 =	vsel vm15, $0x1, v46;
	vm15 =	vlt.f32 v2, v15  }
0xde: {  	v2 =	vsel vm15, v2, v15;
	v15 =	vsel vm9, $0x2, v50  }
0xdf: {  	vm14 =	vlt.f32 v55, v44;
	v51 =	vsel vm2, $0x3, v15;
	v15 =	vld [tilespmem:$0x1FD90]  }
0xe0: {  	v44 =	vsel vm14, v55, v44;
	v55 =	vsel vm14, v1, v27;
	v27 =	vld [tilespmem:$0x1FDD0];
	_ =	sdelay $0x3  }
0xe1: {  	vm10 =	vlt.f32 v53, v15  }
0xe2: {  	[tilespmem:s31+$0x0] =	vst v2;
	v2 =	vsel vm3, $0x4, v51;
	v51 =	vsel vm10, v1, v27;
	v27 =	vld [tilespmem:$0x1FDE0];
	_ =	sdelay $0x3  }
0xe3: {  	v54 =	vld [tilespmem:s1+$0x0]  }
0xe4: {  	v2 =	vsel vm6, $0x5, v2;
	v15 =	vsel vm10, v53, v15;
	v53 =	vsel vm11, v1, v27;
	v27 =	vld [tilespmem:$0x1FDF0]  }
0xe5: {  	v2 =	vsel vm7, $0x6, v2  }
0xe6: {  	v2 =	vsel vm13, $0x7, v2  }
0xe7: {  	vm9 =	vlt.f32 v56, v43;
	v2 =	vadd.s32 v20, v2  }
0xe8: {  	s19 =	sadd.s32 $0x10, s18;
	v50 =	vsel vm9, v1, v18;
	v2 =	vsel vm15, v2, v54  }
0xe9: {  	vm14 =	vlt.f32 v60, v14;
	[tilespmem:s1+$0x0] =	vst v2;
	v1 =	vsel vm12, v1, v27;
	v27 =	vor.u32 s19, v52  }
0xea: {  	v54 =	vsel vm14, v60, v14;
	vm15 =	vlt.f32 v59, v16;
	v14 =	vsel vm14, v27, v17;
	v17 =	vld [tilespmem:s0+$0x10]  }
0xeb: {  	v43 =	vsel vm9, v56, v43;
	v40 =	vsel vm15, v27, v45;
	v45 =	vld [tilespmem:s16+$0x10]  }
0xec: {  	vm4 =	vlt.f32 v62, v44;
	vm5 =	vlt.f32 v0, v43;
	vm13 =	vlt.f32 v61, v11  }
0xed: {  	vm8 =	vlt.f32 v5, v35;
	v0 =	vsel vm5, v0, v43;
	v11 =	vsel vm13, v61, v11  }
0xee: {  	vm7 =	vlt.f32 v4, v38;
	vm9 =	vlt.f32 v12, v11;
	vm6 =	vlt.f32 v63, v15;
	v43 =	vld [tilespmem:s17+$0x10]  }
0xef: {  	v11 =	vsel vm9, v12, v11;
	vm10 =	vlt.f32 v13, v54;
	v10 =	vsel vm13, v27, v10  }
0xf0: {  	v42 =	vsel vm4, v27, v55;
	v55 =	vsub.f32 v17, v19;
	v56 =	vsub.f32 v45, v28  }
0xf1: {  	v41 =	vsel vm5, v27, v50;
	v39 =	vsel vm6, v27, v51;
	v37 =	vsel vm7, v27, v53  }
0xf2: {  	v1 =	vsel vm8, v27, v1;
	v12 =	vmul.f32 v55, v55;
	v27 =	vmul.f32 v56, v56  }
0xf3: {  	v2 =	vsel vm10, v13, v54;
	v13 =	vsub.f32 v43, v21;
	v57 =	vsub.f32 v17, v22  }
0xf4: {  	v5 =	vsel vm8, v5, v35;
	v12 =	vadd.f32 v27, v12;
	v27 =	vsub.f32 v45, v29  }
0xf5: {  	v16 =	vsel vm15, v59, v16;
	v58 =	vsub.f32 v43, v47;
	v13 =	vmul.f32 v13, v13  }
0xf6: {  	vm11 =	vlt.f32 v7, v16;
	v19 =	vld [tilespmem:$0x1FF40];
	v35 =	vmul.f32 v57, v57;
	v27 =	vmul.f32 v27, v27  }
0xf7: {  	v7 =	vsel vm11, v7, v16;
	v60 =	vsub.f32 v17, v25;
	v61 =	vsub.f32 v45, v30  }
0xf8: {  	v12 =	vadd.f32 v13, v12;
	v13 =	vmul.f32 v58, v58;
	v16 =	vadd.f32 v27, v35  }
0xf9: {  	v44 =	vsel vm4, v62, v44;
	v62 =	vmul.f32 v61, v61;
	v27 =	vmul.f32 v60, v60  }
0xfa: {  	v13 =	vadd.f32 v13, v16  }
0xfb: {  	v16 =	vadd.f32 v62, v27;
	v27 =	vsub.f32 v43, v19;
	v19 =	vld [tilespmem:$0x1FEF0];
	_ =	sdelay $0x1  }
0xfc: {  	v15 =	vsel vm6, v63, v15  }
0xfd: {  	vm14 =	vlt.f32 v6, v15;
	v30 =	vsub.f32 v45, v31  }
0xfe: {  	v6 =	vsel vm14, v6, v15;
	v15 =	vld [tilespmem:$0x1FE60]  }
0xff: {  	v50 =	vmul.f32 v30, v30;
	v30 =	vsub.f32 v45, v19;
	v19 =	vld [tilespmem:$0x1FE80];
	_ =	sdelay $0x1  }
0x100: {  	v4 =	vsel vm7, v4, v38;
	v59 =	vimm.s32 $0x0;
	v54 =	vsub.f32 v43, v33  }
0x101: {  	vm12 =	vlt.f32 v9, v44;
	v63 =	vsub.f32 v17, v26;
	v51 =	vsub.f32 v17, v23  }
0x102: {  	v9 =	vsel vm12, v9, v44;
	v53 =	vsub.f32 v45, v32;
	v15 =	vsub.f32 v17, v15  }
0x103: {  	vm13 =	vlt.f32 v8, v0;
	v58 =	vsub.f32 v17, v36;
	v17 =	vsub.f32 v17, v19;
	v19 =	vld [tilespmem:$0x1FF10]  }
0x104: {  	v0 =	vsel vm13, v8, v0;
	v48 =	vsub.f32 v45, v48;
	v31 =	vmul.f32 v63, v63  }
0x105: {  	v55 =	vmul.f32 v51, v51;
	v56 =	vmul.f32 v53, v53;
	v63 =	vsub.f32 v43, v34  }
0x106: {  	s19 =	sadd.s32 $0x20, s18;
	v57 =	vsub.f32 v43, v24;
	v15 =	vmul.f32 v15, v15;
	v8 =	vadd.f32 v50, v31  }
0x107: {  	v38 =	vadd.f32 v56, v55;
	v29 =	vmul.f32 v63, v63;
	v31 =	vor.u32 s19, v52  }
0x108: {  	v10 =	vsel vm9, v31, v10;
	v27 =	vmul.f32 v27, v27;
	v51 =	vsub.f32 v45, v19;
	v19 =	vld [tilespmem:$0x1FF80]  }
0x109: {  	v14 =	vsel vm10, v31, v14;
	v40 =	vsel vm11, v31, v40;
	v42 =	vsel vm12, v31, v42  }
0x10a: {  	v35 =	vmul.f32 v54, v54;
	vm15 =	vlt.f32 v13, v12;
	v16 =	vadd.f32 v27, v16  }
0x10b: {  	v60 =	vmul.f32 v57, v57;
	v61 =	vmul.f32 v58, v58;
	v50 =	vsel vm15, v13, v12  }
0x10c: {  	v62 =	vmul.f32 v48, v48;
	v8 =	vadd.f32 v35, v8;
	vm2 =	vlt.f32 v16, v50  }
0x10d: {  	v41 =	vsel vm13, v31, v41;
	v44 =	vsel vm2, v16, v50;
	v53 =	vsub.f32 v43, v19;
	v19 =	vld [tilespmem:$0x1FFA0]  }
0x10e: {  	v28 =	vadd.f32 v62, v61;
	v27 =	vadd.f32 v60, v38;
	vm9 =	vlt.f32 v8, v44  }
0x10f: {  	vm10 =	vlt.f32 v3, v4;
	v48 =	vmul.f32 v30, v30;
	v44 =	vsel vm9, v8, v44  }
0x110: {  	vm12 =	vlt.f32 v49, v5;
	v35 =	vadd.f32 v29, v28;
	vm1 =	vlt.f32 v27, v44  }
0x111: {  	v15 =	vadd.f32 v48, v15;
	v55 =	vsel vm1, v27, v44;
	v17 =	vmul.f32 v17, v17  }
0x112: {  	v38 =	vmul.f32 v51, v51;
	v45 =	vmul.f32 v53, v53;
	v43 =	vsub.f32 v43, v19  }
0x113: {  	v3 =	vsel vm10, v3, v4;
	v37 =	vsel vm10, v31, v37;
	vm0 =	vlt.f32 v35, v55  }
0x114: {  	v17 =	vadd.f32 v38, v17;
	v15 =	vadd.f32 v45, v15;
	v54 =	vmul.f32 v43, v43  }
0x115: {  	v5 =	vsel vm12, v49, v5;
	v1 =	vsel vm12, v31, v1;
	v57 =	vld [tilespmem:s31+$0x10];
	v56 =	vsel vm0, v35, v55  }
0x116: {  	s19 =	sadd.s32 $0x30, s18;
	v58 =	vsel vm14, v31, v39;
	vm11 =	vlt.f32 v15, v56;
	v17 =	vadd.f32 v54, v17  }
0x117: {  	vm14 =	vlt.f32 v12, v11;
	v61 =	vor.u32 s19, v52;
	v38 =	vsel vm11, v15, v56  }
0x118: {  	v60 =	vsel vm15, $0x1, v59;
	vm10 =	vlt.f32 v16, v7;
	vm13 =	vlt.f32 v17, v38  }
0x119: {  	vm12 =	vlt.f32 v27, v0;
	v39 =	vsel vm2, $0x2, v60;
	v38 =	vsel vm13, v17, v38  }
0x11a: {  	v50 =	vsel vm14, v12, v11;
	v46 =	vsel vm10, v16, v7;
	vm15 =	vlt.f32 v38, v57  }
0x11b: {  	v18 =	vsel vm12, v61, v41;
	v12 =	vsel vm9, $0x3, v39;
	v11 =	vsel vm15, v38, v57  }
0x11c: {  	vm9 =	vlt.f32 v13, v2;
	v45 =	vsel vm14, v61, v10;
	v10 =	vsel vm1, $0x4, v12;
	[tilespmem:s31+$0x10] =	vst v11  }
0x11d: {  	s30 =	sadd.s32 $0x4, s30;
	v49 =	vsel vm9, v13, v2;
	v14 =	vsel vm9, v61, v14;
	v10 =	vsel vm0, $0x5, v10;
	v62 =	vld [tilespmem:s1+$0x10]  }
0x11e: {  	p0 =	slt.u32 s30, $0xFC;
	vm14 =	vlt.f32 v15, v3;
	v7 =	vsel vm11, $0x6, v10;
	vm11 =	vlt.f32 v8, v9  }
.Ltmp1:
0x11f: {  	v10 =	vsel vm10, v61, v40;
	v43 =	vsel vm12, v27, v0;
	v23 =	vsel vm14, v15, v3;
	(pc) =	sbr.rel @p0 .LBB2_5-.Ltmp1, $4  }
0x120: {  	v19 =	vsel vm14, v61, v37;
	v44 =	vsel vm11, v8, v9;
	v7 =	vsel vm13, $0x7, v7  }
0x121: {  	v8 =	vsel vm11, v61, v42;
	vm13 =	vlt.f32 v35, v6;
	v7 =	vadd.s32 v20, v7  }
0x122: {  	s17 =	sadd.s32 $0x40, s17;
	s0 =	sadd.s32 $0x40, s0;
	s16 =	sadd.s32 $0x40, s16;
	v24 =	vsel vm13, v35, v6;
	v63 =	vsel vm15, v7, v62;
	vm15 =	vlt.f32 v17, v5  }
0x123: {  	s18 =	sadd.s32 $0x40, s18;
	v21 =	vsel vm13, v61, v58;
	s31 =	sadd.s32 $0x40, s31;
	[tilespmem:s1+$0x10] =	vst v63;
	s1 =	sadd.s32 $0x40, s1;
	v22 =	vsel vm15, v17, v5;
	v20 =	vsel vm15, v61, v1  }
0x124: {  	v11 =	vld [tilespmem:$0x1FFC0];
	_ =	sdelay $0x4  }
0x125: {  	v0 =	vperm.xlane v50, v11;
	v1 =	vperm.xlane v45, v11  }
0x126: {  	v4 =	vperm.xlane v49, v11;
	v5 =	vperm.xlane v14, v11  }
0x127: {  	v40 =	vperm.xlane v46, v11;
	v41 =	vperm.xlane v10, v11  }
0x128: {  	v48 =	vperm.xlane v44, v11;
	v9 =	vperm.xlane v18, v11  }
0x129: {  	v61 =	vperm.xlane v22, v11;
	v62 =	vperm.xlane v20, v11  }
0x12a: {  	v12 =	vld [tilespmem:$0x1FFD0];
	vm0 =	veq.f32 v0, v50;
	vm1 =	vlt.s32 v1, v45;
	vm2 =	vlt.f32 v0, v50  }
0x12b: {  	vm10 =	veq.f32 v4, v49;
	vm11 =	vlt.s32 v5, v14;
	vm0 =	vmand vm0, vm1  }
0x12c: {  	vm3 =	vlt.f32 v4, v49;
	vm1 =	vmand vm10, vm11;
	vm0 =	vmor vm2, vm0  }
0x12d: {  	vm10 =	veq.f32 v40, v46;
	vm12 =	vmor vm3, vm1;
	v0 =	vsel vm0, v0, v50  }
0x12e: {  	v1 =	vsel vm0, v1, v45;
	v4 =	vsel vm12, v4, v49;
	v49 =	vperm.xlane v8, v11  }
0x12f: {  	v5 =	vsel vm12, v5, v14;
	v2 =	vperm.xlane v0, v12;
	v3 =	vperm.xlane v1, v12  }
0x130: {  	v13 =	vld [tilespmem:$0x1FFE0];
	vm11 =	vlt.s32 v41, v10;
	v6 =	vperm.xlane v4, v12;
	v7 =	vperm.xlane v5, v12  }
0x131: {  	vm7 =	veq.f32 v2, v0;
	vm8 =	vlt.s32 v3, v1;
	vm9 =	vlt.f32 v2, v0  }
0x132: {  	vm15 =	veq.f32 v6, v4;
	vm6 =	vlt.s32 v7, v5;
	vm0 =	vmand vm7, vm8  }
0x133: {  	vm1 =	vmand vm15, vm6;
	vm8 =	vlt.f32 v6, v4;
	vm0 =	vmor vm9, vm0  }
0x134: {  	vm1 =	vmor vm8, vm1;
	vm8 =	vlt.s32 v49, v8;
	v0 =	vsel vm0, v2, v0  }
0x135: {  	v1 =	vsel vm0, v3, v1;
	v36 =	vsel vm1, v6, v4;
	v2 =	vperm.xlane v0, v13  }
0x136: {  	v39 =	vsel vm1, v7, v5;
	v3 =	vperm.xlane v1, v13;
	v38 =	vperm.xlane v36, v13  }
0x137: {  	vm1 =	vmand vm10, vm11;
	v45 =	vperm.xlane v39, v13;
	vm13 =	veq.f32 v2, v0  }
0x138: {  	vm14 =	vlt.s32 v3, v1;
	vm7 =	vlt.f32 v2, v0;
	vm9 =	veq.f32 v38, v36  }
0x139: {  	v14 =	vld [tilespmem:$0x1FFF0];
	vm12 =	vlt.s32 v45, v39;
	vm0 =	vmand vm13, vm14;
	vm13 =	vlt.f32 v40, v46  }
0x13a: {  	vm14 =	vlt.f32 v38, v36;
	vm0 =	vmor vm7, vm0;
	vm1 =	vmor vm13, vm1  }
0x13b: {  	vm7 =	veq.f32 v48, v44;
	v2 =	vsel vm0, v2, v0;
	v6 =	vsel vm0, v3, v1  }
0x13c: {  	vm0 =	vmand vm9, vm12;
	v3 =	vsel vm1, v40, v46;
	v4 =	vsel vm1, v41, v10  }
0x13d: {  	vm9 =	vlt.f32 v48, v44;
	vm2 =	vmand vm7, vm8;
	vm8 =	vlt.s32 v9, v18  }
0x13e: {  	v37 =	vperm.xlane v2, v14;
	v42 =	vperm.xlane v6, v14;
	vm0 =	vmor vm14, vm0  }
0x13f: {  	[tilespmem:$0x1F9F0] =	vst v2;
	v46 =	vperm.xlane v3, v12;
	v47 =	vperm.xlane v4, v12;
	vm10 =	vmor vm9, vm2  }
0x140: {  	[tilespmem:$0x1FA10] =	vst v6;
	v6 =	vsel vm0, v38, v36;
	v10 =	vsel vm0, v45, v39;
	v2 =	vsel vm10, v48, v44  }
0x141: {  	v5 =	vsel vm10, v49, v8;
	v8 =	vperm.xlane v43, v11;
	vm15 =	vlt.f32 v46, v3  }
0x142: {  	vm5 =	veq.f32 v46, v3;
	vm6 =	vlt.s32 v47, v4;
	[tilespmem:$0x1FA30] =	vst v6;
	v6 =	vperm.xlane v6, v14  }
0x143: {  	v39 =	vld [tilespmem:$0x1FE70];
	v7 =	vperm.xlane v5, v12;
	[tilespmem:$0x1FA50] =	vst v10;
	v10 =	vperm.xlane v10, v14;
	vm1 =	vmand vm5, vm6  }
0x144: {  	vm7 =	veq.f32 v8, v43;
	vm9 =	vlt.f32 v8, v43;
	vm0 =	vmor vm15, vm1  }
0x145: {  	[tilespmem:$0x1FA40] =	vst v6;
	v6 =	vperm.xlane v2, v12;
	vm2 =	vmand vm7, vm8;
	v0 =	vsel vm0, v46, v3  }
0x146: {  	v1 =	vsel vm0, v47, v4;
	vm10 =	vmor vm9, vm2;
	v3 =	vperm.xlane v0, v13  }
0x147: {  	v4 =	vperm.xlane v1, v13;
	v53 =	vsel vm10, v9, v18;
	v9 =	vperm.xlane v21, v11  }
0x148: {  	vm15 =	vlt.s32 v7, v5;
	v40 =	vbroadcast v39, $0x8;
	v41 =	vbroadcast v39, $0x9  }
0x149: {  	[tilespmem:$0x1FA20] =	vst v42;
	vm14 =	veq.f32 v6, v2;
	v42 =	vbroadcast v39, $0xA;
	v44 =	vbroadcast v39, $0xC  }
0x14a: {  	vm6 =	vlt.f32 v6, v2;
	v45 =	vbroadcast v39, $0xD;
	v46 =	vbroadcast v39, $0xE  }
0x14b: {  	v47 =	vld [tilespmem:$0x1FF00];
	vm1 =	vmand vm14, vm15;
	vm11 =	veq.f32 v3, v0;
	vm12 =	vlt.s32 v4, v1  }
0x14c: {  	vm13 =	vlt.f32 v3, v0;
	vm1 =	vmor vm6, vm1;
	vm8 =	vlt.s32 v9, v21  }
0x14d: {  	v50 =	vsel vm1, v6, v2;
	v51 =	vsel vm1, v7, v5;
	v7 =	vperm.xlane v53, v12  }
0x14e: {  	v6 =	vsel vm10, v8, v43;
	v8 =	vperm.xlane v24, v11;
	v43 =	vbroadcast v39, $0xB  }
0x14f: {  	vm0 =	vmand vm11, vm12;
	v52 =	vperm.xlane v50, v13;
	v5 =	vperm.xlane v51, v13  }
0x150: {  	vm0 =	vmor vm13, vm0;
	v54 =	vperm.xlane v6, v12;
	v48 =	vbroadcast v47, $0x8  }
0x151: {  	v49 =	vbroadcast v47, $0x9;
	v15 =	vsel vm0, v3, v0;
	v16 =	vsel vm0, v4, v1  }
0x152: {  	[tilespmem:$0x1FA00] =	vst v37;
	vm15 =	vlt.s32 v7, v53;
	vm7 =	veq.f32 v8, v24;
	vm9 =	vlt.f32 v8, v24  }
0x153: {  	[tilespmem:$0x1FA60] =	vst v10;
	vm11 =	veq.f32 v52, v50;
	vm12 =	vlt.s32 v5, v51;
	vm13 =	vlt.f32 v52, v50  }
0x154: {  	[tilespmem:$0x1FBF0] =	vst v40;
	vm14 =	veq.f32 v54, v6;
	vm6 =	vlt.f32 v54, v6;
	vm2 =	vmand vm7, vm8  }
0x155: {  	[tilespmem:$0x1FC00] =	vst v41;
	v10 =	vperm.xlane v15, v14;
	v63 =	vperm.xlane v16, v14;
	vm0 =	vmand vm11, vm12  }
0x156: {  	[tilespmem:$0x1FC10] =	vst v42;
	vm1 =	vmand vm14, vm15;
	vm10 =	vmor vm9, vm2;
	vm0 =	vmor vm13, vm0  }
0x157: {  	[tilespmem:$0x1FC30] =	vst v44;
	vm1 =	vmor vm6, vm1;
	v58 =	vsel vm10, v9, v21;
	v9 =	vperm.xlane v19, v11  }
0x158: {  	[tilespmem:$0x1FC40] =	vst v45;
	v17 =	vsel vm0, v52, v50;
	v55 =	vsel vm1, v54, v6;
	v1 =	vsel vm1, v7, v53  }
0x159: {  	[tilespmem:$0x1FC50] =	vst v46;
	v6 =	vsel vm10, v8, v24;
	v7 =	vperm.xlane v58, v12;
	v8 =	vperm.xlane v23, v11  }
0x15a: {  	[tilespmem:$0x1FC20] =	vst v43;
	v18 =	vsel vm0, v5, v51;
	v50 =	vbroadcast v47, $0xA;
	v51 =	vbroadcast v47, $0xB  }
0x15b: {  	[tilespmem:$0x1FA70] =	vst v15;
	v52 =	vbroadcast v47, $0xC;
	v53 =	vbroadcast v47, $0xD  }
0x15c: {  	s0 =	sor.u32 $0x8, s29;
	[tilespmem:$0x1FA90] =	vst v16;
	v54 =	vbroadcast v47, $0xE;
	v56 =	vperm.xlane v55, v13  }
0x15d: {  	[tilespmem:$0x1FAA0] =	vst v63;
	v63 =	vmov s0;
	v57 =	vperm.xlane v1, v13;
	v59 =	vperm.xlane v6, v12  }
0x15e: {  	[tilespmem:$0x1FC70] =	vst v48;
	vm7 =	vlt.s32 v9, v19;
	v32 =	vperm.xlane v17, v14;
	v33 =	vperm.xlane v18, v14  }
0x15f: {  	[tilespmem:$0x1FC80] =	vst v49;
	vm15 =	vlt.s32 v7, v58;
	vm6 =	veq.f32 v8, v23;
	vm8 =	vlt.f32 v8, v23  }
0x160: {  	[tilespmem:$0x1FA80] =	vst v10;
	vm11 =	veq.f32 v56, v55;
	vm12 =	vlt.s32 v57, v1;
	vm13 =	vlt.f32 v56, v55  }
0x161: {  	[tilespmem:$0x1FD70] =	vst v63;
	vm14 =	veq.f32 v59, v6;
	vm5 =	vlt.f32 v59, v6;
	vm2 =	vmand vm6, vm7  }
0x162: {  	[tilespmem:$0x1FAB0] =	vst v17;
	vm0 =	vmand vm11, vm12;
	vm1 =	vmand vm14, vm15;
	vm2 =	vmor vm8, vm2  }
0x163: {  	[tilespmem:$0x1FAD0] =	vst v18;
	vm14 =	vlt.s32 v62, v20;
	vm15 =	vlt.f32 v61, v22;
	vm0 =	vmor vm13, vm0  }
0x164: {  	[tilespmem:$0x1FC90] =	vst v50;
	vm1 =	vmor vm5, vm1;
	v9 =	vsel vm2, v9, v19;
	vm13 =	veq.f32 v61, v22  }
0x165: {  	[tilespmem:$0x1FCA0] =	vst v51;
	v5 =	vsel vm1, v59, v6;
	v2 =	vsel vm1, v7, v58;
	v7 =	vsel vm2, v8, v23  }
0x166: {  	[tilespmem:$0x1FCB0] =	vst v52;
	v15 =	vsel vm0, v56, v55;
	v60 =	vperm.xlane v9, v12;
	v55 =	vld [tilespmem:$0x1FF90];
	v6 =	vperm.xlane v5, v13  }
0x167: {  	[tilespmem:$0x1FCC0] =	vst v53;
	v19 =	vsel vm0, v57, v1;
	v8 =	vperm.xlane v2, v13;
	v10 =	vperm.xlane v7, v12  }
0x168: {  	[tilespmem:$0x1FCD0] =	vst v54;
	v34 =	vperm.xlane v15, v14;
	vm11 =	vlt.s32 v60, v9;
	vm9 =	veq.f32 v6, v5  }
0x169: {  	[tilespmem:$0x1FAC0] =	vst v32;
	vm1 =	vlt.s32 v8, v2;
	vm10 =	veq.f32 v10, v7;
	vm12 =	vlt.f32 v10, v7  }
0x16a: {  	[tilespmem:$0x1FAE0] =	vst v33;
	vm6 =	vlt.f32 v6, v5;
	vm0 =	vmand vm9, vm1;
	vm2 =	vmand vm10, vm11  }
0x16b: {  	[tilespmem:$0x1FAF0] =	vst v15;
	vm1 =	vmor vm12, vm2;
	vm2 =	vmand vm13, vm14;
	v56 =	vbroadcast v55, $0x8  }
0x16c: {  	[tilespmem:$0x1FB10] =	vst v19;
	vm0 =	vmor vm6, vm0;
	v57 =	vbroadcast v55, $0x9;
	v58 =	vbroadcast v55, $0xA  }
0x16d: {  	[tilespmem:$0x1FB00] =	vst v34;
	v59 =	vbroadcast v55, $0xB;
	v7 =	vsel vm1, v10, v7;
	v10 =	vsel vm0, v6, v5  }
0x16e: {  	vm2 =	vmor vm15, vm2;
	v0 =	vsel vm1, v60, v9;
	v2 =	vsel vm0, v8, v2;
	[tilespmem:$0x1FB30] =	vst v10  }
0x16f: {  	v60 =	vbroadcast v55, $0xC;
	v1 =	vsel vm2, v61, v22;
	v3 =	vsel vm2, v62, v20;
	[tilespmem:$0x1FB50] =	vst v2  }
0x170: {  	[tilespmem:$0x1FCF0] =	vst v56;
	v35 =	vperm.xlane v1, v12;
	v11 =	vperm.xlane v3, v12  }
0x171: {  	v9 =	vperm.xlane v7, v13;
	v36 =	vperm.xlane v0, v13;
	[tilespmem:$0x1FD00] =	vst v57  }
0x172: {  	v8 =	vperm.xlane v10, v14;
	[tilespmem:$0x1FD10] =	vst v58;
	vm7 =	veq.f32 v35, v1;
	vm8 =	vlt.s32 v11, v3  }
0x173: {  	v2 =	vperm.xlane v2, v14;
	[tilespmem:$0x1FD20] =	vst v59;
	vm9 =	vlt.f32 v35, v1;
	vm1 =	vmand vm7, vm8  }
0x174: {  	v61 =	vbroadcast v55, $0xD;
	v62 =	vbroadcast v55, $0xE;
	[tilespmem:$0x1FD30] =	vst v60;
	vm1 =	vmor vm9, vm1  }
0x175: {  	vm10 =	veq.f32 v9, v7;
	[tilespmem:$0x1FB40] =	vst v8;
	v1 =	vsel vm1, v35, v1;
	v3 =	vsel vm1, v11, v3  }
0x176: {  	vm11 =	vlt.s32 v36, v0;
	[tilespmem:$0x1FB60] =	vst v2;
	v4 =	vperm.xlane v1, v13;
	v6 =	vperm.xlane v3, v13  }
0x177: {  	v12 =	vperm.xlane v19, v14;
	vm12 =	vlt.f32 v9, v7;
	[tilespmem:$0x1FD40] =	vst v61;
	vm1 =	vmand vm10, vm11  }
0x178: {  	[tilespmem:$0x1FD50] =	vst v62;
	vm0 =	vmor vm12, vm1;
	vm13 =	veq.f32 v4, v1;
	vm14 =	vlt.s32 v6, v3  }
0x179: {  	[tilespmem:$0x1FB20] =	vst v12;
	v0 =	vsel vm0, v36, v0;
	vm15 =	vlt.f32 v4, v1;
	vm1 =	vmand vm13, vm14  }
0x17a: {  	v37 =	vsel vm0, v9, v7;
	[tilespmem:$0x1FB90] =	vst v0;
	v0 =	vperm.xlane v0, v14;
	vm1 =	vmor vm15, vm1  }
0x17b: {  	[tilespmem:$0x1FB70] =	vst v37;
	v2 =	vperm.xlane v37, v14;
	v38 =	vsel vm1, v6, v3  }
0x17c: {  	[tilespmem:$0x1FBA0] =	vst v0;
	v0 =	vperm.xlane v38, v14  }
0x17d: {  	[tilespmem:$0x1FB80] =	vst v2  }
0x17e: {  	v28 =	vimm.f32 $+Inf;
	v1 =	vsel vm1, v4, v1;
	[tilespmem:$0x1FBE0] =	vst v0;
	v0 =	vbroadcast v39, $0xF  }
0x17f: {  	v25 =	vimm.s32 $0x0;
	v27 =	vimm.s32 $0x0;
	v29 =	vimm.s32 $0x0;
	[tilespmem:$0x1FBB0] =	vst v1  }
0x180: {  	v30 =	vimm.f32 $+Inf;
	v16 =	vimm.f32 $+Inf;
	[tilespmem:$0x1FC60] =	vst v0;
	v0 =	vbroadcast v47, $0xF  }
0x181: {  	v21 =	vimm.s32 $0x0;
	v24 =	vimm.f32 $+Inf;
	v1 =	vperm.xlane v1, v14;
	[tilespmem:$0x1FBD0] =	vst v38  }
0x182: {  	s29 =	simm.s32 $0xFFFFFFFC;
	v18 =	vimm.s32 $0x0;
	v23 =	vimm.s32 $0x0;
	[tilespmem:$0x1FCE0] =	vst v0;
	v0 =	vbroadcast v55, $0xF  }
0x183: {  	s30 =	simm.s32 $0x0;
	s1 =	simm.s32 $0x32A0;
	s16 =	simm.s32 $0x20;
	v15 =	vimm.s32 $0x0;
	v22 =	vimm.s32 $0x0;
	v20 =	vimm.f32 $+Inf;
	[tilespmem:$0x1FBC0] =	vst v1  }
0x184: {  	s17 =	simm.s32 $0x1020;
	s18 =	simm.s32 $0x2020;
	s0 =	simm.s32 $0x42A0;
	v8 =	vimm.f32 $+Inf;
	v12 =	vimm.f32 $+Inf;
	v35 =	vimm.f32 $+Inf;
	[tilespmem:$0x1FD60] =	vst v0  }
.LBB2_7:
0x185: {  	v0 =	vld [tilespmem:s16+$0xFFFFFFE0]  }
0x186: {  	v1 =	vld [tilespmem:s17+$0xFFFFFFE0]  }
0x187: {  	v2 =	vld [tilespmem:s18+$0xFFFFFFE0]  }
0x188: {  	v53 =	vld [tilespmem:$0x1FBF0]  }
0x189: {  	v61 =	vld [tilespmem:$0x1FC70]  }
0x18a: {  	v54 =	vld [tilespmem:$0x1FC00]  }
0x18b: {  	v63 =	vld [tilespmem:$0x1FC80]  }
0x18c: {  	v38 =	vld [tilespmem:$0x1FCF0]  }
0x18d: {  	v55 =	vld [tilespmem:$0x1FC10]  }
0x18e: {  	[tilespmem:$0x1F9A0] =	vst v22;
	v22 =	vld [tilespmem:$0x1FC90]  }
0x18f: {  	v43 =	vld [tilespmem:$0x1FD10]  }
0x190: {  	v56 =	vld [tilespmem:$0x1FC20]  }
0x191: {  	v31 =	vld [tilespmem:$0x1FCA0];
	v3 =	vsub.f32 v0, v53;
	v4 =	vsub.f32 v1, v61  }
0x192: {  	v39 =	vld [tilespmem:$0x1FD00];
	v5 =	vsub.f32 v0, v54;
	v6 =	vsub.f32 v1, v63  }
0x193: {  	v32 =	vld [tilespmem:$0x1FD20];
	v45 =	vsub.f32 v2, v38;
	v10 =	vsub.f32 v0, v55  }
0x194: {  	v57 =	vld [tilespmem:$0x1FC30];
	v14 =	vsub.f32 v1, v22;
	v17 =	vsub.f32 v2, v43;
	v3 =	vmul.f32 v3, v3  }
0x195: {  	[tilespmem:$0x1F990] =	vst v28;
	v62 =	vld [tilespmem:$0x1FD30];
	v19 =	vsub.f32 v0, v56;
	v5 =	vmul.f32 v5, v5;
	v6 =	vmul.f32 v6, v6  }
0x196: {  	[tilespmem:$0x1F9E0] =	vst v23;
	v28 =	vld [tilespmem:$0x1FCB0];
	v23 =	vsub.f32 v1, v31;
	v4 =	vmul.f32 v4, v4;
	v10 =	vmul.f32 v10, v10  }
0x197: {  	v58 =	vld [tilespmem:$0x1FC40];
	v14 =	vmul.f32 v14, v14;
	v5 =	vadd.f32 v6, v5;
	v6 =	vsub.f32 v2, v39  }
0x198: {  	v42 =	vld [tilespmem:$0x1FCC0];
	v48 =	vsub.f32 v2, v32;
	v3 =	vadd.f32 v4, v3;
	v4 =	vmul.f32 v45, v45  }
0x199: {  	v49 =	vsub.f32 v0, v57;
	v10 =	vadd.f32 v14, v10;
	v6 =	vmul.f32 v6, v6  }
0x19a: {  	[tilespmem:$0x1F9C0] =	vst v27;
	v14 =	vmul.f32 v17, v17;
	v17 =	vsub.f32 v2, v62;
	v27 =	vadd.f32 v4, v3  }
0x19b: {  	v44 =	vld [tilespmem:$0x1FD40];
	v46 =	vmul.f32 v19, v19;
	v34 =	vadd.f32 v6, v5;
	v6 =	vsub.f32 v1, v28  }
0x19c: {  	v59 =	vld [tilespmem:$0x1FC50];
	v47 =	vmul.f32 v23, v23;
	v26 =	vadd.f32 v14, v10;
	v10 =	vsub.f32 v0, v58  }
0x19d: {  	v52 =	vld [tilespmem:$0x1FCD0];
	v14 =	vsub.f32 v1, v42;
	v5 =	vmul.f32 v49, v49;
	v6 =	vmul.f32 v6, v6  }
0x19e: {  	v3 =	vadd.f32 v47, v46;
	v4 =	vmul.f32 v48, v48;
	v60 =	vmul.f32 v17, v17;
	v46 =	vld [tilespmem:$0x1FCE0]  }
0x19f: {  	v10 =	vmul.f32 v10, v10;
	v14 =	vmul.f32 v14, v14;
	v50 =	vadd.f32 v6, v5  }
0x1a0: {  	v11 =	vld [tilespmem:$0x1FD50];
	v19 =	vsub.f32 v2, v44;
	v36 =	vadd.f32 v4, v3  }
0x1a1: {  	[tilespmem:$0x1F980] =	vst v30;
	v33 =	vadd.f32 v14, v10;
	v37 =	vadd.f32 v60, v50;
	v60 =	vld [tilespmem:$0x1FC60]  }
0x1a2: {  	v30 =	vmovc v8;
	v51 =	vld [tilespmem:$0x1FD60];
	v10 =	vsub.f32 v0, v59;
	v14 =	vsub.f32 v1, v52;
	vm0 =	vlt.f32 v34, v27  }
0x1a3: {  	v8 =	vmovc v35;
	v35 =	vsel vm0, v34, v27;
	v1 =	vsub.f32 v1, v46;
	v6 =	vmul.f32 v19, v19  }
0x1a4: {  	v40 =	vmul.f32 v10, v10;
	v41 =	vmul.f32 v14, v14;
	vm1 =	vlt.f32 v26, v35  }
0x1a5: {  	[tilespmem:$0x1F9B0] =	vst v29;
	v3 =	vsel vm1, v26, v35;
	v1 =	vmul.f32 v1, v1;
	v29 =	vadd.f32 v6, v33  }
0x1a6: {  	v6 =	vsub.f32 v2, v11;
	vm2 =	vlt.f32 v36, v3;
	v0 =	vsub.f32 v0, v60  }
0x1a7: {  	v4 =	vadd.f32 v41, v40;
	v2 =	vsub.f32 v2, v51;
	v3 =	vsel vm2, v36, v3  }
0x1a8: {  	v45 =	vmul.f32 v6, v6;
	vm3 =	vlt.f32 v37, v3;
	v0 =	vmul.f32 v0, v0  }
0x1a9: {  	v47 =	vmul.f32 v2, v2;
	v3 =	vsel vm3, v37, v3  }
0x1aa: {  	v40 =	vadd.f32 v45, v4;
	vm4 =	vlt.f32 v29, v3;
	v0 =	vadd.f32 v1, v0  }
0x1ab: {  	v49 =	vld [tilespmem:s1+$0xFFFFFFE0];
	v48 =	vsel vm4, v29, v3  }
0x1ac: {  	vm5 =	vlt.f32 v40, v48;
	v41 =	vadd.f32 v47, v0  }
0x1ad: {  	v50 =	vsel vm5, v40, v48  }
0x1ae: {  	vm6 =	vlt.f32 v41, v50  }
0x1af: {  	v4 =	vimm.s32 $0x0;
	v0 =	vsel vm6, v41, v50  }
0x1b0: {  	v1 =	vsel vm0, $0x1, v4;
	vm13 =	vlt.f32 v0, v49  }
0x1b1: {  	v1 =	vsel vm1, $0x2, v1;
	v0 =	vsel vm13, v0, v49  }
0x1b2: {  	v7 =	vld [tilespmem:$0x1FD70];
	v1 =	vsel vm2, $0x3, v1;
	[tilespmem:s1+$0xFFFFFFE0] =	vst v0  }
0x1b3: {  	v5 =	vsel vm3, $0x4, v1;
	v33 =	vld [tilespmem:s0+$0xFFFFFFE0]  }
0x1b4: {  	v0 =	vsel vm4, $0x5, v5  }
0x1b5: {  	v0 =	vsel vm5, $0x6, v0  }
0x1b6: {  	v0 =	vsel vm6, $0x7, v0  }
0x1b7: {  	v0 =	vadd.s32 v7, v0  }
0x1b8: {  	v0 =	vsel vm13, v0, v33  }
0x1b9: {  	[tilespmem:s0+$0xFFFFFFE0] =	vst v0  }
0x1ba: {  	v1 =	vld [tilespmem:s16+$0xFFFFFFF0]  }
0x1bb: {  	v2 =	vld [tilespmem:s17+$0xFFFFFFF0];
	_ =	sdelay $0x1  }
0x1bc: {  	v3 =	vld [tilespmem:s18+$0xFFFFFFF0];
	_ =	sdelay $0x2  }
0x1bd: {  	v35 =	vsub.f32 v1, v53;
	v45 =	vsub.f32 v2, v61  }
0x1be: {  	v47 =	vsub.f32 v1, v54;
	v6 =	vsub.f32 v2, v63  }
0x1bf: {  	v48 =	vsub.f32 v3, v38;
	v10 =	vsub.f32 v1, v55  }
0x1c0: {  	v14 =	vsub.f32 v2, v22;
	v17 =	vsub.f32 v3, v43  }
0x1c1: {  	v19 =	vsub.f32 v1, v56;
	v0 =	vmul.f32 v35, v35;
	v4 =	vmul.f32 v45, v45  }
0x1c2: {  	v23 =	vsub.f32 v2, v31;
	v5 =	vmul.f32 v47, v47;
	v6 =	vmul.f32 v6, v6  }
0x1c3: {  	v33 =	vsub.f32 v3, v32;
	v10 =	vmul.f32 v10, v10;
	v14 =	vmul.f32 v14, v14  }
0x1c4: {  	v49 =	vmul.f32 v19, v19;
	v35 =	vsub.f32 v1, v57;
	v19 =	vsub.f32 v1, v58  }
0x1c5: {  	v50 =	vmul.f32 v23, v23;
	v23 =	vsub.f32 v2, v42;
	v0 =	vadd.f32 v4, v0  }
0x1c6: {  	v5 =	vadd.f32 v6, v5;
	v6 =	vsub.f32 v3, v39;
	v4 =	vmul.f32 v48, v48  }
0x1c7: {  	[tilespmem:$0x1F9D0] =	vst v25;
	v25 =	vmul.f32 v17, v17;
	v45 =	vsub.f32 v3, v44;
	v10 =	vadd.f32 v14, v10  }
0x1c8: {  	v23 =	vmul.f32 v23, v23;
	v6 =	vmul.f32 v6, v6;
	v17 =	vadd.f32 v4, v0  }
0x1c9: {  	v10 =	vadd.f32 v25, v10;
	v0 =	vadd.f32 v50, v49;
	v4 =	vmul.f32 v33, v33  }
0x1ca: {  	v25 =	vsub.f32 v3, v62;
	v33 =	vmul.f32 v19, v19;
	v50 =	vsub.f32 v2, v52  }
0x1cb: {  	v14 =	vadd.f32 v6, v5;
	v6 =	vsub.f32 v2, v28;
	v5 =	vmul.f32 v35, v35  }
0x1cc: {  	v48 =	vmul.f32 v25, v25;
	v25 =	vsub.f32 v1, v59;
	v1 =	vsub.f32 v1, v60  }
0x1cd: {  	v19 =	vadd.f32 v4, v0;
	v49 =	vadd.f32 v23, v33;
	v6 =	vmul.f32 v6, v6  }
0x1ce: {  	v2 =	vsub.f32 v2, v46;
	vm14 =	vlt.f32 v14, v17;
	v1 =	vmul.f32 v1, v1  }
0x1cf: {  	v35 =	vsel vm14, v14, v17;
	v47 =	vadd.f32 v6, v5;
	v6 =	vmul.f32 v45, v45  }
0x1d0: {  	v45 =	vmul.f32 v25, v25;
	vm15 =	vlt.f32 v10, v35;
	v25 =	vsub.f32 v3, v11  }
0x1d1: {  	v4 =	vsel vm15, v10, v35;
	v23 =	vadd.f32 v6, v49;
	v6 =	vmul.f32 v50, v50  }
0x1d2: {  	v2 =	vmul.f32 v2, v2;
	v0 =	vadd.f32 v48, v47;
	vm9 =	vlt.f32 v19, v4  }
0x1d3: {  	v5 =	vadd.f32 v6, v45;
	v6 =	vmul.f32 v25, v25;
	v25 =	vsel vm9, v19, v4  }
0x1d4: {  	v3 =	vsub.f32 v3, v51;
	vm10 =	vlt.f32 v0, v25  }
0x1d5: {  	v1 =	vadd.f32 v2, v1;
	v47 =	vsel vm10, v0, v25  }
0x1d6: {  	v48 =	vmul.f32 v3, v3;
	v4 =	vadd.f32 v6, v5;
	vm11 =	vlt.f32 v23, v47  }
0x1d7: {  	v6 =	vld [tilespmem:s1+$0xFFFFFFF0];
	v49 =	vsel vm11, v23, v47  }
0x1d8: {  	v5 =	vadd.f32 v48, v1;
	vm12 =	vlt.f32 v4, v49  }
0x1d9: {  	v50 =	vsel vm12, v4, v49  }
0x1da: {  	vm13 =	vlt.f32 v5, v50  }
0x1db: {  	v9 =	vimm.s32 $0x0;
	v1 =	vsel vm13, v5, v50  }
0x1dc: {  	v33 =	vsel vm14, $0x1, v9;
	vm14 =	vlt.f32 v1, v6  }
0x1dd: {  	v2 =	vsel vm15, $0x2, v33;
	v1 =	vsel vm14, v1, v6  }
0x1de: {  	v2 =	vsel vm9, $0x3, v2;
	[tilespmem:s1+$0xFFFFFFF0] =	vst v1  }
0x1df: {  	v35 =	vsel vm10, $0x4, v2;
	v45 =	vld [tilespmem:s0+$0xFFFFFFF0]  }
0x1e0: {  	v1 =	vsel vm11, $0x5, v35  }
0x1e1: {  	v1 =	vsel vm12, $0x6, v1  }
0x1e2: {  	v1 =	vsel vm13, $0x7, v1  }
0x1e3: {  	v1 =	vadd.s32 v7, v1  }
0x1e4: {  	v1 =	vsel vm14, v1, v45  }
0x1e5: {  	[tilespmem:s0+$0xFFFFFFF0] =	vst v1  }
0x1e6: {  	v1 =	vld [tilespmem:s16+$0x0]  }
0x1e7: {  	v2 =	vld [tilespmem:s17+$0x0];
	_ =	sdelay $0x1  }
0x1e8: {  	v13 =	vmov v7;
	v7 =	vld [tilespmem:s18+$0x0];
	_ =	sdelay $0x1  }
0x1e9: {  	vm10 =	vlt.f32 v27, v24;
	v47 =	vsub.f32 v1, v53  }
0x1ea: {  	vm11 =	vlt.f32 v34, v20;
	v6 =	vsub.f32 v2, v61;
	v25 =	vsub.f32 v1, v54  }
0x1eb: {  	vm12 =	vlt.f32 v26, v16;
	v48 =	vsub.f32 v2, v63;
	v49 =	vsub.f32 v1, v55  }
0x1ec: {  	v16 =	vsel vm12, v26, v16;
	v9 =	vsub.f32 v2, v22;
	v50 =	vsub.f32 v7, v39  }
0x1ed: {  	v43 =	vsub.f32 v7, v43;
	v3 =	vmul.f32 v47, v47;
	v6 =	vmul.f32 v6, v6  }
0x1ee: {  	v45 =	vsub.f32 v1, v56;
	v25 =	vmul.f32 v25, v25;
	v33 =	vmul.f32 v48, v48  }
0x1ef: {  	v35 =	vmul.f32 v49, v49;
	v9 =	vmul.f32 v9, v9;
	v47 =	vsub.f32 v2, v31  }
0x1f0: {  	v48 =	vmul.f32 v43, v43;
	v3 =	vadd.f32 v6, v3;
	v6 =	vsub.f32 v7, v38  }
0x1f1: {  	v25 =	vadd.f32 v33, v25;
	v33 =	vmul.f32 v50, v50;
	v9 =	vadd.f32 v9, v35  }
0x1f2: {  	v50 =	vsub.f32 v2, v28;
	v35 =	vsub.f32 v1, v58;
	v6 =	vmul.f32 v6, v6  }
0x1f3: {  	v49 =	vmul.f32 v45, v45;
	v45 =	vadd.f32 v33, v25;
	v25 =	vadd.f32 v48, v9  }
0x1f4: {  	v9 =	vsub.f32 v1, v57;
	v43 =	vadd.f32 v6, v3;
	v6 =	vmul.f32 v47, v47  }
0x1f5: {  	v33 =	vmul.f32 v50, v50;
	v48 =	vsub.f32 v7, v62;
	v47 =	vsub.f32 v2, v42  }
0x1f6: {  	v9 =	vmul.f32 v9, v9;
	v3 =	vadd.f32 v6, v49;
	v6 =	vsub.f32 v7, v32  }
0x1f7: {  	v50 =	vsub.f32 v7, v44;
	v49 =	vmul.f32 v35, v35;
	v47 =	vmul.f32 v47, v47  }
0x1f8: {  	v33 =	vadd.f32 v33, v9;
	vm15 =	vlt.f32 v45, v43;
	v6 =	vmul.f32 v6, v6  }
0x1f9: {  	v9 =	vadd.f32 v47, v49;
	v47 =	vmul.f32 v50, v50;
	v49 =	vsub.f32 v2, v52  }
0x1fa: {  	v2 =	vsub.f32 v2, v46;
	v35 =	vadd.f32 v6, v3;
	v6 =	vmul.f32 v48, v48  }
0x1fb: {  	v48 =	vsub.f32 v1, v59;
	v3 =	vmul.f32 v49, v49;
	v1 =	vsub.f32 v1, v60  }
0x1fc: {  	v33 =	vadd.f32 v6, v33;
	v6 =	vadd.f32 v47, v9;
	v47 =	vsel vm15, v45, v43  }
0x1fd: {  	v2 =	vmul.f32 v2, v2;
	v9 =	vmul.f32 v48, v48;
	vm9 =	vlt.f32 v25, v47  }
0x1fe: {  	v48 =	vsub.f32 v7, v11;
	v1 =	vmul.f32 v1, v1;
	v47 =	vsel vm9, v25, v47  }
0x1ff: {  	v7 =	vsub.f32 v7, v51;
	v3 =	vadd.f32 v3, v9;
	vm2 =	vlt.f32 v35, v47  }
0x200: {  	v9 =	vmul.f32 v48, v48;
	v1 =	vadd.f32 v2, v1;
	v47 =	vsel vm2, v35, v47  }
0x201: {  	v7 =	vmul.f32 v7, v7;
	v48 =	vimm.s32 $0x0;
	vm3 =	vlt.f32 v33, v47  }
0x202: {  	v3 =	vadd.f32 v9, v3;
	v9 =	vsel vm10, v27, v24;
	v50 =	vsel vm3, v33, v47  }
0x203: {  	v24 =	vsel vm11, v34, v20;
	v47 =	vlaneseq.u32;
	vm6 =	vlt.f32 v6, v50  }
0x204: {  	v27 =	vld [tilespmem:s1+$0x0];
	v20 =	vadd.f32 v7, v1;
	v1 =	vor.u32 s30, v47;
	v2 =	vsel vm6, v6, v50  }
0x205: {  	v49 =	vmovc v11;
	v11 =	vld [tilespmem:$0x1F9B0];
	v7 =	vsel vm10, v1, v21;
	v21 =	vsel vm15, $0x1, v48;
	vm7 =	vlt.f32 v3, v2  }
0x206: {  	v21 =	vsel vm9, $0x2, v21;
	vm9 =	vlt.f32 v37, v8;
	v2 =	vsel vm7, v3, v2  }
0x207: {  	vm14 =	vlt.f32 v36, v12;
	v26 =	vsel vm9, v37, v8;
	v8 =	vld [tilespmem:$0x1F980];
	vm13 =	vlt.f32 v20, v2  }
0x208: {  	v12 =	vsel vm14, v36, v12;
	vm10 =	vlt.f32 v29, v30;
	v2 =	vsel vm13, v20, v2  }
0x209: {  	v37 =	vsel vm2, $0x3, v21;
	v21 =	vsel vm10, v29, v30;
	v30 =	vld [tilespmem:$0x1F9A0];
	vm15 =	vlt.f32 v2, v27  }
0x20a: {  	vm4 =	vlt.f32 v19, v12;
	v34 =	vsel vm9, v1, v11;
	v11 =	vld [tilespmem:$0x1F9D0];
	v2 =	vsel vm15, v2, v27  }
0x20b: {  	v12 =	vsel vm4, v19, v12;
	v18 =	vsel vm11, v1, v18;
	[tilespmem:s1+$0x0] =	vst v2  }
0x20c: {  	v15 =	vsel vm12, v1, v15;
	vm5 =	vlt.f32 v0, v26;
	vm11 =	vlt.f32 v40, v8;
	v27 =	vld [tilespmem:s0+$0x0]  }
0x20d: {  	v0 =	vsel vm5, v0, v26;
	v2 =	vsel vm3, $0x4, v37;
	v29 =	vsel vm11, v40, v8;
	v8 =	vld [tilespmem:$0x1F990]  }
0x20e: {  	v30 =	vsel vm14, v1, v30;
	vm14 =	vlt.f32 v14, v24;
	v2 =	vsel vm6, $0x5, v2  }
0x20f: {  	v37 =	vsel vm11, v1, v11;
	vm6 =	vlt.f32 v23, v21;
	v2 =	vsel vm7, $0x6, v2  }
0x210: {  	v21 =	vsel vm6, v23, v21;
	vm7 =	vlt.f32 v4, v29;
	v2 =	vsel vm13, $0x7, v2  }
0x211: {  	vm13 =	vlt.f32 v17, v9;
	v4 =	vsel vm7, v4, v29;
	v2 =	vadd.s32 v13, v2  }
0x212: {  	s19 =	sadd.s32 $0x10, s30;
	v50 =	vld [tilespmem:$0x1F9E0];
	v9 =	vsel vm13, v17, v9;
	vm12 =	vlt.f32 v41, v8;
	v2 =	vsel vm15, v2, v27  }
0x213: {  	v27 =	vor.u32 s19, v47;
	vm15 =	vlt.f32 v10, v16;
	v8 =	vsel vm12, v41, v8;
	v41 =	vld [tilespmem:$0x1F9C0]  }
0x214: {  	vm9 =	vlt.f32 v43, v9;
	v7 =	vsel vm13, v27, v7;
	[tilespmem:s0+$0x0] =	vst v2;
	v10 =	vsel vm15, v10, v16  }
0x215: {  	v15 =	vsel vm15, v27, v15;
	v19 =	vsel vm5, v27, v34;
	v26 =	vsel vm7, v27, v37;
	v17 =	vld [tilespmem:s16+$0x10]  }
0x216: {  	vm13 =	vlt.f32 v33, v0;
	v16 =	vld [tilespmem:s17+$0x10];
	vm8 =	vlt.f32 v5, v8;
	vm11 =	vlt.f32 v25, v10  }
0x217: {  	v0 =	vsel vm13, v33, v0;
	v5 =	vsel vm8, v5, v8;
	v8 =	vsel vm9, v43, v9  }
0x218: {  	v10 =	vsel vm11, v25, v10;
	v36 =	vsel vm10, v1, v41;
	v1 =	vsel vm12, v1, v50  }
0x219: {  	v50 =	vsel vm14, v14, v24;
	v14 =	vsel vm14, v27, v18;
	v18 =	vsel vm4, v27, v30  }
0x21a: {  	vm12 =	vlt.f32 v35, v12;
	vm14 =	vlt.f32 v6, v21;
	v23 =	vsel vm6, v27, v36  }
0x21b: {  	v29 =	vsub.f32 v17, v53;
	v30 =	vsub.f32 v16, v61;
	v1 =	vsel vm8, v27, v1  }
0x21c: {  	vm10 =	vlt.f32 v45, v50;
	v61 =	vsub.f32 v17, v55;
	v40 =	vsub.f32 v17, v56  }
0x21d: {  	v24 =	vld [tilespmem:s18+$0x10];
	v41 =	vsub.f32 v16, v31;
	v6 =	vsel vm14, v6, v21;
	v21 =	vsub.f32 v17, v59  }
0x21e: {  	v2 =	vsel vm10, v45, v50;
	v45 =	vsub.f32 v17, v57;
	v50 =	vsub.f32 v16, v28  }
0x21f: {  	v12 =	vsel vm12, v35, v12;
	v57 =	vsub.f32 v17, v58;
	v58 =	vsub.f32 v16, v42  }
0x220: {  	v9 =	vmul.f32 v29, v29;
	v27 =	vmul.f32 v30, v30;
	v30 =	vsub.f32 v17, v54  }
0x221: {  	v43 =	vmul.f32 v41, v41;
	v21 =	vmul.f32 v21, v21;
	v17 =	vsub.f32 v17, v60  }
0x222: {  	v55 =	vmul.f32 v50, v50;
	v29 =	vsub.f32 v24, v38;
	v9 =	vadd.f32 v27, v9  }
0x223: {  	v27 =	vsub.f32 v16, v63;
	v30 =	vmul.f32 v30, v30;
	v54 =	vsub.f32 v24, v39  }
0x224: {  	v63 =	vsub.f32 v16, v22;
	v56 =	vsub.f32 v24, v62;
	v62 =	vmul.f32 v57, v57  }
0x225: {  	v53 =	vsub.f32 v24, v32;
	v17 =	vmul.f32 v17, v17;
	v29 =	vmul.f32 v29, v29  }
0x226: {  	v11 =	vmovc v13;
	v13 =	vld [tilespmem:$0x1FD10];
	v44 =	vsub.f32 v24, v44;
	v27 =	vmul.f32 v27, v27;
	v25 =	vmul.f32 v54, v54  }
0x227: {  	v54 =	vmul.f32 v45, v45;
	v33 =	vmul.f32 v53, v53;
	v53 =	vsub.f32 v16, v52  }
0x228: {  	v50 =	vmul.f32 v44, v44;
	v16 =	vsub.f32 v16, v46;
	v27 =	vadd.f32 v27, v30  }
0x229: {  	v9 =	vadd.f32 v29, v9;
	v29 =	vmul.f32 v61, v61;
	v30 =	vmul.f32 v63, v63  }
0x22a: {  	v34 =	vadd.f32 v55, v54;
	v61 =	vmul.f32 v56, v56;
	v25 =	vadd.f32 v25, v27  }
0x22b: {  	s31 =	sadd.s32 $0x20, s30;
	v63 =	vmul.f32 v58, v58;
	v27 =	vadd.f32 v30, v29;
	v29 =	vsub.f32 v24, v13  }
0x22c: {  	v54 =	vor.u32 s31, v47;
	v55 =	vmul.f32 v53, v53;
	v16 =	vmul.f32 v16, v16  }
0x22d: {  	v58 =	vsub.f32 v24, v49;
	v30 =	vmul.f32 v40, v40;
	v29 =	vmul.f32 v29, v29  }
0x22e: {  	v7 =	vsel vm9, v54, v7;
	v14 =	vsel vm10, v54, v14;
	v15 =	vsel vm11, v54, v15  }
0x22f: {  	v30 =	vadd.f32 v43, v30;
	vm15 =	vlt.f32 v25, v9;
	v27 =	vadd.f32 v29, v27  }
0x230: {  	v60 =	vsel vm12, v54, v18;
	v19 =	vsel vm13, v54, v19;
	v56 =	vsel vm15, v25, v9  }
0x231: {  	vm10 =	vlt.f32 v3, v4;
	v29 =	vadd.f32 v33, v30;
	vm2 =	vlt.f32 v27, v56  }
0x232: {  	vm12 =	vlt.f32 v20, v5;
	v45 =	vadd.f32 v63, v62;
	v57 =	vsel vm2, v27, v56  }
0x233: {  	v21 =	vadd.f32 v55, v21;
	v30 =	vadd.f32 v61, v34;
	vm9 =	vlt.f32 v29, v57  }
0x234: {  	v24 =	vsub.f32 v24, v51;
	v35 =	vmul.f32 v58, v58;
	v34 =	vsel vm9, v29, v57  }
0x235: {  	v16 =	vadd.f32 v16, v17;
	v33 =	vadd.f32 v50, v45;
	vm1 =	vlt.f32 v30, v34  }
0x236: {  	v3 =	vsel vm10, v3, v4;
	v17 =	vmul.f32 v24, v24;
	v24 =	vsel vm1, v30, v34  }
0x237: {  	v5 =	vsel vm12, v20, v5;
	v59 =	vadd.f32 v35, v21;
	vm0 =	vlt.f32 v33, v24  }
0x238: {  	v18 =	vld [tilespmem:s1+$0x10];
	v1 =	vsel vm12, v54, v1;
	v17 =	vadd.f32 v17, v16;
	v16 =	vsel vm0, v33, v24  }
0x239: {  	s31 =	sadd.s32 $0x30, s30;
	v61 =	vsel vm14, v54, v23;
	v23 =	vsel vm10, v54, v26;
	vm11 =	vlt.f32 v59, v16  }
0x23a: {  	vm14 =	vlt.f32 v9, v8;
	v26 =	vor.u32 s31, v47;
	v16 =	vsel vm11, v59, v16  }
0x23b: {  	v20 =	vsel vm15, $0x1, v48;
	v21 =	vsel vm14, v26, v7;
	vm13 =	vlt.f32 v17, v16  }
0x23c: {  	vm10 =	vlt.f32 v27, v10;
	vm12 =	vlt.f32 v30, v0;
	v16 =	vsel vm13, v17, v16  }
0x23d: {  	v20 =	vsel vm2, $0x2, v20;
	v15 =	vsel vm10, v26, v15;
	vm15 =	vlt.f32 v16, v18  }
0x23e: {  	v24 =	vsel vm14, v9, v8;
	v9 =	vsel vm9, $0x3, v20;
	v8 =	vsel vm15, v16, v18  }
0x23f: {  	v35 =	vsel vm12, v30, v0;
	vm9 =	vlt.f32 v25, v2;
	v7 =	vsel vm1, $0x4, v9;
	[tilespmem:s1+$0x10] =	vst v8  }
0x240: {  	s29 =	sadd.s32 $0x4, s29;
	vm14 =	vlt.f32 v59, v3;
	v20 =	vsel vm9, v25, v2;
	v7 =	vsel vm0, $0x5, v7;
	v62 =	vld [tilespmem:s0+$0x10]  }
0x241: {  	p0 =	slt.u32 s29, $0xFC;
	v30 =	vsel vm14, v59, v3;
	v7 =	vsel vm11, $0x6, v7;
	vm11 =	vlt.f32 v29, v12  }
.Ltmp2:
0x242: {  	v25 =	vsel vm14, v26, v23;
	v7 =	vsel vm13, $0x7, v7;
	v12 =	vsel vm11, v29, v12;
	(pc) =	sbr.rel @p0 .LBB2_7-.Ltmp2, $4  }
0x243: {  	v22 =	vsel vm11, v26, v60;
	vm13 =	vlt.f32 v33, v6;
	v29 =	vsel vm12, v26, v19  }
0x244: {  	v7 =	vadd.s32 v11, v7;
	v18 =	vsel vm9, v26, v14;
	v16 =	vsel vm10, v27, v10  }
0x245: {  	s16 =	sadd.s32 $0x40, s16;
	s17 =	sadd.s32 $0x40, s17;
	s18 =	sadd.s32 $0x40, s18;
	v27 =	vsel vm13, v26, v61;
	v63 =	vsel vm15, v7, v62;
	vm15 =	vlt.f32 v17, v5  }
0x246: {  	s30 =	sadd.s32 $0x40, s30;
	v8 =	vsel vm13, v33, v6;
	s1 =	sadd.s32 $0x40, s1;
	[tilespmem:s0+$0x10] =	vst v63;
	s0 =	sadd.s32 $0x40, s0;
	v28 =	vsel vm15, v17, v5;
	v23 =	vsel vm15, v26, v1  }
0x247: {  	v0 =	vld [tilespmem:$0x1F9F0]  }
0x248: {  	v2 =	vld [tilespmem:$0x1FA00]  }
0x249: {  	v1 =	vld [tilespmem:$0x1FA10]  }
0x24a: {  	v3 =	vld [tilespmem:$0x1FA20]  }
0x24b: {  	v4 =	vld [tilespmem:$0x1FA30]  }
0x24c: {  	v6 =	vld [tilespmem:$0x1FA40]  }
0x24d: {  	v5 =	vld [tilespmem:$0x1FA50]  }
0x24e: {  	v7 =	vld [tilespmem:$0x1FA60]  }
0x24f: {  	v41 =	vld [tilespmem:$0x1FA70]  }
0x250: {  	v42 =	vld [tilespmem:$0x1FA80]  }
0x251: {  	v43 =	vld [tilespmem:$0x1FA90]  }
0x252: {  	v44 =	vld [tilespmem:$0x1FAA0]  }
0x253: {  	v47 =	vld [tilespmem:$0x1FAB0]  }
0x254: {  	v11 =	vld [tilespmem:$0x1FAC0]  }
0x255: {  	v48 =	vld [tilespmem:$0x1FAD0]  }
0x256: {  	v9 =	vld [tilespmem:$0x1FAE0]  }
0x257: {  	v49 =	vld [tilespmem:$0x1FAF0]  }
0x258: {  	vm7 =	vmmov $0x1;
	v14 =	vld [tilespmem:$0x1FFC0]  }
0x259: {  	vm9 =	vmmov $0x3;
	v50 =	vld [tilespmem:$0x1FB00];
	vm0 =	veq.f32 v2, v0;
	vm1 =	vlt.s32 v3, v1  }
0x25a: {  	v51 =	vld [tilespmem:$0x1FB10];
	vm13 =	veq.f32 v6, v4;
	vm2 =	vlt.s32 v7, v5;
	vm3 =	vlt.f32 v2, v0  }
0x25b: {  	v10 =	vld [tilespmem:$0x1FB20];
	vm14 =	vlt.f32 v6, v4;
	vm15 =	veq.f32 v42, v41;
	vm6 =	vlt.s32 v44, v43  }
0x25c: {  	v55 =	vld [tilespmem:$0x1FB30];
	vm8 =	vlt.f32 v42, v41;
	vm10 =	veq.f32 v11, v47;
	vm11 =	vlt.s32 v9, v48  }
0x25d: {  	v56 =	vld [tilespmem:$0x1FB40];
	vm12 =	vlt.f32 v11, v47;
	v61 =	vperm.xlane v24, v14;
	v62 =	vperm.xlane v21, v14  }
0x25e: {  	v57 =	vld [tilespmem:$0x1FB50];
	v38 =	vperm.xlane v20, v14;
	vm0 =	vmand vm0, vm1;
	vm1 =	vmand vm13, vm2  }
0x25f: {  	v58 =	vld [tilespmem:$0x1FB60];
	vm13 =	veq.f32 v50, v49;
	vm0 =	vmor vm3, vm0;
	vm1 =	vmor vm14, vm1  }
0x260: {  	v63 =	vld [tilespmem:$0x1FB70];
	vm14 =	vlt.s32 v10, v51;
	vm4 =	vlt.s32 v62, v21;
	v0 =	vsel vm0, v2, v0  }
0x261: {  	v13 =	vld [tilespmem:$0x1FB80];
	v1 =	vsel vm0, v3, v1;
	v39 =	vsel vm1, v6, v4;
	v40 =	vsel vm1, v7, v5  }
0x262: {  	v17 =	vld [tilespmem:$0x1FB90];
	vm0 =	vmand vm15, vm6;
	vm1 =	vmand vm10, vm11;
	vm15 =	vlt.f32 v50, v49  }
0x263: {  	v19 =	vld [tilespmem:$0x1FBA0];
	vm6 =	vmmov $0x7;
	vm10 =	vlt.f32 v56, v55;
	vm11 =	vmmov $0x1f  }
0x264: {  	v0 =	vsel vm7, v0, v39;
	v1 =	vsel vm7, v1, v40;
	vm0 =	vmor vm8, vm0  }
0x265: {  	vm7 =	veq.f32 v56, v55;
	vm8 =	vlt.s32 v58, v57;
	v39 =	vperm.xlane v18, v14  }
0x266: {  	v45 =	vsel vm0, v42, v41;
	v46 =	vsel vm0, v44, v43;
	vm0 =	vmor vm12, vm1  }
0x267: {  	vm1 =	vmand vm13, vm14;
	vm12 =	vlt.f32 v13, v63;
	vm13 =	veq.f32 v13, v63  }
0x268: {  	vm14 =	vlt.s32 v19, v17;
	v0 =	vsel vm9, v0, v45;
	v1 =	vsel vm9, v1, v46  }
0x269: {  	v34 =	vld [tilespmem:$0x1FBB0];
	v2 =	vsel vm0, v11, v47;
	v52 =	vsel vm0, v9, v48;
	vm1 =	vmor vm15, vm1  }
0x26a: {  	v36 =	vld [tilespmem:$0x1FBC0];
	vm9 =	vmmov $0xf;
	vm0 =	vmand vm7, vm8;
	vm2 =	vmand vm13, vm14  }
0x26b: {  	vm15 =	veq.f32 v61, v24;
	vm8 =	vlt.f32 v61, v24;
	v46 =	vperm.xlane v16, v14  }
0x26c: {  	v47 =	vperm.xlane v15, v14;
	v0 =	vsel vm6, v0, v2;
	v1 =	vsel vm6, v1, v52  }
0x26d: {  	v53 =	vsel vm1, v50, v49;
	v54 =	vsel vm1, v10, v51;
	vm0 =	vmor vm10, vm0  }
0x26e: {  	v37 =	vld [tilespmem:$0x1FBE0];
	vm1 =	vmor vm12, vm2;
	vm3 =	vmand vm15, vm4;
	vm10 =	vmmov $0x3f  }
0x26f: {  	vm15 =	vlt.f32 v36, v34;
	v0 =	vsel vm9, v0, v53;
	v31 =	vsel vm1, v19, v17;
	v17 =	vld [tilespmem:$0x1FFD0]  }
0x270: {  	v1 =	vsel vm9, v1, v54;
	v59 =	vsel vm0, v56, v55;
	v26 =	vsel vm1, v13, v63;
	v13 =	vld [tilespmem:$0x1FBD0]  }
0x271: {  	v60 =	vsel vm0, v58, v57;
	vm9 =	vmor vm8, vm3;
	v54 =	vperm.xlane v12, v14  }
0x272: {  	v55 =	vperm.xlane v22, v14;
	v0 =	vsel vm11, v0, v59;
	v1 =	vsel vm11, v1, v60  }
0x273: {  	v2 =	vsel vm9, v61, v24;
	v4 =	vsel vm9, v62, v21;
	vm11 =	veq.f32 v36, v34  }
0x274: {  	v0 =	vsel vm10, v0, v26;
	v1 =	vsel vm10, v1, v31;
	vm10 =	veq.f32 v38, v20  }
0x275: {  	v32 =	vperm.xlane v2, v17;
	v33 =	vperm.xlane v4, v17;
	vm12 =	vlt.s32 v37, v13  }
0x276: {  	v31 =	vperm.xlane v27, v14;
	vm1 =	vmand vm11, vm12;
	vm11 =	vlt.s32 v39, v18  }
0x277: {  	vm13 =	veq.f32 v32, v2;
	vm14 =	vlt.s32 v33, v4;
	vm7 =	vlt.f32 v32, v2  }
0x278: {  	v19 =	vld [tilespmem:$0x1FFE0];
	vm8 =	vmor vm15, vm1;
	vm1 =	vmand vm10, vm11;
	vm10 =	vmmov $0x7f  }
0x279: {  	vm2 =	vmand vm13, vm14;
	v40 =	vsel vm8, v36, v34;
	vm13 =	vlt.f32 v38, v20  }
0x27a: {  	v13 =	vsel vm8, v37, v13;
	vm9 =	vmor vm7, vm2;
	vm1 =	vmor vm13, vm1  }
0x27b: {  	v0 =	vsel vm10, v0, v40;
	v1 =	vsel vm10, v1, v13;
	v13 =	vperm.xlane v29, v14  }
0x27c: {  	v2 =	vsel vm9, v32, v2;
	v4 =	vsel vm9, v33, v4;
	v3 =	vsel vm1, v38, v20  }
0x27d: {  	v5 =	vsel vm1, v39, v18;
	v41 =	vperm.xlane v2, v19;
	v42 =	vperm.xlane v4, v19  }
0x27e: {  	vm10 =	vmmov $0xff;
	v43 =	vperm.xlane v3, v17;
	v44 =	vperm.xlane v5, v17  }
0x27f: {  	v40 =	vperm.xlane v30, v14;
	v18 =	vld [tilespmem:$0x1FFF0];
	vm12 =	vlt.f32 v41, v2;
	vm14 =	veq.f32 v41, v2  }
0x280: {  	vm15 =	vlt.s32 v42, v4;
	vm7 =	veq.f32 v43, v3;
	vm8 =	vlt.s32 v44, v5  }
0x281: {  	vm9 =	vlt.f32 v43, v3;
	vm2 =	vmand vm14, vm15;
	vm0 =	vmand vm7, vm8  }
0x282: {  	vm7 =	vlt.s32 v47, v15;
	vm6 =	vmor vm12, vm2;
	vm0 =	vmor vm9, vm0  }
0x283: {  	v2 =	vsel vm6, v41, v2;
	v4 =	vsel vm6, v42, v4;
	v3 =	vsel vm0, v43, v3  }
0x284: {  	v5 =	vsel vm0, v44, v5;
	v7 =	vperm.xlane v2, v18;
	v9 =	vperm.xlane v4, v18  }
0x285: {  	vm8 =	vlt.f32 v46, v16;
	v10 =	vperm.xlane v3, v19;
	v45 =	vperm.xlane v5, v19  }
0x286: {  	vm6 =	veq.f32 v46, v16;
	vm11 =	vlt.f32 v7, v2;
	vm12 =	veq.f32 v7, v2  }
0x287: {  	vm13 =	vlt.s32 v9, v4;
	vm15 =	veq.f32 v10, v3;
	vm4 =	vlt.s32 v45, v5  }
0x288: {  	vm5 =	vlt.f32 v10, v3;
	vm2 =	vmand vm12, vm13;
	vm1 =	vmand vm15, vm4  }
0x289: {  	v41 =	vperm.xlane v25, v14;
	vm14 =	vmor vm11, vm2;
	vm0 =	vmor vm5, vm1  }
0x28a: {  	vm1 =	vmand vm6, vm7;
	v2 =	vsel vm14, v7, v2;
	v4 =	vsel vm14, v9, v4  }
0x28b: {  	v3 =	vsel vm0, v10, v3;
	v5 =	vsel vm0, v45, v5;
	vm9 =	vmor vm8, vm1  }
0x28c: {  	v48 =	vperm.xlane v3, v18;
	v49 =	vperm.xlane v5, v18;
	v7 =	vsel vm9, v46, v16  }
0x28d: {  	v50 =	vsel vm9, v47, v15;
	v0 =	vsel vm10, v0, v2;
	v1 =	vsel vm10, v1, v4  }
0x28e: {  	vm10 =	veq.f32 v54, v12;
	v51 =	vperm.xlane v7, v17;
	v52 =	vperm.xlane v50, v17  }
0x28f: {  	vm11 =	veq.f32 v48, v3;
	vm12 =	vlt.s32 v49, v5;
	vm15 =	vlt.f32 v48, v3  }
0x290: {  	vm1 =	vmand vm11, vm12;
	vm13 =	veq.f32 v51, v7;
	vm14 =	vlt.s32 v52, v50  }
0x291: {  	vm7 =	vlt.f32 v51, v7;
	vm11 =	vlt.s32 v55, v22;
	vm2 =	vmand vm13, vm14  }
0x292: {  	vm8 =	vmor vm15, vm1;
	vm13 =	vlt.f32 v54, v12;
	vm1 =	vmand vm10, vm11  }
0x293: {  	vm9 =	vmor vm7, vm2;
	v3 =	vsel vm8, v48, v3;
	vm1 =	vmor vm13, vm1  }
0x294: {  	v5 =	vsel vm8, v49, v5;
	vm8 =	vmmov $0x1ff;
	v49 =	vperm.xlane v28, v14  }
0x295: {  	v53 =	vsel vm9, v51, v7;
	v56 =	vsel vm9, v52, v50;
	v4 =	vsel vm1, v54, v12  }
0x296: {  	v7 =	vsel vm1, v55, v22;
	v0 =	vsel vm8, v0, v3;
	v57 =	vperm.xlane v53, v19  }
0x297: {  	v1 =	vsel vm8, v1, v5;
	v58 =	vperm.xlane v56, v19;
	v12 =	vperm.xlane v4, v17  }
0x298: {  	vm8 =	vmmov $0x3ff;
	v59 =	vperm.xlane v7, v17;
	vm12 =	vlt.f32 v57, v53  }
0x299: {  	vm14 =	veq.f32 v57, v53;
	vm15 =	vlt.s32 v58, v56;
	vm9 =	veq.f32 v12, v4  }
0x29a: {  	vm10 =	vlt.s32 v59, v7;
	vm11 =	vlt.f32 v12, v4;
	vm2 =	vmand vm14, vm15  }
0x29b: {  	vm1 =	vmand vm9, vm10;
	vm10 =	vlt.s32 v13, v29;
	vm7 =	vmor vm12, vm2  }
0x29c: {  	vm1 =	vmor vm11, vm1;
	v2 =	vsel vm7, v57, v53;
	v6 =	vsel vm7, v58, v56  }
0x29d: {  	v4 =	vsel vm1, v12, v4;
	v12 =	vperm.xlane v35, v14;
	v60 =	vperm.xlane v2, v18  }
0x29e: {  	v7 =	vsel vm1, v59, v7;
	v61 =	vperm.xlane v6, v18;
	v62 =	vperm.xlane v4, v19  }
0x29f: {  	v63 =	vperm.xlane v7, v19;
	vm9 =	veq.f32 v12, v35;
	vm11 =	vlt.f32 v12, v35  }
0x2a0: {  	vm12 =	veq.f32 v60, v2;
	vm13 =	vlt.s32 v61, v6;
	vm14 =	vlt.f32 v60, v2  }
0x2a1: {  	vm15 =	veq.f32 v62, v4;
	vm6 =	vlt.s32 v63, v7;
	vm1 =	vmand vm12, vm13  }
0x2a2: {  	vm7 =	vlt.f32 v62, v4;
	vm0 =	vmor vm14, vm1;
	vm1 =	vmand vm15, vm6  }
0x2a3: {  	v2 =	vsel vm0, v60, v2;
	vm1 =	vmor vm7, vm1;
	v3 =	vsel vm0, v61, v6  }
0x2a4: {  	v4 =	vsel vm1, v62, v4;
	v15 =	vsel vm1, v63, v7;
	vm1 =	vmand vm9, vm10  }
0x2a5: {  	v0 =	vsel vm8, v0, v2;
	v1 =	vsel vm8, v1, v3;
	vm8 =	vmmov $0x7ff  }
0x2a6: {  	vm10 =	vlt.s32 v31, v27;
	v16 =	vperm.xlane v4, v18;
	vm1 =	vmor vm11, vm1  }
0x2a7: {  	v20 =	vperm.xlane v15, v18;
	v5 =	vsel vm1, v12, v35;
	v9 =	vsel vm1, v13, v29  }
0x2a8: {  	v29 =	vperm.xlane v8, v14;
	v14 =	vperm.xlane v23, v14;
	vm12 =	veq.f32 v16, v4  }
0x2a9: {  	vm13 =	vlt.s32 v20, v15;
	v21 =	vperm.xlane v5, v17;
	v22 =	vperm.xlane v9, v17  }
0x2aa: {  	vm14 =	vlt.f32 v16, v4;
	vm1 =	vmand vm12, vm13;
	vm9 =	veq.f32 v29, v8  }
0x2ab: {  	vm12 =	vlt.f32 v29, v8;
	vm15 =	veq.f32 v21, v5;
	vm6 =	vlt.s32 v22, v9  }
0x2ac: {  	vm0 =	vmor vm14, vm1;
	vm7 =	vlt.f32 v21, v5;
	vm1 =	vmand vm15, vm6  }
0x2ad: {  	v24 =	vsel vm0, v16, v4;
	v2 =	vsel vm0, v20, v15;
	vm1 =	vmor vm7, vm1  }
0x2ae: {  	v26 =	vsel vm1, v21, v5;
	v32 =	vsel vm1, v22, v9;
	vm1 =	vmand vm9, vm10  }
0x2af: {  	v33 =	vperm.xlane v26, v19;
	v9 =	vperm.xlane v32, v19;
	vm1 =	vmor vm12, vm1  }
0x2b0: {  	v0 =	vsel vm8, v0, v24;
	v5 =	vsel vm1, v29, v8;
	v6 =	vsel vm1, v31, v27  }
0x2b1: {  	vm11 =	vlt.f32 v33, v26;
	vm13 =	veq.f32 v33, v26;
	vm14 =	vlt.s32 v9, v32  }
0x2b2: {  	v34 =	vperm.xlane v5, v17;
	v35 =	vperm.xlane v6, v17;
	vm2 =	vmand vm13, vm14  }
0x2b3: {  	v1 =	vsel vm8, v1, v2;
	vm14 =	veq.f32 v40, v30;
	vm15 =	vmor vm11, vm2  }
0x2b4: {  	vm4 =	veq.f32 v34, v5;
	vm5 =	vlt.s32 v35, v6;
	vm6 =	vlt.f32 v34, v5  }
0x2b5: {  	v36 =	vsel vm15, v33, v26;
	v3 =	vsel vm15, v9, v32;
	vm0 =	vmand vm4, vm5  }
0x2b6: {  	vm15 =	vlt.s32 v41, v25;
	vm4 =	vmmov $0x1fff;
	v4 =	vperm.xlane v36, v18  }
0x2b7: {  	v37 =	vperm.xlane v3, v18;
	vm0 =	vmor vm6, vm0;
	vm3 =	vmand vm14, vm15  }
0x2b8: {  	vm14 =	veq.f32 v49, v28;
	v5 =	vsel vm0, v34, v5;
	v6 =	vsel vm0, v35, v6  }
0x2b9: {  	vm7 =	vlt.f32 v4, v36;
	vm8 =	veq.f32 v4, v36;
	vm9 =	vlt.s32 v37, v3  }
0x2ba: {  	v38 =	vperm.xlane v5, v19;
	v39 =	vperm.xlane v6, v19;
	vm10 =	vmand vm8, vm9  }
0x2bb: {  	vm15 =	vlt.s32 v14, v23;
	vm8 =	vlt.f32 v40, v30;
	vm0 =	vmor vm7, vm10  }
0x2bc: {  	vm11 =	vlt.f32 v38, v5;
	vm12 =	veq.f32 v38, v5;
	vm13 =	vlt.s32 v39, v6  }
0x2bd: {  	vm2 =	vmand vm12, vm13;
	v2 =	vsel vm0, v4, v36;
	v3 =	vsel vm0, v37, v3  }
0x2be: {  	vm0 =	vmmov $0xfff;
	vm1 =	vmor vm11, vm2;
	vm2 =	vmor vm8, vm3  }
0x2bf: {  	v0 =	vsel vm0, v0, v2;
	v45 =	vsel vm2, v40, v30;
	v46 =	vsel vm2, v41, v25  }
0x2c0: {  	v42 =	vsel vm1, v38, v5;
	v47 =	vperm.xlane v45, v17;
	v48 =	vperm.xlane v46, v17  }
0x2c1: {  	vm8 =	vlt.f32 v49, v28;
	v43 =	vsel vm1, v39, v6;
	v44 =	vperm.xlane v42, v18  }
0x2c2: {  	v10 =	vperm.xlane v43, v18;
	vm11 =	veq.f32 v47, v45;
	vm12 =	vlt.s32 v48, v46  }
0x2c3: {  	vm9 =	veq.f32 v44, v42;
	vm13 =	vlt.f32 v47, v45;
	vm3 =	vmand vm11, vm12  }
0x2c4: {  	vm10 =	vlt.s32 v10, v43;
	vm2 =	vmor vm13, vm3;
	vm3 =	vmand vm14, vm15  }
0x2c5: {  	v1 =	vsel vm0, v1, v3;
	vm1 =	vmand vm9, vm10;
	vm3 =	vmor vm8, vm3  }
0x2c6: {  	vm9 =	vlt.f32 v44, v42;
	v51 =	vsel vm3, v49, v28;
	v52 =	vsel vm3, v14, v23  }
0x2c7: {  	v50 =	vsel vm2, v47, v45;
	v53 =	vperm.xlane v51, v17;
	v54 =	vperm.xlane v52, v17  }
0x2c8: {  	vm10 =	vmor vm9, vm1;
	v7 =	vsel vm2, v48, v46;
	v9 =	vperm.xlane v50, v19  }
0x2c9: {  	v55 =	vperm.xlane v7, v19;
	vm12 =	veq.f32 v53, v51;
	vm3 =	vlt.s32 v54, v52  }
0x2ca: {  	v4 =	vsel vm10, v44, v42;
	vm14 =	vlt.f32 v53, v51;
	vm2 =	vmand vm12, vm3  }
0x2cb: {  	vm11 =	veq.f32 v9, v50;
	vm13 =	vlt.s32 v55, v7;
	vm2 =	vmor vm14, vm2  }
0x2cc: {  	vm15 =	vlt.f32 v9, v50;
	v56 =	vsel vm2, v53, v51;
	v57 =	vsel vm2, v54, v52  }
0x2cd: {  	vm1 =	vmand vm11, vm13;
	v11 =	vperm.xlane v56, v19;
	v12 =	vperm.xlane v57, v19  }
0x2ce: {  	v5 =	vsel vm10, v10, v43;
	v0 =	vsel vm4, v0, v4;
	vm1 =	vmor vm15, vm1  }
0x2cf: {  	v2 =	vsel vm1, v9, v50;
	vm5 =	veq.f32 v11, v56;
	vm6 =	vlt.s32 v12, v57  }
0x2d0: {  	v3 =	vsel vm1, v55, v7;
	vm7 =	vlt.f32 v11, v56;
	vm1 =	vmand vm5, vm6  }
0x2d1: {  	v1 =	vsel vm4, v1, v5;
	v58 =	vperm.xlane v2, v18;
	vm1 =	vmor vm7, vm1  }
0x2d2: {  	v59 =	vperm.xlane v3, v18;
	v6 =	vsel vm1, v11, v56;
	v8 =	vsel vm1, v12, v57  }
0x2d3: {  	vm15 =	vmmov $0x7fff;
	v60 =	vperm.xlane v6, v18;
	v61 =	vperm.xlane v8, v18  }
0x2d4: {  	vm8 =	veq.f32 v58, v2;
	vm9 =	vlt.s32 v59, v3;
	vm10 =	vlt.f32 v58, v2  }
0x2d5: {  	s26 =	sadd.s32 $0x1, s26;
	vm1 =	vmand vm8, vm9;
	vm11 =	veq.f32 v60, v6;
	vm12 =	vlt.s32 v61, v8  }
0x2d6: {  	p0 =	sne.s32 s26, $0x8;
	vm0 =	vmor vm10, vm1;
	vm13 =	vlt.f32 v60, v6;
	vm1 =	vmand vm11, vm12  }
.Ltmp3:
0x2d7: {  	vm14 =	vmmov $0x3fff;
	v2 =	vsel vm0, v58, v2;
	vm1 =	vmor vm13, vm1;
	(pc) =	sbr.rel @p0 .LBB2_4-.Ltmp3, $4  }
0x2d8: {  	v3 =	vsel vm0, v59, v3;
	v0 =	vsel vm14, v0, v2;
	v62 =	vsel vm1, v60, v6  }
0x2d9: {  	v1 =	vsel vm14, v1, v3;
	v63 =	vsel vm1, v61, v8;
	v0 =	vsel vm15, v0, v62  }
0x2da: {  	v1 =	vsel vm15, v1, v63;
	[tilespmem:s28+$0x3180] =	vst v0  }
0x2db: {  	[tilespmem:s28+$0x3200] =	vst v1  }
0x2dc: {  	[hbm4b:s10+s2] =	stream.linear.scatter [tilespmem:s21], [sflag:$0x1], $0x80, $0x38;
	[tilespmem:$0x5280] =	vst v63  }
0x2dd: {  	_ =	swait.ge [sflag:s15], $0x80  }
0x2de: {  	[sflag:s15] =	ssyncset.done $0x0  }
0x2df: {  	[sflag:s15] =	ssyncadd.s32 $0xFFFFFF80  }
0x2e0: {  	[hbm4b:s11+s2] =	stream.linear.scatter [tilespmem:s22], [sflag:$0x1], $0x80, $0x38;
	[tilespmem:$0x5280] =	vst v63  }
0x2e1: {  	_ =	swait.ge [sflag:s15], $0x80  }
0x2e2: {  	[sflag:s15] =	ssyncset.done $0x0  }
0x2e3: {  	[sflag:s15] =	ssyncadd.s32 $0xFFFFFF80  }
0x2e4: {  	[hbm4b:s12+s2] =	stream.linear.scatter [tilespmem:s23], [sflag:$0x1], $0x1000, $0x38;
	[tilespmem:$0x5280] =	vst v63  }
0x2e5: {  	s25 =	sadd.s32 $0x1, s25;
	_ =	swait.ge [sflag:s15], $0x1000  }
0x2e6: {  	p0 =	sne.s32 s25, s14;
	[sflag:s15] =	ssyncset.done $0x0  }
.Ltmp4:
0x2e7: {  	[sflag:s15] =	ssyncadd.s32 $0xFFFFF000;
	(pc) =	sbr.rel @p0 .LBB2_1-.Ltmp4, $4  }
0x2e8: {  	[hbm4b:s13+s2] =	stream.linear.scatter [tilespmem:s24], [sflag:$0x1], $0x1000, $0x38;
	[tilespmem:$0x5280] =	vst v63  }
0x2e9: {  	_ =	swait.ge [sflag:s15], $0x1000  }
0x2ea: {  	[sflag:s15] =	ssyncset.done $0x0  }
0x2eb: {  	v2 =	vimm.f32 $+Inf;
	v1 =	vimm.s32 $0x0;
	[sflag:s15] =	ssyncadd.s32 $0xFFFFF000  }
0x2ec: {  	_ =	sfence.sel $0x180000  }
0x2ed: {  	[bflag:$0x0] =	sbarrier.arrive $0xFFFF  }
0x2ee: {  	_ =	strace $0x90000047  }
0x2ef: {  	s0 =	stileid.u32;
	[bflag:$0x2] =	sbarrier.arrive $0xFFFF  }
0x2f0: {  	p0 =	sne.s32 s0, $0x0;
	s0 =	rddreg [dreg:$0x5]  }
0x2f1: {  	s0 =	sadd.s32 @!p0 $0x100000, s0  }
0x2f2: {  	[sflag:s0] =	ssyncadd.tile.s32 @!p0 $0x1;
	_ =	shalt  }
.Lfunc_end2:
_tile_overlayer_lowered:
.L_overlay_start_2:
0x2f3: {  	(tag) =	ssettag $0x2  }
0x2f4: {  	s0 =	rddreg [dreg:$0x0];
	s2 =	stileid.u32  }
0x2f5: {  	s1 =	rddreg [dreg:$0x1];
	p0 =	sne.s32 s2, $0x0  }
0x2f6: {  	s3 =	rddreg [dreg:$0x2];
	[bflag:$0x3] =	sbarrier.arrive $0xFFFF;
	s2 =	simm.s32 @!p0 $0x1C01  }
0x2f7: {  	[timem:s3], [sflag:s2] =	dma.local @!p0 [hbm:s0], s1  }
0x2f8: {  	s0 =	simm.s32 @!p0 $0x1  }
0x2f9: {  	_ =	swait.ge @!p0 [sflag:s0], s1  }
0x2fa: {  	s1 =	ssub.s32 @!p0 $0x0, s1;
	[sflag:s0] =	ssyncset.done @!p0 $0x0  }
0x2fb: {  	[sflag:s0] =	ssyncadd.s32 @!p0 s1  }
0x2fc: {  	[bflag:$0x3] =	sbarrier.arrive $0xFFFF  }
0x2fd: {  	_ =	shalt  }

</sc_bundles>
